<compile_context>
chip_gen: v7x
topology: tpu7x:2x2x1
jax: 0.10.2.dev20260603
libtpu: 0.0.44.dev20260713+nightly
codegen_flags: <defaults>
</compile_context>

<pallas_src>
import functools

import jax
import jax.numpy as jnp
import numpy as np
from jax import lax
from jax.experimental import pallas as pl
from jax.experimental.pallas import tpu as pltpu
from jax.experimental.pallas import tpu_sc as plsc

N_NODES = 10000
N_EDGES = 320000
D = 128
DH = D // 2
DROPOUT_P = 0.1

NC = 2
NS = 16
L = 16

CHUNK = 128
NBUF = 3
EDGES_PER_TILE = -(-(N_EDGES // NS) // (CHUNK * NBUF)) * CHUNK * NBUF
NCHUNK = EDGES_PER_TILE // CHUNK
E_PAD = EDGES_PER_TILE * NS
ROWS_PER_TILE = N_NODES // NS
ZROWS = 125

_mesh = plsc.VectorSubcoreMesh(core_axis_name="c", subcore_axis_name="s")


def _tf2x32(k1, k2, x0, x1):
    rot = [[13, 15, 26, 6], [17, 29, 16, 24]]
    ks = [np.uint32(k1), np.uint32(k2),
          np.uint32(k1) ^ np.uint32(k2) ^ np.uint32(0x1BD11BDA)]
    x = [(x0 + ks[0]).astype(np.uint32), (x1 + ks[1]).astype(np.uint32)]
    for i in range(5):
        for r in rot[i % 2]:
            x[0] = (x[0] + x[1]).astype(np.uint32)
            x[1] = ((x[1] << np.uint32(r)) |
                    (x[1] >> np.uint32(32 - r))).astype(np.uint32)
            x[1] = x[0] ^ x[1]
        x[0] = (x[0] + ks[(i + 1) % 3]).astype(np.uint32)
        x[1] = (x[1] + ks[(i + 2) % 3] + np.uint32(i + 1)).astype(np.uint32)
    return x


def _keep_mask() -> np.ndarray:
    with np.errstate(over="ignore"):
        fk = _tf2x32(np.uint32(0), np.uint32(0),
                     np.array([0], np.uint32), np.array([12345], np.uint32))
        idx = np.arange(N_NODES * D, dtype=np.uint64)
        hi = (idx >> np.uint64(32)).astype(np.uint32)
        lo = idx.astype(np.uint32)
        b = _tf2x32(fk[0][0], fk[1][0], hi, lo)
        bits = b[0] ^ b[1]
        fb = (bits >> np.uint32(9)) | np.uint32(0x3F800000)
        floats = fb.view(np.float32) - np.float32(1.0)
        keep = floats < np.float32(1.0 - DROPOUT_P)
    return keep.reshape(N_NODES, D).astype(np.float32)


_KEEPF = _keep_mask()


@functools.partial(
    pl.kernel,
    mesh=_mesh,
    out_type=jax.ShapeDtypeStruct((NC, N_NODES, DH), jnp.float32),
    scratch_types=[
        pltpu.VMEM((NCHUNK, CHUNK), jnp.int32),
        pltpu.VMEM((NCHUNK, CHUNK), jnp.int32),
        pltpu.VMEM((NCHUNK, CHUNK), jnp.float32),
        pltpu.VMEM((NBUF, CHUNK, DH), jnp.float32),
        pltpu.VMEM_SHARED((N_NODES, DH), jnp.float32),
        pltpu.SemaphoreType.DMA,
        pltpu.SemaphoreType.DMA,
        pltpu.SemaphoreType.DMA,
        pltpu.SemaphoreType.DMA,
        pltpu.SemaphoreType.DMA,
        pltpu.SemaphoreType.DMA,
    ],
    compiler_params=pltpu.CompilerParams(use_tc_tiling_on_sc=False, needs_layout_passes=False),
)
def _spmm_sc(support_hbm, src_hbm, dst_hbm, w_hbm, out_hbm,
             src_v, dst_v, w_v, rows_v, acc, g0, g1, g2, t0, t1, t2):
    c = lax.axis_index("c")
    s = lax.axis_index("s")
    gsem = (g0, g1, g2)
    ssem = (t0, t1, t2)

    zero = jnp.zeros((L,), jnp.float32)

    def _zrow(i, carry):
        for dd in range(DH // L):
            rows_v[0, i, pl.ds(dd * L, L)] = zero
        return carry

    lax.fori_loop(0, ZROWS, _zrow, 0)
    for r in range(ROWS_PER_TILE // ZROWS):
        pltpu.sync_copy(rows_v.at[0, pl.ds(0, ZROWS)],
                        acc.at[pl.ds(s * ROWS_PER_TILE + r * ZROWS, ZROWS)])

    pltpu.sync_copy(src_hbm.at[s], src_v)
    pltpu.sync_copy(dst_hbm.at[s], dst_v)
    pltpu.sync_copy(w_hbm.at[s], w_v)

    plsc.subcore_barrier()

    def _gather_start(j, b):
        pltpu.async_copy(support_hbm.at[c].at[src_v.at[j]], rows_v.at[b],
                         gsem[b])

    def _gather_wait(j, b):
        pltpu.make_async_copy(support_hbm.at[c].at[src_v.at[j]], rows_v.at[b],
                              gsem[b]).wait()

    def _scale(j, b):
        jv = jnp.full((L,), j, jnp.int32)

        @plsc.parallel_loop(0, CHUNK, step=4, unroll=2)
        def _sc(k):
            kv = jnp.full((L,), k, jnp.int32)
            for u in range(4):
                e = k + u
                wv = plsc.load_gather(w_v, [jv, kv + u])
                for dd in range(DH // L):
                    sl = pl.ds(dd * L, L)
                    rows_v[b, e, sl] = rows_v[b, e, sl] * wv

    def _scatter_start(j, b):
        pltpu.async_copy(rows_v.at[b], acc.at[dst_v.at[j]], ssem[b], add=True)

    def _scatter_wait(j, b):
        pltpu.make_async_copy(rows_v.at[b], acc.at[dst_v.at[j]],
                              ssem[b]).wait()

    _gather_start(0, 0)
    _gather_start(1, 1)

    def _ring(t, carry):
        j0 = t * NBUF
        for i in range(NBUF):
            j = j0 + i
            b = i
            bz = (i + 2) % NBUF
            _gather_wait(j, b)
            _scale(j, b)
            if i == 0:
                @pl.when(j0 > 0)
                def _():
                    _scatter_wait(j0 - 1, bz)
            else:
                _scatter_wait(j - 1, bz)

            @pl.when(j + 2 < NCHUNK)
            def _():
                _gather_start(j + 2, bz)

            _scatter_start(j, b)
        return carry

    lax.fori_loop(0, NCHUNK // NBUF, _ring, 0)
    _scatter_wait(NCHUNK - 1, (NCHUNK - 1) % NBUF)

    plsc.subcore_barrier()

    WB = 624
    pltpu.sync_copy(acc.at[pl.ds(s * WB, WB)],
                    out_hbm.at[c, pl.ds(s * WB, WB)])

    @pl.when(s == NS - 1)
    def _tail():
        pltpu.sync_copy(acc.at[pl.ds(NS * WB, N_NODES - NS * WB)],
                        out_hbm.at[c, pl.ds(NS * WB, N_NODES - NS * WB)])


ROW_BLK = 1000


def _mm1_body(h_ref, w_ref, o_ref):
    y = jnp.dot(h_ref[...], w_ref[...], preferred_element_type=jnp.float32)
    o_ref[0] = y[:, :DH]
    o_ref[1] = y[:, DH:]


def _mid_body(p_ref, b_ref, k_ref, w_ref, o_ref):
    x = jnp.concatenate([p_ref[0], p_ref[1]], axis=-1) + b_ref[...]
    x = jnp.where(x >= 0, x, 0.25 * x)
    x = jnp.where(k_ref[...] > 0, x / (1.0 - DROPOUT_P), 0.0)
    y = jnp.dot(x, w_ref[...], preferred_element_type=jnp.float32)
    o_ref[0] = y[:, :DH]
    o_ref[1] = y[:, DH:]


def _fin_body(p_ref, b_ref, o_ref):
    x = jnp.concatenate([p_ref[0], p_ref[1]], axis=-1) + b_ref[...]
    o_ref[...] = jnp.where(x >= 0, x, 0.25 * x)


def kernel(H, edge_index, edge_weight, W1, b1, W2, b2):
    grid = (N_NODES // ROW_BLK,)
    f32 = jnp.float32

    src = edge_index[1].astype(jnp.int32)
    dst = edge_index[0].astype(jnp.int32)
    pad = E_PAD - N_EDGES
    src_p = jnp.concatenate([src, jnp.zeros((pad,), jnp.int32)]
                            ).reshape(NS, NCHUNK, CHUNK)
    dst_p = jnp.concatenate([dst, jnp.zeros((pad,), jnp.int32)]
                            ).reshape(NS, NCHUNK, CHUNK)
    w_p = jnp.concatenate([edge_weight, jnp.zeros((pad,), f32)]
                          ).reshape(NS, NCHUNK, CHUNK)

    keepf = jnp.asarray(_KEEPF)

    b1r = b1.reshape(1, D)
    b2r = b2.reshape(1, D)

    halves = jax.ShapeDtypeStruct((NC, N_NODES, DH), f32)
    half_spec = pl.BlockSpec((NC, ROW_BLK, DH), lambda i: (0, i, 0))

    support = pl.pallas_call(
        _mm1_body,
        grid=grid,
        in_specs=[pl.BlockSpec((ROW_BLK, D), lambda i: (i, 0)),
                  pl.BlockSpec((D, D), lambda i: (0, 0))],
        out_specs=half_spec,
        out_shape=halves,
    )(H, W1)

    part1 = _spmm_sc(support, src_p, dst_p, w_p)

    support2 = pl.pallas_call(
        _mid_body,
        grid=grid,
        in_specs=[half_spec,
                  pl.BlockSpec((1, D), lambda i: (0, 0)),
                  pl.BlockSpec((ROW_BLK, D), lambda i: (i, 0)),
                  pl.BlockSpec((D, D), lambda i: (0, 0))],
        out_specs=half_spec,
        out_shape=halves,
    )(part1, b1r, keepf, W2)

    part2 = _spmm_sc(support2, src_p, dst_p, w_p)

    out2 = pl.pallas_call(
        _fin_body,
        grid=grid,
        in_specs=[half_spec,
                  pl.BlockSpec((1, D), lambda i: (0, 0))],
        out_specs=pl.BlockSpec((ROW_BLK, D), lambda i: (i, 0)),
        out_shape=jax.ShapeDtypeStruct((N_NODES, D), f32),
    )(part2, b2r)

    return out2

# --- scband reference (transcript-rebuilt; emitter-appended) ---
"""Pipeline reference for scband-gcn-decoder-9826885173493 (READ-ONLY COPY).

The authoritative reference and input builder live on the scoring server;
editing this copy changes nothing except your own understanding.
"""

import jax, jax.numpy as jnp
import numpy as np

N_NODES = 10000
N_EDGES = 320000
D_IN = 128
D_HID = 128
DROPOUT_P = 0.1


def setup_inputs(seed: int = 0) -> dict:
    key = jax.random.key(seed)
    k1, k2, k3, k4, k5, k6 = jax.random.split(key, 6)
    H = jax.random.normal(k1, (N_NODES, D_IN), dtype=jnp.float32)
    edge_index = jax.random.randint(k2, (2, N_EDGES), 0, N_NODES, dtype=jnp.int64)
    edge_weight = jax.random.uniform(k3, (N_EDGES,), dtype=jnp.float32)
    # xavier_normal for [in, out] weights
    std1 = float(np.sqrt(2.0 / (D_IN + D_HID)))
    std2 = float(np.sqrt(2.0 / (D_HID + D_HID)))
    W1 = jax.random.normal(k4, (D_IN, D_HID), dtype=jnp.float32) * std1
    b1 = jnp.zeros((D_HID,), dtype=jnp.float32)
    W2 = jax.random.normal(k5, (D_HID, D_HID), dtype=jnp.float32) * std2
    b2 = jnp.zeros((D_HID,), dtype=jnp.float32)
    return {"H": H, "edge_index": edge_index, "edge_weight": edge_weight,
            "W1": W1, "b1": b1, "W2": W2, "b2": b2}


def _spmm(edge_index, edge_weight, dense):
    # sparse adj (COO: row=dst, col=src, val=edge_weight) @ dense
    src = edge_index[1]
    dst = edge_index[0]
    msgs = edge_weight[:, None] * jnp.take(dense, src, axis=0)
    return jax.ops.segment_sum(msgs, dst, num_segments=N_NODES)


def _leaky_relu(x, slope=0.25):
    return jnp.where(x >= 0, x, slope * x)


def reference(H, edge_index, edge_weight, W1, b1, W2, b2):
    # gc1
    support = H @ W1
    out = _spmm(edge_index, edge_weight, support) + b1
    out = _leaky_relu(out, 0.25)
    # dropout (training=True) with fixed key for determinism
    dk = jax.random.fold_in(jax.random.key(0), 12345)
    keep = jax.random.bernoulli(dk, 1.0 - DROPOUT_P, out.shape)
    out = jnp.where(keep, out / (1.0 - DROPOUT_P), 0.0)
    # gc2
    support2 = out @ W2
    out2 = _spmm(edge_index, edge_weight, support2) + b2
    out2 = _leaky_relu(out2, 0.25)
    return out2

if __name__ == "__main__":
    import jax
    _d = setup_inputs()
    print(jax.jit(kernel)(*tuple(_d.values())))

</pallas_src>

<mosaic_0001>
#map = affine_map<(d0, d1) -> (0, 0, 0)>
module attributes {stable_mosaic.version = 14 : i64} {
  func.func @_spmm_sc(%arg0: i32, %arg1: i32, %arg2: memref<2x10000x64xf32, #tpu.memory_space<hbm>>, %arg3: memref<16x159x128xi32, #tpu.memory_space<hbm>>, %arg4: memref<16x159x128xi32, #tpu.memory_space<hbm>>, %arg5: memref<16x159x128xf32, #tpu.memory_space<hbm>>, %arg6: memref<2x10000x64xf32, #tpu.memory_space<hbm>>, %arg7: memref<159x128xi32, #tpu.memory_space<vmem>>, %arg8: memref<159x128xi32, #tpu.memory_space<vmem>>, %arg9: memref<159x128xf32, #tpu.memory_space<vmem>>, %arg10: memref<3x128x64xf32, #tpu.memory_space<vmem>>, %arg11: memref<10000x64xf32, #tpu.memory_space<vmem_shared>>, %arg12: memref<!tpu.dma_semaphore, #tpu.memory_space<semaphore_mem>>, %arg13: memref<!tpu.dma_semaphore, #tpu.memory_space<semaphore_mem>>, %arg14: memref<!tpu.dma_semaphore, #tpu.memory_space<semaphore_mem>>, %arg15: memref<!tpu.dma_semaphore, #tpu.memory_space<semaphore_mem>>, %arg16: memref<!tpu.dma_semaphore, #tpu.memory_space<semaphore_mem>>, %arg17: memref<!tpu.dma_semaphore, #tpu.memory_space<semaphore_mem>>) attributes {dimension_semantics = [#tpu.dimension_semantics<core_parallel>, #tpu.dimension_semantics<subcore_parallel>], iteration_bounds = array<i64: 2, 16>, scalar_prefetch = 0 : i64, scratch_operands = 11 : i64, tpu.core_type = #tpu.core_type<sc_vector_subcore>, window_params = [{transform_indices = #map}, {transform_indices = #map}, {transform_indices = #map}, {transform_indices = #map}, {transform_indices = #map}]} {
    %broadcast_in_dim3A = arith.constant 0.000000e+00 : f32
    %broadcast_in_dim3A_0 = vector.broadcast %broadcast_in_dim3A : f32 to vector<16xf32>
    %scan3A = arith.constant 0 : i32
    %scan3A_1 = arith.constant 0 : i32
    %scan3A_2 = arith.constant 125 : i32
    %scan3A_3 = arith.addi %scan3A_1, %scan3A_2 : i32
    %scan3A_4 = arith.constant 1 : i32
    scf.for %scan3A_83 = %scan3A_1 to %scan3A_3 step %scan3A_4  : i32 {
      %swap3A = arith.constant 0 : i32
      %swap3A_84 = arith.index_cast %swap3A : i32 to index
      %swap3A_85 = arith.index_cast %scan3A_83 : i32 to index
      %swap3A_86 = arith.constant 0 : index
      %swap3A_87 = tpu.vector_load %arg10[%swap3A_84, %swap3A_85, %swap3A_86] {strides = array<i32>} : memref<3x128x64xf32, #tpu.memory_space<vmem>>, vector<16xf32>,
      tpu.vector_store %arg10[%swap3A_84, %swap3A_85, %swap3A_86], %broadcast_in_dim3A_0 {strides = array<i32>} : memref<3x128x64xf32, #tpu.memory_space<vmem>>, vector<16xf32>,
      %swap3A_88 = arith.constant 0 : i32
      %swap3A_89 = arith.index_cast %swap3A_88 : i32 to index
      %swap3A_90 = arith.index_cast %scan3A_83 : i32 to index
      %swap3A_91 = arith.constant 16 : index
      %swap3A_92 = tpu.vector_load %arg10[%swap3A_89, %swap3A_90, %swap3A_91] {strides = array<i32>} : memref<3x128x64xf32, #tpu.memory_space<vmem>>, vector<16xf32>,
      tpu.vector_store %arg10[%swap3A_89, %swap3A_90, %swap3A_91], %broadcast_in_dim3A_0 {strides = array<i32>} : memref<3x128x64xf32, #tpu.memory_space<vmem>>, vector<16xf32>,
      %swap3A_93 = arith.constant 0 : i32
      %swap3A_94 = arith.index_cast %swap3A_93 : i32 to index
      %swap3A_95 = arith.index_cast %scan3A_83 : i32 to index
      %swap3A_96 = arith.constant 32 : index
      %swap3A_97 = tpu.vector_load %arg10[%swap3A_94, %swap3A_95, %swap3A_96] {strides = array<i32>} : memref<3x128x64xf32, #tpu.memory_space<vmem>>, vector<16xf32>,
      tpu.vector_store %arg10[%swap3A_94, %swap3A_95, %swap3A_96], %broadcast_in_dim3A_0 {strides = array<i32>} : memref<3x128x64xf32, #tpu.memory_space<vmem>>, vector<16xf32>,
      %swap3A_98 = arith.constant 0 : i32
      %swap3A_99 = arith.index_cast %swap3A_98 : i32 to index
      %swap3A_100 = arith.index_cast %scan3A_83 : i32 to index
      %swap3A_101 = arith.constant 48 : index
      %swap3A_102 = tpu.vector_load %arg10[%swap3A_99, %swap3A_100, %swap3A_101] {strides = array<i32>} : memref<3x128x64xf32, #tpu.memory_space<vmem>>, vector<16xf32>,
      tpu.vector_store %arg10[%swap3A_99, %swap3A_100, %swap3A_101], %broadcast_in_dim3A_0 {strides = array<i32>} : memref<3x128x64xf32, #tpu.memory_space<vmem>>, vector<16xf32>,
    }
    %scan3A_5 = arith.constant 125 : i32
    %mul3A = arith.constant 625 : i32
    %mul3A_6 = arith.muli %arg1, %mul3A : i32
    %add3A = arith.constant 0 : i32
    %add3A_7 = arith.addi %mul3A_6, %add3A : i32
    %run_scoped3A = arith.constant 0 : i32
    "tpu.region"() ({
      %run_scoped3A_83 = tpu.sem_alloc : memref<!tpu.dma_semaphore, #tpu.memory_space<semaphore_mem>>
      %dma_start3A_84 = arith.constant 0 : i32
      %dma_start3A_85 = arith.constant 0 : i32
      %dma_start3A_86 = tpu.memref_slice %arg10[%run_scoped3A, %dma_start3A_84, %dma_start3A_85] : memref<3x128x64xf32, #tpu.memory_space<vmem>> -> memref<1x125x64xf32, #tpu.memory_space<vmem>>
      %dma_start3A_87 = tpu.memref_squeeze %dma_start3A_86 : memref<1x125x64xf32, #tpu.memory_space<vmem>> -> memref<125x64xf32, #tpu.memory_space<vmem>>
      %dma_start3A_88 = arith.constant 0 : i32
      %dma_start3A_89 = tpu.memref_slice %arg11[%add3A_7, %dma_start3A_88] : memref<10000x64xf32, #tpu.memory_space<vmem_shared>> -> memref<125x64xf32, #tpu.memory_space<vmem_shared>>
      %dma_start3A_90 = arith.constant 0 : i32
      %dma_start3A_91 = tpu.memref_slice %arg11[%add3A_7, %dma_start3A_90] : memref<10000x64xf32, #tpu.memory_space<vmem_shared>> -> memref<125x64xf32, #tpu.memory_space<vmem_shared>>
      %dma_start3A_92 = arith.constant 0 : i32
      %dma_start3A_93 = arith.constant 0 : i32
      %dma_start3A_94 = tpu.memref_slice %arg10[%run_scoped3A, %dma_start3A_92, %dma_start3A_93] : memref<3x128x64xf32, #tpu.memory_space<vmem>> -> memref<1x125x64xf32, #tpu.memory_space<vmem>>
      %dma_start3A_95 = tpu.memref_squeeze %dma_start3A_94 : memref<1x125x64xf32, #tpu.memory_space<vmem>> -> memref<125x64xf32, #tpu.memory_space<vmem>>
      tpu.enqueue_dma source(%dma_start3A_95 : memref<125x64xf32, #tpu.memory_space<vmem>>) target(%dma_start3A_91 : memref<125x64xf32, #tpu.memory_space<vmem_shared>>) target_semaphore(%run_scoped3A_83 : memref<!tpu.dma_semaphore, #tpu.memory_space<semaphore_mem>>)
      %dma_wait3A_96 = arith.constant 0 : i32
      %dma_wait3A_97 = arith.constant 0 : i32
      %dma_wait3A_98 = tpu.memref_slice %arg10[%run_scoped3A, %dma_wait3A_96, %dma_wait3A_97] : memref<3x128x64xf32, #tpu.memory_space<vmem>> -> memref<1x125x64xf32, #tpu.memory_space<vmem>>
      %dma_wait3A_99 = tpu.memref_squeeze %dma_wait3A_98 : memref<1x125x64xf32, #tpu.memory_space<vmem>> -> memref<125x64xf32, #tpu.memory_space<vmem>>
      %dma_wait3A_100 = arith.constant 0 : i32
      %dma_wait3A_101 = tpu.memref_slice %arg11[%add3A_7, %dma_wait3A_100] : memref<10000x64xf32, #tpu.memory_space<vmem_shared>> -> memref<125x64xf32, #tpu.memory_space<vmem_shared>>
      %dma_wait3A_102 = arith.constant 0 : i32
      %dma_wait3A_103 = tpu.memref_slice %arg11[%add3A_7, %dma_wait3A_102] : memref<10000x64xf32, #tpu.memory_space<vmem_shared>> -> memref<125x64xf32, #tpu.memory_space<vmem_shared>>
      %dma_wait3A_104 = arith.constant 0 : i32
      %dma_wait3A_105 = arith.constant 0 : i32
      %dma_wait3A_106 = tpu.memref_slice %arg10[%run_scoped3A, %dma_wait3A_104, %dma_wait3A_105] : memref<3x128x64xf32, #tpu.memory_space<vmem>> -> memref<1x125x64xf32, #tpu.memory_space<vmem>>
      %dma_wait3A_107 = tpu.memref_squeeze %dma_wait3A_106 : memref<1x125x64xf32, #tpu.memory_space<vmem>> -> memref<125x64xf32, #tpu.memory_space<vmem>>
      tpu.wait_dma2 semaphore(%run_scoped3A_83 : memref<!tpu.dma_semaphore, #tpu.memory_space<semaphore_mem>>) src(%dma_wait3A_107 : memref<125x64xf32, #tpu.memory_space<vmem>>) dst(%dma_wait3A_103 : memref<125x64xf32, #tpu.memory_space<vmem_shared>>)
      tpu.yield
    }) : () -> ()
    %mul3A_8 = arith.constant 625 : i32
    %mul3A_9 = arith.muli %arg1, %mul3A_8 : i32
    %add3A_10 = arith.constant 125 : i32
    %add3A_11 = arith.addi %mul3A_9, %add3A_10 : i32
    %run_scoped3A_12 = arith.constant 0 : i32
    "tpu.region"() ({
      %run_scoped3A_83 = tpu.sem_alloc : memref<!tpu.dma_semaphore, #tpu.memory_space<semaphore_mem>>
      %dma_start3A_84 = arith.constant 0 : i32
      %dma_start3A_85 = arith.constant 0 : i32
      %dma_start3A_86 = tpu.memref_slice %arg10[%run_scoped3A_12, %dma_start3A_84, %dma_start3A_85] : memref<3x128x64xf32, #tpu.memory_space<vmem>> -> memref<1x125x64xf32, #tpu.memory_space<vmem>>
      %dma_start3A_87 = tpu.memref_squeeze %dma_start3A_86 : memref<1x125x64xf32, #tpu.memory_space<vmem>> -> memref<125x64xf32, #tpu.memory_space<vmem>>
      %dma_start3A_88 = arith.constant 0 : i32
      %dma_start3A_89 = tpu.memref_slice %arg11[%add3A_11, %dma_start3A_88] : memref<10000x64xf32, #tpu.memory_space<vmem_shared>> -> memref<125x64xf32, #tpu.memory_space<vmem_shared>>
      %dma_start3A_90 = arith.constant 0 : i32
      %dma_start3A_91 = tpu.memref_slice %arg11[%add3A_11, %dma_start3A_90] : memref<10000x64xf32, #tpu.memory_space<vmem_shared>> -> memref<125x64xf32, #tpu.memory_space<vmem_shared>>
      %dma_start3A_92 = arith.constant 0 : i32
      %dma_start3A_93 = arith.constant 0 : i32
      %dma_start3A_94 = tpu.memref_slice %arg10[%run_scoped3A_12, %dma_start3A_92, %dma_start3A_93] : memref<3x128x64xf32, #tpu.memory_space<vmem>> -> memref<1x125x64xf32, #tpu.memory_space<vmem>>
      %dma_start3A_95 = tpu.memref_squeeze %dma_start3A_94 : memref<1x125x64xf32, #tpu.memory_space<vmem>> -> memref<125x64xf32, #tpu.memory_space<vmem>>
      tpu.enqueue_dma source(%dma_start3A_95 : memref<125x64xf32, #tpu.memory_space<vmem>>) target(%dma_start3A_91 : memref<125x64xf32, #tpu.memory_space<vmem_shared>>) target_semaphore(%run_scoped3A_83 : memref<!tpu.dma_semaphore, #tpu.memory_space<semaphore_mem>>)
      %dma_wait3A_96 = arith.constant 0 : i32
      %dma_wait3A_97 = arith.constant 0 : i32
      %dma_wait3A_98 = tpu.memref_slice %arg10[%run_scoped3A_12, %dma_wait3A_96, %dma_wait3A_97] : memref<3x128x64xf32, #tpu.memory_space<vmem>> -> memref<1x125x64xf32, #tpu.memory_space<vmem>>
      %dma_wait3A_99 = tpu.memref_squeeze %dma_wait3A_98 : memref<1x125x64xf32, #tpu.memory_space<vmem>> -> memref<125x64xf32, #tpu.memory_space<vmem>>
      %dma_wait3A_100 = arith.constant 0 : i32
      %dma_wait3A_101 = tpu.memref_slice %arg11[%add3A_11, %dma_wait3A_100] : memref<10000x64xf32, #tpu.memory_space<vmem_shared>> -> memref<125x64xf32, #tpu.memory_space<vmem_shared>>
      %dma_wait3A_102 = arith.constant 0 : i32
      %dma_wait3A_103 = tpu.memref_slice %arg11[%add3A_11, %dma_wait3A_102] : memref<10000x64xf32, #tpu.memory_space<vmem_shared>> -> memref<125x64xf32, #tpu.memory_space<vmem_shared>>
      %dma_wait3A_104 = arith.constant 0 : i32
      %dma_wait3A_105 = arith.constant 0 : i32
      %dma_wait3A_106 = tpu.memref_slice %arg10[%run_scoped3A_12, %dma_wait3A_104, %dma_wait3A_105] : memref<3x128x64xf32, #tpu.memory_space<vmem>> -> memref<1x125x64xf32, #tpu.memory_space<vmem>>
      %dma_wait3A_107 = tpu.memref_squeeze %dma_wait3A_106 : memref<1x125x64xf32, #tpu.memory_space<vmem>> -> memref<125x64xf32, #tpu.memory_space<vmem>>
      tpu.wait_dma2 semaphore(%run_scoped3A_83 : memref<!tpu.dma_semaphore, #tpu.memory_space<semaphore_mem>>) src(%dma_wait3A_107 : memref<125x64xf32, #tpu.memory_space<vmem>>) dst(%dma_wait3A_103 : memref<125x64xf32, #tpu.memory_space<vmem_shared>>)
      tpu.yield
    }) : () -> ()
    %mul3A_13 = arith.constant 625 : i32
    %mul3A_14 = arith.muli %arg1, %mul3A_13 : i32
    %add3A_15 = arith.constant 250 : i32
    %add3A_16 = arith.addi %mul3A_14, %add3A_15 : i32
    %run_scoped3A_17 = arith.constant 0 : i32
    "tpu.region"() ({
      %run_scoped3A_83 = tpu.sem_alloc : memref<!tpu.dma_semaphore, #tpu.memory_space<semaphore_mem>>
      %dma_start3A_84 = arith.constant 0 : i32
      %dma_start3A_85 = arith.constant 0 : i32
      %dma_start3A_86 = tpu.memref_slice %arg10[%run_scoped3A_17, %dma_start3A_84, %dma_start3A_85] : memref<3x128x64xf32, #tpu.memory_space<vmem>> -> memref<1x125x64xf32, #tpu.memory_space<vmem>>
      %dma_start3A_87 = tpu.memref_squeeze %dma_start3A_86 : memref<1x125x64xf32, #tpu.memory_space<vmem>> -> memref<125x64xf32, #tpu.memory_space<vmem>>
      %dma_start3A_88 = arith.constant 0 : i32
      %dma_start3A_89 = tpu.memref_slice %arg11[%add3A_16, %dma_start3A_88] : memref<10000x64xf32, #tpu.memory_space<vmem_shared>> -> memref<125x64xf32, #tpu.memory_space<vmem_shared>>
      %dma_start3A_90 = arith.constant 0 : i32
      %dma_start3A_91 = tpu.memref_slice %arg11[%add3A_16, %dma_start3A_90] : memref<10000x64xf32, #tpu.memory_space<vmem_shared>> -> memref<125x64xf32, #tpu.memory_space<vmem_shared>>
      %dma_start3A_92 = arith.constant 0 : i32
      %dma_start3A_93 = arith.constant 0 : i32
      %dma_start3A_94 = tpu.memref_slice %arg10[%run_scoped3A_17, %dma_start3A_92, %dma_start3A_93] : memref<3x128x64xf32, #tpu.memory_space<vmem>> -> memref<1x125x64xf32, #tpu.memory_space<vmem>>
      %dma_start3A_95 = tpu.memref_squeeze %dma_start3A_94 : memref<1x125x64xf32, #tpu.memory_space<vmem>> -> memref<125x64xf32, #tpu.memory_space<vmem>>
      tpu.enqueue_dma source(%dma_start3A_95 : memref<125x64xf32, #tpu.memory_space<vmem>>) target(%dma_start3A_91 : memref<125x64xf32, #tpu.memory_space<vmem_shared>>) target_semaphore(%run_scoped3A_83 : memref<!tpu.dma_semaphore, #tpu.memory_space<semaphore_mem>>)
      %dma_wait3A_96 = arith.constant 0 : i32
      %dma_wait3A_97 = arith.constant 0 : i32
      %dma_wait3A_98 = tpu.memref_slice %arg10[%run_scoped3A_17, %dma_wait3A_96, %dma_wait3A_97] : memref<3x128x64xf32, #tpu.memory_space<vmem>> -> memref<1x125x64xf32, #tpu.memory_space<vmem>>
      %dma_wait3A_99 = tpu.memref_squeeze %dma_wait3A_98 : memref<1x125x64xf32, #tpu.memory_space<vmem>> -> memref<125x64xf32, #tpu.memory_space<vmem>>
      %dma_wait3A_100 = arith.constant 0 : i32
      %dma_wait3A_101 = tpu.memref_slice %arg11[%add3A_16, %dma_wait3A_100] : memref<10000x64xf32, #tpu.memory_space<vmem_shared>> -> memref<125x64xf32, #tpu.memory_space<vmem_shared>>
      %dma_wait3A_102 = arith.constant 0 : i32
      %dma_wait3A_103 = tpu.memref_slice %arg11[%add3A_16, %dma_wait3A_102] : memref<10000x64xf32, #tpu.memory_space<vmem_shared>> -> memref<125x64xf32, #tpu.memory_space<vmem_shared>>
      %dma_wait3A_104 = arith.constant 0 : i32
      %dma_wait3A_105 = arith.constant 0 : i32
      %dma_wait3A_106 = tpu.memref_slice %arg10[%run_scoped3A_17, %dma_wait3A_104, %dma_wait3A_105] : memref<3x128x64xf32, #tpu.memory_space<vmem>> -> memref<1x125x64xf32, #tpu.memory_space<vmem>>
      %dma_wait3A_107 = tpu.memref_squeeze %dma_wait3A_106 : memref<1x125x64xf32, #tpu.memory_space<vmem>> -> memref<125x64xf32, #tpu.memory_space<vmem>>
      tpu.wait_dma2 semaphore(%run_scoped3A_83 : memref<!tpu.dma_semaphore, #tpu.memory_space<semaphore_mem>>) src(%dma_wait3A_107 : memref<125x64xf32, #tpu.memory_space<vmem>>) dst(%dma_wait3A_103 : memref<125x64xf32, #tpu.memory_space<vmem_shared>>)
      tpu.yield
    }) : () -> ()
    %mul3A_18 = arith.constant 625 : i32
    %mul3A_19 = arith.muli %arg1, %mul3A_18 : i32
    %add3A_20 = arith.constant 375 : i32
    %add3A_21 = arith.addi %mul3A_19, %add3A_20 : i32
    %run_scoped3A_22 = arith.constant 0 : i32
    "tpu.region"() ({
      %run_scoped3A_83 = tpu.sem_alloc : memref<!tpu.dma_semaphore, #tpu.memory_space<semaphore_mem>>
      %dma_start3A_84 = arith.constant 0 : i32
      %dma_start3A_85 = arith.constant 0 : i32
      %dma_start3A_86 = tpu.memref_slice %arg10[%run_scoped3A_22, %dma_start3A_84, %dma_start3A_85] : memref<3x128x64xf32, #tpu.memory_space<vmem>> -> memref<1x125x64xf32, #tpu.memory_space<vmem>>
      %dma_start3A_87 = tpu.memref_squeeze %dma_start3A_86 : memref<1x125x64xf32, #tpu.memory_space<vmem>> -> memref<125x64xf32, #tpu.memory_space<vmem>>
      %dma_start3A_88 = arith.constant 0 : i32
      %dma_start3A_89 = tpu.memref_slice %arg11[%add3A_21, %dma_start3A_88] : memref<10000x64xf32, #tpu.memory_space<vmem_shared>> -> memref<125x64xf32, #tpu.memory_space<vmem_shared>>
      %dma_start3A_90 = arith.constant 0 : i32
      %dma_start3A_91 = tpu.memref_slice %arg11[%add3A_21, %dma_start3A_90] : memref<10000x64xf32, #tpu.memory_space<vmem_shared>> -> memref<125x64xf32, #tpu.memory_space<vmem_shared>>
      %dma_start3A_92 = arith.constant 0 : i32
      %dma_start3A_93 = arith.constant 0 : i32
      %dma_start3A_94 = tpu.memref_slice %arg10[%run_scoped3A_22, %dma_start3A_92, %dma_start3A_93] : memref<3x128x64xf32, #tpu.memory_space<vmem>> -> memref<1x125x64xf32, #tpu.memory_space<vmem>>
      %dma_start3A_95 = tpu.memref_squeeze %dma_start3A_94 : memref<1x125x64xf32, #tpu.memory_space<vmem>> -> memref<125x64xf32, #tpu.memory_space<vmem>>
      tpu.enqueue_dma source(%dma_start3A_95 : memref<125x64xf32, #tpu.memory_space<vmem>>) target(%dma_start3A_91 : memref<125x64xf32, #tpu.memory_space<vmem_shared>>) target_semaphore(%run_scoped3A_83 : memref<!tpu.dma_semaphore, #tpu.memory_space<semaphore_mem>>)
      %dma_wait3A_96 = arith.constant 0 : i32
      %dma_wait3A_97 = arith.constant 0 : i32
      %dma_wait3A_98 = tpu.memref_slice %arg10[%run_scoped3A_22, %dma_wait3A_96, %dma_wait3A_97] : memref<3x128x64xf32, #tpu.memory_space<vmem>> -> memref<1x125x64xf32, #tpu.memory_space<vmem>>
      %dma_wait3A_99 = tpu.memref_squeeze %dma_wait3A_98 : memref<1x125x64xf32, #tpu.memory_space<vmem>> -> memref<125x64xf32, #tpu.memory_space<vmem>>
      %dma_wait3A_100 = arith.constant 0 : i32
      %dma_wait3A_101 = tpu.memref_slice %arg11[%add3A_21, %dma_wait3A_100] : memref<10000x64xf32, #tpu.memory_space<vmem_shared>> -> memref<125x64xf32, #tpu.memory_space<vmem_shared>>
      %dma_wait3A_102 = arith.constant 0 : i32
      %dma_wait3A_103 = tpu.memref_slice %arg11[%add3A_21, %dma_wait3A_102] : memref<10000x64xf32, #tpu.memory_space<vmem_shared>> -> memref<125x64xf32, #tpu.memory_space<vmem_shared>>
      %dma_wait3A_104 = arith.constant 0 : i32
      %dma_wait3A_105 = arith.constant 0 : i32
      %dma_wait3A_106 = tpu.memref_slice %arg10[%run_scoped3A_22, %dma_wait3A_104, %dma_wait3A_105] : memref<3x128x64xf32, #tpu.memory_space<vmem>> -> memref<1x125x64xf32, #tpu.memory_space<vmem>>
      %dma_wait3A_107 = tpu.memref_squeeze %dma_wait3A_106 : memref<1x125x64xf32, #tpu.memory_space<vmem>> -> memref<125x64xf32, #tpu.memory_space<vmem>>
      tpu.wait_dma2 semaphore(%run_scoped3A_83 : memref<!tpu.dma_semaphore, #tpu.memory_space<semaphore_mem>>) src(%dma_wait3A_107 : memref<125x64xf32, #tpu.memory_space<vmem>>) dst(%dma_wait3A_103 : memref<125x64xf32, #tpu.memory_space<vmem_shared>>)
      tpu.yield
    }) : () -> ()
    %mul3A_23 = arith.constant 625 : i32
    %mul3A_24 = arith.muli %arg1, %mul3A_23 : i32
    %add3A_25 = arith.constant 500 : i32
    %add3A_26 = arith.addi %mul3A_24, %add3A_25 : i32
    %run_scoped3A_27 = arith.constant 0 : i32
    "tpu.region"() ({
      %run_scoped3A_83 = tpu.sem_alloc : memref<!tpu.dma_semaphore, #tpu.memory_space<semaphore_mem>>
      %dma_start3A_84 = arith.constant 0 : i32
      %dma_start3A_85 = arith.constant 0 : i32
      %dma_start3A_86 = tpu.memref_slice %arg10[%run_scoped3A_27, %dma_start3A_84, %dma_start3A_85] : memref<3x128x64xf32, #tpu.memory_space<vmem>> -> memref<1x125x64xf32, #tpu.memory_space<vmem>>
      %dma_start3A_87 = tpu.memref_squeeze %dma_start3A_86 : memref<1x125x64xf32, #tpu.memory_space<vmem>> -> memref<125x64xf32, #tpu.memory_space<vmem>>
      %dma_start3A_88 = arith.constant 0 : i32
      %dma_start3A_89 = tpu.memref_slice %arg11[%add3A_26, %dma_start3A_88] : memref<10000x64xf32, #tpu.memory_space<vmem_shared>> -> memref<125x64xf32, #tpu.memory_space<vmem_shared>>
      %dma_start3A_90 = arith.constant 0 : i32
      %dma_start3A_91 = tpu.memref_slice %arg11[%add3A_26, %dma_start3A_90] : memref<10000x64xf32, #tpu.memory_space<vmem_shared>> -> memref<125x64xf32, #tpu.memory_space<vmem_shared>>
      %dma_start3A_92 = arith.constant 0 : i32
      %dma_start3A_93 = arith.constant 0 : i32
      %dma_start3A_94 = tpu.memref_slice %arg10[%run_scoped3A_27, %dma_start3A_92, %dma_start3A_93] : memref<3x128x64xf32, #tpu.memory_space<vmem>> -> memref<1x125x64xf32, #tpu.memory_space<vmem>>
      %dma_start3A_95 = tpu.memref_squeeze %dma_start3A_94 : memref<1x125x64xf32, #tpu.memory_space<vmem>> -> memref<125x64xf32, #tpu.memory_space<vmem>>
      tpu.enqueue_dma source(%dma_start3A_95 : memref<125x64xf32, #tpu.memory_space<vmem>>) target(%dma_start3A_91 : memref<125x64xf32, #tpu.memory_space<vmem_shared>>) target_semaphore(%run_scoped3A_83 : memref<!tpu.dma_semaphore, #tpu.memory_space<semaphore_mem>>)
      %dma_wait3A_96 = arith.constant 0 : i32
      %dma_wait3A_97 = arith.constant 0 : i32
      %dma_wait3A_98 = tpu.memref_slice %arg10[%run_scoped3A_27, %dma_wait3A_96, %dma_wait3A_97] : memref<3x128x64xf32, #tpu.memory_space<vmem>> -> memref<1x125x64xf32, #tpu.memory_space<vmem>>
      %dma_wait3A_99 = tpu.memref_squeeze %dma_wait3A_98 : memref<1x125x64xf32, #tpu.memory_space<vmem>> -> memref<125x64xf32, #tpu.memory_space<vmem>>
      %dma_wait3A_100 = arith.constant 0 : i32
      %dma_wait3A_101 = tpu.memref_slice %arg11[%add3A_26, %dma_wait3A_100] : memref<10000x64xf32, #tpu.memory_space<vmem_shared>> -> memref<125x64xf32, #tpu.memory_space<vmem_shared>>
      %dma_wait3A_102 = arith.constant 0 : i32
      %dma_wait3A_103 = tpu.memref_slice %arg11[%add3A_26, %dma_wait3A_102] : memref<10000x64xf32, #tpu.memory_space<vmem_shared>> -> memref<125x64xf32, #tpu.memory_space<vmem_shared>>
      %dma_wait3A_104 = arith.constant 0 : i32
      %dma_wait3A_105 = arith.constant 0 : i32
      %dma_wait3A_106 = tpu.memref_slice %arg10[%run_scoped3A_27, %dma_wait3A_104, %dma_wait3A_105] : memref<3x128x64xf32, #tpu.memory_space<vmem>> -> memref<1x125x64xf32, #tpu.memory_space<vmem>>
      %dma_wait3A_107 = tpu.memref_squeeze %dma_wait3A_106 : memref<1x125x64xf32, #tpu.memory_space<vmem>> -> memref<125x64xf32, #tpu.memory_space<vmem>>
      tpu.wait_dma2 semaphore(%run_scoped3A_83 : memref<!tpu.dma_semaphore, #tpu.memory_space<semaphore_mem>>) src(%dma_wait3A_107 : memref<125x64xf32, #tpu.memory_space<vmem>>) dst(%dma_wait3A_103 : memref<125x64xf32, #tpu.memory_space<vmem_shared>>)
      tpu.yield
    }) : () -> ()
    "tpu.region"() ({
      %run_scoped3A_83 = tpu.sem_alloc : memref<!tpu.dma_semaphore, #tpu.memory_space<semaphore_mem>>
      %dma_start3A_84 = arith.constant 0 : i32
      %dma_start3A_85 = arith.constant 0 : i32
      %dma_start3A_86 = tpu.memref_slice %arg3[%arg1, %dma_start3A_84, %dma_start3A_85] : memref<16x159x128xi32, #tpu.memory_space<hbm>> -> memref<1x159x128xi32, #tpu.memory_space<hbm>>
      %dma_start3A_87 = tpu.memref_squeeze %dma_start3A_86 : memref<1x159x128xi32, #tpu.memory_space<hbm>> -> memref<159x128xi32, #tpu.memory_space<hbm>>
      %dma_start3A_88 = arith.constant 0 : i32
      %dma_start3A_89 = arith.constant 0 : i32
      %dma_start3A_90 = tpu.memref_slice %arg3[%arg1, %dma_start3A_88, %dma_start3A_89] : memref<16x159x128xi32, #tpu.memory_space<hbm>> -> memref<1x159x128xi32, #tpu.memory_space<hbm>>
      %dma_start3A_91 = tpu.memref_squeeze %dma_start3A_90 : memref<1x159x128xi32, #tpu.memory_space<hbm>> -> memref<159x128xi32, #tpu.memory_space<hbm>>
      tpu.enqueue_dma source(%dma_start3A_91 : memref<159x128xi32, #tpu.memory_space<hbm>>) target(%arg7 : memref<159x128xi32, #tpu.memory_space<vmem>>) target_semaphore(%run_scoped3A_83 : memref<!tpu.dma_semaphore, #tpu.memory_space<semaphore_mem>>)
      %dma_wait3A_92 = arith.constant 0 : i32
      %dma_wait3A_93 = arith.constant 0 : i32
      %dma_wait3A_94 = tpu.memref_slice %arg3[%arg1, %dma_wait3A_92, %dma_wait3A_93] : memref<16x159x128xi32, #tpu.memory_space<hbm>> -> memref<1x159x128xi32, #tpu.memory_space<hbm>>
      %dma_wait3A_95 = tpu.memref_squeeze %dma_wait3A_94 : memref<1x159x128xi32, #tpu.memory_space<hbm>> -> memref<159x128xi32, #tpu.memory_space<hbm>>
      %dma_wait3A_96 = arith.constant 0 : i32
      %dma_wait3A_97 = arith.constant 0 : i32
      %dma_wait3A_98 = tpu.memref_slice %arg3[%arg1, %dma_wait3A_96, %dma_wait3A_97] : memref<16x159x128xi32, #tpu.memory_space<hbm>> -> memref<1x159x128xi32, #tpu.memory_space<hbm>>
      %dma_wait3A_99 = tpu.memref_squeeze %dma_wait3A_98 : memref<1x159x128xi32, #tpu.memory_space<hbm>> -> memref<159x128xi32, #tpu.memory_space<hbm>>
      tpu.wait_dma2 semaphore(%run_scoped3A_83 : memref<!tpu.dma_semaphore, #tpu.memory_space<semaphore_mem>>) src(%dma_wait3A_99 : memref<159x128xi32, #tpu.memory_space<hbm>>) dst(%arg7 : memref<159x128xi32, #tpu.memory_space<vmem>>)
      tpu.yield
    }) : () -> ()
    "tpu.region"() ({
      %run_scoped3A_83 = tpu.sem_alloc : memref<!tpu.dma_semaphore, #tpu.memory_space<semaphore_mem>>
      %dma_start3A_84 = arith.constant 0 : i32
      %dma_start3A_85 = arith.constant 0 : i32
      %dma_start3A_86 = tpu.memref_slice %arg4[%arg1, %dma_start3A_84, %dma_start3A_85] : memref<16x159x128xi32, #tpu.memory_space<hbm>> -> memref<1x159x128xi32, #tpu.memory_space<hbm>>
      %dma_start3A_87 = tpu.memref_squeeze %dma_start3A_86 : memref<1x159x128xi32, #tpu.memory_space<hbm>> -> memref<159x128xi32, #tpu.memory_space<hbm>>
      %dma_start3A_88 = arith.constant 0 : i32
      %dma_start3A_89 = arith.constant 0 : i32
      %dma_start3A_90 = tpu.memref_slice %arg4[%arg1, %dma_start3A_88, %dma_start3A_89] : memref<16x159x128xi32, #tpu.memory_space<hbm>> -> memref<1x159x128xi32, #tpu.memory_space<hbm>>
      %dma_start3A_91 = tpu.memref_squeeze %dma_start3A_90 : memref<1x159x128xi32, #tpu.memory_space<hbm>> -> memref<159x128xi32, #tpu.memory_space<hbm>>
      tpu.enqueue_dma source(%dma_start3A_91 : memref<159x128xi32, #tpu.memory_space<hbm>>) target(%arg8 : memref<159x128xi32, #tpu.memory_space<vmem>>) target_semaphore(%run_scoped3A_83 : memref<!tpu.dma_semaphore, #tpu.memory_space<semaphore_mem>>)
      %dma_wait3A_92 = arith.constant 0 : i32
      %dma_wait3A_93 = arith.constant 0 : i32
      %dma_wait3A_94 = tpu.memref_slice %arg4[%arg1, %dma_wait3A_92, %dma_wait3A_93] : memref<16x159x128xi32, #tpu.memory_space<hbm>> -> memref<1x159x128xi32, #tpu.memory_space<hbm>>
      %dma_wait3A_95 = tpu.memref_squeeze %dma_wait3A_94 : memref<1x159x128xi32, #tpu.memory_space<hbm>> -> memref<159x128xi32, #tpu.memory_space<hbm>>
      %dma_wait3A_96 = arith.constant 0 : i32
      %dma_wait3A_97 = arith.constant 0 : i32
      %dma_wait3A_98 = tpu.memref_slice %arg4[%arg1, %dma_wait3A_96, %dma_wait3A_97] : memref<16x159x128xi32, #tpu.memory_space<hbm>> -> memref<1x159x128xi32, #tpu.memory_space<hbm>>
      %dma_wait3A_99 = tpu.memref_squeeze %dma_wait3A_98 : memref<1x159x128xi32, #tpu.memory_space<hbm>> -> memref<159x128xi32, #tpu.memory_space<hbm>>
      tpu.wait_dma2 semaphore(%run_scoped3A_83 : memref<!tpu.dma_semaphore, #tpu.memory_space<semaphore_mem>>) src(%dma_wait3A_99 : memref<159x128xi32, #tpu.memory_space<hbm>>) dst(%arg8 : memref<159x128xi32, #tpu.memory_space<vmem>>)
      tpu.yield
    }) : () -> ()
    "tpu.region"() ({
      %run_scoped3A_83 = tpu.sem_alloc : memref<!tpu.dma_semaphore, #tpu.memory_space<semaphore_mem>>
      %dma_start3A_84 = arith.constant 0 : i32
      %dma_start3A_85 = arith.constant 0 : i32
      %dma_start3A_86 = tpu.memref_slice %arg5[%arg1, %dma_start3A_84, %dma_start3A_85] : memref<16x159x128xf32, #tpu.memory_space<hbm>> -> memref<1x159x128xf32, #tpu.memory_space<hbm>>
      %dma_start3A_87 = tpu.memref_squeeze %dma_start3A_86 : memref<1x159x128xf32, #tpu.memory_space<hbm>> -> memref<159x128xf32, #tpu.memory_space<hbm>>
      %dma_start3A_88 = arith.constant 0 : i32
      %dma_start3A_89 = arith.constant 0 : i32
      %dma_start3A_90 = tpu.memref_slice %arg5[%arg1, %dma_start3A_88, %dma_start3A_89] : memref<16x159x128xf32, #tpu.memory_space<hbm>> -> memref<1x159x128xf32, #tpu.memory_space<hbm>>
      %dma_start3A_91 = tpu.memref_squeeze %dma_start3A_90 : memref<1x159x128xf32, #tpu.memory_space<hbm>> -> memref<159x128xf32, #tpu.memory_space<hbm>>
      tpu.enqueue_dma source(%dma_start3A_91 : memref<159x128xf32, #tpu.memory_space<hbm>>) target(%arg9 : memref<159x128xf32, #tpu.memory_space<vmem>>) target_semaphore(%run_scoped3A_83 : memref<!tpu.dma_semaphore, #tpu.memory_space<semaphore_mem>>)
      %dma_wait3A_92 = arith.constant 0 : i32
      %dma_wait3A_93 = arith.constant 0 : i32
      %dma_wait3A_94 = tpu.memref_slice %arg5[%arg1, %dma_wait3A_92, %dma_wait3A_93] : memref<16x159x128xf32, #tpu.memory_space<hbm>> -> memref<1x159x128xf32, #tpu.memory_space<hbm>>
      %dma_wait3A_95 = tpu.memref_squeeze %dma_wait3A_94 : memref<1x159x128xf32, #tpu.memory_space<hbm>> -> memref<159x128xf32, #tpu.memory_space<hbm>>
      %dma_wait3A_96 = arith.constant 0 : i32
      %dma_wait3A_97 = arith.constant 0 : i32
      %dma_wait3A_98 = tpu.memref_slice %arg5[%arg1, %dma_wait3A_96, %dma_wait3A_97] : memref<16x159x128xf32, #tpu.memory_space<hbm>> -> memref<1x159x128xf32, #tpu.memory_space<hbm>>
      %dma_wait3A_99 = tpu.memref_squeeze %dma_wait3A_98 : memref<1x159x128xf32, #tpu.memory_space<hbm>> -> memref<159x128xf32, #tpu.memory_space<hbm>>
      tpu.wait_dma2 semaphore(%run_scoped3A_83 : memref<!tpu.dma_semaphore, #tpu.memory_space<semaphore_mem>>) src(%dma_wait3A_99 : memref<159x128xf32, #tpu.memory_space<hbm>>) dst(%arg9 : memref<159x128xf32, #tpu.memory_space<vmem>>)
      tpu.yield
    }) : () -> ()
    %barrier3A = arith.constant 0 : index
    tpu.barrier barrier_id(%barrier3A)
    %dma_start3A = arith.constant 0 : i32
    %dma_start3A_28 = arith.constant 0 : i32
    %dma_start3A_29 = arith.constant 0 : i32
    %dma_start3A_30 = arith.constant 0 : i32
    %dma_start3A_31 = tpu.memref_slice %arg10[%dma_start3A_28, %dma_start3A_29, %dma_start3A_30] : memref<3x128x64xf32, #tpu.memory_space<vmem>> -> memref<1x128x64xf32, #tpu.memory_space<vmem>>
    %dma_start3A_32 = tpu.memref_squeeze %dma_start3A_31 : memref<1x128x64xf32, #tpu.memory_space<vmem>> -> memref<128x64xf32, #tpu.memory_space<vmem>>
    %dma_start3A_33 = arith.constant 0 : i32
    %dma_start3A_34 = tpu.memref_slice %arg7[%dma_start3A, %dma_start3A_33] : memref<159x128xi32, #tpu.memory_space<vmem>> -> memref<1x128xi32, #tpu.memory_space<vmem>>
    %dma_start3A_35 = tpu.memref_squeeze %dma_start3A_34 : memref<1x128xi32, #tpu.memory_space<vmem>> -> memref<128xi32, #tpu.memory_space<vmem>>
    %dma_start3A_36 = arith.constant 0 : i32
    %dma_start3A_37 = arith.constant 0 : i32
    %dma_start3A_38 = tpu.memref_slice %arg2[%arg0, %dma_start3A_36, %dma_start3A_37] : memref<2x10000x64xf32, #tpu.memory_space<hbm>> -> memref<1x10000x64xf32, #tpu.memory_space<hbm>>
    %dma_start3A_39 = tpu.memref_squeeze %dma_start3A_38 : memref<1x10000x64xf32, #tpu.memory_space<hbm>> -> memref<10000x64xf32, #tpu.memory_space<hbm>>
    %dma_start3A_40 = arith.constant 0 : i32
    %dma_start3A_41 = arith.constant 0 : i32
    %dma_start3A_42 = tpu.memref_slice %dma_start3A_39[%dma_start3A_40, %dma_start3A_41] : memref<10000x64xf32, #tpu.memory_space<hbm>> -> memref<10000x64xf32, #tpu.memory_space<hbm>>
    tpu.enqueue_indirect_dma source(%dma_start3A_42 : memref<10000x64xf32, #tpu.memory_space<hbm>>) target(%dma_start3A_32 : memref<128x64xf32, #tpu.memory_space<vmem>>) offsets(%dma_start3A_35 : memref<128xi32, #tpu.memory_space<vmem>>) semaphore(%arg12 : memref<!tpu.dma_semaphore, #tpu.memory_space<semaphore_mem>>)
    %dma_start3A_43 = arith.constant 1 : i32
    %dma_start3A_44 = arith.constant 1 : i32
    %dma_start3A_45 = arith.constant 0 : i32
    %dma_start3A_46 = arith.constant 0 : i32
    %dma_start3A_47 = tpu.memref_slice %arg10[%dma_start3A_44, %dma_start3A_45, %dma_start3A_46] : memref<3x128x64xf32, #tpu.memory_space<vmem>> -> memref<1x128x64xf32, #tpu.memory_space<vmem>>
    %dma_start3A_48 = tpu.memref_squeeze %dma_start3A_47 : memref<1x128x64xf32, #tpu.memory_space<vmem>> -> memref<128x64xf32, #tpu.memory_space<vmem>>
    %dma_start3A_49 = arith.constant 0 : i32
    %dma_start3A_50 = tpu.memref_slice %arg7[%dma_start3A_43, %dma_start3A_49] : memref<159x128xi32, #tpu.memory_space<vmem>> -> memref<1x128xi32, #tpu.memory_space<vmem>>
    %dma_start3A_51 = tpu.memref_squeeze %dma_start3A_50 : memref<1x128xi32, #tpu.memory_space<vmem>> -> memref<128xi32, #tpu.memory_space<vmem>>
    %dma_start3A_52 = arith.constant 0 : i32
    %dma_start3A_53 = arith.constant 0 : i32
    %dma_start3A_54 = tpu.memref_slice %arg2[%arg0, %dma_start3A_52, %dma_start3A_53] : memref<2x10000x64xf32, #tpu.memory_space<hbm>> -> memref<1x10000x64xf32, #tpu.memory_space<hbm>>
    %dma_start3A_55 = tpu.memref_squeeze %dma_start3A_54 : memref<1x10000x64xf32, #tpu.memory_space<hbm>> -> memref<10000x64xf32, #tpu.memory_space<hbm>>
    %dma_start3A_56 = arith.constant 0 : i32
    %dma_start3A_57 = arith.constant 0 : i32
    %dma_start3A_58 = tpu.memref_slice %dma_start3A_55[%dma_start3A_56, %dma_start3A_57] : memref<10000x64xf32, #tpu.memory_space<hbm>> -> memref<10000x64xf32, #tpu.memory_space<hbm>>
    tpu.enqueue_indirect_dma source(%dma_start3A_58 : memref<10000x64xf32, #tpu.memory_space<hbm>>) target(%dma_start3A_48 : memref<128x64xf32, #tpu.memory_space<vmem>>) offsets(%dma_start3A_51 : memref<128xi32, #tpu.memory_space<vmem>>) semaphore(%arg13 : memref<!tpu.dma_semaphore, #tpu.memory_space<semaphore_mem>>)
    %scan3A_59 = arith.constant 0 : i32
    %scan3A_60 = arith.constant 0 : i32
    %scan3A_61 = arith.constant 53 : i32
    %scan3A_62 = arith.addi %scan3A_60, %scan3A_61 : i32
    %scan3A_63 = arith.constant 1 : i32
    scf.for %scan3A_83 = %scan3A_60 to %scan3A_62 step %scan3A_63  : i32 {
      %mul3A_84 = arith.constant 3 : i32
      %mul3A_85 = arith.muli %scan3A_83, %mul3A_84 : i32
      %add3A_86 = arith.constant 0 : i32
      %add3A_87 = arith.addi %mul3A_85, %add3A_86 : i32
      %dma_wait3A_88 = arith.constant 0 : i32
      %dma_wait3A_89 = arith.constant 0 : i32
      %dma_wait3A_90 = arith.constant 0 : i32
      %dma_wait3A_91 = tpu.memref_slice %arg10[%dma_wait3A_88, %dma_wait3A_89, %dma_wait3A_90] : memref<3x128x64xf32, #tpu.memory_space<vmem>> -> memref<1x128x64xf32, #tpu.memory_space<vmem>>
      %dma_wait3A_92 = tpu.memref_squeeze %dma_wait3A_91 : memref<1x128x64xf32, #tpu.memory_space<vmem>> -> memref<128x64xf32, #tpu.memory_space<vmem>>
      %dma_wait3A_93 = arith.constant 0 : i32
      %dma_wait3A_94 = tpu.memref_slice %arg7[%add3A_87, %dma_wait3A_93] : memref<159x128xi32, #tpu.memory_space<vmem>> -> memref<1x128xi32, #tpu.memory_space<vmem>>
      %dma_wait3A_95 = tpu.memref_squeeze %dma_wait3A_94 : memref<1x128xi32, #tpu.memory_space<vmem>> -> memref<128xi32, #tpu.memory_space<vmem>>
      %dma_wait3A_96 = arith.constant 0 : i32
      %dma_wait3A_97 = arith.constant 0 : i32
      %dma_wait3A_98 = tpu.memref_slice %arg2[%arg0, %dma_wait3A_96, %dma_wait3A_97] : memref<2x10000x64xf32, #tpu.memory_space<hbm>> -> memref<1x10000x64xf32, #tpu.memory_space<hbm>>
      %dma_wait3A_99 = tpu.memref_squeeze %dma_wait3A_98 : memref<1x10000x64xf32, #tpu.memory_space<hbm>> -> memref<10000x64xf32, #tpu.memory_space<hbm>>
      %dma_wait3A_100 = arith.constant 0 : i32
      %dma_wait3A_101 = arith.constant 0 : i32
      %dma_wait3A_102 = tpu.memref_slice %dma_wait3A_99[%dma_wait3A_100, %dma_wait3A_101] : memref<10000x64xf32, #tpu.memory_space<hbm>> -> memref<10000x64xf32, #tpu.memory_space<hbm>>
      tpu.wait_indirect_dma semaphore(%arg12 : memref<!tpu.dma_semaphore, #tpu.memory_space<semaphore_mem>>) src(%dma_wait3A_102 : memref<10000x64xf32, #tpu.memory_space<hbm>>) dst(%dma_wait3A_92 : memref<128x64xf32, #tpu.memory_space<vmem>>)
      %broadcast_in_dim3A_103 = vector.broadcast %add3A_87 : i32 to vector<16xi32>
      %parallel_loop3A = arith.constant 0 : i32
      %parallel_loop3A_104 = arith.constant 128 : i32
      %parallel_loop3A_105 = arith.constant 4 : i32
      scf.for %parallel_loop3A_230 = %parallel_loop3A to %parallel_loop3A_104 step %parallel_loop3A_105  : i32 {
        %parallel_loop3A_231 = vector.broadcast %parallel_loop3A_230 : i32 to vector<16xi32>
        %parallel_loop3A_232 = arith.constant 0 : i32
        %parallel_loop3A_233 = arith.addi %parallel_loop3A_230, %parallel_loop3A_232 : i32
        %parallel_loop3A_234 = arith.constant 0 : i32
        %parallel_loop3A_235 = vector.broadcast %parallel_loop3A_234 : i32 to vector<16xi32>
        %parallel_loop3A_236 = arith.addi %parallel_loop3A_231, %parallel_loop3A_235 : vector<16xi32>
        %parallel_loop3A_237 = tpu.vector_load_idx %arg9[%broadcast_in_dim3A_103, %parallel_loop3A_236] : memref<159x128xf32, #tpu.memory_space<vmem>>[vector<16xi32>, vector<16xi32>], vector<16xf32>,
        %parallel_loop3A_238 = arith.constant 0 : i32
        %parallel_loop3A_239 = arith.index_cast %parallel_loop3A_238 : i32 to index
        %parallel_loop3A_240 = arith.index_cast %parallel_loop3A_233 : i32 to index
        %parallel_loop3A_241 = arith.constant 0 : index
        %parallel_loop3A_242 = tpu.vector_load %arg10[%parallel_loop3A_239, %parallel_loop3A_240, %parallel_loop3A_241] {strides = array<i32>} : memref<3x128x64xf32, #tpu.memory_space<vmem>>, vector<16xf32>,
        %parallel_loop3A_243 = arith.mulf %parallel_loop3A_242, %parallel_loop3A_237 : vector<16xf32>
        %parallel_loop3A_244 = arith.constant 0 : i32
        %parallel_loop3A_245 = arith.index_cast %parallel_loop3A_244 : i32 to index
        %parallel_loop3A_246 = arith.index_cast %parallel_loop3A_233 : i32 to index
        %parallel_loop3A_247 = arith.constant 0 : index
        %parallel_loop3A_248 = tpu.vector_load %arg10[%parallel_loop3A_245, %parallel_loop3A_246, %parallel_loop3A_247] {strides = array<i32>} : memref<3x128x64xf32, #tpu.memory_space<vmem>>, vector<16xf32>,
        tpu.vector_store %arg10[%parallel_loop3A_245, %parallel_loop3A_246, %parallel_loop3A_247], %parallel_loop3A_243 {strides = array<i32>} : memref<3x128x64xf32, #tpu.memory_space<vmem>>, vector<16xf32>,
        %parallel_loop3A_249 = arith.constant 0 : i32
        %parallel_loop3A_250 = arith.index_cast %parallel_loop3A_249 : i32 to index
        %parallel_loop3A_251 = arith.index_cast %parallel_loop3A_233 : i32 to index
        %parallel_loop3A_252 = arith.constant 16 : index
        %parallel_loop3A_253 = tpu.vector_load %arg10[%parallel_loop3A_250, %parallel_loop3A_251, %parallel_loop3A_252] {strides = array<i32>} : memref<3x128x64xf32, #tpu.memory_space<vmem>>, vector<16xf32>,
        %parallel_loop3A_254 = arith.mulf %parallel_loop3A_253, %parallel_loop3A_237 : vector<16xf32>
        %parallel_loop3A_255 = arith.constant 0 : i32
        %parallel_loop3A_256 = arith.index_cast %parallel_loop3A_255 : i32 to index
        %parallel_loop3A_257 = arith.index_cast %parallel_loop3A_233 : i32 to index
        %parallel_loop3A_258 = arith.constant 16 : index
        %parallel_loop3A_259 = tpu.vector_load %arg10[%parallel_loop3A_256, %parallel_loop3A_257, %parallel_loop3A_258] {strides = array<i32>} : memref<3x128x64xf32, #tpu.memory_space<vmem>>, vector<16xf32>,
        tpu.vector_store %arg10[%parallel_loop3A_256, %parallel_loop3A_257, %parallel_loop3A_258], %parallel_loop3A_254 {strides = array<i32>} : memref<3x128x64xf32, #tpu.memory_space<vmem>>, vector<16xf32>,
        %parallel_loop3A_260 = arith.constant 0 : i32
        %parallel_loop3A_261 = arith.index_cast %parallel_loop3A_260 : i32 to index
        %parallel_loop3A_262 = arith.index_cast %parallel_loop3A_233 : i32 to index
        %parallel_loop3A_263 = arith.constant 32 : index
        %parallel_loop3A_264 = tpu.vector_load %arg10[%parallel_loop3A_261, %parallel_loop3A_262, %parallel_loop3A_263] {strides = array<i32>} : memref<3x128x64xf32, #tpu.memory_space<vmem>>, vector<16xf32>,
        %parallel_loop3A_265 = arith.mulf %parallel_loop3A_264, %parallel_loop3A_237 : vector<16xf32>
        %parallel_loop3A_266 = arith.constant 0 : i32
        %parallel_loop3A_267 = arith.index_cast %parallel_loop3A_266 : i32 to index
        %parallel_loop3A_268 = arith.index_cast %parallel_loop3A_233 : i32 to index
        %parallel_loop3A_269 = arith.constant 32 : index
        %parallel_loop3A_270 = tpu.vector_load %arg10[%parallel_loop3A_267, %parallel_loop3A_268, %parallel_loop3A_269] {strides = array<i32>} : memref<3x128x64xf32, #tpu.memory_space<vmem>>, vector<16xf32>,
        tpu.vector_store %arg10[%parallel_loop3A_267, %parallel_loop3A_268, %parallel_loop3A_269], %parallel_loop3A_265 {strides = array<i32>} : memref<3x128x64xf32, #tpu.memory_space<vmem>>, vector<16xf32>,
        %parallel_loop3A_271 = arith.constant 0 : i32
        %parallel_loop3A_272 = arith.index_cast %parallel_loop3A_271 : i32 to index
        %parallel_loop3A_273 = arith.index_cast %parallel_loop3A_233 : i32 to index
        %parallel_loop3A_274 = arith.constant 48 : index
        %parallel_loop3A_275 = tpu.vector_load %arg10[%parallel_loop3A_272, %parallel_loop3A_273, %parallel_loop3A_274] {strides = array<i32>} : memref<3x128x64xf32, #tpu.memory_space<vmem>>, vector<16xf32>,
        %parallel_loop3A_276 = arith.mulf %parallel_loop3A_275, %parallel_loop3A_237 : vector<16xf32>
        %parallel_loop3A_277 = arith.constant 0 : i32
        %parallel_loop3A_278 = arith.index_cast %parallel_loop3A_277 : i32 to index
        %parallel_loop3A_279 = arith.index_cast %parallel_loop3A_233 : i32 to index
        %parallel_loop3A_280 = arith.constant 48 : index
        %parallel_loop3A_281 = tpu.vector_load %arg10[%parallel_loop3A_278, %parallel_loop3A_279, %parallel_loop3A_280] {strides = array<i32>} : memref<3x128x64xf32, #tpu.memory_space<vmem>>, vector<16xf32>,
        tpu.vector_store %arg10[%parallel_loop3A_278, %parallel_loop3A_279, %parallel_loop3A_280], %parallel_loop3A_276 {strides = array<i32>} : memref<3x128x64xf32, #tpu.memory_space<vmem>>, vector<16xf32>,
        %parallel_loop3A_282 = arith.constant 1 : i32
        %parallel_loop3A_283 = arith.addi %parallel_loop3A_230, %parallel_loop3A_282 : i32
        %parallel_loop3A_284 = arith.constant 1 : i32
        %parallel_loop3A_285 = vector.broadcast %parallel_loop3A_284 : i32 to vector<16xi32>
        %parallel_loop3A_286 = arith.addi %parallel_loop3A_231, %parallel_loop3A_285 : vector<16xi32>
        %parallel_loop3A_287 = tpu.vector_load_idx %arg9[%broadcast_in_dim3A_103, %parallel_loop3A_286] : memref<159x128xf32, #tpu.memory_space<vmem>>[vector<16xi32>, vector<16xi32>], vector<16xf32>,
        %parallel_loop3A_288 = arith.constant 0 : i32
        %parallel_loop3A_289 = arith.index_cast %parallel_loop3A_288 : i32 to index
        %parallel_loop3A_290 = arith.index_cast %parallel_loop3A_283 : i32 to index
        %parallel_loop3A_291 = arith.constant 0 : index
        %parallel_loop3A_292 = tpu.vector_load %arg10[%parallel_loop3A_289, %parallel_loop3A_290, %parallel_loop3A_291] {strides = array<i32>} : memref<3x128x64xf32, #tpu.memory_space<vmem>>, vector<16xf32>,
        %parallel_loop3A_293 = arith.mulf %parallel_loop3A_292, %parallel_loop3A_287 : vector<16xf32>
        %parallel_loop3A_294 = arith.constant 0 : i32
        %parallel_loop3A_295 = arith.index_cast %parallel_loop3A_294 : i32 to index
        %parallel_loop3A_296 = arith.index_cast %parallel_loop3A_283 : i32 to index
        %parallel_loop3A_297 = arith.constant 0 : index
        %parallel_loop3A_298 = tpu.vector_load %arg10[%parallel_loop3A_295, %parallel_loop3A_296, %parallel_loop3A_297] {strides = array<i32>} : memref<3x128x64xf32, #tpu.memory_space<vmem>>, vector<16xf32>,
        tpu.vector_store %arg10[%parallel_loop3A_295, %parallel_loop3A_296, %parallel_loop3A_297], %parallel_loop3A_293 {strides = array<i32>} : memref<3x128x64xf32, #tpu.memory_space<vmem>>, vector<16xf32>,
        %parallel_loop3A_299 = arith.constant 0 : i32
        %parallel_loop3A_300 = arith.index_cast %parallel_loop3A_299 : i32 to index
        %parallel_loop3A_301 = arith.index_cast %parallel_loop3A_283 : i32 to index
        %parallel_loop3A_302 = arith.constant 16 : index
        %parallel_loop3A_303 = tpu.vector_load %arg10[%parallel_loop3A_300, %parallel_loop3A_301, %parallel_loop3A_302] {strides = array<i32>} : memref<3x128x64xf32, #tpu.memory_space<vmem>>, vector<16xf32>,
        %parallel_loop3A_304 = arith.mulf %parallel_loop3A_303, %parallel_loop3A_287 : vector<16xf32>
        %parallel_loop3A_305 = arith.constant 0 : i32
        %parallel_loop3A_306 = arith.index_cast %parallel_loop3A_305 : i32 to index
        %parallel_loop3A_307 = arith.index_cast %parallel_loop3A_283 : i32 to index
        %parallel_loop3A_308 = arith.constant 16 : index
        %parallel_loop3A_309 = tpu.vector_load %arg10[%parallel_loop3A_306, %parallel_loop3A_307, %parallel_loop3A_308] {strides = array<i32>} : memref<3x128x64xf32, #tpu.memory_space<vmem>>, vector<16xf32>,
        tpu.vector_store %arg10[%parallel_loop3A_306, %parallel_loop3A_307, %parallel_loop3A_308], %parallel_loop3A_304 {strides = array<i32>} : memref<3x128x64xf32, #tpu.memory_space<vmem>>, vector<16xf32>,
        %parallel_loop3A_310 = arith.constant 0 : i32
        %parallel_loop3A_311 = arith.index_cast %parallel_loop3A_310 : i32 to index
        %parallel_loop3A_312 = arith.index_cast %parallel_loop3A_283 : i32 to index
        %parallel_loop3A_313 = arith.constant 32 : index
        %parallel_loop3A_314 = tpu.vector_load %arg10[%parallel_loop3A_311, %parallel_loop3A_312, %parallel_loop3A_313] {strides = array<i32>} : memref<3x128x64xf32, #tpu.memory_space<vmem>>, vector<16xf32>,
        %parallel_loop3A_315 = arith.mulf %parallel_loop3A_314, %parallel_loop3A_287 : vector<16xf32>
        %parallel_loop3A_316 = arith.constant 0 : i32
        %parallel_loop3A_317 = arith.index_cast %parallel_loop3A_316 : i32 to index
        %parallel_loop3A_318 = arith.index_cast %parallel_loop3A_283 : i32 to index
        %parallel_loop3A_319 = arith.constant 32 : index
        %parallel_loop3A_320 = tpu.vector_load %arg10[%parallel_loop3A_317, %parallel_loop3A_318, %parallel_loop3A_319] {strides = array<i32>} : memref<3x128x64xf32, #tpu.memory_space<vmem>>, vector<16xf32>,
        tpu.vector_store %arg10[%parallel_loop3A_317, %parallel_loop3A_318, %parallel_loop3A_319], %parallel_loop3A_315 {strides = array<i32>} : memref<3x128x64xf32, #tpu.memory_space<vmem>>, vector<16xf32>,
        %parallel_loop3A_321 = arith.constant 0 : i32
        %parallel_loop3A_322 = arith.index_cast %parallel_loop3A_321 : i32 to index
        %parallel_loop3A_323 = arith.index_cast %parallel_loop3A_283 : i32 to index
        %parallel_loop3A_324 = arith.constant 48 : index
        %parallel_loop3A_325 = tpu.vector_load %arg10[%parallel_loop3A_322, %parallel_loop3A_323, %parallel_loop3A_324] {strides = array<i32>} : memref<3x128x64xf32, #tpu.memory_space<vmem>>, vector<16xf32>,
        %parallel_loop3A_326 = arith.mulf %parallel_loop3A_325, %parallel_loop3A_287 : vector<16xf32>
        %parallel_loop3A_327 = arith.constant 0 : i32
        %parallel_loop3A_328 = arith.index_cast %parallel_loop3A_327 : i32 to index
        %parallel_loop3A_329 = arith.index_cast %parallel_loop3A_283 : i32 to index
        %parallel_loop3A_330 = arith.constant 48 : index
        %parallel_loop3A_331 = tpu.vector_load %arg10[%parallel_loop3A_328, %parallel_loop3A_329, %parallel_loop3A_330] {strides = array<i32>} : memref<3x128x64xf32, #tpu.memory_space<vmem>>, vector<16xf32>,
        tpu.vector_store %arg10[%parallel_loop3A_328, %parallel_loop3A_329, %parallel_loop3A_330], %parallel_loop3A_326 {strides = array<i32>} : memref<3x128x64xf32, #tpu.memory_space<vmem>>, vector<16xf32>,
        %parallel_loop3A_332 = arith.constant 2 : i32
        %parallel_loop3A_333 = arith.addi %parallel_loop3A_230, %parallel_loop3A_332 : i32
        %parallel_loop3A_334 = arith.constant 2 : i32
        %parallel_loop3A_335 = vector.broadcast %parallel_loop3A_334 : i32 to vector<16xi32>
        %parallel_loop3A_336 = arith.addi %parallel_loop3A_231, %parallel_loop3A_335 : vector<16xi32>
        %parallel_loop3A_337 = tpu.vector_load_idx %arg9[%broadcast_in_dim3A_103, %parallel_loop3A_336] : memref<159x128xf32, #tpu.memory_space<vmem>>[vector<16xi32>, vector<16xi32>], vector<16xf32>,
        %parallel_loop3A_338 = arith.constant 0 : i32
        %parallel_loop3A_339 = arith.index_cast %parallel_loop3A_338 : i32 to index
        %parallel_loop3A_340 = arith.index_cast %parallel_loop3A_333 : i32 to index
        %parallel_loop3A_341 = arith.constant 0 : index
        %parallel_loop3A_342 = tpu.vector_load %arg10[%parallel_loop3A_339, %parallel_loop3A_340, %parallel_loop3A_341] {strides = array<i32>} : memref<3x128x64xf32, #tpu.memory_space<vmem>>, vector<16xf32>,
        %parallel_loop3A_343 = arith.mulf %parallel_loop3A_342, %parallel_loop3A_337 : vector<16xf32>
        %parallel_loop3A_344 = arith.constant 0 : i32
        %parallel_loop3A_345 = arith.index_cast %parallel_loop3A_344 : i32 to index
        %parallel_loop3A_346 = arith.index_cast %parallel_loop3A_333 : i32 to index
        %parallel_loop3A_347 = arith.constant 0 : index
        %parallel_loop3A_348 = tpu.vector_load %arg10[%parallel_loop3A_345, %parallel_loop3A_346, %parallel_loop3A_347] {strides = array<i32>} : memref<3x128x64xf32, #tpu.memory_space<vmem>>, vector<16xf32>,
        tpu.vector_store %arg10[%parallel_loop3A_345, %parallel_loop3A_346, %parallel_loop3A_347], %parallel_loop3A_343 {strides = array<i32>} : memref<3x128x64xf32, #tpu.memory_space<vmem>>, vector<16xf32>,
        %parallel_loop3A_349 = arith.constant 0 : i32
        %parallel_loop3A_350 = arith.index_cast %parallel_loop3A_349 : i32 to index
        %parallel_loop3A_351 = arith.index_cast %parallel_loop3A_333 : i32 to index
        %parallel_loop3A_352 = arith.constant 16 : index
        %parallel_loop3A_353 = tpu.vector_load %arg10[%parallel_loop3A_350, %parallel_loop3A_351, %parallel_loop3A_352] {strides = array<i32>} : memref<3x128x64xf32, #tpu.memory_space<vmem>>, vector<16xf32>,
        %parallel_loop3A_354 = arith.mulf %parallel_loop3A_353, %parallel_loop3A_337 : vector<16xf32>
        %parallel_loop3A_355 = arith.constant 0 : i32
        %parallel_loop3A_356 = arith.index_cast %parallel_loop3A_355 : i32 to index
        %parallel_loop3A_357 = arith.index_cast %parallel_loop3A_333 : i32 to index
        %parallel_loop3A_358 = arith.constant 16 : index
        %parallel_loop3A_359 = tpu.vector_load %arg10[%parallel_loop3A_356, %parallel_loop3A_357, %parallel_loop3A_358] {strides = array<i32>} : memref<3x128x64xf32, #tpu.memory_space<vmem>>, vector<16xf32>,
        tpu.vector_store %arg10[%parallel_loop3A_356, %parallel_loop3A_357, %parallel_loop3A_358], %parallel_loop3A_354 {strides = array<i32>} : memref<3x128x64xf32, #tpu.memory_space<vmem>>, vector<16xf32>,
        %parallel_loop3A_360 = arith.constant 0 : i32
        %parallel_loop3A_361 = arith.index_cast %parallel_loop3A_360 : i32 to index
        %parallel_loop3A_362 = arith.index_cast %parallel_loop3A_333 : i32 to index
        %parallel_loop3A_363 = arith.constant 32 : index
        %parallel_loop3A_364 = tpu.vector_load %arg10[%parallel_loop3A_361, %parallel_loop3A_362, %parallel_loop3A_363] {strides = array<i32>} : memref<3x128x64xf32, #tpu.memory_space<vmem>>, vector<16xf32>,
        %parallel_loop3A_365 = arith.mulf %parallel_loop3A_364, %parallel_loop3A_337 : vector<16xf32>
        %parallel_loop3A_366 = arith.constant 0 : i32
        %parallel_loop3A_367 = arith.index_cast %parallel_loop3A_366 : i32 to index
        %parallel_loop3A_368 = arith.index_cast %parallel_loop3A_333 : i32 to index
        %parallel_loop3A_369 = arith.constant 32 : index
        %parallel_loop3A_370 = tpu.vector_load %arg10[%parallel_loop3A_367, %parallel_loop3A_368, %parallel_loop3A_369] {strides = array<i32>} : memref<3x128x64xf32, #tpu.memory_space<vmem>>, vector<16xf32>,
        tpu.vector_store %arg10[%parallel_loop3A_367, %parallel_loop3A_368, %parallel_loop3A_369], %parallel_loop3A_365 {strides = array<i32>} : memref<3x128x64xf32, #tpu.memory_space<vmem>>, vector<16xf32>,
        %parallel_loop3A_371 = arith.constant 0 : i32
        %parallel_loop3A_372 = arith.index_cast %parallel_loop3A_371 : i32 to index
        %parallel_loop3A_373 = arith.index_cast %parallel_loop3A_333 : i32 to index
        %parallel_loop3A_374 = arith.constant 48 : index
        %parallel_loop3A_375 = tpu.vector_load %arg10[%parallel_loop3A_372, %parallel_loop3A_373, %parallel_loop3A_374] {strides = array<i32>} : memref<3x128x64xf32, #tpu.memory_space<vmem>>, vector<16xf32>,
        %parallel_loop3A_376 = arith.mulf %parallel_loop3A_375, %parallel_loop3A_337 : vector<16xf32>
        %parallel_loop3A_377 = arith.constant 0 : i32
        %parallel_loop3A_378 = arith.index_cast %parallel_loop3A_377 : i32 to index
        %parallel_loop3A_379 = arith.index_cast %parallel_loop3A_333 : i32 to index
        %parallel_loop3A_380 = arith.constant 48 : index
        %parallel_loop3A_381 = tpu.vector_load %arg10[%parallel_loop3A_378, %parallel_loop3A_379, %parallel_loop3A_380] {strides = array<i32>} : memref<3x128x64xf32, #tpu.memory_space<vmem>>, vector<16xf32>,
        tpu.vector_store %arg10[%parallel_loop3A_378, %parallel_loop3A_379, %parallel_loop3A_380], %parallel_loop3A_376 {strides = array<i32>} : memref<3x128x64xf32, #tpu.memory_space<vmem>>, vector<16xf32>,
        %parallel_loop3A_382 = arith.constant 3 : i32
        %parallel_loop3A_383 = arith.addi %parallel_loop3A_230, %parallel_loop3A_382 : i32
        %parallel_loop3A_384 = arith.constant 3 : i32
        %parallel_loop3A_385 = vector.broadcast %parallel_loop3A_384 : i32 to vector<16xi32>
        %parallel_loop3A_386 = arith.addi %parallel_loop3A_231, %parallel_loop3A_385 : vector<16xi32>
        %parallel_loop3A_387 = tpu.vector_load_idx %arg9[%broadcast_in_dim3A_103, %parallel_loop3A_386] : memref<159x128xf32, #tpu.memory_space<vmem>>[vector<16xi32>, vector<16xi32>], vector<16xf32>,
        %parallel_loop3A_388 = arith.constant 0 : i32
        %parallel_loop3A_389 = arith.index_cast %parallel_loop3A_388 : i32 to index
        %parallel_loop3A_390 = arith.index_cast %parallel_loop3A_383 : i32 to index
        %parallel_loop3A_391 = arith.constant 0 : index
        %parallel_loop3A_392 = tpu.vector_load %arg10[%parallel_loop3A_389, %parallel_loop3A_390, %parallel_loop3A_391] {strides = array<i32>} : memref<3x128x64xf32, #tpu.memory_space<vmem>>, vector<16xf32>,
        %parallel_loop3A_393 = arith.mulf %parallel_loop3A_392, %parallel_loop3A_387 : vector<16xf32>
        %parallel_loop3A_394 = arith.constant 0 : i32
        %parallel_loop3A_395 = arith.index_cast %parallel_loop3A_394 : i32 to index
        %parallel_loop3A_396 = arith.index_cast %parallel_loop3A_383 : i32 to index
        %parallel_loop3A_397 = arith.constant 0 : index
        %parallel_loop3A_398 = tpu.vector_load %arg10[%parallel_loop3A_395, %parallel_loop3A_396, %parallel_loop3A_397] {strides = array<i32>} : memref<3x128x64xf32, #tpu.memory_space<vmem>>, vector<16xf32>,
        tpu.vector_store %arg10[%parallel_loop3A_395, %parallel_loop3A_396, %parallel_loop3A_397], %parallel_loop3A_393 {strides = array<i32>} : memref<3x128x64xf32, #tpu.memory_space<vmem>>, vector<16xf32>,
        %parallel_loop3A_399 = arith.constant 0 : i32
        %parallel_loop3A_400 = arith.index_cast %parallel_loop3A_399 : i32 to index
        %parallel_loop3A_401 = arith.index_cast %parallel_loop3A_383 : i32 to index
        %parallel_loop3A_402 = arith.constant 16 : index
        %parallel_loop3A_403 = tpu.vector_load %arg10[%parallel_loop3A_400, %parallel_loop3A_401, %parallel_loop3A_402] {strides = array<i32>} : memref<3x128x64xf32, #tpu.memory_space<vmem>>, vector<16xf32>,
        %parallel_loop3A_404 = arith.mulf %parallel_loop3A_403, %parallel_loop3A_387 : vector<16xf32>
        %parallel_loop3A_405 = arith.constant 0 : i32
        %parallel_loop3A_406 = arith.index_cast %parallel_loop3A_405 : i32 to index
        %parallel_loop3A_407 = arith.index_cast %parallel_loop3A_383 : i32 to index
        %parallel_loop3A_408 = arith.constant 16 : index
        %parallel_loop3A_409 = tpu.vector_load %arg10[%parallel_loop3A_406, %parallel_loop3A_407, %parallel_loop3A_408] {strides = array<i32>} : memref<3x128x64xf32, #tpu.memory_space<vmem>>, vector<16xf32>,
        tpu.vector_store %arg10[%parallel_loop3A_406, %parallel_loop3A_407, %parallel_loop3A_408], %parallel_loop3A_404 {strides = array<i32>} : memref<3x128x64xf32, #tpu.memory_space<vmem>>, vector<16xf32>,
        %parallel_loop3A_410 = arith.constant 0 : i32
        %parallel_loop3A_411 = arith.index_cast %parallel_loop3A_410 : i32 to index
        %parallel_loop3A_412 = arith.index_cast %parallel_loop3A_383 : i32 to index
        %parallel_loop3A_413 = arith.constant 32 : index
        %parallel_loop3A_414 = tpu.vector_load %arg10[%parallel_loop3A_411, %parallel_loop3A_412, %parallel_loop3A_413] {strides = array<i32>} : memref<3x128x64xf32, #tpu.memory_space<vmem>>, vector<16xf32>,
        %parallel_loop3A_415 = arith.mulf %parallel_loop3A_414, %parallel_loop3A_387 : vector<16xf32>
        %parallel_loop3A_416 = arith.constant 0 : i32
        %parallel_loop3A_417 = arith.index_cast %parallel_loop3A_416 : i32 to index
        %parallel_loop3A_418 = arith.index_cast %parallel_loop3A_383 : i32 to index
        %parallel_loop3A_419 = arith.constant 32 : index
        %parallel_loop3A_420 = tpu.vector_load %arg10[%parallel_loop3A_417, %parallel_loop3A_418, %parallel_loop3A_419] {strides = array<i32>} : memref<3x128x64xf32, #tpu.memory_space<vmem>>, vector<16xf32>,
        tpu.vector_store %arg10[%parallel_loop3A_417, %parallel_loop3A_418, %parallel_loop3A_419], %parallel_loop3A_415 {strides = array<i32>} : memref<3x128x64xf32, #tpu.memory_space<vmem>>, vector<16xf32>,
        %parallel_loop3A_421 = arith.constant 0 : i32
        %parallel_loop3A_422 = arith.index_cast %parallel_loop3A_421 : i32 to index
        %parallel_loop3A_423 = arith.index_cast %parallel_loop3A_383 : i32 to index
        %parallel_loop3A_424 = arith.constant 48 : index
        %parallel_loop3A_425 = tpu.vector_load %arg10[%parallel_loop3A_422, %parallel_loop3A_423, %parallel_loop3A_424] {strides = array<i32>} : memref<3x128x64xf32, #tpu.memory_space<vmem>>, vector<16xf32>,
        %parallel_loop3A_426 = arith.mulf %parallel_loop3A_425, %parallel_loop3A_387 : vector<16xf32>
        %parallel_loop3A_427 = arith.constant 0 : i32
        %parallel_loop3A_428 = arith.index_cast %parallel_loop3A_427 : i32 to index
        %parallel_loop3A_429 = arith.index_cast %parallel_loop3A_383 : i32 to index
        %parallel_loop3A_430 = arith.constant 48 : index
        %parallel_loop3A_431 = tpu.vector_load %arg10[%parallel_loop3A_428, %parallel_loop3A_429, %parallel_loop3A_430] {strides = array<i32>} : memref<3x128x64xf32, #tpu.memory_space<vmem>>, vector<16xf32>,
        tpu.vector_store %arg10[%parallel_loop3A_428, %parallel_loop3A_429, %parallel_loop3A_430], %parallel_loop3A_426 {strides = array<i32>} : memref<3x128x64xf32, #tpu.memory_space<vmem>>, vector<16xf32>,
      } {sc.loop_unroll_factor = 2 : i64, sc.parallel_access}
      %gt3A = arith.constant 0 : i32
      %gt3A_106 = arith.cmpi sgt, %mul3A_85, %gt3A : i32
      %convert_element_type3A_107 = arith.extui %gt3A_106 : i1 to i32
      %cond3A_108 = arith.constant 0 : i32
      %cond3A_109 = arith.cmpi ne, %convert_element_type3A_107, %cond3A_108 : i32
      scf.if %cond3A_109 {
        %sub3A_230 = arith.constant 1 : i32
        %sub3A_231 = arith.subi %mul3A_85, %sub3A_230 : i32
        %dma_wait3A_232 = arith.constant 2 : i32
        %dma_wait3A_233 = arith.constant 0 : i32
        %dma_wait3A_234 = arith.constant 0 : i32
        %dma_wait3A_235 = tpu.memref_slice %arg10[%dma_wait3A_232, %dma_wait3A_233, %dma_wait3A_234] : memref<3x128x64xf32, #tpu.memory_space<vmem>> -> memref<1x128x64xf32, #tpu.memory_space<vmem>>
        %dma_wait3A_236 = tpu.memref_squeeze %dma_wait3A_235 : memref<1x128x64xf32, #tpu.memory_space<vmem>> -> memref<128x64xf32, #tpu.memory_space<vmem>>
        %dma_wait3A_237 = arith.constant 0 : i32
        %dma_wait3A_238 = tpu.memref_slice %arg8[%sub3A_231, %dma_wait3A_237] : memref<159x128xi32, #tpu.memory_space<vmem>> -> memref<1x128xi32, #tpu.memory_space<vmem>>
        %dma_wait3A_239 = tpu.memref_squeeze %dma_wait3A_238 : memref<1x128xi32, #tpu.memory_space<vmem>> -> memref<128xi32, #tpu.memory_space<vmem>>
        %dma_wait3A_240 = arith.constant 0 : i32
        %dma_wait3A_241 = arith.constant 0 : i32
        %dma_wait3A_242 = tpu.memref_slice %arg11[%dma_wait3A_240, %dma_wait3A_241] : memref<10000x64xf32, #tpu.memory_space<vmem_shared>> -> memref<10000x64xf32, #tpu.memory_space<vmem_shared>>
        tpu.wait_indirect_dma semaphore(%arg17 : memref<!tpu.dma_semaphore, #tpu.memory_space<semaphore_mem>>) src(%dma_wait3A_236 : memref<128x64xf32, #tpu.memory_space<vmem>>) dst(%dma_wait3A_242 : memref<10000x64xf32, #tpu.memory_space<vmem_shared>>)
      } else {
      }
      %add3A_110 = arith.constant 2 : i32
      %add3A_111 = arith.addi %add3A_87, %add3A_110 : i32
      %lt3A = arith.constant 159 : i32
      %lt3A_112 = arith.cmpi slt, %add3A_111, %lt3A : i32
      %convert_element_type3A_113 = arith.extui %lt3A_112 : i1 to i32
      %cond3A_114 = arith.constant 0 : i32
      %cond3A_115 = arith.cmpi ne, %convert_element_type3A_113, %cond3A_114 : i32
      scf.if %cond3A_115 {
        %add3A_230 = arith.constant 2 : i32
        %add3A_231 = arith.addi %add3A_87, %add3A_230 : i32
        %dma_start3A_232 = arith.constant 2 : i32
        %dma_start3A_233 = arith.constant 0 : i32
        %dma_start3A_234 = arith.constant 0 : i32
        %dma_start3A_235 = tpu.memref_slice %arg10[%dma_start3A_232, %dma_start3A_233, %dma_start3A_234] : memref<3x128x64xf32, #tpu.memory_space<vmem>> -> memref<1x128x64xf32, #tpu.memory_space<vmem>>
        %dma_start3A_236 = tpu.memref_squeeze %dma_start3A_235 : memref<1x128x64xf32, #tpu.memory_space<vmem>> -> memref<128x64xf32, #tpu.memory_space<vmem>>
        %dma_start3A_237 = arith.constant 0 : i32
        %dma_start3A_238 = tpu.memref_slice %arg7[%add3A_231, %dma_start3A_237] : memref<159x128xi32, #tpu.memory_space<vmem>> -> memref<1x128xi32, #tpu.memory_space<vmem>>
        %dma_start3A_239 = tpu.memref_squeeze %dma_start3A_238 : memref<1x128xi32, #tpu.memory_space<vmem>> -> memref<128xi32, #tpu.memory_space<vmem>>
        %dma_start3A_240 = arith.constant 0 : i32
        %dma_start3A_241 = arith.constant 0 : i32
        %dma_start3A_242 = tpu.memref_slice %arg2[%arg0, %dma_start3A_240, %dma_start3A_241] : memref<2x10000x64xf32, #tpu.memory_space<hbm>> -> memref<1x10000x64xf32, #tpu.memory_space<hbm>>
        %dma_start3A_243 = tpu.memref_squeeze %dma_start3A_242 : memref<1x10000x64xf32, #tpu.memory_space<hbm>> -> memref<10000x64xf32, #tpu.memory_space<hbm>>
        %dma_start3A_244 = arith.constant 0 : i32
        %dma_start3A_245 = arith.constant 0 : i32
        %dma_start3A_246 = tpu.memref_slice %dma_start3A_243[%dma_start3A_244, %dma_start3A_245] : memref<10000x64xf32, #tpu.memory_space<hbm>> -> memref<10000x64xf32, #tpu.memory_space<hbm>>
        tpu.enqueue_indirect_dma source(%dma_start3A_246 : memref<10000x64xf32, #tpu.memory_space<hbm>>) target(%dma_start3A_236 : memref<128x64xf32, #tpu.memory_space<vmem>>) offsets(%dma_start3A_239 : memref<128xi32, #tpu.memory_space<vmem>>) semaphore(%arg14 : memref<!tpu.dma_semaphore, #tpu.memory_space<semaphore_mem>>)
      } else {
      }
      %dma_start3A_116 = arith.constant 0 : i32
      %dma_start3A_117 = arith.constant 0 : i32
      %dma_start3A_118 = arith.constant 0 : i32
      %dma_start3A_119 = tpu.memref_slice %arg10[%dma_start3A_116, %dma_start3A_117, %dma_start3A_118] : memref<3x128x64xf32, #tpu.memory_space<vmem>> -> memref<1x128x64xf32, #tpu.memory_space<vmem>>
      %dma_start3A_120 = tpu.memref_squeeze %dma_start3A_119 : memref<1x128x64xf32, #tpu.memory_space<vmem>> -> memref<128x64xf32, #tpu.memory_space<vmem>>
      %dma_start3A_121 = arith.constant 0 : i32
      %dma_start3A_122 = tpu.memref_slice %arg8[%add3A_87, %dma_start3A_121] : memref<159x128xi32, #tpu.memory_space<vmem>> -> memref<1x128xi32, #tpu.memory_space<vmem>>
      %dma_start3A_123 = tpu.memref_squeeze %dma_start3A_122 : memref<1x128xi32, #tpu.memory_space<vmem>> -> memref<128xi32, #tpu.memory_space<vmem>>
      %dma_start3A_124 = arith.constant 0 : i32
      %dma_start3A_125 = arith.constant 0 : i32
      %dma_start3A_126 = tpu.memref_slice %arg11[%dma_start3A_124, %dma_start3A_125] : memref<10000x64xf32, #tpu.memory_space<vmem_shared>> -> memref<10000x64xf32, #tpu.memory_space<vmem_shared>>
      tpu.enqueue_indirect_dma source(%dma_start3A_120 : memref<128x64xf32, #tpu.memory_space<vmem>>) target(%dma_start3A_126 : memref<10000x64xf32, #tpu.memory_space<vmem_shared>>) offsets(%dma_start3A_123 : memref<128xi32, #tpu.memory_space<vmem>>) semaphore(%arg15 : memref<!tpu.dma_semaphore, #tpu.memory_space<semaphore_mem>>) {add = true}
      %add3A_127 = arith.constant 1 : i32
      %add3A_128 = arith.addi %mul3A_85, %add3A_127 : i32
      %dma_wait3A_129 = arith.constant 1 : i32
      %dma_wait3A_130 = arith.constant 0 : i32
      %dma_wait3A_131 = arith.constant 0 : i32
      %dma_wait3A_132 = tpu.memref_slice %arg10[%dma_wait3A_129, %dma_wait3A_130, %dma_wait3A_131] : memref<3x128x64xf32, #tpu.memory_space<vmem>> -> memref<1x128x64xf32, #tpu.memory_space<vmem>>
      %dma_wait3A_133 = tpu.memref_squeeze %dma_wait3A_132 : memref<1x128x64xf32, #tpu.memory_space<vmem>> -> memref<128x64xf32, #tpu.memory_space<vmem>>
      %dma_wait3A_134 = arith.constant 0 : i32
      %dma_wait3A_135 = tpu.memref_slice %arg7[%add3A_128, %dma_wait3A_134] : memref<159x128xi32, #tpu.memory_space<vmem>> -> memref<1x128xi32, #tpu.memory_space<vmem>>
      %dma_wait3A_136 = tpu.memref_squeeze %dma_wait3A_135 : memref<1x128xi32, #tpu.memory_space<vmem>> -> memref<128xi32, #tpu.memory_space<vmem>>
      %dma_wait3A_137 = arith.constant 0 : i32
      %dma_wait3A_138 = arith.constant 0 : i32
      %dma_wait3A_139 = tpu.memref_slice %arg2[%arg0, %dma_wait3A_137, %dma_wait3A_138] : memref<2x10000x64xf32, #tpu.memory_space<hbm>> -> memref<1x10000x64xf32, #tpu.memory_space<hbm>>
      %dma_wait3A_140 = tpu.memref_squeeze %dma_wait3A_139 : memref<1x10000x64xf32, #tpu.memory_space<hbm>> -> memref<10000x64xf32, #tpu.memory_space<hbm>>
      %dma_wait3A_141 = arith.constant 0 : i32
      %dma_wait3A_142 = arith.constant 0 : i32
      %dma_wait3A_143 = tpu.memref_slice %dma_wait3A_140[%dma_wait3A_141, %dma_wait3A_142] : memref<10000x64xf32, #tpu.memory_space<hbm>> -> memref<10000x64xf32, #tpu.memory_space<hbm>>
      tpu.wait_indirect_dma semaphore(%arg13 : memref<!tpu.dma_semaphore, #tpu.memory_space<semaphore_mem>>) src(%dma_wait3A_143 : memref<10000x64xf32, #tpu.memory_space<hbm>>) dst(%dma_wait3A_133 : memref<128x64xf32, #tpu.memory_space<vmem>>)
      %broadcast_in_dim3A_144 = vector.broadcast %add3A_128 : i32 to vector<16xi32>
      %parallel_loop3A_145 = arith.constant 0 : i32
      %parallel_loop3A_146 = arith.constant 128 : i32
      %parallel_loop3A_147 = arith.constant 4 : i32
      scf.for %parallel_loop3A_230 = %parallel_loop3A_145 to %parallel_loop3A_146 step %parallel_loop3A_147  : i32 {
        %parallel_loop3A_231 = vector.broadcast %parallel_loop3A_230 : i32 to vector<16xi32>
        %parallel_loop3A_232 = arith.constant 0 : i32
        %parallel_loop3A_233 = arith.addi %parallel_loop3A_230, %parallel_loop3A_232 : i32
        %parallel_loop3A_234 = arith.constant 0 : i32
        %parallel_loop3A_235 = vector.broadcast %parallel_loop3A_234 : i32 to vector<16xi32>
        %parallel_loop3A_236 = arith.addi %parallel_loop3A_231, %parallel_loop3A_235 : vector<16xi32>
        %parallel_loop3A_237 = tpu.vector_load_idx %arg9[%broadcast_in_dim3A_144, %parallel_loop3A_236] : memref<159x128xf32, #tpu.memory_space<vmem>>[vector<16xi32>, vector<16xi32>], vector<16xf32>,
        %parallel_loop3A_238 = arith.constant 1 : i32
        %parallel_loop3A_239 = arith.index_cast %parallel_loop3A_238 : i32 to index
        %parallel_loop3A_240 = arith.index_cast %parallel_loop3A_233 : i32 to index
        %parallel_loop3A_241 = arith.constant 0 : index
        %parallel_loop3A_242 = tpu.vector_load %arg10[%parallel_loop3A_239, %parallel_loop3A_240, %parallel_loop3A_241] {strides = array<i32>} : memref<3x128x64xf32, #tpu.memory_space<vmem>>, vector<16xf32>,
        %parallel_loop3A_243 = arith.mulf %parallel_loop3A_242, %parallel_loop3A_237 : vector<16xf32>
        %parallel_loop3A_244 = arith.constant 1 : i32
        %parallel_loop3A_245 = arith.index_cast %parallel_loop3A_244 : i32 to index
        %parallel_loop3A_246 = arith.index_cast %parallel_loop3A_233 : i32 to index
        %parallel_loop3A_247 = arith.constant 0 : index
        %parallel_loop3A_248 = tpu.vector_load %arg10[%parallel_loop3A_245, %parallel_loop3A_246, %parallel_loop3A_247] {strides = array<i32>} : memref<3x128x64xf32, #tpu.memory_space<vmem>>, vector<16xf32>,
        tpu.vector_store %arg10[%parallel_loop3A_245, %parallel_loop3A_246, %parallel_loop3A_247], %parallel_loop3A_243 {strides = array<i32>} : memref<3x128x64xf32, #tpu.memory_space<vmem>>, vector<16xf32>,
        %parallel_loop3A_249 = arith.constant 1 : i32
        %parallel_loop3A_250 = arith.index_cast %parallel_loop3A_249 : i32 to index
        %parallel_loop3A_251 = arith.index_cast %parallel_loop3A_233 : i32 to index
        %parallel_loop3A_252 = arith.constant 16 : index
        %parallel_loop3A_253 = tpu.vector_load %arg10[%parallel_loop3A_250, %parallel_loop3A_251, %parallel_loop3A_252] {strides = array<i32>} : memref<3x128x64xf32, #tpu.memory_space<vmem>>, vector<16xf32>,
        %parallel_loop3A_254 = arith.mulf %parallel_loop3A_253, %parallel_loop3A_237 : vector<16xf32>
        %parallel_loop3A_255 = arith.constant 1 : i32
        %parallel_loop3A_256 = arith.index_cast %parallel_loop3A_255 : i32 to index
        %parallel_loop3A_257 = arith.index_cast %parallel_loop3A_233 : i32 to index
        %parallel_loop3A_258 = arith.constant 16 : index
        %parallel_loop3A_259 = tpu.vector_load %arg10[%parallel_loop3A_256, %parallel_loop3A_257, %parallel_loop3A_258] {strides = array<i32>} : memref<3x128x64xf32, #tpu.memory_space<vmem>>, vector<16xf32>,
        tpu.vector_store %arg10[%parallel_loop3A_256, %parallel_loop3A_257, %parallel_loop3A_258], %parallel_loop3A_254 {strides = array<i32>} : memref<3x128x64xf32, #tpu.memory_space<vmem>>, vector<16xf32>,
        %parallel_loop3A_260 = arith.constant 1 : i32
        %parallel_loop3A_261 = arith.index_cast %parallel_loop3A_260 : i32 to index
        %parallel_loop3A_262 = arith.index_cast %parallel_loop3A_233 : i32 to index
        %parallel_loop3A_263 = arith.constant 32 : index
        %parallel_loop3A_264 = tpu.vector_load %arg10[%parallel_loop3A_261, %parallel_loop3A_262, %parallel_loop3A_263] {strides = array<i32>} : memref<3x128x64xf32, #tpu.memory_space<vmem>>, vector<16xf32>,
        %parallel_loop3A_265 = arith.mulf %parallel_loop3A_264, %parallel_loop3A_237 : vector<16xf32>
        %parallel_loop3A_266 = arith.constant 1 : i32
        %parallel_loop3A_267 = arith.index_cast %parallel_loop3A_266 : i32 to index
        %parallel_loop3A_268 = arith.index_cast %parallel_loop3A_233 : i32 to index
        %parallel_loop3A_269 = arith.constant 32 : index
        %parallel_loop3A_270 = tpu.vector_load %arg10[%parallel_loop3A_267, %parallel_loop3A_268, %parallel_loop3A_269] {strides = array<i32>} : memref<3x128x64xf32, #tpu.memory_space<vmem>>, vector<16xf32>,
        tpu.vector_store %arg10[%parallel_loop3A_267, %parallel_loop3A_268, %parallel_loop3A_269], %parallel_loop3A_265 {strides = array<i32>} : memref<3x128x64xf32, #tpu.memory_space<vmem>>, vector<16xf32>,
        %parallel_loop3A_271 = arith.constant 1 : i32
        %parallel_loop3A_272 = arith.index_cast %parallel_loop3A_271 : i32 to index
        %parallel_loop3A_273 = arith.index_cast %parallel_loop3A_233 : i32 to index
        %parallel_loop3A_274 = arith.constant 48 : index
        %parallel_loop3A_275 = tpu.vector_load %arg10[%parallel_loop3A_272, %parallel_loop3A_273, %parallel_loop3A_274] {strides = array<i32>} : memref<3x128x64xf32, #tpu.memory_space<vmem>>, vector<16xf32>,
        %parallel_loop3A_276 = arith.mulf %parallel_loop3A_275, %parallel_loop3A_237 : vector<16xf32>
        %parallel_loop3A_277 = arith.constant 1 : i32
        %parallel_loop3A_278 = arith.index_cast %parallel_loop3A_277 : i32 to index
        %parallel_loop3A_279 = arith.index_cast %parallel_loop3A_233 : i32 to index
        %parallel_loop3A_280 = arith.constant 48 : index
        %parallel_loop3A_281 = tpu.vector_load %arg10[%parallel_loop3A_278, %parallel_loop3A_279, %parallel_loop3A_280] {strides = array<i32>} : memref<3x128x64xf32, #tpu.memory_space<vmem>>, vector<16xf32>,
        tpu.vector_store %arg10[%parallel_loop3A_278, %parallel_loop3A_279, %parallel_loop3A_280], %parallel_loop3A_276 {strides = array<i32>} : memref<3x128x64xf32, #tpu.memory_space<vmem>>, vector<16xf32>,
        %parallel_loop3A_282 = arith.constant 1 : i32
        %parallel_loop3A_283 = arith.addi %parallel_loop3A_230, %parallel_loop3A_282 : i32
        %parallel_loop3A_284 = arith.constant 1 : i32
        %parallel_loop3A_285 = vector.broadcast %parallel_loop3A_284 : i32 to vector<16xi32>
        %parallel_loop3A_286 = arith.addi %parallel_loop3A_231, %parallel_loop3A_285 : vector<16xi32>
        %parallel_loop3A_287 = tpu.vector_load_idx %arg9[%broadcast_in_dim3A_144, %parallel_loop3A_286] : memref<159x128xf32, #tpu.memory_space<vmem>>[vector<16xi32>, vector<16xi32>], vector<16xf32>,
        %parallel_loop3A_288 = arith.constant 1 : i32
        %parallel_loop3A_289 = arith.index_cast %parallel_loop3A_288 : i32 to index
        %parallel_loop3A_290 = arith.index_cast %parallel_loop3A_283 : i32 to index
        %parallel_loop3A_291 = arith.constant 0 : index
        %parallel_loop3A_292 = tpu.vector_load %arg10[%parallel_loop3A_289, %parallel_loop3A_290, %parallel_loop3A_291] {strides = array<i32>} : memref<3x128x64xf32, #tpu.memory_space<vmem>>, vector<16xf32>,
        %parallel_loop3A_293 = arith.mulf %parallel_loop3A_292, %parallel_loop3A_287 : vector<16xf32>
        %parallel_loop3A_294 = arith.constant 1 : i32
        %parallel_loop3A_295 = arith.index_cast %parallel_loop3A_294 : i32 to index
        %parallel_loop3A_296 = arith.index_cast %parallel_loop3A_283 : i32 to index
        %parallel_loop3A_297 = arith.constant 0 : index
        %parallel_loop3A_298 = tpu.vector_load %arg10[%parallel_loop3A_295, %parallel_loop3A_296, %parallel_loop3A_297] {strides = array<i32>} : memref<3x128x64xf32, #tpu.memory_space<vmem>>, vector<16xf32>,
        tpu.vector_store %arg10[%parallel_loop3A_295, %parallel_loop3A_296, %parallel_loop3A_297], %parallel_loop3A_293 {strides = array<i32>} : memref<3x128x64xf32, #tpu.memory_space<vmem>>, vector<16xf32>,
        %parallel_loop3A_299 = arith.constant 1 : i32
        %parallel_loop3A_300 = arith.index_cast %parallel_loop3A_299 : i32 to index
        %parallel_loop3A_301 = arith.index_cast %parallel_loop3A_283 : i32 to index
        %parallel_loop3A_302 = arith.constant 16 : index
        %parallel_loop3A_303 = tpu.vector_load %arg10[%parallel_loop3A_300, %parallel_loop3A_301, %parallel_loop3A_302] {strides = array<i32>} : memref<3x128x64xf32, #tpu.memory_space<vmem>>, vector<16xf32>,
        %parallel_loop3A_304 = arith.mulf %parallel_loop3A_303, %parallel_loop3A_287 : vector<16xf32>
        %parallel_loop3A_305 = arith.constant 1 : i32
        %parallel_loop3A_306 = arith.index_cast %parallel_loop3A_305 : i32 to index
        %parallel_loop3A_307 = arith.index_cast %parallel_loop3A_283 : i32 to index
        %parallel_loop3A_308 = arith.constant 16 : index
        %parallel_loop3A_309 = tpu.vector_load %arg10[%parallel_loop3A_306, %parallel_loop3A_307, %parallel_loop3A_308] {strides = array<i32>} : memref<3x128x64xf32, #tpu.memory_space<vmem>>, vector<16xf32>,
        tpu.vector_store %arg10[%parallel_loop3A_306, %parallel_loop3A_307, %parallel_loop3A_308], %parallel_loop3A_304 {strides = array<i32>} : memref<3x128x64xf32, #tpu.memory_space<vmem>>, vector<16xf32>,
        %parallel_loop3A_310 = arith.constant 1 : i32
        %parallel_loop3A_311 = arith.index_cast %parallel_loop3A_310 : i32 to index
        %parallel_loop3A_312 = arith.index_cast %parallel_loop3A_283 : i32 to index
        %parallel_loop3A_313 = arith.constant 32 : index
        %parallel_loop3A_314 = tpu.vector_load %arg10[%parallel_loop3A_311, %parallel_loop3A_312, %parallel_loop3A_313] {strides = array<i32>} : memref<3x128x64xf32, #tpu.memory_space<vmem>>, vector<16xf32>,
        %parallel_loop3A_315 = arith.mulf %parallel_loop3A_314, %parallel_loop3A_287 : vector<16xf32>
        %parallel_loop3A_316 = arith.constant 1 : i32
        %parallel_loop3A_317 = arith.index_cast %parallel_loop3A_316 : i32 to index
        %parallel_loop3A_318 = arith.index_cast %parallel_loop3A_283 : i32 to index
        %parallel_loop3A_319 = arith.constant 32 : index
        %parallel_loop3A_320 = tpu.vector_load %arg10[%parallel_loop3A_317, %parallel_loop3A_318, %parallel_loop3A_319] {strides = array<i32>} : memref<3x128x64xf32, #tpu.memory_space<vmem>>, vector<16xf32>,
        tpu.vector_store %arg10[%parallel_loop3A_317, %parallel_loop3A_318, %parallel_loop3A_319], %parallel_loop3A_315 {strides = array<i32>} : memref<3x128x64xf32, #tpu.memory_space<vmem>>, vector<16xf32>,
        %parallel_loop3A_321 = arith.constant 1 : i32
        %parallel_loop3A_322 = arith.index_cast %parallel_loop3A_321 : i32 to index
        %parallel_loop3A_323 = arith.index_cast %parallel_loop3A_283 : i32 to index
        %parallel_loop3A_324 = arith.constant 48 : index
        %parallel_loop3A_325 = tpu.vector_load %arg10[%parallel_loop3A_322, %parallel_loop3A_323, %parallel_loop3A_324] {strides = array<i32>} : memref<3x128x64xf32, #tpu.memory_space<vmem>>, vector<16xf32>,
        %parallel_loop3A_326 = arith.mulf %parallel_loop3A_325, %parallel_loop3A_287 : vector<16xf32>
        %parallel_loop3A_327 = arith.constant 1 : i32
        %parallel_loop3A_328 = arith.index_cast %parallel_loop3A_327 : i32 to index
        %parallel_loop3A_329 = arith.index_cast %parallel_loop3A_283 : i32 to index
        %parallel_loop3A_330 = arith.constant 48 : index
        %parallel_loop3A_331 = tpu.vector_load %arg10[%parallel_loop3A_328, %parallel_loop3A_329, %parallel_loop3A_330] {strides = array<i32>} : memref<3x128x64xf32, #tpu.memory_space<vmem>>, vector<16xf32>,
        tpu.vector_store %arg10[%parallel_loop3A_328, %parallel_loop3A_329, %parallel_loop3A_330], %parallel_loop3A_326 {strides = array<i32>} : memref<3x128x64xf32, #tpu.memory_space<vmem>>, vector<16xf32>,
        %parallel_loop3A_332 = arith.constant 2 : i32
        %parallel_loop3A_333 = arith.addi %parallel_loop3A_230, %parallel_loop3A_332 : i32
        %parallel_loop3A_334 = arith.constant 2 : i32
        %parallel_loop3A_335 = vector.broadcast %parallel_loop3A_334 : i32 to vector<16xi32>
        %parallel_loop3A_336 = arith.addi %parallel_loop3A_231, %parallel_loop3A_335 : vector<16xi32>
        %parallel_loop3A_337 = tpu.vector_load_idx %arg9[%broadcast_in_dim3A_144, %parallel_loop3A_336] : memref<159x128xf32, #tpu.memory_space<vmem>>[vector<16xi32>, vector<16xi32>], vector<16xf32>,
        %parallel_loop3A_338 = arith.constant 1 : i32
        %parallel_loop3A_339 = arith.index_cast %parallel_loop3A_338 : i32 to index
        %parallel_loop3A_340 = arith.index_cast %parallel_loop3A_333 : i32 to index
        %parallel_loop3A_341 = arith.constant 0 : index
        %parallel_loop3A_342 = tpu.vector_load %arg10[%parallel_loop3A_339, %parallel_loop3A_340, %parallel_loop3A_341] {strides = array<i32>} : memref<3x128x64xf32, #tpu.memory_space<vmem>>, vector<16xf32>,
        %parallel_loop3A_343 = arith.mulf %parallel_loop3A_342, %parallel_loop3A_337 : vector<16xf32>
        %parallel_loop3A_344 = arith.constant 1 : i32
        %parallel_loop3A_345 = arith.index_cast %parallel_loop3A_344 : i32 to index
        %parallel_loop3A_346 = arith.index_cast %parallel_loop3A_333 : i32 to index
        %parallel_loop3A_347 = arith.constant 0 : index
        %parallel_loop3A_348 = tpu.vector_load %arg10[%parallel_loop3A_345, %parallel_loop3A_346, %parallel_loop3A_347] {strides = array<i32>} : memref<3x128x64xf32, #tpu.memory_space<vmem>>, vector<16xf32>,
        tpu.vector_store %arg10[%parallel_loop3A_345, %parallel_loop3A_346, %parallel_loop3A_347], %parallel_loop3A_343 {strides = array<i32>} : memref<3x128x64xf32, #tpu.memory_space<vmem>>, vector<16xf32>,
        %parallel_loop3A_349 = arith.constant 1 : i32
        %parallel_loop3A_350 = arith.index_cast %parallel_loop3A_349 : i32 to index
        %parallel_loop3A_351 = arith.index_cast %parallel_loop3A_333 : i32 to index
        %parallel_loop3A_352 = arith.constant 16 : index
        %parallel_loop3A_353 = tpu.vector_load %arg10[%parallel_loop3A_350, %parallel_loop3A_351, %parallel_loop3A_352] {strides = array<i32>} : memref<3x128x64xf32, #tpu.memory_space<vmem>>, vector<16xf32>,
        %parallel_loop3A_354 = arith.mulf %parallel_loop3A_353, %parallel_loop3A_337 : vector<16xf32>
        %parallel_loop3A_355 = arith.constant 1 : i32
        %parallel_loop3A_356 = arith.index_cast %parallel_loop3A_355 : i32 to index
        %parallel_loop3A_357 = arith.index_cast %parallel_loop3A_333 : i32 to index
        %parallel_loop3A_358 = arith.constant 16 : index
        %parallel_loop3A_359 = tpu.vector_load %arg10[%parallel_loop3A_356, %parallel_loop3A_357, %parallel_loop3A_358] {strides = array<i32>} : memref<3x128x64xf32, #tpu.memory_space<vmem>>, vector<16xf32>,
        tpu.vector_store %arg10[%parallel_loop3A_356, %parallel_loop3A_357, %parallel_loop3A_358], %parallel_loop3A_354 {strides = array<i32>} : memref<3x128x64xf32, #tpu.memory_space<vmem>>, vector<16xf32>,
        %parallel_loop3A_360 = arith.constant 1 : i32
        %parallel_loop3A_361 = arith.index_cast %parallel_loop3A_360 : i32 to index
        %parallel_loop3A_362 = arith.index_cast %parallel_loop3A_333 : i32 to index
        %parallel_loop3A_363 = arith.constant 32 : index
        %parallel_loop3A_364 = tpu.vector_load %arg10[%parallel_loop3A_361, %parallel_loop3A_362, %parallel_loop3A_363] {strides = array<i32>} : memref<3x128x64xf32, #tpu.memory_space<vmem>>, vector<16xf32>,
        %parallel_loop3A_365 = arith.mulf %parallel_loop3A_364, %parallel_loop3A_337 : vector<16xf32>
        %parallel_loop3A_366 = arith.constant 1 : i32
        %parallel_loop3A_367 = arith.index_cast %parallel_loop3A_366 : i32 to index
        %parallel_loop3A_368 = arith.index_cast %parallel_loop3A_333 : i32 to index
        %parallel_loop3A_369 = arith.constant 32 : index
        %parallel_loop3A_370 = tpu.vector_load %arg10[%parallel_loop3A_367, %parallel_loop3A_368, %parallel_loop3A_369] {strides = array<i32>} : memref<3x128x64xf32, #tpu.memory_space<vmem>>, vector<16xf32>,
        tpu.vector_store %arg10[%parallel_loop3A_367, %parallel_loop3A_368, %parallel_loop3A_369], %parallel_loop3A_365 {strides = array<i32>} : memref<3x128x64xf32, #tpu.memory_space<vmem>>, vector<16xf32>,
        %parallel_loop3A_371 = arith.constant 1 : i32
        %parallel_loop3A_372 = arith.index_cast %parallel_loop3A_371 : i32 to index
        %parallel_loop3A_373 = arith.index_cast %parallel_loop3A_333 : i32 to index
        %parallel_loop3A_374 = arith.constant 48 : index
        %parallel_loop3A_375 = tpu.vector_load %arg10[%parallel_loop3A_372, %parallel_loop3A_373, %parallel_loop3A_374] {strides = array<i32>} : memref<3x128x64xf32, #tpu.memory_space<vmem>>, vector<16xf32>,
        %parallel_loop3A_376 = arith.mulf %parallel_loop3A_375, %parallel_loop3A_337 : vector<16xf32>
        %parallel_loop3A_377 = arith.constant 1 : i32
        %parallel_loop3A_378 = arith.index_cast %parallel_loop3A_377 : i32 to index
        %parallel_loop3A_379 = arith.index_cast %parallel_loop3A_333 : i32 to index
        %parallel_loop3A_380 = arith.constant 48 : index
        %parallel_loop3A_381 = tpu.vector_load %arg10[%parallel_loop3A_378, %parallel_loop3A_379, %parallel_loop3A_380] {strides = array<i32>} : memref<3x128x64xf32, #tpu.memory_space<vmem>>, vector<16xf32>,
        tpu.vector_store %arg10[%parallel_loop3A_378, %parallel_loop3A_379, %parallel_loop3A_380], %parallel_loop3A_376 {strides = array<i32>} : memref<3x128x64xf32, #tpu.memory_space<vmem>>, vector<16xf32>,
        %parallel_loop3A_382 = arith.constant 3 : i32
        %parallel_loop3A_383 = arith.addi %parallel_loop3A_230, %parallel_loop3A_382 : i32
        %parallel_loop3A_384 = arith.constant 3 : i32
        %parallel_loop3A_385 = vector.broadcast %parallel_loop3A_384 : i32 to vector<16xi32>
        %parallel_loop3A_386 = arith.addi %parallel_loop3A_231, %parallel_loop3A_385 : vector<16xi32>
        %parallel_loop3A_387 = tpu.vector_load_idx %arg9[%broadcast_in_dim3A_144, %parallel_loop3A_386] : memref<159x128xf32, #tpu.memory_space<vmem>>[vector<16xi32>, vector<16xi32>], vector<16xf32>,
        %parallel_loop3A_388 = arith.constant 1 : i32
        %parallel_loop3A_389 = arith.index_cast %parallel_loop3A_388 : i32 to index
        %parallel_loop3A_390 = arith.index_cast %parallel_loop3A_383 : i32 to index
        %parallel_loop3A_391 = arith.constant 0 : index
        %parallel_loop3A_392 = tpu.vector_load %arg10[%parallel_loop3A_389, %parallel_loop3A_390, %parallel_loop3A_391] {strides = array<i32>} : memref<3x128x64xf32, #tpu.memory_space<vmem>>, vector<16xf32>,
        %parallel_loop3A_393 = arith.mulf %parallel_loop3A_392, %parallel_loop3A_387 : vector<16xf32>
        %parallel_loop3A_394 = arith.constant 1 : i32
        %parallel_loop3A_395 = arith.index_cast %parallel_loop3A_394 : i32 to index
        %parallel_loop3A_396 = arith.index_cast %parallel_loop3A_383 : i32 to index
        %parallel_loop3A_397 = arith.constant 0 : index
        %parallel_loop3A_398 = tpu.vector_load %arg10[%parallel_loop3A_395, %parallel_loop3A_396, %parallel_loop3A_397] {strides = array<i32>} : memref<3x128x64xf32, #tpu.memory_space<vmem>>, vector<16xf32>,
        tpu.vector_store %arg10[%parallel_loop3A_395, %parallel_loop3A_396, %parallel_loop3A_397], %parallel_loop3A_393 {strides = array<i32>} : memref<3x128x64xf32, #tpu.memory_space<vmem>>, vector<16xf32>,
        %parallel_loop3A_399 = arith.constant 1 : i32
        %parallel_loop3A_400 = arith.index_cast %parallel_loop3A_399 : i32 to index
        %parallel_loop3A_401 = arith.index_cast %parallel_loop3A_383 : i32 to index
        %parallel_loop3A_402 = arith.constant 16 : index
        %parallel_loop3A_403 = tpu.vector_load %arg10[%parallel_loop3A_400, %parallel_loop3A_401, %parallel_loop3A_402] {strides = array<i32>} : memref<3x128x64xf32, #tpu.memory_space<vmem>>, vector<16xf32>,
        %parallel_loop3A_404 = arith.mulf %parallel_loop3A_403, %parallel_loop3A_387 : vector<16xf32>
        %parallel_loop3A_405 = arith.constant 1 : i32
        %parallel_loop3A_406 = arith.index_cast %parallel_loop3A_405 : i32 to index
        %parallel_loop3A_407 = arith.index_cast %parallel_loop3A_383 : i32 to index
        %parallel_loop3A_408 = arith.constant 16 : index
        %parallel_loop3A_409 = tpu.vector_load %arg10[%parallel_loop3A_406, %parallel_loop3A_407, %parallel_loop3A_408] {strides = array<i32>} : memref<3x128x64xf32, #tpu.memory_space<vmem>>, vector<16xf32>,
        tpu.vector_store %arg10[%parallel_loop3A_406, %parallel_loop3A_407, %parallel_loop3A_408], %parallel_loop3A_404 {strides = array<i32>} : memref<3x128x64xf32, #tpu.memory_space<vmem>>, vector<16xf32>,
        %parallel_loop3A_410 = arith.constant 1 : i32
        %parallel_loop3A_411 = arith.index_cast %parallel_loop3A_410 : i32 to index
        %parallel_loop3A_412 = arith.index_cast %parallel_loop3A_383 : i32 to index
        %parallel_loop3A_413 = arith.constant 32 : index
        %parallel_loop3A_414 = tpu.vector_load %arg10[%parallel_loop3A_411, %parallel_loop3A_412, %parallel_loop3A_413] {strides = array<i32>} : memref<3x128x64xf32, #tpu.memory_space<vmem>>, vector<16xf32>,
        %parallel_loop3A_415 = arith.mulf %parallel_loop3A_414, %parallel_loop3A_387 : vector<16xf32>
        %parallel_loop3A_416 = arith.constant 1 : i32
        %parallel_loop3A_417 = arith.index_cast %parallel_loop3A_416 : i32 to index
        %parallel_loop3A_418 = arith.index_cast %parallel_loop3A_383 : i32 to index
        %parallel_loop3A_419 = arith.constant 32 : index
        %parallel_loop3A_420 = tpu.vector_load %arg10[%parallel_loop3A_417, %parallel_loop3A_418, %parallel_loop3A_419] {strides = array<i32>} : memref<3x128x64xf32, #tpu.memory_space<vmem>>, vector<16xf32>,
        tpu.vector_store %arg10[%parallel_loop3A_417, %parallel_loop3A_418, %parallel_loop3A_419], %parallel_loop3A_415 {strides = array<i32>} : memref<3x128x64xf32, #tpu.memory_space<vmem>>, vector<16xf32>,
        %parallel_loop3A_421 = arith.constant 1 : i32
        %parallel_loop3A_422 = arith.index_cast %parallel_loop3A_421 : i32 to index
        %parallel_loop3A_423 = arith.index_cast %parallel_loop3A_383 : i32 to index
        %parallel_loop3A_424 = arith.constant 48 : index
        %parallel_loop3A_425 = tpu.vector_load %arg10[%parallel_loop3A_422, %parallel_loop3A_423, %parallel_loop3A_424] {strides = array<i32>} : memref<3x128x64xf32, #tpu.memory_space<vmem>>, vector<16xf32>,
        %parallel_loop3A_426 = arith.mulf %parallel_loop3A_425, %parallel_loop3A_387 : vector<16xf32>
        %parallel_loop3A_427 = arith.constant 1 : i32
        %parallel_loop3A_428 = arith.index_cast %parallel_loop3A_427 : i32 to index
        %parallel_loop3A_429 = arith.index_cast %parallel_loop3A_383 : i32 to index
        %parallel_loop3A_430 = arith.constant 48 : index
        %parallel_loop3A_431 = tpu.vector_load %arg10[%parallel_loop3A_428, %parallel_loop3A_429, %parallel_loop3A_430] {strides = array<i32>} : memref<3x128x64xf32, #tpu.memory_space<vmem>>, vector<16xf32>,
        tpu.vector_store %arg10[%parallel_loop3A_428, %parallel_loop3A_429, %parallel_loop3A_430], %parallel_loop3A_426 {strides = array<i32>} : memref<3x128x64xf32, #tpu.memory_space<vmem>>, vector<16xf32>,
      } {sc.loop_unroll_factor = 2 : i64, sc.parallel_access}
      %sub3A = arith.constant 1 : i32
      %sub3A_148 = arith.subi %add3A_128, %sub3A : i32
      %dma_wait3A_149 = arith.constant 0 : i32
      %dma_wait3A_150 = arith.constant 0 : i32
      %dma_wait3A_151 = arith.constant 0 : i32
      %dma_wait3A_152 = tpu.memref_slice %arg10[%dma_wait3A_149, %dma_wait3A_150, %dma_wait3A_151] : memref<3x128x64xf32, #tpu.memory_space<vmem>> -> memref<1x128x64xf32, #tpu.memory_space<vmem>>
      %dma_wait3A_153 = tpu.memref_squeeze %dma_wait3A_152 : memref<1x128x64xf32, #tpu.memory_space<vmem>> -> memref<128x64xf32, #tpu.memory_space<vmem>>
      %dma_wait3A_154 = arith.constant 0 : i32
      %dma_wait3A_155 = tpu.memref_slice %arg8[%sub3A_148, %dma_wait3A_154] : memref<159x128xi32, #tpu.memory_space<vmem>> -> memref<1x128xi32, #tpu.memory_space<vmem>>
      %dma_wait3A_156 = tpu.memref_squeeze %dma_wait3A_155 : memref<1x128xi32, #tpu.memory_space<vmem>> -> memref<128xi32, #tpu.memory_space<vmem>>
      %dma_wait3A_157 = arith.constant 0 : i32
      %dma_wait3A_158 = arith.constant 0 : i32
      %dma_wait3A_159 = tpu.memref_slice %arg11[%dma_wait3A_157, %dma_wait3A_158] : memref<10000x64xf32, #tpu.memory_space<vmem_shared>> -> memref<10000x64xf32, #tpu.memory_space<vmem_shared>>
      tpu.wait_indirect_dma semaphore(%arg15 : memref<!tpu.dma_semaphore, #tpu.memory_space<semaphore_mem>>) src(%dma_wait3A_153 : memref<128x64xf32, #tpu.memory_space<vmem>>) dst(%dma_wait3A_159 : memref<10000x64xf32, #tpu.memory_space<vmem_shared>>)
      %add3A_160 = arith.constant 2 : i32
      %add3A_161 = arith.addi %add3A_128, %add3A_160 : i32
      %lt3A_162 = arith.constant 159 : i32
      %lt3A_163 = arith.cmpi slt, %add3A_161, %lt3A_162 : i32
      %convert_element_type3A_164 = arith.extui %lt3A_163 : i1 to i32
      %cond3A_165 = arith.constant 0 : i32
      %cond3A_166 = arith.cmpi ne, %convert_element_type3A_164, %cond3A_165 : i32
      scf.if %cond3A_166 {
        %add3A_230 = arith.constant 2 : i32
        %add3A_231 = arith.addi %add3A_128, %add3A_230 : i32
        %dma_start3A_232 = arith.constant 0 : i32
        %dma_start3A_233 = arith.constant 0 : i32
        %dma_start3A_234 = arith.constant 0 : i32
        %dma_start3A_235 = tpu.memref_slice %arg10[%dma_start3A_232, %dma_start3A_233, %dma_start3A_234] : memref<3x128x64xf32, #tpu.memory_space<vmem>> -> memref<1x128x64xf32, #tpu.memory_space<vmem>>
        %dma_start3A_236 = tpu.memref_squeeze %dma_start3A_235 : memref<1x128x64xf32, #tpu.memory_space<vmem>> -> memref<128x64xf32, #tpu.memory_space<vmem>>
        %dma_start3A_237 = arith.constant 0 : i32
        %dma_start3A_238 = tpu.memref_slice %arg7[%add3A_231, %dma_start3A_237] : memref<159x128xi32, #tpu.memory_space<vmem>> -> memref<1x128xi32, #tpu.memory_space<vmem>>
        %dma_start3A_239 = tpu.memref_squeeze %dma_start3A_238 : memref<1x128xi32, #tpu.memory_space<vmem>> -> memref<128xi32, #tpu.memory_space<vmem>>
        %dma_start3A_240 = arith.constant 0 : i32
        %dma_start3A_241 = arith.constant 0 : i32
        %dma_start3A_242 = tpu.memref_slice %arg2[%arg0, %dma_start3A_240, %dma_start3A_241] : memref<2x10000x64xf32, #tpu.memory_space<hbm>> -> memref<1x10000x64xf32, #tpu.memory_space<hbm>>
        %dma_start3A_243 = tpu.memref_squeeze %dma_start3A_242 : memref<1x10000x64xf32, #tpu.memory_space<hbm>> -> memref<10000x64xf32, #tpu.memory_space<hbm>>
        %dma_start3A_244 = arith.constant 0 : i32
        %dma_start3A_245 = arith.constant 0 : i32
        %dma_start3A_246 = tpu.memref_slice %dma_start3A_243[%dma_start3A_244, %dma_start3A_245] : memref<10000x64xf32, #tpu.memory_space<hbm>> -> memref<10000x64xf32, #tpu.memory_space<hbm>>
        tpu.enqueue_indirect_dma source(%dma_start3A_246 : memref<10000x64xf32, #tpu.memory_space<hbm>>) target(%dma_start3A_236 : memref<128x64xf32, #tpu.memory_space<vmem>>) offsets(%dma_start3A_239 : memref<128xi32, #tpu.memory_space<vmem>>) semaphore(%arg12 : memref<!tpu.dma_semaphore, #tpu.memory_space<semaphore_mem>>)
      } else {
      }
      %dma_start3A_167 = arith.constant 1 : i32
      %dma_start3A_168 = arith.constant 0 : i32
      %dma_start3A_169 = arith.constant 0 : i32
      %dma_start3A_170 = tpu.memref_slice %arg10[%dma_start3A_167, %dma_start3A_168, %dma_start3A_169] : memref<3x128x64xf32, #tpu.memory_space<vmem>> -> memref<1x128x64xf32, #tpu.memory_space<vmem>>
      %dma_start3A_171 = tpu.memref_squeeze %dma_start3A_170 : memref<1x128x64xf32, #tpu.memory_space<vmem>> -> memref<128x64xf32, #tpu.memory_space<vmem>>
      %dma_start3A_172 = arith.constant 0 : i32
      %dma_start3A_173 = tpu.memref_slice %arg8[%add3A_128, %dma_start3A_172] : memref<159x128xi32, #tpu.memory_space<vmem>> -> memref<1x128xi32, #tpu.memory_space<vmem>>
      %dma_start3A_174 = tpu.memref_squeeze %dma_start3A_173 : memref<1x128xi32, #tpu.memory_space<vmem>> -> memref<128xi32, #tpu.memory_space<vmem>>
      %dma_start3A_175 = arith.constant 0 : i32
      %dma_start3A_176 = arith.constant 0 : i32
      %dma_start3A_177 = tpu.memref_slice %arg11[%dma_start3A_175, %dma_start3A_176] : memref<10000x64xf32, #tpu.memory_space<vmem_shared>> -> memref<10000x64xf32, #tpu.memory_space<vmem_shared>>
      tpu.enqueue_indirect_dma source(%dma_start3A_171 : memref<128x64xf32, #tpu.memory_space<vmem>>) target(%dma_start3A_177 : memref<10000x64xf32, #tpu.memory_space<vmem_shared>>) offsets(%dma_start3A_174 : memref<128xi32, #tpu.memory_space<vmem>>) semaphore(%arg16 : memref<!tpu.dma_semaphore, #tpu.memory_space<semaphore_mem>>) {add = true}
      %add3A_178 = arith.constant 2 : i32
      %add3A_179 = arith.addi %mul3A_85, %add3A_178 : i32
      %dma_wait3A_180 = arith.constant 2 : i32
      %dma_wait3A_181 = arith.constant 0 : i32
      %dma_wait3A_182 = arith.constant 0 : i32
      %dma_wait3A_183 = tpu.memref_slice %arg10[%dma_wait3A_180, %dma_wait3A_181, %dma_wait3A_182] : memref<3x128x64xf32, #tpu.memory_space<vmem>> -> memref<1x128x64xf32, #tpu.memory_space<vmem>>
      %dma_wait3A_184 = tpu.memref_squeeze %dma_wait3A_183 : memref<1x128x64xf32, #tpu.memory_space<vmem>> -> memref<128x64xf32, #tpu.memory_space<vmem>>
      %dma_wait3A_185 = arith.constant 0 : i32
      %dma_wait3A_186 = tpu.memref_slice %arg7[%add3A_179, %dma_wait3A_185] : memref<159x128xi32, #tpu.memory_space<vmem>> -> memref<1x128xi32, #tpu.memory_space<vmem>>
      %dma_wait3A_187 = tpu.memref_squeeze %dma_wait3A_186 : memref<1x128xi32, #tpu.memory_space<vmem>> -> memref<128xi32, #tpu.memory_space<vmem>>
      %dma_wait3A_188 = arith.constant 0 : i32
      %dma_wait3A_189 = arith.constant 0 : i32
      %dma_wait3A_190 = tpu.memref_slice %arg2[%arg0, %dma_wait3A_188, %dma_wait3A_189] : memref<2x10000x64xf32, #tpu.memory_space<hbm>> -> memref<1x10000x64xf32, #tpu.memory_space<hbm>>
      %dma_wait3A_191 = tpu.memref_squeeze %dma_wait3A_190 : memref<1x10000x64xf32, #tpu.memory_space<hbm>> -> memref<10000x64xf32, #tpu.memory_space<hbm>>
      %dma_wait3A_192 = arith.constant 0 : i32
      %dma_wait3A_193 = arith.constant 0 : i32
      %dma_wait3A_194 = tpu.memref_slice %dma_wait3A_191[%dma_wait3A_192, %dma_wait3A_193] : memref<10000x64xf32, #tpu.memory_space<hbm>> -> memref<10000x64xf32, #tpu.memory_space<hbm>>
      tpu.wait_indirect_dma semaphore(%arg14 : memref<!tpu.dma_semaphore, #tpu.memory_space<semaphore_mem>>) src(%dma_wait3A_194 : memref<10000x64xf32, #tpu.memory_space<hbm>>) dst(%dma_wait3A_184 : memref<128x64xf32, #tpu.memory_space<vmem>>)
      %broadcast_in_dim3A_195 = vector.broadcast %add3A_179 : i32 to vector<16xi32>
      %parallel_loop3A_196 = arith.constant 0 : i32
      %parallel_loop3A_197 = arith.constant 128 : i32
      %parallel_loop3A_198 = arith.constant 4 : i32
      scf.for %parallel_loop3A_230 = %parallel_loop3A_196 to %parallel_loop3A_197 step %parallel_loop3A_198  : i32 {
        %parallel_loop3A_231 = vector.broadcast %parallel_loop3A_230 : i32 to vector<16xi32>
        %parallel_loop3A_232 = arith.constant 0 : i32
        %parallel_loop3A_233 = arith.addi %parallel_loop3A_230, %parallel_loop3A_232 : i32
        %parallel_loop3A_234 = arith.constant 0 : i32
        %parallel_loop3A_235 = vector.broadcast %parallel_loop3A_234 : i32 to vector<16xi32>
        %parallel_loop3A_236 = arith.addi %parallel_loop3A_231, %parallel_loop3A_235 : vector<16xi32>
        %parallel_loop3A_237 = tpu.vector_load_idx %arg9[%broadcast_in_dim3A_195, %parallel_loop3A_236] : memref<159x128xf32, #tpu.memory_space<vmem>>[vector<16xi32>, vector<16xi32>], vector<16xf32>,
        %parallel_loop3A_238 = arith.constant 2 : i32
        %parallel_loop3A_239 = arith.index_cast %parallel_loop3A_238 : i32 to index
        %parallel_loop3A_240 = arith.index_cast %parallel_loop3A_233 : i32 to index
        %parallel_loop3A_241 = arith.constant 0 : index
        %parallel_loop3A_242 = tpu.vector_load %arg10[%parallel_loop3A_239, %parallel_loop3A_240, %parallel_loop3A_241] {strides = array<i32>} : memref<3x128x64xf32, #tpu.memory_space<vmem>>, vector<16xf32>,
        %parallel_loop3A_243 = arith.mulf %parallel_loop3A_242, %parallel_loop3A_237 : vector<16xf32>
        %parallel_loop3A_244 = arith.constant 2 : i32
        %parallel_loop3A_245 = arith.index_cast %parallel_loop3A_244 : i32 to index
        %parallel_loop3A_246 = arith.index_cast %parallel_loop3A_233 : i32 to index
        %parallel_loop3A_247 = arith.constant 0 : index
        %parallel_loop3A_248 = tpu.vector_load %arg10[%parallel_loop3A_245, %parallel_loop3A_246, %parallel_loop3A_247] {strides = array<i32>} : memref<3x128x64xf32, #tpu.memory_space<vmem>>, vector<16xf32>,
        tpu.vector_store %arg10[%parallel_loop3A_245, %parallel_loop3A_246, %parallel_loop3A_247], %parallel_loop3A_243 {strides = array<i32>} : memref<3x128x64xf32, #tpu.memory_space<vmem>>, vector<16xf32>,
        %parallel_loop3A_249 = arith.constant 2 : i32
        %parallel_loop3A_250 = arith.index_cast %parallel_loop3A_249 : i32 to index
        %parallel_loop3A_251 = arith.index_cast %parallel_loop3A_233 : i32 to index
        %parallel_loop3A_252 = arith.constant 16 : index
        %parallel_loop3A_253 = tpu.vector_load %arg10[%parallel_loop3A_250, %parallel_loop3A_251, %parallel_loop3A_252] {strides = array<i32>} : memref<3x128x64xf32, #tpu.memory_space<vmem>>, vector<16xf32>,
        %parallel_loop3A_254 = arith.mulf %parallel_loop3A_253, %parallel_loop3A_237 : vector<16xf32>
        %parallel_loop3A_255 = arith.constant 2 : i32
        %parallel_loop3A_256 = arith.index_cast %parallel_loop3A_255 : i32 to index
        %parallel_loop3A_257 = arith.index_cast %parallel_loop3A_233 : i32 to index
        %parallel_loop3A_258 = arith.constant 16 : index
        %parallel_loop3A_259 = tpu.vector_load %arg10[%parallel_loop3A_256, %parallel_loop3A_257, %parallel_loop3A_258] {strides = array<i32>} : memref<3x128x64xf32, #tpu.memory_space<vmem>>, vector<16xf32>,
        tpu.vector_store %arg10[%parallel_loop3A_256, %parallel_loop3A_257, %parallel_loop3A_258], %parallel_loop3A_254 {strides = array<i32>} : memref<3x128x64xf32, #tpu.memory_space<vmem>>, vector<16xf32>,
        %parallel_loop3A_260 = arith.constant 2 : i32
        %parallel_loop3A_261 = arith.index_cast %parallel_loop3A_260 : i32 to index
        %parallel_loop3A_262 = arith.index_cast %parallel_loop3A_233 : i32 to index
        %parallel_loop3A_263 = arith.constant 32 : index
        %parallel_loop3A_264 = tpu.vector_load %arg10[%parallel_loop3A_261, %parallel_loop3A_262, %parallel_loop3A_263] {strides = array<i32>} : memref<3x128x64xf32, #tpu.memory_space<vmem>>, vector<16xf32>,
        %parallel_loop3A_265 = arith.mulf %parallel_loop3A_264, %parallel_loop3A_237 : vector<16xf32>
        %parallel_loop3A_266 = arith.constant 2 : i32
        %parallel_loop3A_267 = arith.index_cast %parallel_loop3A_266 : i32 to index
        %parallel_loop3A_268 = arith.index_cast %parallel_loop3A_233 : i32 to index
        %parallel_loop3A_269 = arith.constant 32 : index
        %parallel_loop3A_270 = tpu.vector_load %arg10[%parallel_loop3A_267, %parallel_loop3A_268, %parallel_loop3A_269] {strides = array<i32>} : memref<3x128x64xf32, #tpu.memory_space<vmem>>, vector<16xf32>,
        tpu.vector_store %arg10[%parallel_loop3A_267, %parallel_loop3A_268, %parallel_loop3A_269], %parallel_loop3A_265 {strides = array<i32>} : memref<3x128x64xf32, #tpu.memory_space<vmem>>, vector<16xf32>,
        %parallel_loop3A_271 = arith.constant 2 : i32
        %parallel_loop3A_272 = arith.index_cast %parallel_loop3A_271 : i32 to index
        %parallel_loop3A_273 = arith.index_cast %parallel_loop3A_233 : i32 to index
        %parallel_loop3A_274 = arith.constant 48 : index
        %parallel_loop3A_275 = tpu.vector_load %arg10[%parallel_loop3A_272, %parallel_loop3A_273, %parallel_loop3A_274] {strides = array<i32>} : memref<3x128x64xf32, #tpu.memory_space<vmem>>, vector<16xf32>,
        %parallel_loop3A_276 = arith.mulf %parallel_loop3A_275, %parallel_loop3A_237 : vector<16xf32>
        %parallel_loop3A_277 = arith.constant 2 : i32
        %parallel_loop3A_278 = arith.index_cast %parallel_loop3A_277 : i32 to index
        %parallel_loop3A_279 = arith.index_cast %parallel_loop3A_233 : i32 to index
        %parallel_loop3A_280 = arith.constant 48 : index
        %parallel_loop3A_281 = tpu.vector_load %arg10[%parallel_loop3A_278, %parallel_loop3A_279, %parallel_loop3A_280] {strides = array<i32>} : memref<3x128x64xf32, #tpu.memory_space<vmem>>, vector<16xf32>,
        tpu.vector_store %arg10[%parallel_loop3A_278, %parallel_loop3A_279, %parallel_loop3A_280], %parallel_loop3A_276 {strides = array<i32>} : memref<3x128x64xf32, #tpu.memory_space<vmem>>, vector<16xf32>,
        %parallel_loop3A_282 = arith.constant 1 : i32
        %parallel_loop3A_283 = arith.addi %parallel_loop3A_230, %parallel_loop3A_282 : i32
        %parallel_loop3A_284 = arith.constant 1 : i32
        %parallel_loop3A_285 = vector.broadcast %parallel_loop3A_284 : i32 to vector<16xi32>
        %parallel_loop3A_286 = arith.addi %parallel_loop3A_231, %parallel_loop3A_285 : vector<16xi32>
        %parallel_loop3A_287 = tpu.vector_load_idx %arg9[%broadcast_in_dim3A_195, %parallel_loop3A_286] : memref<159x128xf32, #tpu.memory_space<vmem>>[vector<16xi32>, vector<16xi32>], vector<16xf32>,
        %parallel_loop3A_288 = arith.constant 2 : i32
        %parallel_loop3A_289 = arith.index_cast %parallel_loop3A_288 : i32 to index
        %parallel_loop3A_290 = arith.index_cast %parallel_loop3A_283 : i32 to index
        %parallel_loop3A_291 = arith.constant 0 : index
        %parallel_loop3A_292 = tpu.vector_load %arg10[%parallel_loop3A_289, %parallel_loop3A_290, %parallel_loop3A_291] {strides = array<i32>} : memref<3x128x64xf32, #tpu.memory_space<vmem>>, vector<16xf32>,
        %parallel_loop3A_293 = arith.mulf %parallel_loop3A_292, %parallel_loop3A_287 : vector<16xf32>
        %parallel_loop3A_294 = arith.constant 2 : i32
        %parallel_loop3A_295 = arith.index_cast %parallel_loop3A_294 : i32 to index
        %parallel_loop3A_296 = arith.index_cast %parallel_loop3A_283 : i32 to index
        %parallel_loop3A_297 = arith.constant 0 : index
        %parallel_loop3A_298 = tpu.vector_load %arg10[%parallel_loop3A_295, %parallel_loop3A_296, %parallel_loop3A_297] {strides = array<i32>} : memref<3x128x64xf32, #tpu.memory_space<vmem>>, vector<16xf32>,
        tpu.vector_store %arg10[%parallel_loop3A_295, %parallel_loop3A_296, %parallel_loop3A_297], %parallel_loop3A_293 {strides = array<i32>} : memref<3x128x64xf32, #tpu.memory_space<vmem>>, vector<16xf32>,
        %parallel_loop3A_299 = arith.constant 2 : i32
        %parallel_loop3A_300 = arith.index_cast %parallel_loop3A_299 : i32 to index
        %parallel_loop3A_301 = arith.index_cast %parallel_loop3A_283 : i32 to index
        %parallel_loop3A_302 = arith.constant 16 : index
        %parallel_loop3A_303 = tpu.vector_load %arg10[%parallel_loop3A_300, %parallel_loop3A_301, %parallel_loop3A_302] {strides = array<i32>} : memref<3x128x64xf32, #tpu.memory_space<vmem>>, vector<16xf32>,
        %parallel_loop3A_304 = arith.mulf %parallel_loop3A_303, %parallel_loop3A_287 : vector<16xf32>
        %parallel_loop3A_305 = arith.constant 2 : i32
        %parallel_loop3A_306 = arith.index_cast %parallel_loop3A_305 : i32 to index
        %parallel_loop3A_307 = arith.index_cast %parallel_loop3A_283 : i32 to index
        %parallel_loop3A_308 = arith.constant 16 : index
        %parallel_loop3A_309 = tpu.vector_load %arg10[%parallel_loop3A_306, %parallel_loop3A_307, %parallel_loop3A_308] {strides = array<i32>} : memref<3x128x64xf32, #tpu.memory_space<vmem>>, vector<16xf32>,
        tpu.vector_store %arg10[%parallel_loop3A_306, %parallel_loop3A_307, %parallel_loop3A_308], %parallel_loop3A_304 {strides = array<i32>} : memref<3x128x64xf32, #tpu.memory_space<vmem>>, vector<16xf32>,
        %parallel_loop3A_310 = arith.constant 2 : i32
        %parallel_loop3A_311 = arith.index_cast %parallel_loop3A_310 : i32 to index
        %parallel_loop3A_312 = arith.index_cast %parallel_loop3A_283 : i32 to index
        %parallel_loop3A_313 = arith.constant 32 : index
        %parallel_loop3A_314 = tpu.vector_load %arg10[%parallel_loop3A_311, %parallel_loop3A_312, %parallel_loop3A_313] {strides = array<i32>} : memref<3x128x64xf32, #tpu.memory_space<vmem>>, vector<16xf32>,
        %parallel_loop3A_315 = arith.mulf %parallel_loop3A_314, %parallel_loop3A_287 : vector<16xf32>
        %parallel_loop3A_316 = arith.constant 2 : i32
        %parallel_loop3A_317 = arith.index_cast %parallel_loop3A_316 : i32 to index
        %parallel_loop3A_318 = arith.index_cast %parallel_loop3A_283 : i32 to index
        %parallel_loop3A_319 = arith.constant 32 : index
        %parallel_loop3A_320 = tpu.vector_load %arg10[%parallel_loop3A_317, %parallel_loop3A_318, %parallel_loop3A_319] {strides = array<i32>} : memref<3x128x64xf32, #tpu.memory_space<vmem>>, vector<16xf32>,
        tpu.vector_store %arg10[%parallel_loop3A_317, %parallel_loop3A_318, %parallel_loop3A_319], %parallel_loop3A_315 {strides = array<i32>} : memref<3x128x64xf32, #tpu.memory_space<vmem>>, vector<16xf32>,
        %parallel_loop3A_321 = arith.constant 2 : i32
        %parallel_loop3A_322 = arith.index_cast %parallel_loop3A_321 : i32 to index
        %parallel_loop3A_323 = arith.index_cast %parallel_loop3A_283 : i32 to index
        %parallel_loop3A_324 = arith.constant 48 : index
        %parallel_loop3A_325 = tpu.vector_load %arg10[%parallel_loop3A_322, %parallel_loop3A_323, %parallel_loop3A_324] {strides = array<i32>} : memref<3x128x64xf32, #tpu.memory_space<vmem>>, vector<16xf32>,
        %parallel_loop3A_326 = arith.mulf %parallel_loop3A_325, %parallel_loop3A_287 : vector<16xf32>
        %parallel_loop3A_327 = arith.constant 2 : i32
        %parallel_loop3A_328 = arith.index_cast %parallel_loop3A_327 : i32 to index
        %parallel_loop3A_329 = arith.index_cast %parallel_loop3A_283 : i32 to index
        %parallel_loop3A_330 = arith.constant 48 : index
        %parallel_loop3A_331 = tpu.vector_load %arg10[%parallel_loop3A_328, %parallel_loop3A_329, %parallel_loop3A_330] {strides = array<i32>} : memref<3x128x64xf32, #tpu.memory_space<vmem>>, vector<16xf32>,
        tpu.vector_store %arg10[%parallel_loop3A_328, %parallel_loop3A_329, %parallel_loop3A_330], %parallel_loop3A_326 {strides = array<i32>} : memref<3x128x64xf32, #tpu.memory_space<vmem>>, vector<16xf32>,
        %parallel_loop3A_332 = arith.constant 2 : i32
        %parallel_loop3A_333 = arith.addi %parallel_loop3A_230, %parallel_loop3A_332 : i32
        %parallel_loop3A_334 = arith.constant 2 : i32
        %parallel_loop3A_335 = vector.broadcast %parallel_loop3A_334 : i32 to vector<16xi32>
        %parallel_loop3A_336 = arith.addi %parallel_loop3A_231, %parallel_loop3A_335 : vector<16xi32>
        %parallel_loop3A_337 = tpu.vector_load_idx %arg9[%broadcast_in_dim3A_195, %parallel_loop3A_336] : memref<159x128xf32, #tpu.memory_space<vmem>>[vector<16xi32>, vector<16xi32>], vector<16xf32>,
        %parallel_loop3A_338 = arith.constant 2 : i32
        %parallel_loop3A_339 = arith.index_cast %parallel_loop3A_338 : i32 to index
        %parallel_loop3A_340 = arith.index_cast %parallel_loop3A_333 : i32 to index
        %parallel_loop3A_341 = arith.constant 0 : index
        %parallel_loop3A_342 = tpu.vector_load %arg10[%parallel_loop3A_339, %parallel_loop3A_340, %parallel_loop3A_341] {strides = array<i32>} : memref<3x128x64xf32, #tpu.memory_space<vmem>>, vector<16xf32>,
        %parallel_loop3A_343 = arith.mulf %parallel_loop3A_342, %parallel_loop3A_337 : vector<16xf32>
        %parallel_loop3A_344 = arith.constant 2 : i32
        %parallel_loop3A_345 = arith.index_cast %parallel_loop3A_344 : i32 to index
        %parallel_loop3A_346 = arith.index_cast %parallel_loop3A_333 : i32 to index
        %parallel_loop3A_347 = arith.constant 0 : index
        %parallel_loop3A_348 = tpu.vector_load %arg10[%parallel_loop3A_345, %parallel_loop3A_346, %parallel_loop3A_347] {strides = array<i32>} : memref<3x128x64xf32, #tpu.memory_space<vmem>>, vector<16xf32>,
        tpu.vector_store %arg10[%parallel_loop3A_345, %parallel_loop3A_346, %parallel_loop3A_347], %parallel_loop3A_343 {strides = array<i32>} : memref<3x128x64xf32, #tpu.memory_space<vmem>>, vector<16xf32>,
        %parallel_loop3A_349 = arith.constant 2 : i32
        %parallel_loop3A_350 = arith.index_cast %parallel_loop3A_349 : i32 to index
        %parallel_loop3A_351 = arith.index_cast %parallel_loop3A_333 : i32 to index
        %parallel_loop3A_352 = arith.constant 16 : index
        %parallel_loop3A_353 = tpu.vector_load %arg10[%parallel_loop3A_350, %parallel_loop3A_351, %parallel_loop3A_352] {strides = array<i32>} : memref<3x128x64xf32, #tpu.memory_space<vmem>>, vector<16xf32>,
        %parallel_loop3A_354 = arith.mulf %parallel_loop3A_353, %parallel_loop3A_337 : vector<16xf32>
        %parallel_loop3A_355 = arith.constant 2 : i32
        %parallel_loop3A_356 = arith.index_cast %parallel_loop3A_355 : i32 to index
        %parallel_loop3A_357 = arith.index_cast %parallel_loop3A_333 : i32 to index
        %parallel_loop3A_358 = arith.constant 16 : index
        %parallel_loop3A_359 = tpu.vector_load %arg10[%parallel_loop3A_356, %parallel_loop3A_357, %parallel_loop3A_358] {strides = array<i32>} : memref<3x128x64xf32, #tpu.memory_space<vmem>>, vector<16xf32>,
        tpu.vector_store %arg10[%parallel_loop3A_356, %parallel_loop3A_357, %parallel_loop3A_358], %parallel_loop3A_354 {strides = array<i32>} : memref<3x128x64xf32, #tpu.memory_space<vmem>>, vector<16xf32>,
        %parallel_loop3A_360 = arith.constant 2 : i32
        %parallel_loop3A_361 = arith.index_cast %parallel_loop3A_360 : i32 to index
        %parallel_loop3A_362 = arith.index_cast %parallel_loop3A_333 : i32 to index
        %parallel_loop3A_363 = arith.constant 32 : index
        %parallel_loop3A_364 = tpu.vector_load %arg10[%parallel_loop3A_361, %parallel_loop3A_362, %parallel_loop3A_363] {strides = array<i32>} : memref<3x128x64xf32, #tpu.memory_space<vmem>>, vector<16xf32>,
        %parallel_loop3A_365 = arith.mulf %parallel_loop3A_364, %parallel_loop3A_337 : vector<16xf32>
        %parallel_loop3A_366 = arith.constant 2 : i32
        %parallel_loop3A_367 = arith.index_cast %parallel_loop3A_366 : i32 to index
        %parallel_loop3A_368 = arith.index_cast %parallel_loop3A_333 : i32 to index
        %parallel_loop3A_369 = arith.constant 32 : index
        %parallel_loop3A_370 = tpu.vector_load %arg10[%parallel_loop3A_367, %parallel_loop3A_368, %parallel_loop3A_369] {strides = array<i32>} : memref<3x128x64xf32, #tpu.memory_space<vmem>>, vector<16xf32>,
        tpu.vector_store %arg10[%parallel_loop3A_367, %parallel_loop3A_368, %parallel_loop3A_369], %parallel_loop3A_365 {strides = array<i32>} : memref<3x128x64xf32, #tpu.memory_space<vmem>>, vector<16xf32>,
        %parallel_loop3A_371 = arith.constant 2 : i32
        %parallel_loop3A_372 = arith.index_cast %parallel_loop3A_371 : i32 to index
        %parallel_loop3A_373 = arith.index_cast %parallel_loop3A_333 : i32 to index
        %parallel_loop3A_374 = arith.constant 48 : index
        %parallel_loop3A_375 = tpu.vector_load %arg10[%parallel_loop3A_372, %parallel_loop3A_373, %parallel_loop3A_374] {strides = array<i32>} : memref<3x128x64xf32, #tpu.memory_space<vmem>>, vector<16xf32>,
        %parallel_loop3A_376 = arith.mulf %parallel_loop3A_375, %parallel_loop3A_337 : vector<16xf32>
        %parallel_loop3A_377 = arith.constant 2 : i32
        %parallel_loop3A_378 = arith.index_cast %parallel_loop3A_377 : i32 to index
        %parallel_loop3A_379 = arith.index_cast %parallel_loop3A_333 : i32 to index
        %parallel_loop3A_380 = arith.constant 48 : index
        %parallel_loop3A_381 = tpu.vector_load %arg10[%parallel_loop3A_378, %parallel_loop3A_379, %parallel_loop3A_380] {strides = array<i32>} : memref<3x128x64xf32, #tpu.memory_space<vmem>>, vector<16xf32>,
        tpu.vector_store %arg10[%parallel_loop3A_378, %parallel_loop3A_379, %parallel_loop3A_380], %parallel_loop3A_376 {strides = array<i32>} : memref<3x128x64xf32, #tpu.memory_space<vmem>>, vector<16xf32>,
        %parallel_loop3A_382 = arith.constant 3 : i32
        %parallel_loop3A_383 = arith.addi %parallel_loop3A_230, %parallel_loop3A_382 : i32
        %parallel_loop3A_384 = arith.constant 3 : i32
        %parallel_loop3A_385 = vector.broadcast %parallel_loop3A_384 : i32 to vector<16xi32>
        %parallel_loop3A_386 = arith.addi %parallel_loop3A_231, %parallel_loop3A_385 : vector<16xi32>
        %parallel_loop3A_387 = tpu.vector_load_idx %arg9[%broadcast_in_dim3A_195, %parallel_loop3A_386] : memref<159x128xf32, #tpu.memory_space<vmem>>[vector<16xi32>, vector<16xi32>], vector<16xf32>,
        %parallel_loop3A_388 = arith.constant 2 : i32
        %parallel_loop3A_389 = arith.index_cast %parallel_loop3A_388 : i32 to index
        %parallel_loop3A_390 = arith.index_cast %parallel_loop3A_383 : i32 to index
        %parallel_loop3A_391 = arith.constant 0 : index
        %parallel_loop3A_392 = tpu.vector_load %arg10[%parallel_loop3A_389, %parallel_loop3A_390, %parallel_loop3A_391] {strides = array<i32>} : memref<3x128x64xf32, #tpu.memory_space<vmem>>, vector<16xf32>,
        %parallel_loop3A_393 = arith.mulf %parallel_loop3A_392, %parallel_loop3A_387 : vector<16xf32>
        %parallel_loop3A_394 = arith.constant 2 : i32
        %parallel_loop3A_395 = arith.index_cast %parallel_loop3A_394 : i32 to index
        %parallel_loop3A_396 = arith.index_cast %parallel_loop3A_383 : i32 to index
        %parallel_loop3A_397 = arith.constant 0 : index
        %parallel_loop3A_398 = tpu.vector_load %arg10[%parallel_loop3A_395, %parallel_loop3A_396, %parallel_loop3A_397] {strides = array<i32>} : memref<3x128x64xf32, #tpu.memory_space<vmem>>, vector<16xf32>,
        tpu.vector_store %arg10[%parallel_loop3A_395, %parallel_loop3A_396, %parallel_loop3A_397], %parallel_loop3A_393 {strides = array<i32>} : memref<3x128x64xf32, #tpu.memory_space<vmem>>, vector<16xf32>,
        %parallel_loop3A_399 = arith.constant 2 : i32
        %parallel_loop3A_400 = arith.index_cast %parallel_loop3A_399 : i32 to index
        %parallel_loop3A_401 = arith.index_cast %parallel_loop3A_383 : i32 to index
        %parallel_loop3A_402 = arith.constant 16 : index
        %parallel_loop3A_403 = tpu.vector_load %arg10[%parallel_loop3A_400, %parallel_loop3A_401, %parallel_loop3A_402] {strides = array<i32>} : memref<3x128x64xf32, #tpu.memory_space<vmem>>, vector<16xf32>,
        %parallel_loop3A_404 = arith.mulf %parallel_loop3A_403, %parallel_loop3A_387 : vector<16xf32>
        %parallel_loop3A_405 = arith.constant 2 : i32
        %parallel_loop3A_406 = arith.index_cast %parallel_loop3A_405 : i32 to index
        %parallel_loop3A_407 = arith.index_cast %parallel_loop3A_383 : i32 to index
        %parallel_loop3A_408 = arith.constant 16 : index
        %parallel_loop3A_409 = tpu.vector_load %arg10[%parallel_loop3A_406, %parallel_loop3A_407, %parallel_loop3A_408] {strides = array<i32>} : memref<3x128x64xf32, #tpu.memory_space<vmem>>, vector<16xf32>,
        tpu.vector_store %arg10[%parallel_loop3A_406, %parallel_loop3A_407, %parallel_loop3A_408], %parallel_loop3A_404 {strides = array<i32>} : memref<3x128x64xf32, #tpu.memory_space<vmem>>, vector<16xf32>,
        %parallel_loop3A_410 = arith.constant 2 : i32
        %parallel_loop3A_411 = arith.index_cast %parallel_loop3A_410 : i32 to index
        %parallel_loop3A_412 = arith.index_cast %parallel_loop3A_383 : i32 to index
        %parallel_loop3A_413 = arith.constant 32 : index
        %parallel_loop3A_414 = tpu.vector_load %arg10[%parallel_loop3A_411, %parallel_loop3A_412, %parallel_loop3A_413] {strides = array<i32>} : memref<3x128x64xf32, #tpu.memory_space<vmem>>, vector<16xf32>,
        %parallel_loop3A_415 = arith.mulf %parallel_loop3A_414, %parallel_loop3A_387 : vector<16xf32>
        %parallel_loop3A_416 = arith.constant 2 : i32
        %parallel_loop3A_417 = arith.index_cast %parallel_loop3A_416 : i32 to index
        %parallel_loop3A_418 = arith.index_cast %parallel_loop3A_383 : i32 to index
        %parallel_loop3A_419 = arith.constant 32 : index
        %parallel_loop3A_420 = tpu.vector_load %arg10[%parallel_loop3A_417, %parallel_loop3A_418, %parallel_loop3A_419] {strides = array<i32>} : memref<3x128x64xf32, #tpu.memory_space<vmem>>, vector<16xf32>,
        tpu.vector_store %arg10[%parallel_loop3A_417, %parallel_loop3A_418, %parallel_loop3A_419], %parallel_loop3A_415 {strides = array<i32>} : memref<3x128x64xf32, #tpu.memory_space<vmem>>, vector<16xf32>,
        %parallel_loop3A_421 = arith.constant 2 : i32
        %parallel_loop3A_422 = arith.index_cast %parallel_loop3A_421 : i32 to index
        %parallel_loop3A_423 = arith.index_cast %parallel_loop3A_383 : i32 to index
        %parallel_loop3A_424 = arith.constant 48 : index
        %parallel_loop3A_425 = tpu.vector_load %arg10[%parallel_loop3A_422, %parallel_loop3A_423, %parallel_loop3A_424] {strides = array<i32>} : memref<3x128x64xf32, #tpu.memory_space<vmem>>, vector<16xf32>,
        %parallel_loop3A_426 = arith.mulf %parallel_loop3A_425, %parallel_loop3A_387 : vector<16xf32>
        %parallel_loop3A_427 = arith.constant 2 : i32
        %parallel_loop3A_428 = arith.index_cast %parallel_loop3A_427 : i32 to index
        %parallel_loop3A_429 = arith.index_cast %parallel_loop3A_383 : i32 to index
        %parallel_loop3A_430 = arith.constant 48 : index
        %parallel_loop3A_431 = tpu.vector_load %arg10[%parallel_loop3A_428, %parallel_loop3A_429, %parallel_loop3A_430] {strides = array<i32>} : memref<3x128x64xf32, #tpu.memory_space<vmem>>, vector<16xf32>,
        tpu.vector_store %arg10[%parallel_loop3A_428, %parallel_loop3A_429, %parallel_loop3A_430], %parallel_loop3A_426 {strides = array<i32>} : memref<3x128x64xf32, #tpu.memory_space<vmem>>, vector<16xf32>,
      } {sc.loop_unroll_factor = 2 : i64, sc.parallel_access}
      %sub3A_199 = arith.constant 1 : i32
      %sub3A_200 = arith.subi %add3A_179, %sub3A_199 : i32
      %dma_wait3A_201 = arith.constant 1 : i32
      %dma_wait3A_202 = arith.constant 0 : i32
      %dma_wait3A_203 = arith.constant 0 : i32
      %dma_wait3A_204 = tpu.memref_slice %arg10[%dma_wait3A_201, %dma_wait3A_202, %dma_wait3A_203] : memref<3x128x64xf32, #tpu.memory_space<vmem>> -> memref<1x128x64xf32, #tpu.memory_space<vmem>>
      %dma_wait3A_205 = tpu.memref_squeeze %dma_wait3A_204 : memref<1x128x64xf32, #tpu.memory_space<vmem>> -> memref<128x64xf32, #tpu.memory_space<vmem>>
      %dma_wait3A_206 = arith.constant 0 : i32
      %dma_wait3A_207 = tpu.memref_slice %arg8[%sub3A_200, %dma_wait3A_206] : memref<159x128xi32, #tpu.memory_space<vmem>> -> memref<1x128xi32, #tpu.memory_space<vmem>>
      %dma_wait3A_208 = tpu.memref_squeeze %dma_wait3A_207 : memref<1x128xi32, #tpu.memory_space<vmem>> -> memref<128xi32, #tpu.memory_space<vmem>>
      %dma_wait3A_209 = arith.constant 0 : i32
      %dma_wait3A_210 = arith.constant 0 : i32
      %dma_wait3A_211 = tpu.memref_slice %arg11[%dma_wait3A_209, %dma_wait3A_210] : memref<10000x64xf32, #tpu.memory_space<vmem_shared>> -> memref<10000x64xf32, #tpu.memory_space<vmem_shared>>
      tpu.wait_indirect_dma semaphore(%arg16 : memref<!tpu.dma_semaphore, #tpu.memory_space<semaphore_mem>>) src(%dma_wait3A_205 : memref<128x64xf32, #tpu.memory_space<vmem>>) dst(%dma_wait3A_211 : memref<10000x64xf32, #tpu.memory_space<vmem_shared>>)
      %add3A_212 = arith.constant 2 : i32
      %add3A_213 = arith.addi %add3A_179, %add3A_212 : i32
      %lt3A_214 = arith.constant 159 : i32
      %lt3A_215 = arith.cmpi slt, %add3A_213, %lt3A_214 : i32
      %convert_element_type3A_216 = arith.extui %lt3A_215 : i1 to i32
      %cond3A_217 = arith.constant 0 : i32
      %cond3A_218 = arith.cmpi ne, %convert_element_type3A_216, %cond3A_217 : i32
      scf.if %cond3A_218 {
        %add3A_230 = arith.constant 2 : i32
        %add3A_231 = arith.addi %add3A_179, %add3A_230 : i32
        %dma_start3A_232 = arith.constant 1 : i32
        %dma_start3A_233 = arith.constant 0 : i32
        %dma_start3A_234 = arith.constant 0 : i32
        %dma_start3A_235 = tpu.memref_slice %arg10[%dma_start3A_232, %dma_start3A_233, %dma_start3A_234] : memref<3x128x64xf32, #tpu.memory_space<vmem>> -> memref<1x128x64xf32, #tpu.memory_space<vmem>>
        %dma_start3A_236 = tpu.memref_squeeze %dma_start3A_235 : memref<1x128x64xf32, #tpu.memory_space<vmem>> -> memref<128x64xf32, #tpu.memory_space<vmem>>
        %dma_start3A_237 = arith.constant 0 : i32
        %dma_start3A_238 = tpu.memref_slice %arg7[%add3A_231, %dma_start3A_237] : memref<159x128xi32, #tpu.memory_space<vmem>> -> memref<1x128xi32, #tpu.memory_space<vmem>>
        %dma_start3A_239 = tpu.memref_squeeze %dma_start3A_238 : memref<1x128xi32, #tpu.memory_space<vmem>> -> memref<128xi32, #tpu.memory_space<vmem>>
        %dma_start3A_240 = arith.constant 0 : i32
        %dma_start3A_241 = arith.constant 0 : i32
        %dma_start3A_242 = tpu.memref_slice %arg2[%arg0, %dma_start3A_240, %dma_start3A_241] : memref<2x10000x64xf32, #tpu.memory_space<hbm>> -> memref<1x10000x64xf32, #tpu.memory_space<hbm>>
        %dma_start3A_243 = tpu.memref_squeeze %dma_start3A_242 : memref<1x10000x64xf32, #tpu.memory_space<hbm>> -> memref<10000x64xf32, #tpu.memory_space<hbm>>
        %dma_start3A_244 = arith.constant 0 : i32
        %dma_start3A_245 = arith.constant 0 : i32
        %dma_start3A_246 = tpu.memref_slice %dma_start3A_243[%dma_start3A_244, %dma_start3A_245] : memref<10000x64xf32, #tpu.memory_space<hbm>> -> memref<10000x64xf32, #tpu.memory_space<hbm>>
        tpu.enqueue_indirect_dma source(%dma_start3A_246 : memref<10000x64xf32, #tpu.memory_space<hbm>>) target(%dma_start3A_236 : memref<128x64xf32, #tpu.memory_space<vmem>>) offsets(%dma_start3A_239 : memref<128xi32, #tpu.memory_space<vmem>>) semaphore(%arg13 : memref<!tpu.dma_semaphore, #tpu.memory_space<semaphore_mem>>)
      } else {
      }
      %dma_start3A_219 = arith.constant 2 : i32
      %dma_start3A_220 = arith.constant 0 : i32
      %dma_start3A_221 = arith.constant 0 : i32
      %dma_start3A_222 = tpu.memref_slice %arg10[%dma_start3A_219, %dma_start3A_220, %dma_start3A_221] : memref<3x128x64xf32, #tpu.memory_space<vmem>> -> memref<1x128x64xf32, #tpu.memory_space<vmem>>
      %dma_start3A_223 = tpu.memref_squeeze %dma_start3A_222 : memref<1x128x64xf32, #tpu.memory_space<vmem>> -> memref<128x64xf32, #tpu.memory_space<vmem>>
      %dma_start3A_224 = arith.constant 0 : i32
      %dma_start3A_225 = tpu.memref_slice %arg8[%add3A_179, %dma_start3A_224] : memref<159x128xi32, #tpu.memory_space<vmem>> -> memref<1x128xi32, #tpu.memory_space<vmem>>
      %dma_start3A_226 = tpu.memref_squeeze %dma_start3A_225 : memref<1x128xi32, #tpu.memory_space<vmem>> -> memref<128xi32, #tpu.memory_space<vmem>>
      %dma_start3A_227 = arith.constant 0 : i32
      %dma_start3A_228 = arith.constant 0 : i32
      %dma_start3A_229 = tpu.memref_slice %arg11[%dma_start3A_227, %dma_start3A_228] : memref<10000x64xf32, #tpu.memory_space<vmem_shared>> -> memref<10000x64xf32, #tpu.memory_space<vmem_shared>>
      tpu.enqueue_indirect_dma source(%dma_start3A_223 : memref<128x64xf32, #tpu.memory_space<vmem>>) target(%dma_start3A_229 : memref<10000x64xf32, #tpu.memory_space<vmem_shared>>) offsets(%dma_start3A_226 : memref<128xi32, #tpu.memory_space<vmem>>) semaphore(%arg17 : memref<!tpu.dma_semaphore, #tpu.memory_space<semaphore_mem>>) {add = true}
    }
    %scan3A_64 = arith.constant 53 : i32
    %dma_wait3A = arith.constant 2 : i32
    %dma_wait3A_65 = arith.constant 158 : i32
    %dma_wait3A_66 = arith.constant 0 : i32
    %dma_wait3A_67 = arith.constant 0 : i32
    %dma_wait3A_68 = tpu.memref_slice %arg10[%dma_wait3A, %dma_wait3A_66, %dma_wait3A_67] : memref<3x128x64xf32, #tpu.memory_space<vmem>> -> memref<1x128x64xf32, #tpu.memory_space<vmem>>
    %dma_wait3A_69 = tpu.memref_squeeze %dma_wait3A_68 : memref<1x128x64xf32, #tpu.memory_space<vmem>> -> memref<128x64xf32, #tpu.memory_space<vmem>>
    %dma_wait3A_70 = arith.constant 0 : i32
    %dma_wait3A_71 = tpu.memref_slice %arg8[%dma_wait3A_65, %dma_wait3A_70] : memref<159x128xi32, #tpu.memory_space<vmem>> -> memref<1x128xi32, #tpu.memory_space<vmem>>
    %dma_wait3A_72 = tpu.memref_squeeze %dma_wait3A_71 : memref<1x128xi32, #tpu.memory_space<vmem>> -> memref<128xi32, #tpu.memory_space<vmem>>
    %dma_wait3A_73 = arith.constant 0 : i32
    %dma_wait3A_74 = arith.constant 0 : i32
    %dma_wait3A_75 = tpu.memref_slice %arg11[%dma_wait3A_73, %dma_wait3A_74] : memref<10000x64xf32, #tpu.memory_space<vmem_shared>> -> memref<10000x64xf32, #tpu.memory_space<vmem_shared>>
    tpu.wait_indirect_dma semaphore(%arg17 : memref<!tpu.dma_semaphore, #tpu.memory_space<semaphore_mem>>) src(%dma_wait3A_69 : memref<128x64xf32, #tpu.memory_space<vmem>>) dst(%dma_wait3A_75 : memref<10000x64xf32, #tpu.memory_space<vmem_shared>>)
    %barrier3A_76 = arith.constant 0 : index
    tpu.barrier barrier_id(%barrier3A_76)
    %mul3A_77 = arith.constant 624 : i32
    %mul3A_78 = arith.muli %arg1, %mul3A_77 : i32
    %mul3A_79 = arith.constant 624 : i32
    %mul3A_80 = arith.muli %arg1, %mul3A_79 : i32
    "tpu.region"() ({
      %run_scoped3A_83 = tpu.sem_alloc : memref<!tpu.dma_semaphore, #tpu.memory_space<semaphore_mem>>
      %dma_start3A_84 = arith.constant 0 : i32
      %dma_start3A_85 = tpu.memref_slice %arg6[%arg0, %mul3A_80, %dma_start3A_84] : memref<2x10000x64xf32, #tpu.memory_space<hbm>> -> memref<1x624x64xf32, #tpu.memory_space<hbm>>
      %dma_start3A_86 = tpu.memref_squeeze %dma_start3A_85 : memref<1x624x64xf32, #tpu.memory_space<hbm>> -> memref<624x64xf32, #tpu.memory_space<hbm>>
      %dma_start3A_87 = arith.constant 0 : i32
      %dma_start3A_88 = tpu.memref_slice %arg11[%mul3A_78, %dma_start3A_87] : memref<10000x64xf32, #tpu.memory_space<vmem_shared>> -> memref<624x64xf32, #tpu.memory_space<vmem_shared>>
      tpu.enqueue_dma source(%dma_start3A_88 : memref<624x64xf32, #tpu.memory_space<vmem_shared>>) target(%dma_start3A_86 : memref<624x64xf32, #tpu.memory_space<hbm>>) target_semaphore(%run_scoped3A_83 : memref<!tpu.dma_semaphore, #tpu.memory_space<semaphore_mem>>)
      %dma_wait3A_89 = arith.constant 0 : i32
      %dma_wait3A_90 = tpu.memref_slice %arg6[%arg0, %mul3A_80, %dma_wait3A_89] : memref<2x10000x64xf32, #tpu.memory_space<hbm>> -> memref<1x624x64xf32, #tpu.memory_space<hbm>>
      %dma_wait3A_91 = tpu.memref_squeeze %dma_wait3A_90 : memref<1x624x64xf32, #tpu.memory_space<hbm>> -> memref<624x64xf32, #tpu.memory_space<hbm>>
      %dma_wait3A_92 = arith.constant 0 : i32
      %dma_wait3A_93 = tpu.memref_slice %arg11[%mul3A_78, %dma_wait3A_92] : memref<10000x64xf32, #tpu.memory_space<vmem_shared>> -> memref<624x64xf32, #tpu.memory_space<vmem_shared>>
      tpu.wait_dma2 semaphore(%run_scoped3A_83 : memref<!tpu.dma_semaphore, #tpu.memory_space<semaphore_mem>>) src(%dma_wait3A_93 : memref<624x64xf32, #tpu.memory_space<vmem_shared>>) dst(%dma_wait3A_91 : memref<624x64xf32, #tpu.memory_space<hbm>>)
      tpu.yield
    }) : () -> ()
    %eq3A = arith.constant 15 : i32
    %eq3A_81 = arith.cmpi eq, %arg1, %eq3A : i32
    %convert_element_type3A = arith.extui %eq3A_81 : i1 to i32
    %cond3A = arith.constant 0 : i32
    %cond3A_82 = arith.cmpi ne, %convert_element_type3A, %cond3A : i32
    scf.if %cond3A_82 {
      "tpu.region"() ({
        %run_scoped3A_83 = tpu.sem_alloc : memref<!tpu.dma_semaphore, #tpu.memory_space<semaphore_mem>>
        %dma_start3A_84 = arith.constant 9984 : i32
        %dma_start3A_85 = arith.constant 0 : i32
        %dma_start3A_86 = tpu.memref_slice %arg6[%arg0, %dma_start3A_84, %dma_start3A_85] : memref<2x10000x64xf32, #tpu.memory_space<hbm>> -> memref<1x16x64xf32, #tpu.memory_space<hbm>>
        %dma_start3A_87 = tpu.memref_squeeze %dma_start3A_86 : memref<1x16x64xf32, #tpu.memory_space<hbm>> -> memref<16x64xf32, #tpu.memory_space<hbm>>
        %dma_start3A_88 = arith.constant 9984 : i32
        %dma_start3A_89 = arith.constant 0 : i32
        %dma_start3A_90 = tpu.memref_slice %arg11[%dma_start3A_88, %dma_start3A_89] : memref<10000x64xf32, #tpu.memory_space<vmem_shared>> -> memref<16x64xf32, #tpu.memory_space<vmem_shared>>
        tpu.enqueue_dma source(%dma_start3A_90 : memref<16x64xf32, #tpu.memory_space<vmem_shared>>) target(%dma_start3A_87 : memref<16x64xf32, #tpu.memory_space<hbm>>) target_semaphore(%run_scoped3A_83 : memref<!tpu.dma_semaphore, #tpu.memory_space<semaphore_mem>>)
        %dma_wait3A_91 = arith.constant 9984 : i32
        %dma_wait3A_92 = arith.constant 0 : i32
        %dma_wait3A_93 = tpu.memref_slice %arg6[%arg0, %dma_wait3A_91, %dma_wait3A_92] : memref<2x10000x64xf32, #tpu.memory_space<hbm>> -> memref<1x16x64xf32, #tpu.memory_space<hbm>>
        %dma_wait3A_94 = tpu.memref_squeeze %dma_wait3A_93 : memref<1x16x64xf32, #tpu.memory_space<hbm>> -> memref<16x64xf32, #tpu.memory_space<hbm>>
        %dma_wait3A_95 = arith.constant 9984 : i32
        %dma_wait3A_96 = arith.constant 0 : i32
        %dma_wait3A_97 = tpu.memref_slice %arg11[%dma_wait3A_95, %dma_wait3A_96] : memref<10000x64xf32, #tpu.memory_space<vmem_shared>> -> memref<16x64xf32, #tpu.memory_space<vmem_shared>>
        tpu.wait_dma2 semaphore(%run_scoped3A_83 : memref<!tpu.dma_semaphore, #tpu.memory_space<semaphore_mem>>) src(%dma_wait3A_97 : memref<16x64xf32, #tpu.memory_space<vmem_shared>>) dst(%dma_wait3A_94 : memref<16x64xf32, #tpu.memory_space<hbm>>)
        tpu.yield
      }) : () -> ()
    } else {
    }
    return
  }
}

#map = affine_map<(d0, d1) -> (0, 0, 0)>
module attributes {stable_mosaic.version = 14 : i64} {
  func.func @_spmm_sc(%arg0: i32, %arg1: i32, %arg2: memref<2x10000x64xf32, #tpu.memory_space<hbm>>, %arg3: memref<16x159x128xi32, #tpu.memory_space<hbm>>, %arg4: memref<16x159x128xi32, #tpu.memory_space<hbm>>, %arg5: memref<16x159x128xf32, #tpu.memory_space<hbm>>, %arg6: memref<2x10000x64xf32, #tpu.memory_space<hbm>>, %arg7: memref<159x128xi32, #tpu.memory_space<vmem>>, %arg8: memref<159x128xi32, #tpu.memory_space<vmem>>, %arg9: memref<159x128xf32, #tpu.memory_space<vmem>>, %arg10: memref<3x128x64xf32, #tpu.memory_space<vmem>>, %arg11: memref<10000x64xf32, #tpu.memory_space<vmem_shared>>, %arg12: memref<!tpu.dma_semaphore, #tpu.memory_space<semaphore_mem>>, %arg13: memref<!tpu.dma_semaphore, #tpu.memory_space<semaphore_mem>>, %arg14: memref<!tpu.dma_semaphore, #tpu.memory_space<semaphore_mem>>, %arg15: memref<!tpu.dma_semaphore, #tpu.memory_space<semaphore_mem>>, %arg16: memref<!tpu.dma_semaphore, #tpu.memory_space<semaphore_mem>>, %arg17: memref<!tpu.dma_semaphore, #tpu.memory_space<semaphore_mem>>) attributes {dimension_semantics = [#tpu.dimension_semantics<core_parallel>, #tpu.dimension_semantics<subcore_parallel>], iteration_bounds = array<i64: 2, 16>, scalar_prefetch = 0 : i64, scratch_operands = 11 : i64, tpu.core_type = #tpu.core_type<sc_vector_subcore>, window_params = [{transform_indices = #map}, {transform_indices = #map}, {transform_indices = #map}, {transform_indices = #map}, {transform_indices = #map}]} {
    %broadcast_in_dim3A = arith.constant 0.000000e+00 : f32
    %broadcast_in_dim3A_0 = vector.broadcast %broadcast_in_dim3A : f32 to vector<16xf32>
    %scan3A = arith.constant 0 : i32
    %scan3A_1 = arith.constant 0 : i32
    %scan3A_2 = arith.constant 125 : i32
    %scan3A_3 = arith.addi %scan3A_1, %scan3A_2 : i32
    %scan3A_4 = arith.constant 1 : i32
    scf.for %scan3A_83 = %scan3A_1 to %scan3A_3 step %scan3A_4  : i32 {
      %swap3A = arith.constant 0 : i32
      %swap3A_84 = arith.index_cast %swap3A : i32 to index
      %swap3A_85 = arith.index_cast %scan3A_83 : i32 to index
      %swap3A_86 = arith.constant 0 : index
      %swap3A_87 = tpu.vector_load %arg10[%swap3A_84, %swap3A_85, %swap3A_86] {strides = array<i32>} : memref<3x128x64xf32, #tpu.memory_space<vmem>>, vector<16xf32>,
      tpu.vector_store %arg10[%swap3A_84, %swap3A_85, %swap3A_86], %broadcast_in_dim3A_0 {strides = array<i32>} : memref<3x128x64xf32, #tpu.memory_space<vmem>>, vector<16xf32>,
      %swap3A_88 = arith.constant 0 : i32
      %swap3A_89 = arith.index_cast %swap3A_88 : i32 to index
      %swap3A_90 = arith.index_cast %scan3A_83 : i32 to index
      %swap3A_91 = arith.constant 16 : index
      %swap3A_92 = tpu.vector_load %arg10[%swap3A_89, %swap3A_90, %swap3A_91] {strides = array<i32>} : memref<3x128x64xf32, #tpu.memory_space<vmem>>, vector<16xf32>,
      tpu.vector_store %arg10[%swap3A_89, %swap3A_90, %swap3A_91], %broadcast_in_dim3A_0 {strides = array<i32>} : memref<3x128x64xf32, #tpu.memory_space<vmem>>, vector<16xf32>,
      %swap3A_93 = arith.constant 0 : i32
      %swap3A_94 = arith.index_cast %swap3A_93 : i32 to index
      %swap3A_95 = arith.index_cast %scan3A_83 : i32 to index
      %swap3A_96 = arith.constant 32 : index
      %swap3A_97 = tpu.vector_load %arg10[%swap3A_94, %swap3A_95, %swap3A_96] {strides = array<i32>} : memref<3x128x64xf32, #tpu.memory_space<vmem>>, vector<16xf32>,
      tpu.vector_store %arg10[%swap3A_94, %swap3A_95, %swap3A_96], %broadcast_in_dim3A_0 {strides = array<i32>} : memref<3x128x64xf32, #tpu.memory_space<vmem>>, vector<16xf32>,
      %swap3A_98 = arith.constant 0 : i32
      %swap3A_99 = arith.index_cast %swap3A_98 : i32 to index
      %swap3A_100 = arith.index_cast %scan3A_83 : i32 to index
      %swap3A_101 = arith.constant 48 : index
      %swap3A_102 = tpu.vector_load %arg10[%swap3A_99, %swap3A_100, %swap3A_101] {strides = array<i32>} : memref<3x128x64xf32, #tpu.memory_space<vmem>>, vector<16xf32>,
      tpu.vector_store %arg10[%swap3A_99, %swap3A_100, %swap3A_101], %broadcast_in_dim3A_0 {strides = array<i32>} : memref<3x128x64xf32, #tpu.memory_space<vmem>>, vector<16xf32>,
    }
    %scan3A_5 = arith.constant 125 : i32
    %mul3A = arith.constant 625 : i32
    %mul3A_6 = arith.muli %arg1, %mul3A : i32
    %add3A = arith.constant 0 : i32
    %add3A_7 = arith.addi %mul3A_6, %add3A : i32
    %run_scoped3A = arith.constant 0 : i32
    "tpu.region"() ({
      %run_scoped3A_83 = tpu.sem_alloc : memref<!tpu.dma_semaphore, #tpu.memory_space<semaphore_mem>>
      %dma_start3A_84 = arith.constant 0 : i32
      %dma_start3A_85 = arith.constant 0 : i32
      %dma_start3A_86 = tpu.memref_slice %arg10[%run_scoped3A, %dma_start3A_84, %dma_start3A_85] : memref<3x128x64xf32, #tpu.memory_space<vmem>> -> memref<1x125x64xf32, #tpu.memory_space<vmem>>
      %dma_start3A_87 = tpu.memref_squeeze %dma_start3A_86 : memref<1x125x64xf32, #tpu.memory_space<vmem>> -> memref<125x64xf32, #tpu.memory_space<vmem>>
      %dma_start3A_88 = arith.constant 0 : i32
      %dma_start3A_89 = tpu.memref_slice %arg11[%add3A_7, %dma_start3A_88] : memref<10000x64xf32, #tpu.memory_space<vmem_shared>> -> memref<125x64xf32, #tpu.memory_space<vmem_shared>>
      %dma_start3A_90 = arith.constant 0 : i32
      %dma_start3A_91 = tpu.memref_slice %arg11[%add3A_7, %dma_start3A_90] : memref<10000x64xf32, #tpu.memory_space<vmem_shared>> -> memref<125x64xf32, #tpu.memory_space<vmem_shared>>
      %dma_start3A_92 = arith.constant 0 : i32
      %dma_start3A_93 = arith.constant 0 : i32
      %dma_start3A_94 = tpu.memref_slice %arg10[%run_scoped3A, %dma_start3A_92, %dma_start3A_93] : memref<3x128x64xf32, #tpu.memory_space<vmem>> -> memref<1x125x64xf32, #tpu.memory_space<vmem>>
      %dma_start3A_95 = tpu.memref_squeeze %dma_start3A_94 : memref<1x125x64xf32, #tpu.memory_space<vmem>> -> memref<125x64xf32, #tpu.memory_space<vmem>>
      tpu.enqueue_dma source(%dma_start3A_95 : memref<125x64xf32, #tpu.memory_space<vmem>>) target(%dma_start3A_91 : memref<125x64xf32, #tpu.memory_space<vmem_shared>>) target_semaphore(%run_scoped3A_83 : memref<!tpu.dma_semaphore, #tpu.memory_space<semaphore_mem>>)
      %dma_wait3A_96 = arith.constant 0 : i32
      %dma_wait3A_97 = arith.constant 0 : i32
      %dma_wait3A_98 = tpu.memref_slice %arg10[%run_scoped3A, %dma_wait3A_96, %dma_wait3A_97] : memref<3x128x64xf32, #tpu.memory_space<vmem>> -> memref<1x125x64xf32, #tpu.memory_space<vmem>>
      %dma_wait3A_99 = tpu.memref_squeeze %dma_wait3A_98 : memref<1x125x64xf32, #tpu.memory_space<vmem>> -> memref<125x64xf32, #tpu.memory_space<vmem>>
      %dma_wait3A_100 = arith.constant 0 : i32
      %dma_wait3A_101 = tpu.memref_slice %arg11[%add3A_7, %dma_wait3A_100] : memref<10000x64xf32, #tpu.memory_space<vmem_shared>> -> memref<125x64xf32, #tpu.memory_space<vmem_shared>>
      %dma_wait3A_102 = arith.constant 0 : i32
      %dma_wait3A_103 = tpu.memref_slice %arg11[%add3A_7, %dma_wait3A_102] : memref<10000x64xf32, #tpu.memory_space<vmem_shared>> -> memref<125x64xf32, #tpu.memory_space<vmem_shared>>
      %dma_wait3A_104 = arith.constant 0 : i32
      %dma_wait3A_105 = arith.constant 0 : i32
      %dma_wait3A_106 = tpu.memref_slice %arg10[%run_scoped3A, %dma_wait3A_104, %dma_wait3A_105] : memref<3x128x64xf32, #tpu.memory_space<vmem>> -> memref<1x125x64xf32, #tpu.memory_space<vmem>>
      %dma_wait3A_107 = tpu.memref_squeeze %dma_wait3A_106 : memref<1x125x64xf32, #tpu.memory_space<vmem>> -> memref<125x64xf32, #tpu.memory_space<vmem>>
      tpu.wait_dma2 semaphore(%run_scoped3A_83 : memref<!tpu.dma_semaphore, #tpu.memory_space<semaphore_mem>>) src(%dma_wait3A_107 : memref<125x64xf32, #tpu.memory_space<vmem>>) dst(%dma_wait3A_103 : memref<125x64xf32, #tpu.memory_space<vmem_shared>>)
      tpu.yield
    }) : () -> ()
    %mul3A_8 = arith.constant 625 : i32
    %mul3A_9 = arith.muli %arg1, %mul3A_8 : i32
    %add3A_10 = arith.constant 125 : i32
    %add3A_11 = arith.addi %mul3A_9, %add3A_10 : i32
    %run_scoped3A_12 = arith.constant 0 : i32
    "tpu.region"() ({
      %run_scoped3A_83 = tpu.sem_alloc : memref<!tpu.dma_semaphore, #tpu.memory_space<semaphore_mem>>
      %dma_start3A_84 = arith.constant 0 : i32
      %dma_start3A_85 = arith.constant 0 : i32
      %dma_start3A_86 = tpu.memref_slice %arg10[%run_scoped3A_12, %dma_start3A_84, %dma_start3A_85] : memref<3x128x64xf32, #tpu.memory_space<vmem>> -> memref<1x125x64xf32, #tpu.memory_space<vmem>>
      %dma_start3A_87 = tpu.memref_squeeze %dma_start3A_86 : memref<1x125x64xf32, #tpu.memory_space<vmem>> -> memref<125x64xf32, #tpu.memory_space<vmem>>
      %dma_start3A_88 = arith.constant 0 : i32
      %dma_start3A_89 = tpu.memref_slice %arg11[%add3A_11, %dma_start3A_88] : memref<10000x64xf32, #tpu.memory_space<vmem_shared>> -> memref<125x64xf32, #tpu.memory_space<vmem_shared>>
      %dma_start3A_90 = arith.constant 0 : i32
      %dma_start3A_91 = tpu.memref_slice %arg11[%add3A_11, %dma_start3A_90] : memref<10000x64xf32, #tpu.memory_space<vmem_shared>> -> memref<125x64xf32, #tpu.memory_space<vmem_shared>>
      %dma_start3A_92 = arith.constant 0 : i32
      %dma_start3A_93 = arith.constant 0 : i32
      %dma_start3A_94 = tpu.memref_slice %arg10[%run_scoped3A_12, %dma_start3A_92, %dma_start3A_93] : memref<3x128x64xf32, #tpu.memory_space<vmem>> -> memref<1x125x64xf32, #tpu.memory_space<vmem>>
      %dma_start3A_95 = tpu.memref_squeeze %dma_start3A_94 : memref<1x125x64xf32, #tpu.memory_space<vmem>> -> memref<125x64xf32, #tpu.memory_space<vmem>>
      tpu.enqueue_dma source(%dma_start3A_95 : memref<125x64xf32, #tpu.memory_space<vmem>>) target(%dma_start3A_91 : memref<125x64xf32, #tpu.memory_space<vmem_shared>>) target_semaphore(%run_scoped3A_83 : memref<!tpu.dma_semaphore, #tpu.memory_space<semaphore_mem>>)
      %dma_wait3A_96 = arith.constant 0 : i32
      %dma_wait3A_97 = arith.constant 0 : i32
      %dma_wait3A_98 = tpu.memref_slice %arg10[%run_scoped3A_12, %dma_wait3A_96, %dma_wait3A_97] : memref<3x128x64xf32, #tpu.memory_space<vmem>> -> memref<1x125x64xf32, #tpu.memory_space<vmem>>
      %dma_wait3A_99 = tpu.memref_squeeze %dma_wait3A_98 : memref<1x125x64xf32, #tpu.memory_space<vmem>> -> memref<125x64xf32, #tpu.memory_space<vmem>>
      %dma_wait3A_100 = arith.constant 0 : i32
      %dma_wait3A_101 = tpu.memref_slice %arg11[%add3A_11, %dma_wait3A_100] : memref<10000x64xf32, #tpu.memory_space<vmem_shared>> -> memref<125x64xf32, #tpu.memory_space<vmem_shared>>
      %dma_wait3A_102 = arith.constant 0 : i32
      %dma_wait3A_103 = tpu.memref_slice %arg11[%add3A_11, %dma_wait3A_102] : memref<10000x64xf32, #tpu.memory_space<vmem_shared>> -> memref<125x64xf32, #tpu.memory_space<vmem_shared>>
      %dma_wait3A_104 = arith.constant 0 : i32
      %dma_wait3A_105 = arith.constant 0 : i32
      %dma_wait3A_106 = tpu.memref_slice %arg10[%run_scoped3A_12, %dma_wait3A_104, %dma_wait3A_105] : memref<3x128x64xf32, #tpu.memory_space<vmem>> -> memref<1x125x64xf32, #tpu.memory_space<vmem>>
      %dma_wait3A_107 = tpu.memref_squeeze %dma_wait3A_106 : memref<1x125x64xf32, #tpu.memory_space<vmem>> -> memref<125x64xf32, #tpu.memory_space<vmem>>
      tpu.wait_dma2 semaphore(%run_scoped3A_83 : memref<!tpu.dma_semaphore, #tpu.memory_space<semaphore_mem>>) src(%dma_wait3A_107 : memref<125x64xf32, #tpu.memory_space<vmem>>) dst(%dma_wait3A_103 : memref<125x64xf32, #tpu.memory_space<vmem_shared>>)
      tpu.yield
    }) : () -> ()
    %mul3A_13 = arith.constant 625 : i32
    %mul3A_14 = arith.muli %arg1, %mul3A_13 : i32
    %add3A_15 = arith.constant 250 : i32
    %add3A_16 = arith.addi %mul3A_14, %add3A_15 : i32
    %run_scoped3A_17 = arith.constant 0 : i32
    "tpu.region"() ({
      %run_scoped3A_83 = tpu.sem_alloc : memref<!tpu.dma_semaphore, #tpu.memory_space<semaphore_mem>>
      %dma_start3A_84 = arith.constant 0 : i32
      %dma_start3A_85 = arith.constant 0 : i32
      %dma_start3A_86 = tpu.memref_slice %arg10[%run_scoped3A_17, %dma_start3A_84, %dma_start3A_85] : memref<3x128x64xf32, #tpu.memory_space<vmem>> -> memref<1x125x64xf32, #tpu.memory_space<vmem>>
      %dma_start3A_87 = tpu.memref_squeeze %dma_start3A_86 : memref<1x125x64xf32, #tpu.memory_space<vmem>> -> memref<125x64xf32, #tpu.memory_space<vmem>>
      %dma_start3A_88 = arith.constant 0 : i32
      %dma_start3A_89 = tpu.memref_slice %arg11[%add3A_16, %dma_start3A_88] : memref<10000x64xf32, #tpu.memory_space<vmem_shared>> -> memref<125x64xf32, #tpu.memory_space<vmem_shared>>
      %dma_start3A_90 = arith.constant 0 : i32
      %dma_start3A_91 = tpu.memref_slice %arg11[%add3A_16, %dma_start3A_90] : memref<10000x64xf32, #tpu.memory_space<vmem_shared>> -> memref<125x64xf32, #tpu.memory_space<vmem_shared>>
      %dma_start3A_92 = arith.constant 0 : i32
      %dma_start3A_93 = arith.constant 0 : i32
      %dma_start3A_94 = tpu.memref_slice %arg10[%run_scoped3A_17, %dma_start3A_92, %dma_start3A_93] : memref<3x128x64xf32, #tpu.memory_space<vmem>> -> memref<1x125x64xf32, #tpu.memory_space<vmem>>
      %dma_start3A_95 = tpu.memref_squeeze %dma_start3A_94 : memref<1x125x64xf32, #tpu.memory_space<vmem>> -> memref<125x64xf32, #tpu.memory_space<vmem>>
      tpu.enqueue_dma source(%dma_start3A_95 : memref<125x64xf32, #tpu.memory_space<vmem>>) target(%dma_start3A_91 : memref<125x64xf32, #tpu.memory_space<vmem_shared>>) target_semaphore(%run_scoped3A_83 : memref<!tpu.dma_semaphore, #tpu.memory_space<semaphore_mem>>)
      %dma_wait3A_96 = arith.constant 0 : i32
      %dma_wait3A_97 = arith.constant 0 : i32
      %dma_wait3A_98 = tpu.memref_slice %arg10[%run_scoped3A_17, %dma_wait3A_96, %dma_wait3A_97] : memref<3x128x64xf32, #tpu.memory_space<vmem>> -> memref<1x125x64xf32, #tpu.memory_space<vmem>>
      %dma_wait3A_99 = tpu.memref_squeeze %dma_wait3A_98 : memref<1x125x64xf32, #tpu.memory_space<vmem>> -> memref<125x64xf32, #tpu.memory_space<vmem>>
      %dma_wait3A_100 = arith.constant 0 : i32
      %dma_wait3A_101 = tpu.memref_slice %arg11[%add3A_16, %dma_wait3A_100] : memref<10000x64xf32, #tpu.memory_space<vmem_shared>> -> memref<125x64xf32, #tpu.memory_space<vmem_shared>>
      %dma_wait3A_102 = arith.constant 0 : i32
      %dma_wait3A_103 = tpu.memref_slice %arg11[%add3A_16, %dma_wait3A_102] : memref<10000x64xf32, #tpu.memory_space<vmem_shared>> -> memref<125x64xf32, #tpu.memory_space<vmem_shared>>
      %dma_wait3A_104 = arith.constant 0 : i32
      %dma_wait3A_105 = arith.constant 0 : i32
      %dma_wait3A_106 = tpu.memref_slice %arg10[%run_scoped3A_17, %dma_wait3A_104, %dma_wait3A_105] : memref<3x128x64xf32, #tpu.memory_space<vmem>> -> memref<1x125x64xf32, #tpu.memory_space<vmem>>
      %dma_wait3A_107 = tpu.memref_squeeze %dma_wait3A_106 : memref<1x125x64xf32, #tpu.memory_space<vmem>> -> memref<125x64xf32, #tpu.memory_space<vmem>>
      tpu.wait_dma2 semaphore(%run_scoped3A_83 : memref<!tpu.dma_semaphore, #tpu.memory_space<semaphore_mem>>) src(%dma_wait3A_107 : memref<125x64xf32, #tpu.memory_space<vmem>>) dst(%dma_wait3A_103 : memref<125x64xf32, #tpu.memory_space<vmem_shared>>)
      tpu.yield
    }) : () -> ()
    %mul3A_18 = arith.constant 625 : i32
    %mul3A_19 = arith.muli %arg1, %mul3A_18 : i32
    %add3A_20 = arith.constant 375 : i32
    %add3A_21 = arith.addi %mul3A_19, %add3A_20 : i32
    %run_scoped3A_22 = arith.constant 0 : i32
    "tpu.region"() ({
      %run_scoped3A_83 = tpu.sem_alloc : memref<!tpu.dma_semaphore, #tpu.memory_space<semaphore_mem>>
      %dma_start3A_84 = arith.constant 0 : i32
      %dma_start3A_85 = arith.constant 0 : i32
      %dma_start3A_86 = tpu.memref_slice %arg10[%run_scoped3A_22, %dma_start3A_84, %dma_start3A_85] : memref<3x128x64xf32, #tpu.memory_space<vmem>> -> memref<1x125x64xf32, #tpu.memory_space<vmem>>
      %dma_start3A_87 = tpu.memref_squeeze %dma_start3A_86 : memref<1x125x64xf32, #tpu.memory_space<vmem>> -> memref<125x64xf32, #tpu.memory_space<vmem>>
      %dma_start3A_88 = arith.constant 0 : i32
      %dma_start3A_89 = tpu.memref_slice %arg11[%add3A_21, %dma_start3A_88] : memref<10000x64xf32, #tpu.memory_space<vmem_shared>> -> memref<125x64xf32, #tpu.memory_space<vmem_shared>>
      %dma_start3A_90 = arith.constant 0 : i32
      %dma_start3A_91 = tpu.memref_slice %arg11[%add3A_21, %dma_start3A_90] : memref<10000x64xf32, #tpu.memory_space<vmem_shared>> -> memref<125x64xf32, #tpu.memory_space<vmem_shared>>
      %dma_start3A_92 = arith.constant 0 : i32
      %dma_start3A_93 = arith.constant 0 : i32
      %dma_start3A_94 = tpu.memref_slice %arg10[%run_scoped3A_22, %dma_start3A_92, %dma_start3A_93] : memref<3x128x64xf32, #tpu.memory_space<vmem>> -> memref<1x125x64xf32, #tpu.memory_space<vmem>>
      %dma_start3A_95 = tpu.memref_squeeze %dma_start3A_94 : memref<1x125x64xf32, #tpu.memory_space<vmem>> -> memref<125x64xf32, #tpu.memory_space<vmem>>
      tpu.enqueue_dma source(%dma_start3A_95 : memref<125x64xf32, #tpu.memory_space<vmem>>) target(%dma_start3A_91 : memref<125x64xf32, #tpu.memory_space<vmem_shared>>) target_semaphore(%run_scoped3A_83 : memref<!tpu.dma_semaphore, #tpu.memory_space<semaphore_mem>>)
      %dma_wait3A_96 = arith.constant 0 : i32
      %dma_wait3A_97 = arith.constant 0 : i32
      %dma_wait3A_98 = tpu.memref_slice %arg10[%run_scoped3A_22, %dma_wait3A_96, %dma_wait3A_97] : memref<3x128x64xf32, #tpu.memory_space<vmem>> -> memref<1x125x64xf32, #tpu.memory_space<vmem>>
      %dma_wait3A_99 = tpu.memref_squeeze %dma_wait3A_98 : memref<1x125x64xf32, #tpu.memory_space<vmem>> -> memref<125x64xf32, #tpu.memory_space<vmem>>
      %dma_wait3A_100 = arith.constant 0 : i32
      %dma_wait3A_101 = tpu.memref_slice %arg11[%add3A_21, %dma_wait3A_100] : memref<10000x64xf32, #tpu.memory_space<vmem_shared>> -> memref<125x64xf32, #tpu.memory_space<vmem_shared>>
      %dma_wait3A_102 = arith.constant 0 : i32
      %dma_wait3A_103 = tpu.memref_slice %arg11[%add3A_21, %dma_wait3A_102] : memref<10000x64xf32, #tpu.memory_space<vmem_shared>> -> memref<125x64xf32, #tpu.memory_space<vmem_shared>>
      %dma_wait3A_104 = arith.constant 0 : i32
      %dma_wait3A_105 = arith.constant 0 : i32
      %dma_wait3A_106 = tpu.memref_slice %arg10[%run_scoped3A_22, %dma_wait3A_104, %dma_wait3A_105] : memref<3x128x64xf32, #tpu.memory_space<vmem>> -> memref<1x125x64xf32, #tpu.memory_space<vmem>>
      %dma_wait3A_107 = tpu.memref_squeeze %dma_wait3A_106 : memref<1x125x64xf32, #tpu.memory_space<vmem>> -> memref<125x64xf32, #tpu.memory_space<vmem>>
      tpu.wait_dma2 semaphore(%run_scoped3A_83 : memref<!tpu.dma_semaphore, #tpu.memory_space<semaphore_mem>>) src(%dma_wait3A_107 : memref<125x64xf32, #tpu.memory_space<vmem>>) dst(%dma_wait3A_103 : memref<125x64xf32, #tpu.memory_space<vmem_shared>>)
      tpu.yield
    }) : () -> ()
    %mul3A_23 = arith.constant 625 : i32
    %mul3A_24 = arith.muli %arg1, %mul3A_23 : i32
    %add3A_25 = arith.constant 500 : i32
    %add3A_26 = arith.addi %mul3A_24, %add3A_25 : i32
    %run_scoped3A_27 = arith.constant 0 : i32
    "tpu.region"() ({
      %run_scoped3A_83 = tpu.sem_alloc : memref<!tpu.dma_semaphore, #tpu.memory_space<semaphore_mem>>
      %dma_start3A_84 = arith.constant 0 : i32
      %dma_start3A_85 = arith.constant 0 : i32
      %dma_start3A_86 = tpu.memref_slice %arg10[%run_scoped3A_27, %dma_start3A_84, %dma_start3A_85] : memref<3x128x64xf32, #tpu.memory_space<vmem>> -> memref<1x125x64xf32, #tpu.memory_space<vmem>>
      %dma_start3A_87 = tpu.memref_squeeze %dma_start3A_86 : memref<1x125x64xf32, #tpu.memory_space<vmem>> -> memref<125x64xf32, #tpu.memory_space<vmem>>
      %dma_start3A_88 = arith.constant 0 : i32
      %dma_start3A_89 = tpu.memref_slice %arg11[%add3A_26, %dma_start3A_88] : memref<10000x64xf32, #tpu.memory_space<vmem_shared>> -> memref<125x64xf32, #tpu.memory_space<vmem_shared>>
      %dma_start3A_90 = arith.constant 0 : i32
      %dma_start3A_91 = tpu.memref_slice %arg11[%add3A_26, %dma_start3A_90] : memref<10000x64xf32, #tpu.memory_space<vmem_shared>> -> memref<125x64xf32, #tpu.memory_space<vmem_shared>>
      %dma_start3A_92 = arith.constant 0 : i32
      %dma_start3A_93 = arith.constant 0 : i32
      %dma_start3A_94 = tpu.memref_slice %arg10[%run_scoped3A_27, %dma_start3A_92, %dma_start3A_93] : memref<3x128x64xf32, #tpu.memory_space<vmem>> -> memref<1x125x64xf32, #tpu.memory_space<vmem>>
      %dma_start3A_95 = tpu.memref_squeeze %dma_start3A_94 : memref<1x125x64xf32, #tpu.memory_space<vmem>> -> memref<125x64xf32, #tpu.memory_space<vmem>>
      tpu.enqueue_dma source(%dma_start3A_95 : memref<125x64xf32, #tpu.memory_space<vmem>>) target(%dma_start3A_91 : memref<125x64xf32, #tpu.memory_space<vmem_shared>>) target_semaphore(%run_scoped3A_83 : memref<!tpu.dma_semaphore, #tpu.memory_space<semaphore_mem>>)
      %dma_wait3A_96 = arith.constant 0 : i32
      %dma_wait3A_97 = arith.constant 0 : i32
      %dma_wait3A_98 = tpu.memref_slice %arg10[%run_scoped3A_27, %dma_wait3A_96, %dma_wait3A_97] : memref<3x128x64xf32, #tpu.memory_space<vmem>> -> memref<1x125x64xf32, #tpu.memory_space<vmem>>
      %dma_wait3A_99 = tpu.memref_squeeze %dma_wait3A_98 : memref<1x125x64xf32, #tpu.memory_space<vmem>> -> memref<125x64xf32, #tpu.memory_space<vmem>>
      %dma_wait3A_100 = arith.constant 0 : i32
      %dma_wait3A_101 = tpu.memref_slice %arg11[%add3A_26, %dma_wait3A_100] : memref<10000x64xf32, #tpu.memory_space<vmem_shared>> -> memref<125x64xf32, #tpu.memory_space<vmem_shared>>
      %dma_wait3A_102 = arith.constant 0 : i32
      %dma_wait3A_103 = tpu.memref_slice %arg11[%add3A_26, %dma_wait3A_102] : memref<10000x64xf32, #tpu.memory_space<vmem_shared>> -> memref<125x64xf32, #tpu.memory_space<vmem_shared>>
      %dma_wait3A_104 = arith.constant 0 : i32
      %dma_wait3A_105 = arith.constant 0 : i32
      %dma_wait3A_106 = tpu.memref_slice %arg10[%run_scoped3A_27, %dma_wait3A_104, %dma_wait3A_105] : memref<3x128x64xf32, #tpu.memory_space<vmem>> -> memref<1x125x64xf32, #tpu.memory_space<vmem>>
      %dma_wait3A_107 = tpu.memref_squeeze %dma_wait3A_106 : memref<1x125x64xf32, #tpu.memory_space<vmem>> -> memref<125x64xf32, #tpu.memory_space<vmem>>
      tpu.wait_dma2 semaphore(%run_scoped3A_83 : memref<!tpu.dma_semaphore, #tpu.memory_space<semaphore_mem>>) src(%dma_wait3A_107 : memref<125x64xf32, #tpu.memory_space<vmem>>) dst(%dma_wait3A_103 : memref<125x64xf32, #tpu.memory_space<vmem_shared>>)
      tpu.yield
    }) : () -> ()
    "tpu.region"() ({
      %run_scoped3A_83 = tpu.sem_alloc : memref<!tpu.dma_semaphore, #tpu.memory_space<semaphore_mem>>
      %dma_start3A_84 = arith.constant 0 : i32
      %dma_start3A_85 = arith.constant 0 : i32
      %dma_start3A_86 = tpu.memref_slice %arg3[%arg1, %dma_start3A_84, %dma_start3A_85] : memref<16x159x128xi32, #tpu.memory_space<hbm>> -> memref<1x159x128xi32, #tpu.memory_space<hbm>>
      %dma_start3A_87 = tpu.memref_squeeze %dma_start3A_86 : memref<1x159x128xi32, #tpu.memory_space<hbm>> -> memref<159x128xi32, #tpu.memory_space<hbm>>
      %dma_start3A_88 = arith.constant 0 : i32
      %dma_start3A_89 = arith.constant 0 : i32
      %dma_start3A_90 = tpu.memref_slice %arg3[%arg1, %dma_start3A_88, %dma_start3A_89] : memref<16x159x128xi32, #tpu.memory_space<hbm>> -> memref<1x159x128xi32, #tpu.memory_space<hbm>>
      %dma_start3A_91 = tpu.memref_squeeze %dma_start3A_90 : memref<1x159x128xi32, #tpu.memory_space<hbm>> -> memref<159x128xi32, #tpu.memory_space<hbm>>
      tpu.enqueue_dma source(%dma_start3A_91 : memref<159x128xi32, #tpu.memory_space<hbm>>) target(%arg7 : memref<159x128xi32, #tpu.memory_space<vmem>>) target_semaphore(%run_scoped3A_83 : memref<!tpu.dma_semaphore, #tpu.memory_space<semaphore_mem>>)
      %dma_wait3A_92 = arith.constant 0 : i32
      %dma_wait3A_93 = arith.constant 0 : i32
      %dma_wait3A_94 = tpu.memref_slice %arg3[%arg1, %dma_wait3A_92, %dma_wait3A_93] : memref<16x159x128xi32, #tpu.memory_space<hbm>> -> memref<1x159x128xi32, #tpu.memory_space<hbm>>
      %dma_wait3A_95 = tpu.memref_squeeze %dma_wait3A_94 : memref<1x159x128xi32, #tpu.memory_space<hbm>> -> memref<159x128xi32, #tpu.memory_space<hbm>>
      %dma_wait3A_96 = arith.constant 0 : i32
      %dma_wait3A_97 = arith.constant 0 : i32
      %dma_wait3A_98 = tpu.memref_slice %arg3[%arg1, %dma_wait3A_96, %dma_wait3A_97] : memref<16x159x128xi32, #tpu.memory_space<hbm>> -> memref<1x159x128xi32, #tpu.memory_space<hbm>>
      %dma_wait3A_99 = tpu.memref_squeeze %dma_wait3A_98 : memref<1x159x128xi32, #tpu.memory_space<hbm>> -> memref<159x128xi32, #tpu.memory_space<hbm>>
      tpu.wait_dma2 semaphore(%run_scoped3A_83 : memref<!tpu.dma_semaphore, #tpu.memory_space<semaphore_mem>>) src(%dma_wait3A_99 : memref<159x128xi32, #tpu.memory_space<hbm>>) dst(%arg7 : memref<159x128xi32, #tpu.memory_space<vmem>>)
      tpu.yield
    }) : () -> ()
    "tpu.region"() ({
      %run_scoped3A_83 = tpu.sem_alloc : memref<!tpu.dma_semaphore, #tpu.memory_space<semaphore_mem>>
      %dma_start3A_84 = arith.constant 0 : i32
      %dma_start3A_85 = arith.constant 0 : i32
      %dma_start3A_86 = tpu.memref_slice %arg4[%arg1, %dma_start3A_84, %dma_start3A_85] : memref<16x159x128xi32, #tpu.memory_space<hbm>> -> memref<1x159x128xi32, #tpu.memory_space<hbm>>
      %dma_start3A_87 = tpu.memref_squeeze %dma_start3A_86 : memref<1x159x128xi32, #tpu.memory_space<hbm>> -> memref<159x128xi32, #tpu.memory_space<hbm>>
      %dma_start3A_88 = arith.constant 0 : i32
      %dma_start3A_89 = arith.constant 0 : i32
      %dma_start3A_90 = tpu.memref_slice %arg4[%arg1, %dma_start3A_88, %dma_start3A_89] : memref<16x159x128xi32, #tpu.memory_space<hbm>> -> memref<1x159x128xi32, #tpu.memory_space<hbm>>
      %dma_start3A_91 = tpu.memref_squeeze %dma_start3A_90 : memref<1x159x128xi32, #tpu.memory_space<hbm>> -> memref<159x128xi32, #tpu.memory_space<hbm>>
      tpu.enqueue_dma source(%dma_start3A_91 : memref<159x128xi32, #tpu.memory_space<hbm>>) target(%arg8 : memref<159x128xi32, #tpu.memory_space<vmem>>) target_semaphore(%run_scoped3A_83 : memref<!tpu.dma_semaphore, #tpu.memory_space<semaphore_mem>>)
      %dma_wait3A_92 = arith.constant 0 : i32
      %dma_wait3A_93 = arith.constant 0 : i32
      %dma_wait3A_94 = tpu.memref_slice %arg4[%arg1, %dma_wait3A_92, %dma_wait3A_93] : memref<16x159x128xi32, #tpu.memory_space<hbm>> -> memref<1x159x128xi32, #tpu.memory_space<hbm>>
      %dma_wait3A_95 = tpu.memref_squeeze %dma_wait3A_94 : memref<1x159x128xi32, #tpu.memory_space<hbm>> -> memref<159x128xi32, #tpu.memory_space<hbm>>
      %dma_wait3A_96 = arith.constant 0 : i32
      %dma_wait3A_97 = arith.constant 0 : i32
      %dma_wait3A_98 = tpu.memref_slice %arg4[%arg1, %dma_wait3A_96, %dma_wait3A_97] : memref<16x159x128xi32, #tpu.memory_space<hbm>> -> memref<1x159x128xi32, #tpu.memory_space<hbm>>
      %dma_wait3A_99 = tpu.memref_squeeze %dma_wait3A_98 : memref<1x159x128xi32, #tpu.memory_space<hbm>> -> memref<159x128xi32, #tpu.memory_space<hbm>>
      tpu.wait_dma2 semaphore(%run_scoped3A_83 : memref<!tpu.dma_semaphore, #tpu.memory_space<semaphore_mem>>) src(%dma_wait3A_99 : memref<159x128xi32, #tpu.memory_space<hbm>>) dst(%arg8 : memref<159x128xi32, #tpu.memory_space<vmem>>)
      tpu.yield
    }) : () -> ()
    "tpu.region"() ({
      %run_scoped3A_83 = tpu.sem_alloc : memref<!tpu.dma_semaphore, #tpu.memory_space<semaphore_mem>>
      %dma_start3A_84 = arith.constant 0 : i32
      %dma_start3A_85 = arith.constant 0 : i32
      %dma_start3A_86 = tpu.memref_slice %arg5[%arg1, %dma_start3A_84, %dma_start3A_85] : memref<16x159x128xf32, #tpu.memory_space<hbm>> -> memref<1x159x128xf32, #tpu.memory_space<hbm>>
      %dma_start3A_87 = tpu.memref_squeeze %dma_start3A_86 : memref<1x159x128xf32, #tpu.memory_space<hbm>> -> memref<159x128xf32, #tpu.memory_space<hbm>>
      %dma_start3A_88 = arith.constant 0 : i32
      %dma_start3A_89 = arith.constant 0 : i32
      %dma_start3A_90 = tpu.memref_slice %arg5[%arg1, %dma_start3A_88, %dma_start3A_89] : memref<16x159x128xf32, #tpu.memory_space<hbm>> -> memref<1x159x128xf32, #tpu.memory_space<hbm>>
      %dma_start3A_91 = tpu.memref_squeeze %dma_start3A_90 : memref<1x159x128xf32, #tpu.memory_space<hbm>> -> memref<159x128xf32, #tpu.memory_space<hbm>>
      tpu.enqueue_dma source(%dma_start3A_91 : memref<159x128xf32, #tpu.memory_space<hbm>>) target(%arg9 : memref<159x128xf32, #tpu.memory_space<vmem>>) target_semaphore(%run_scoped3A_83 : memref<!tpu.dma_semaphore, #tpu.memory_space<semaphore_mem>>)
      %dma_wait3A_92 = arith.constant 0 : i32
      %dma_wait3A_93 = arith.constant 0 : i32
      %dma_wait3A_94 = tpu.memref_slice %arg5[%arg1, %dma_wait3A_92, %dma_wait3A_93] : memref<16x159x128xf32, #tpu.memory_space<hbm>> -> memref<1x159x128xf32, #tpu.memory_space<hbm>>
      %dma_wait3A_95 = tpu.memref_squeeze %dma_wait3A_94 : memref<1x159x128xf32, #tpu.memory_space<hbm>> -> memref<159x128xf32, #tpu.memory_space<hbm>>
      %dma_wait3A_96 = arith.constant 0 : i32
      %dma_wait3A_97 = arith.constant 0 : i32
      %dma_wait3A_98 = tpu.memref_slice %arg5[%arg1, %dma_wait3A_96, %dma_wait3A_97] : memref<16x159x128xf32, #tpu.memory_space<hbm>> -> memref<1x159x128xf32, #tpu.memory_space<hbm>>
      %dma_wait3A_99 = tpu.memref_squeeze %dma_wait3A_98 : memref<1x159x128xf32, #tpu.memory_space<hbm>> -> memref<159x128xf32, #tpu.memory_space<hbm>>
      tpu.wait_dma2 semaphore(%run_scoped3A_83 : memref<!tpu.dma_semaphore, #tpu.memory_space<semaphore_mem>>) src(%dma_wait3A_99 : memref<159x128xf32, #tpu.memory_space<hbm>>) dst(%arg9 : memref<159x128xf32, #tpu.memory_space<vmem>>)
      tpu.yield
    }) : () -> ()
    %barrier3A = arith.constant 0 : index
    tpu.barrier barrier_id(%barrier3A)
    %dma_start3A = arith.constant 0 : i32
    %dma_start3A_28 = arith.constant 0 : i32
    %dma_start3A_29 = arith.constant 0 : i32
    %dma_start3A_30 = arith.constant 0 : i32
    %dma_start3A_31 = tpu.memref_slice %arg10[%dma_start3A_28, %dma_start3A_29, %dma_start3A_30] : memref<3x128x64xf32, #tpu.memory_space<vmem>> -> memref<1x128x64xf32, #tpu.memory_space<vmem>>
    %dma_start3A_32 = tpu.memref_squeeze %dma_start3A_31 : memref<1x128x64xf32, #tpu.memory_space<vmem>> -> memref<128x64xf32, #tpu.memory_space<vmem>>
    %dma_start3A_33 = arith.constant 0 : i32
    %dma_start3A_34 = tpu.memref_slice %arg7[%dma_start3A, %dma_start3A_33] : memref<159x128xi32, #tpu.memory_space<vmem>> -> memref<1x128xi32, #tpu.memory_space<vmem>>
    %dma_start3A_35 = tpu.memref_squeeze %dma_start3A_34 : memref<1x128xi32, #tpu.memory_space<vmem>> -> memref<128xi32, #tpu.memory_space<vmem>>
    %dma_start3A_36 = arith.constant 0 : i32
    %dma_start3A_37 = arith.constant 0 : i32
    %dma_start3A_38 = tpu.memref_slice %arg2[%arg0, %dma_start3A_36, %dma_start3A_37] : memref<2x10000x64xf32, #tpu.memory_space<hbm>> -> memref<1x10000x64xf32, #tpu.memory_space<hbm>>
    %dma_start3A_39 = tpu.memref_squeeze %dma_start3A_38 : memref<1x10000x64xf32, #tpu.memory_space<hbm>> -> memref<10000x64xf32, #tpu.memory_space<hbm>>
    %dma_start3A_40 = arith.constant 0 : i32
    %dma_start3A_41 = arith.constant 0 : i32
    %dma_start3A_42 = tpu.memref_slice %dma_start3A_39[%dma_start3A_40, %dma_start3A_41] : memref<10000x64xf32, #tpu.memory_space<hbm>> -> memref<10000x64xf32, #tpu.memory_space<hbm>>
    tpu.enqueue_indirect_dma source(%dma_start3A_42 : memref<10000x64xf32, #tpu.memory_space<hbm>>) target(%dma_start3A_32 : memref<128x64xf32, #tpu.memory_space<vmem>>) offsets(%dma_start3A_35 : memref<128xi32, #tpu.memory_space<vmem>>) semaphore(%arg12 : memref<!tpu.dma_semaphore, #tpu.memory_space<semaphore_mem>>)
    %dma_start3A_43 = arith.constant 1 : i32
    %dma_start3A_44 = arith.constant 1 : i32
    %dma_start3A_45 = arith.constant 0 : i32
    %dma_start3A_46 = arith.constant 0 : i32
    %dma_start3A_47 = tpu.memref_slice %arg10[%dma_start3A_44, %dma_start3A_45, %dma_start3A_46] : memref<3x128x64xf32, #tpu.memory_space<vmem>> -> memref<1x128x64xf32, #tpu.memory_space<vmem>>
    %dma_start3A_48 = tpu.memref_squeeze %dma_start3A_47 : memref<1x128x64xf32, #tpu.memory_space<vmem>> -> memref<128x64xf32, #tpu.memory_space<vmem>>
    %dma_start3A_49 = arith.constant 0 : i32
    %dma_start3A_50 = tpu.memref_slice %arg7[%dma_start3A_43, %dma_start3A_49] : memref<159x128xi32, #tpu.memory_space<vmem>> -> memref<1x128xi32, #tpu.memory_space<vmem>>
    %dma_start3A_51 = tpu.memref_squeeze %dma_start3A_50 : memref<1x128xi32, #tpu.memory_space<vmem>> -> memref<128xi32, #tpu.memory_space<vmem>>
    %dma_start3A_52 = arith.constant 0 : i32
    %dma_start3A_53 = arith.constant 0 : i32
    %dma_start3A_54 = tpu.memref_slice %arg2[%arg0, %dma_start3A_52, %dma_start3A_53] : memref<2x10000x64xf32, #tpu.memory_space<hbm>> -> memref<1x10000x64xf32, #tpu.memory_space<hbm>>
    %dma_start3A_55 = tpu.memref_squeeze %dma_start3A_54 : memref<1x10000x64xf32, #tpu.memory_space<hbm>> -> memref<10000x64xf32, #tpu.memory_space<hbm>>
    %dma_start3A_56 = arith.constant 0 : i32
    %dma_start3A_57 = arith.constant 0 : i32
    %dma_start3A_58 = tpu.memref_slice %dma_start3A_55[%dma_start3A_56, %dma_start3A_57] : memref<10000x64xf32, #tpu.memory_space<hbm>> -> memref<10000x64xf32, #tpu.memory_space<hbm>>
    tpu.enqueue_indirect_dma source(%dma_start3A_58 : memref<10000x64xf32, #tpu.memory_space<hbm>>) target(%dma_start3A_48 : memref<128x64xf32, #tpu.memory_space<vmem>>) offsets(%dma_start3A_51 : memref<128xi32, #tpu.memory_space<vmem>>) semaphore(%arg13 : memref<!tpu.dma_semaphore, #tpu.memory_space<semaphore_mem>>)
    %scan3A_59 = arith.constant 0 : i32
    %scan3A_60 = arith.constant 0 : i32
    %scan3A_61 = arith.constant 53 : i32
    %scan3A_62 = arith.addi %scan3A_60, %scan3A_61 : i32
    %scan3A_63 = arith.constant 1 : i32
    scf.for %scan3A_83 = %scan3A_60 to %scan3A_62 step %scan3A_63  : i32 {
      %mul3A_84 = arith.constant 3 : i32
      %mul3A_85 = arith.muli %scan3A_83, %mul3A_84 : i32
      %add3A_86 = arith.constant 0 : i32
      %add3A_87 = arith.addi %mul3A_85, %add3A_86 : i32
      %dma_wait3A_88 = arith.constant 0 : i32
      %dma_wait3A_89 = arith.constant 0 : i32
      %dma_wait3A_90 = arith.constant 0 : i32
      %dma_wait3A_91 = tpu.memref_slice %arg10[%dma_wait3A_88, %dma_wait3A_89, %dma_wait3A_90] : memref<3x128x64xf32, #tpu.memory_space<vmem>> -> memref<1x128x64xf32, #tpu.memory_space<vmem>>
      %dma_wait3A_92 = tpu.memref_squeeze %dma_wait3A_91 : memref<1x128x64xf32, #tpu.memory_space<vmem>> -> memref<128x64xf32, #tpu.memory_space<vmem>>
      %dma_wait3A_93 = arith.constant 0 : i32
      %dma_wait3A_94 = tpu.memref_slice %arg7[%add3A_87, %dma_wait3A_93] : memref<159x128xi32, #tpu.memory_space<vmem>> -> memref<1x128xi32, #tpu.memory_space<vmem>>
      %dma_wait3A_95 = tpu.memref_squeeze %dma_wait3A_94 : memref<1x128xi32, #tpu.memory_space<vmem>> -> memref<128xi32, #tpu.memory_space<vmem>>
      %dma_wait3A_96 = arith.constant 0 : i32
      %dma_wait3A_97 = arith.constant 0 : i32
      %dma_wait3A_98 = tpu.memref_slice %arg2[%arg0, %dma_wait3A_96, %dma_wait3A_97] : memref<2x10000x64xf32, #tpu.memory_space<hbm>> -> memref<1x10000x64xf32, #tpu.memory_space<hbm>>
      %dma_wait3A_99 = tpu.memref_squeeze %dma_wait3A_98 : memref<1x10000x64xf32, #tpu.memory_space<hbm>> -> memref<10000x64xf32, #tpu.memory_space<hbm>>
      %dma_wait3A_100 = arith.constant 0 : i32
      %dma_wait3A_101 = arith.constant 0 : i32
      %dma_wait3A_102 = tpu.memref_slice %dma_wait3A_99[%dma_wait3A_100, %dma_wait3A_101] : memref<10000x64xf32, #tpu.memory_space<hbm>> -> memref<10000x64xf32, #tpu.memory_space<hbm>>
      tpu.wait_indirect_dma semaphore(%arg12 : memref<!tpu.dma_semaphore, #tpu.memory_space<semaphore_mem>>) src(%dma_wait3A_102 : memref<10000x64xf32, #tpu.memory_space<hbm>>) dst(%dma_wait3A_92 : memref<128x64xf32, #tpu.memory_space<vmem>>)
      %broadcast_in_dim3A_103 = vector.broadcast %add3A_87 : i32 to vector<16xi32>
      %parallel_loop3A = arith.constant 0 : i32
      %parallel_loop3A_104 = arith.constant 128 : i32
      %parallel_loop3A_105 = arith.constant 4 : i32
      scf.for %parallel_loop3A_230 = %parallel_loop3A to %parallel_loop3A_104 step %parallel_loop3A_105  : i32 {
        %parallel_loop3A_231 = vector.broadcast %parallel_loop3A_230 : i32 to vector<16xi32>
        %parallel_loop3A_232 = arith.constant 0 : i32
        %parallel_loop3A_233 = arith.addi %parallel_loop3A_230, %parallel_loop3A_232 : i32
        %parallel_loop3A_234 = arith.constant 0 : i32
        %parallel_loop3A_235 = vector.broadcast %parallel_loop3A_234 : i32 to vector<16xi32>
        %parallel_loop3A_236 = arith.addi %parallel_loop3A_231, %parallel_loop3A_235 : vector<16xi32>
        %parallel_loop3A_237 = tpu.vector_load_idx %arg9[%broadcast_in_dim3A_103, %parallel_loop3A_236] : memref<159x128xf32, #tpu.memory_space<vmem>>[vector<16xi32>, vector<16xi32>], vector<16xf32>,
        %parallel_loop3A_238 = arith.constant 0 : i32
        %parallel_loop3A_239 = arith.index_cast %parallel_loop3A_238 : i32 to index
        %parallel_loop3A_240 = arith.index_cast %parallel_loop3A_233 : i32 to index
        %parallel_loop3A_241 = arith.constant 0 : index
        %parallel_loop3A_242 = tpu.vector_load %arg10[%parallel_loop3A_239, %parallel_loop3A_240, %parallel_loop3A_241] {strides = array<i32>} : memref<3x128x64xf32, #tpu.memory_space<vmem>>, vector<16xf32>,
        %parallel_loop3A_243 = arith.mulf %parallel_loop3A_242, %parallel_loop3A_237 : vector<16xf32>
        %parallel_loop3A_244 = arith.constant 0 : i32
        %parallel_loop3A_245 = arith.index_cast %parallel_loop3A_244 : i32 to index
        %parallel_loop3A_246 = arith.index_cast %parallel_loop3A_233 : i32 to index
        %parallel_loop3A_247 = arith.constant 0 : index
        %parallel_loop3A_248 = tpu.vector_load %arg10[%parallel_loop3A_245, %parallel_loop3A_246, %parallel_loop3A_247] {strides = array<i32>} : memref<3x128x64xf32, #tpu.memory_space<vmem>>, vector<16xf32>,
        tpu.vector_store %arg10[%parallel_loop3A_245, %parallel_loop3A_246, %parallel_loop3A_247], %parallel_loop3A_243 {strides = array<i32>} : memref<3x128x64xf32, #tpu.memory_space<vmem>>, vector<16xf32>,
        %parallel_loop3A_249 = arith.constant 0 : i32
        %parallel_loop3A_250 = arith.index_cast %parallel_loop3A_249 : i32 to index
        %parallel_loop3A_251 = arith.index_cast %parallel_loop3A_233 : i32 to index
        %parallel_loop3A_252 = arith.constant 16 : index
        %parallel_loop3A_253 = tpu.vector_load %arg10[%parallel_loop3A_250, %parallel_loop3A_251, %parallel_loop3A_252] {strides = array<i32>} : memref<3x128x64xf32, #tpu.memory_space<vmem>>, vector<16xf32>,
        %parallel_loop3A_254 = arith.mulf %parallel_loop3A_253, %parallel_loop3A_237 : vector<16xf32>
        %parallel_loop3A_255 = arith.constant 0 : i32
        %parallel_loop3A_256 = arith.index_cast %parallel_loop3A_255 : i32 to index
        %parallel_loop3A_257 = arith.index_cast %parallel_loop3A_233 : i32 to index
        %parallel_loop3A_258 = arith.constant 16 : index
        %parallel_loop3A_259 = tpu.vector_load %arg10[%parallel_loop3A_256, %parallel_loop3A_257, %parallel_loop3A_258] {strides = array<i32>} : memref<3x128x64xf32, #tpu.memory_space<vmem>>, vector<16xf32>,
        tpu.vector_store %arg10[%parallel_loop3A_256, %parallel_loop3A_257, %parallel_loop3A_258], %parallel_loop3A_254 {strides = array<i32>} : memref<3x128x64xf32, #tpu.memory_space<vmem>>, vector<16xf32>,
        %parallel_loop3A_260 = arith.constant 0 : i32
        %parallel_loop3A_261 = arith.index_cast %parallel_loop3A_260 : i32 to index
        %parallel_loop3A_262 = arith.index_cast %parallel_loop3A_233 : i32 to index
        %parallel_loop3A_263 = arith.constant 32 : index
        %parallel_loop3A_264 = tpu.vector_load %arg10[%parallel_loop3A_261, %parallel_loop3A_262, %parallel_loop3A_263] {strides = array<i32>} : memref<3x128x64xf32, #tpu.memory_space<vmem>>, vector<16xf32>,
        %parallel_loop3A_265 = arith.mulf %parallel_loop3A_264, %parallel_loop3A_237 : vector<16xf32>
        %parallel_loop3A_266 = arith.constant 0 : i32
        %parallel_loop3A_267 = arith.index_cast %parallel_loop3A_266 : i32 to index
        %parallel_loop3A_268 = arith.index_cast %parallel_loop3A_233 : i32 to index
        %parallel_loop3A_269 = arith.constant 32 : index
        %parallel_loop3A_270 = tpu.vector_load %arg10[%parallel_loop3A_267, %parallel_loop3A_268, %parallel_loop3A_269] {strides = array<i32>} : memref<3x128x64xf32, #tpu.memory_space<vmem>>, vector<16xf32>,
        tpu.vector_store %arg10[%parallel_loop3A_267, %parallel_loop3A_268, %parallel_loop3A_269], %parallel_loop3A_265 {strides = array<i32>} : memref<3x128x64xf32, #tpu.memory_space<vmem>>, vector<16xf32>,
        %parallel_loop3A_271 = arith.constant 0 : i32
        %parallel_loop3A_272 = arith.index_cast %parallel_loop3A_271 : i32 to index
        %parallel_loop3A_273 = arith.index_cast %parallel_loop3A_233 : i32 to index
        %parallel_loop3A_274 = arith.constant 48 : index
        %parallel_loop3A_275 = tpu.vector_load %arg10[%parallel_loop3A_272, %parallel_loop3A_273, %parallel_loop3A_274] {strides = array<i32>} : memref<3x128x64xf32, #tpu.memory_space<vmem>>, vector<16xf32>,
        %parallel_loop3A_276 = arith.mulf %parallel_loop3A_275, %parallel_loop3A_237 : vector<16xf32>
        %parallel_loop3A_277 = arith.constant 0 : i32
        %parallel_loop3A_278 = arith.index_cast %parallel_loop3A_277 : i32 to index
        %parallel_loop3A_279 = arith.index_cast %parallel_loop3A_233 : i32 to index
        %parallel_loop3A_280 = arith.constant 48 : index
        %parallel_loop3A_281 = tpu.vector_load %arg10[%parallel_loop3A_278, %parallel_loop3A_279, %parallel_loop3A_280] {strides = array<i32>} : memref<3x128x64xf32, #tpu.memory_space<vmem>>, vector<16xf32>,
        tpu.vector_store %arg10[%parallel_loop3A_278, %parallel_loop3A_279, %parallel_loop3A_280], %parallel_loop3A_276 {strides = array<i32>} : memref<3x128x64xf32, #tpu.memory_space<vmem>>, vector<16xf32>,
        %parallel_loop3A_282 = arith.constant 1 : i32
        %parallel_loop3A_283 = arith.addi %parallel_loop3A_230, %parallel_loop3A_282 : i32
        %parallel_loop3A_284 = arith.constant 1 : i32
        %parallel_loop3A_285 = vector.broadcast %parallel_loop3A_284 : i32 to vector<16xi32>
        %parallel_loop3A_286 = arith.addi %parallel_loop3A_231, %parallel_loop3A_285 : vector<16xi32>
        %parallel_loop3A_287 = tpu.vector_load_idx %arg9[%broadcast_in_dim3A_103, %parallel_loop3A_286] : memref<159x128xf32, #tpu.memory_space<vmem>>[vector<16xi32>, vector<16xi32>], vector<16xf32>,
        %parallel_loop3A_288 = arith.constant 0 : i32
        %parallel_loop3A_289 = arith.index_cast %parallel_loop3A_288 : i32 to index
        %parallel_loop3A_290 = arith.index_cast %parallel_loop3A_283 : i32 to index
        %parallel_loop3A_291 = arith.constant 0 : index
        %parallel_loop3A_292 = tpu.vector_load %arg10[%parallel_loop3A_289, %parallel_loop3A_290, %parallel_loop3A_291] {strides = array<i32>} : memref<3x128x64xf32, #tpu.memory_space<vmem>>, vector<16xf32>,
        %parallel_loop3A_293 = arith.mulf %parallel_loop3A_292, %parallel_loop3A_287 : vector<16xf32>
        %parallel_loop3A_294 = arith.constant 0 : i32
        %parallel_loop3A_295 = arith.index_cast %parallel_loop3A_294 : i32 to index
        %parallel_loop3A_296 = arith.index_cast %parallel_loop3A_283 : i32 to index
        %parallel_loop3A_297 = arith.constant 0 : index
        %parallel_loop3A_298 = tpu.vector_load %arg10[%parallel_loop3A_295, %parallel_loop3A_296, %parallel_loop3A_297] {strides = array<i32>} : memref<3x128x64xf32, #tpu.memory_space<vmem>>, vector<16xf32>,
        tpu.vector_store %arg10[%parallel_loop3A_295, %parallel_loop3A_296, %parallel_loop3A_297], %parallel_loop3A_293 {strides = array<i32>} : memref<3x128x64xf32, #tpu.memory_space<vmem>>, vector<16xf32>,
        %parallel_loop3A_299 = arith.constant 0 : i32
        %parallel_loop3A_300 = arith.index_cast %parallel_loop3A_299 : i32 to index
        %parallel_loop3A_301 = arith.index_cast %parallel_loop3A_283 : i32 to index
        %parallel_loop3A_302 = arith.constant 16 : index
        %parallel_loop3A_303 = tpu.vector_load %arg10[%parallel_loop3A_300, %parallel_loop3A_301, %parallel_loop3A_302] {strides = array<i32>} : memref<3x128x64xf32, #tpu.memory_space<vmem>>, vector<16xf32>,
        %parallel_loop3A_304 = arith.mulf %parallel_loop3A_303, %parallel_loop3A_287 : vector<16xf32>
        %parallel_loop3A_305 = arith.constant 0 : i32
        %parallel_loop3A_306 = arith.index_cast %parallel_loop3A_305 : i32 to index
        %parallel_loop3A_307 = arith.index_cast %parallel_loop3A_283 : i32 to index
        %parallel_loop3A_308 = arith.constant 16 : index
        %parallel_loop3A_309 = tpu.vector_load %arg10[%parallel_loop3A_306, %parallel_loop3A_307, %parallel_loop3A_308] {strides = array<i32>} : memref<3x128x64xf32, #tpu.memory_space<vmem>>, vector<16xf32>,
        tpu.vector_store %arg10[%parallel_loop3A_306, %parallel_loop3A_307, %parallel_loop3A_308], %parallel_loop3A_304 {strides = array<i32>} : memref<3x128x64xf32, #tpu.memory_space<vmem>>, vector<16xf32>,
        %parallel_loop3A_310 = arith.constant 0 : i32
        %parallel_loop3A_311 = arith.index_cast %parallel_loop3A_310 : i32 to index
        %parallel_loop3A_312 = arith.index_cast %parallel_loop3A_283 : i32 to index
        %parallel_loop3A_313 = arith.constant 32 : index
        %parallel_loop3A_314 = tpu.vector_load %arg10[%parallel_loop3A_311, %parallel_loop3A_312, %parallel_loop3A_313] {strides = array<i32>} : memref<3x128x64xf32, #tpu.memory_space<vmem>>, vector<16xf32>,
        %parallel_loop3A_315 = arith.mulf %parallel_loop3A_314, %parallel_loop3A_287 : vector<16xf32>
        %parallel_loop3A_316 = arith.constant 0 : i32
        %parallel_loop3A_317 = arith.index_cast %parallel_loop3A_316 : i32 to index
        %parallel_loop3A_318 = arith.index_cast %parallel_loop3A_283 : i32 to index
        %parallel_loop3A_319 = arith.constant 32 : index
        %parallel_loop3A_320 = tpu.vector_load %arg10[%parallel_loop3A_317, %parallel_loop3A_318, %parallel_loop3A_319] {strides = array<i32>} : memref<3x128x64xf32, #tpu.memory_space<vmem>>, vector<16xf32>,
        tpu.vector_store %arg10[%parallel_loop3A_317, %parallel_loop3A_318, %parallel_loop3A_319], %parallel_loop3A_315 {strides = array<i32>} : memref<3x128x64xf32, #tpu.memory_space<vmem>>, vector<16xf32>,
        %parallel_loop3A_321 = arith.constant 0 : i32
        %parallel_loop3A_322 = arith.index_cast %parallel_loop3A_321 : i32 to index
        %parallel_loop3A_323 = arith.index_cast %parallel_loop3A_283 : i32 to index
        %parallel_loop3A_324 = arith.constant 48 : index
        %parallel_loop3A_325 = tpu.vector_load %arg10[%parallel_loop3A_322, %parallel_loop3A_323, %parallel_loop3A_324] {strides = array<i32>} : memref<3x128x64xf32, #tpu.memory_space<vmem>>, vector<16xf32>,
        %parallel_loop3A_326 = arith.mulf %parallel_loop3A_325, %parallel_loop3A_287 : vector<16xf32>
        %parallel_loop3A_327 = arith.constant 0 : i32
        %parallel_loop3A_328 = arith.index_cast %parallel_loop3A_327 : i32 to index
        %parallel_loop3A_329 = arith.index_cast %parallel_loop3A_283 : i32 to index
        %parallel_loop3A_330 = arith.constant 48 : index
        %parallel_loop3A_331 = tpu.vector_load %arg10[%parallel_loop3A_328, %parallel_loop3A_329, %parallel_loop3A_330] {strides = array<i32>} : memref<3x128x64xf32, #tpu.memory_space<vmem>>, vector<16xf32>,
        tpu.vector_store %arg10[%parallel_loop3A_328, %parallel_loop3A_329, %parallel_loop3A_330], %parallel_loop3A_326 {strides = array<i32>} : memref<3x128x64xf32, #tpu.memory_space<vmem>>, vector<16xf32>,
        %parallel_loop3A_332 = arith.constant 2 : i32
        %parallel_loop3A_333 = arith.addi %parallel_loop3A_230, %parallel_loop3A_332 : i32
        %parallel_loop3A_334 = arith.constant 2 : i32
        %parallel_loop3A_335 = vector.broadcast %parallel_loop3A_334 : i32 to vector<16xi32>
        %parallel_loop3A_336 = arith.addi %parallel_loop3A_231, %parallel_loop3A_335 : vector<16xi32>
        %parallel_loop3A_337 = tpu.vector_load_idx %arg9[%broadcast_in_dim3A_103, %parallel_loop3A_336] : memref<159x128xf32, #tpu.memory_space<vmem>>[vector<16xi32>, vector<16xi32>], vector<16xf32>,
        %parallel_loop3A_338 = arith.constant 0 : i32
        %parallel_loop3A_339 = arith.index_cast %parallel_loop3A_338 : i32 to index
        %parallel_loop3A_340 = arith.index_cast %parallel_loop3A_333 : i32 to index
        %parallel_loop3A_341 = arith.constant 0 : index
        %parallel_loop3A_342 = tpu.vector_load %arg10[%parallel_loop3A_339, %parallel_loop3A_340, %parallel_loop3A_341] {strides = array<i32>} : memref<3x128x64xf32, #tpu.memory_space<vmem>>, vector<16xf32>,
        %parallel_loop3A_343 = arith.mulf %parallel_loop3A_342, %parallel_loop3A_337 : vector<16xf32>
        %parallel_loop3A_344 = arith.constant 0 : i32
        %parallel_loop3A_345 = arith.index_cast %parallel_loop3A_344 : i32 to index
        %parallel_loop3A_346 = arith.index_cast %parallel_loop3A_333 : i32 to index
        %parallel_loop3A_347 = arith.constant 0 : index
        %parallel_loop3A_348 = tpu.vector_load %arg10[%parallel_loop3A_345, %parallel_loop3A_346, %parallel_loop3A_347] {strides = array<i32>} : memref<3x128x64xf32, #tpu.memory_space<vmem>>, vector<16xf32>,
        tpu.vector_store %arg10[%parallel_loop3A_345, %parallel_loop3A_346, %parallel_loop3A_347], %parallel_loop3A_343 {strides = array<i32>} : memref<3x128x64xf32, #tpu.memory_space<vmem>>, vector<16xf32>,
        %parallel_loop3A_349 = arith.constant 0 : i32
        %parallel_loop3A_350 = arith.index_cast %parallel_loop3A_349 : i32 to index
        %parallel_loop3A_351 = arith.index_cast %parallel_loop3A_333 : i32 to index
        %parallel_loop3A_352 = arith.constant 16 : index
        %parallel_loop3A_353 = tpu.vector_load %arg10[%parallel_loop3A_350, %parallel_loop3A_351, %parallel_loop3A_352] {strides = array<i32>} : memref<3x128x64xf32, #tpu.memory_space<vmem>>, vector<16xf32>,
        %parallel_loop3A_354 = arith.mulf %parallel_loop3A_353, %parallel_loop3A_337 : vector<16xf32>
        %parallel_loop3A_355 = arith.constant 0 : i32
        %parallel_loop3A_356 = arith.index_cast %parallel_loop3A_355 : i32 to index
        %parallel_loop3A_357 = arith.index_cast %parallel_loop3A_333 : i32 to index
        %parallel_loop3A_358 = arith.constant 16 : index
        %parallel_loop3A_359 = tpu.vector_load %arg10[%parallel_loop3A_356, %parallel_loop3A_357, %parallel_loop3A_358] {strides = array<i32>} : memref<3x128x64xf32, #tpu.memory_space<vmem>>, vector<16xf32>,
        tpu.vector_store %arg10[%parallel_loop3A_356, %parallel_loop3A_357, %parallel_loop3A_358], %parallel_loop3A_354 {strides = array<i32>} : memref<3x128x64xf32, #tpu.memory_space<vmem>>, vector<16xf32>,
        %parallel_loop3A_360 = arith.constant 0 : i32
        %parallel_loop3A_361 = arith.index_cast %parallel_loop3A_360 : i32 to index
        %parallel_loop3A_362 = arith.index_cast %parallel_loop3A_333 : i32 to index
        %parallel_loop3A_363 = arith.constant 32 : index
        %parallel_loop3A_364 = tpu.vector_load %arg10[%parallel_loop3A_361, %parallel_loop3A_362, %parallel_loop3A_363] {strides = array<i32>} : memref<3x128x64xf32, #tpu.memory_space<vmem>>, vector<16xf32>,
        %parallel_loop3A_365 = arith.mulf %parallel_loop3A_364, %parallel_loop3A_337 : vector<16xf32>
        %parallel_loop3A_366 = arith.constant 0 : i32
        %parallel_loop3A_367 = arith.index_cast %parallel_loop3A_366 : i32 to index
        %parallel_loop3A_368 = arith.index_cast %parallel_loop3A_333 : i32 to index
        %parallel_loop3A_369 = arith.constant 32 : index
        %parallel_loop3A_370 = tpu.vector_load %arg10[%parallel_loop3A_367, %parallel_loop3A_368, %parallel_loop3A_369] {strides = array<i32>} : memref<3x128x64xf32, #tpu.memory_space<vmem>>, vector<16xf32>,
        tpu.vector_store %arg10[%parallel_loop3A_367, %parallel_loop3A_368, %parallel_loop3A_369], %parallel_loop3A_365 {strides = array<i32>} : memref<3x128x64xf32, #tpu.memory_space<vmem>>, vector<16xf32>,
        %parallel_loop3A_371 = arith.constant 0 : i32
        %parallel_loop3A_372 = arith.index_cast %parallel_loop3A_371 : i32 to index
        %parallel_loop3A_373 = arith.index_cast %parallel_loop3A_333 : i32 to index
        %parallel_loop3A_374 = arith.constant 48 : index
        %parallel_loop3A_375 = tpu.vector_load %arg10[%parallel_loop3A_372, %parallel_loop3A_373, %parallel_loop3A_374] {strides = array<i32>} : memref<3x128x64xf32, #tpu.memory_space<vmem>>, vector<16xf32>,
        %parallel_loop3A_376 = arith.mulf %parallel_loop3A_375, %parallel_loop3A_337 : vector<16xf32>
        %parallel_loop3A_377 = arith.constant 0 : i32
        %parallel_loop3A_378 = arith.index_cast %parallel_loop3A_377 : i32 to index
        %parallel_loop3A_379 = arith.index_cast %parallel_loop3A_333 : i32 to index
        %parallel_loop3A_380 = arith.constant 48 : index
        %parallel_loop3A_381 = tpu.vector_load %arg10[%parallel_loop3A_378, %parallel_loop3A_379, %parallel_loop3A_380] {strides = array<i32>} : memref<3x128x64xf32, #tpu.memory_space<vmem>>, vector<16xf32>,
        tpu.vector_store %arg10[%parallel_loop3A_378, %parallel_loop3A_379, %parallel_loop3A_380], %parallel_loop3A_376 {strides = array<i32>} : memref<3x128x64xf32, #tpu.memory_space<vmem>>, vector<16xf32>,
        %parallel_loop3A_382 = arith.constant 3 : i32
        %parallel_loop3A_383 = arith.addi %parallel_loop3A_230, %parallel_loop3A_382 : i32
        %parallel_loop3A_384 = arith.constant 3 : i32
        %parallel_loop3A_385 = vector.broadcast %parallel_loop3A_384 : i32 to vector<16xi32>
        %parallel_loop3A_386 = arith.addi %parallel_loop3A_231, %parallel_loop3A_385 : vector<16xi32>
        %parallel_loop3A_387 = tpu.vector_load_idx %arg9[%broadcast_in_dim3A_103, %parallel_loop3A_386] : memref<159x128xf32, #tpu.memory_space<vmem>>[vector<16xi32>, vector<16xi32>], vector<16xf32>,
        %parallel_loop3A_388 = arith.constant 0 : i32
        %parallel_loop3A_389 = arith.index_cast %parallel_loop3A_388 : i32 to index
        %parallel_loop3A_390 = arith.index_cast %parallel_loop3A_383 : i32 to index
        %parallel_loop3A_391 = arith.constant 0 : index
        %parallel_loop3A_392 = tpu.vector_load %arg10[%parallel_loop3A_389, %parallel_loop3A_390, %parallel_loop3A_391] {strides = array<i32>} : memref<3x128x64xf32, #tpu.memory_space<vmem>>, vector<16xf32>,
        %parallel_loop3A_393 = arith.mulf %parallel_loop3A_392, %parallel_loop3A_387 : vector<16xf32>
        %parallel_loop3A_394 = arith.constant 0 : i32
        %parallel_loop3A_395 = arith.index_cast %parallel_loop3A_394 : i32 to index
        %parallel_loop3A_396 = arith.index_cast %parallel_loop3A_383 : i32 to index
        %parallel_loop3A_397 = arith.constant 0 : index
        %parallel_loop3A_398 = tpu.vector_load %arg10[%parallel_loop3A_395, %parallel_loop3A_396, %parallel_loop3A_397] {strides = array<i32>} : memref<3x128x64xf32, #tpu.memory_space<vmem>>, vector<16xf32>,
        tpu.vector_store %arg10[%parallel_loop3A_395, %parallel_loop3A_396, %parallel_loop3A_397], %parallel_loop3A_393 {strides = array<i32>} : memref<3x128x64xf32, #tpu.memory_space<vmem>>, vector<16xf32>,
        %parallel_loop3A_399 = arith.constant 0 : i32
        %parallel_loop3A_400 = arith.index_cast %parallel_loop3A_399 : i32 to index
        %parallel_loop3A_401 = arith.index_cast %parallel_loop3A_383 : i32 to index
        %parallel_loop3A_402 = arith.constant 16 : index
        %parallel_loop3A_403 = tpu.vector_load %arg10[%parallel_loop3A_400, %parallel_loop3A_401, %parallel_loop3A_402] {strides = array<i32>} : memref<3x128x64xf32, #tpu.memory_space<vmem>>, vector<16xf32>,
        %parallel_loop3A_404 = arith.mulf %parallel_loop3A_403, %parallel_loop3A_387 : vector<16xf32>
        %parallel_loop3A_405 = arith.constant 0 : i32
        %parallel_loop3A_406 = arith.index_cast %parallel_loop3A_405 : i32 to index
        %parallel_loop3A_407 = arith.index_cast %parallel_loop3A_383 : i32 to index
        %parallel_loop3A_408 = arith.constant 16 : index
        %parallel_loop3A_409 = tpu.vector_load %arg10[%parallel_loop3A_406, %parallel_loop3A_407, %parallel_loop3A_408] {strides = array<i32>} : memref<3x128x64xf32, #tpu.memory_space<vmem>>, vector<16xf32>,
        tpu.vector_store %arg10[%parallel_loop3A_406, %parallel_loop3A_407, %parallel_loop3A_408], %parallel_loop3A_404 {strides = array<i32>} : memref<3x128x64xf32, #tpu.memory_space<vmem>>, vector<16xf32>,
        %parallel_loop3A_410 = arith.constant 0 : i32
        %parallel_loop3A_411 = arith.index_cast %parallel_loop3A_410 : i32 to index
        %parallel_loop3A_412 = arith.index_cast %parallel_loop3A_383 : i32 to index
        %parallel_loop3A_413 = arith.constant 32 : index
        %parallel_loop3A_414 = tpu.vector_load %arg10[%parallel_loop3A_411, %parallel_loop3A_412, %parallel_loop3A_413] {strides = array<i32>} : memref<3x128x64xf32, #tpu.memory_space<vmem>>, vector<16xf32>,
        %parallel_loop3A_415 = arith.mulf %parallel_loop3A_414, %parallel_loop3A_387 : vector<16xf32>
        %parallel_loop3A_416 = arith.constant 0 : i32
        %parallel_loop3A_417 = arith.index_cast %parallel_loop3A_416 : i32 to index
        %parallel_loop3A_418 = arith.index_cast %parallel_loop3A_383 : i32 to index
        %parallel_loop3A_419 = arith.constant 32 : index
        %parallel_loop3A_420 = tpu.vector_load %arg10[%parallel_loop3A_417, %parallel_loop3A_418, %parallel_loop3A_419] {strides = array<i32>} : memref<3x128x64xf32, #tpu.memory_space<vmem>>, vector<16xf32>,
        tpu.vector_store %arg10[%parallel_loop3A_417, %parallel_loop3A_418, %parallel_loop3A_419], %parallel_loop3A_415 {strides = array<i32>} : memref<3x128x64xf32, #tpu.memory_space<vmem>>, vector<16xf32>,
        %parallel_loop3A_421 = arith.constant 0 : i32
        %parallel_loop3A_422 = arith.index_cast %parallel_loop3A_421 : i32 to index
        %parallel_loop3A_423 = arith.index_cast %parallel_loop3A_383 : i32 to index
        %parallel_loop3A_424 = arith.constant 48 : index
        %parallel_loop3A_425 = tpu.vector_load %arg10[%parallel_loop3A_422, %parallel_loop3A_423, %parallel_loop3A_424] {strides = array<i32>} : memref<3x128x64xf32, #tpu.memory_space<vmem>>, vector<16xf32>,
        %parallel_loop3A_426 = arith.mulf %parallel_loop3A_425, %parallel_loop3A_387 : vector<16xf32>
        %parallel_loop3A_427 = arith.constant 0 : i32
        %parallel_loop3A_428 = arith.index_cast %parallel_loop3A_427 : i32 to index
        %parallel_loop3A_429 = arith.index_cast %parallel_loop3A_383 : i32 to index
        %parallel_loop3A_430 = arith.constant 48 : index
        %parallel_loop3A_431 = tpu.vector_load %arg10[%parallel_loop3A_428, %parallel_loop3A_429, %parallel_loop3A_430] {strides = array<i32>} : memref<3x128x64xf32, #tpu.memory_space<vmem>>, vector<16xf32>,
        tpu.vector_store %arg10[%parallel_loop3A_428, %parallel_loop3A_429, %parallel_loop3A_430], %parallel_loop3A_426 {strides = array<i32>} : memref<3x128x64xf32, #tpu.memory_space<vmem>>, vector<16xf32>,
      } {sc.loop_unroll_factor = 2 : i64, sc.parallel_access}
      %gt3A = arith.constant 0 : i32
      %gt3A_106 = arith.cmpi sgt, %mul3A_85, %gt3A : i32
      %convert_element_type3A_107 = arith.extui %gt3A_106 : i1 to i32
      %cond3A_108 = arith.constant 0 : i32
      %cond3A_109 = arith.cmpi ne, %convert_element_type3A_107, %cond3A_108 : i32
      scf.if %cond3A_109 {
        %sub3A_230 = arith.constant 1 : i32
        %sub3A_231 = arith.subi %mul3A_85, %sub3A_230 : i32
        %dma_wait3A_232 = arith.constant 2 : i32
        %dma_wait3A_233 = arith.constant 0 : i32
        %dma_wait3A_234 = arith.constant 0 : i32
        %dma_wait3A_235 = tpu.memref_slice %arg10[%dma_wait3A_232, %dma_wait3A_233, %dma_wait3A_234] : memref<3x128x64xf32, #tpu.memory_space<vmem>> -> memref<1x128x64xf32, #tpu.memory_space<vmem>>
        %dma_wait3A_236 = tpu.memref_squeeze %dma_wait3A_235 : memref<1x128x64xf32, #tpu.memory_space<vmem>> -> memref<128x64xf32, #tpu.memory_space<vmem>>
        %dma_wait3A_237 = arith.constant 0 : i32
        %dma_wait3A_238 = tpu.memref_slice %arg8[%sub3A_231, %dma_wait3A_237] : memref<159x128xi32, #tpu.memory_space<vmem>> -> memref<1x128xi32, #tpu.memory_space<vmem>>
        %dma_wait3A_239 = tpu.memref_squeeze %dma_wait3A_238 : memref<1x128xi32, #tpu.memory_space<vmem>> -> memref<128xi32, #tpu.memory_space<vmem>>
        %dma_wait3A_240 = arith.constant 0 : i32
        %dma_wait3A_241 = arith.constant 0 : i32
        %dma_wait3A_242 = tpu.memref_slice %arg11[%dma_wait3A_240, %dma_wait3A_241] : memref<10000x64xf32, #tpu.memory_space<vmem_shared>> -> memref<10000x64xf32, #tpu.memory_space<vmem_shared>>
        tpu.wait_indirect_dma semaphore(%arg17 : memref<!tpu.dma_semaphore, #tpu.memory_space<semaphore_mem>>) src(%dma_wait3A_236 : memref<128x64xf32, #tpu.memory_space<vmem>>) dst(%dma_wait3A_242 : memref<10000x64xf32, #tpu.memory_space<vmem_shared>>)
      } else {
      }
      %add3A_110 = arith.constant 2 : i32
      %add3A_111 = arith.addi %add3A_87, %add3A_110 : i32
      %lt3A = arith.constant 159 : i32
      %lt3A_112 = arith.cmpi slt, %add3A_111, %lt3A : i32
      %convert_element_type3A_113 = arith.extui %lt3A_112 : i1 to i32
      %cond3A_114 = arith.constant 0 : i32
      %cond3A_115 = arith.cmpi ne, %convert_element_type3A_113, %cond3A_114 : i32
      scf.if %cond3A_115 {
        %add3A_230 = arith.constant 2 : i32
        %add3A_231 = arith.addi %add3A_87, %add3A_230 : i32
        %dma_start3A_232 = arith.constant 2 : i32
        %dma_start3A_233 = arith.constant 0 : i32
        %dma_start3A_234 = arith.constant 0 : i32
        %dma_start3A_235 = tpu.memref_slice %arg10[%dma_start3A_232, %dma_start3A_233, %dma_start3A_234] : memref<3x128x64xf32, #tpu.memory_space<vmem>> -> memref<1x128x64xf32, #tpu.memory_space<vmem>>
        %dma_start3A_236 = tpu.memref_squeeze %dma_start3A_235 : memref<1x128x64xf32, #tpu.memory_space<vmem>> -> memref<128x64xf32, #tpu.memory_space<vmem>>
        %dma_start3A_237 = arith.constant 0 : i32
        %dma_start3A_238 = tpu.memref_slice %arg7[%add3A_231, %dma_start3A_237] : memref<159x128xi32, #tpu.memory_space<vmem>> -> memref<1x128xi32, #tpu.memory_space<vmem>>
        %dma_start3A_239 = tpu.memref_squeeze %dma_start3A_238 : memref<1x128xi32, #tpu.memory_space<vmem>> -> memref<128xi32, #tpu.memory_space<vmem>>
        %dma_start3A_240 = arith.constant 0 : i32
        %dma_start3A_241 = arith.constant 0 : i32
        %dma_start3A_242 = tpu.memref_slice %arg2[%arg0, %dma_start3A_240, %dma_start3A_241] : memref<2x10000x64xf32, #tpu.memory_space<hbm>> -> memref<1x10000x64xf32, #tpu.memory_space<hbm>>
        %dma_start3A_243 = tpu.memref_squeeze %dma_start3A_242 : memref<1x10000x64xf32, #tpu.memory_space<hbm>> -> memref<10000x64xf32, #tpu.memory_space<hbm>>
        %dma_start3A_244 = arith.constant 0 : i32
        %dma_start3A_245 = arith.constant 0 : i32
        %dma_start3A_246 = tpu.memref_slice %dma_start3A_243[%dma_start3A_244, %dma_start3A_245] : memref<10000x64xf32, #tpu.memory_space<hbm>> -> memref<10000x64xf32, #tpu.memory_space<hbm>>
        tpu.enqueue_indirect_dma source(%dma_start3A_246 : memref<10000x64xf32, #tpu.memory_space<hbm>>) target(%dma_start3A_236 : memref<128x64xf32, #tpu.memory_space<vmem>>) offsets(%dma_start3A_239 : memref<128xi32, #tpu.memory_space<vmem>>) semaphore(%arg14 : memref<!tpu.dma_semaphore, #tpu.memory_space<semaphore_mem>>)
      } else {
      }
      %dma_start3A_116 = arith.constant 0 : i32
      %dma_start3A_117 = arith.constant 0 : i32
      %dma_start3A_118 = arith.constant 0 : i32
      %dma_start3A_119 = tpu.memref_slice %arg10[%dma_start3A_116, %dma_start3A_117, %dma_start3A_118] : memref<3x128x64xf32, #tpu.memory_space<vmem>> -> memref<1x128x64xf32, #tpu.memory_space<vmem>>
      %dma_start3A_120 = tpu.memref_squeeze %dma_start3A_119 : memref<1x128x64xf32, #tpu.memory_space<vmem>> -> memref<128x64xf32, #tpu.memory_space<vmem>>
      %dma_start3A_121 = arith.constant 0 : i32
      %dma_start3A_122 = tpu.memref_slice %arg8[%add3A_87, %dma_start3A_121] : memref<159x128xi32, #tpu.memory_space<vmem>> -> memref<1x128xi32, #tpu.memory_space<vmem>>
      %dma_start3A_123 = tpu.memref_squeeze %dma_start3A_122 : memref<1x128xi32, #tpu.memory_space<vmem>> -> memref<128xi32, #tpu.memory_space<vmem>>
      %dma_start3A_124 = arith.constant 0 : i32
      %dma_start3A_125 = arith.constant 0 : i32
      %dma_start3A_126 = tpu.memref_slice %arg11[%dma_start3A_124, %dma_start3A_125] : memref<10000x64xf32, #tpu.memory_space<vmem_shared>> -> memref<10000x64xf32, #tpu.memory_space<vmem_shared>>
      tpu.enqueue_indirect_dma source(%dma_start3A_120 : memref<128x64xf32, #tpu.memory_space<vmem>>) target(%dma_start3A_126 : memref<10000x64xf32, #tpu.memory_space<vmem_shared>>) offsets(%dma_start3A_123 : memref<128xi32, #tpu.memory_space<vmem>>) semaphore(%arg15 : memref<!tpu.dma_semaphore, #tpu.memory_space<semaphore_mem>>) {add = true}
      %add3A_127 = arith.constant 1 : i32
      %add3A_128 = arith.addi %mul3A_85, %add3A_127 : i32
      %dma_wait3A_129 = arith.constant 1 : i32
      %dma_wait3A_130 = arith.constant 0 : i32
      %dma_wait3A_131 = arith.constant 0 : i32
      %dma_wait3A_132 = tpu.memref_slice %arg10[%dma_wait3A_129, %dma_wait3A_130, %dma_wait3A_131] : memref<3x128x64xf32, #tpu.memory_space<vmem>> -> memref<1x128x64xf32, #tpu.memory_space<vmem>>
      %dma_wait3A_133 = tpu.memref_squeeze %dma_wait3A_132 : memref<1x128x64xf32, #tpu.memory_space<vmem>> -> memref<128x64xf32, #tpu.memory_space<vmem>>
      %dma_wait3A_134 = arith.constant 0 : i32
      %dma_wait3A_135 = tpu.memref_slice %arg7[%add3A_128, %dma_wait3A_134] : memref<159x128xi32, #tpu.memory_space<vmem>> -> memref<1x128xi32, #tpu.memory_space<vmem>>
      %dma_wait3A_136 = tpu.memref_squeeze %dma_wait3A_135 : memref<1x128xi32, #tpu.memory_space<vmem>> -> memref<128xi32, #tpu.memory_space<vmem>>
      %dma_wait3A_137 = arith.constant 0 : i32
      %dma_wait3A_138 = arith.constant 0 : i32
      %dma_wait3A_139 = tpu.memref_slice %arg2[%arg0, %dma_wait3A_137, %dma_wait3A_138] : memref<2x10000x64xf32, #tpu.memory_space<hbm>> -> memref<1x10000x64xf32, #tpu.memory_space<hbm>>
      %dma_wait3A_140 = tpu.memref_squeeze %dma_wait3A_139 : memref<1x10000x64xf32, #tpu.memory_space<hbm>> -> memref<10000x64xf32, #tpu.memory_space<hbm>>
      %dma_wait3A_141 = arith.constant 0 : i32
      %dma_wait3A_142 = arith.constant 0 : i32
      %dma_wait3A_143 = tpu.memref_slice %dma_wait3A_140[%dma_wait3A_141, %dma_wait3A_142] : memref<10000x64xf32, #tpu.memory_space<hbm>> -> memref<10000x64xf32, #tpu.memory_space<hbm>>
      tpu.wait_indirect_dma semaphore(%arg13 : memref<!tpu.dma_semaphore, #tpu.memory_space<semaphore_mem>>) src(%dma_wait3A_143 : memref<10000x64xf32, #tpu.memory_space<hbm>>) dst(%dma_wait3A_133 : memref<128x64xf32, #tpu.memory_space<vmem>>)
      %broadcast_in_dim3A_144 = vector.broadcast %add3A_128 : i32 to vector<16xi32>
      %parallel_loop3A_145 = arith.constant 0 : i32
      %parallel_loop3A_146 = arith.constant 128 : i32
      %parallel_loop3A_147 = arith.constant 4 : i32
      scf.for %parallel_loop3A_230 = %parallel_loop3A_145 to %parallel_loop3A_146 step %parallel_loop3A_147  : i32 {
        %parallel_loop3A_231 = vector.broadcast %parallel_loop3A_230 : i32 to vector<16xi32>
        %parallel_loop3A_232 = arith.constant 0 : i32
        %parallel_loop3A_233 = arith.addi %parallel_loop3A_230, %parallel_loop3A_232 : i32
        %parallel_loop3A_234 = arith.constant 0 : i32
        %parallel_loop3A_235 = vector.broadcast %parallel_loop3A_234 : i32 to vector<16xi32>
        %parallel_loop3A_236 = arith.addi %parallel_loop3A_231, %parallel_loop3A_235 : vector<16xi32>
        %parallel_loop3A_237 = tpu.vector_load_idx %arg9[%broadcast_in_dim3A_144, %parallel_loop3A_236] : memref<159x128xf32, #tpu.memory_space<vmem>>[vector<16xi32>, vector<16xi32>], vector<16xf32>,
        %parallel_loop3A_238 = arith.constant 1 : i32
        %parallel_loop3A_239 = arith.index_cast %parallel_loop3A_238 : i32 to index
        %parallel_loop3A_240 = arith.index_cast %parallel_loop3A_233 : i32 to index
        %parallel_loop3A_241 = arith.constant 0 : index
        %parallel_loop3A_242 = tpu.vector_load %arg10[%parallel_loop3A_239, %parallel_loop3A_240, %parallel_loop3A_241] {strides = array<i32>} : memref<3x128x64xf32, #tpu.memory_space<vmem>>, vector<16xf32>,
        %parallel_loop3A_243 = arith.mulf %parallel_loop3A_242, %parallel_loop3A_237 : vector<16xf32>
        %parallel_loop3A_244 = arith.constant 1 : i32
        %parallel_loop3A_245 = arith.index_cast %parallel_loop3A_244 : i32 to index
        %parallel_loop3A_246 = arith.index_cast %parallel_loop3A_233 : i32 to index
        %parallel_loop3A_247 = arith.constant 0 : index
        %parallel_loop3A_248 = tpu.vector_load %arg10[%parallel_loop3A_245, %parallel_loop3A_246, %parallel_loop3A_247] {strides = array<i32>} : memref<3x128x64xf32, #tpu.memory_space<vmem>>, vector<16xf32>,
        tpu.vector_store %arg10[%parallel_loop3A_245, %parallel_loop3A_246, %parallel_loop3A_247], %parallel_loop3A_243 {strides = array<i32>} : memref<3x128x64xf32, #tpu.memory_space<vmem>>, vector<16xf32>,
        %parallel_loop3A_249 = arith.constant 1 : i32
        %parallel_loop3A_250 = arith.index_cast %parallel_loop3A_249 : i32 to index
        %parallel_loop3A_251 = arith.index_cast %parallel_loop3A_233 : i32 to index
        %parallel_loop3A_252 = arith.constant 16 : index
        %parallel_loop3A_253 = tpu.vector_load %arg10[%parallel_loop3A_250, %parallel_loop3A_251, %parallel_loop3A_252] {strides = array<i32>} : memref<3x128x64xf32, #tpu.memory_space<vmem>>, vector<16xf32>,
        %parallel_loop3A_254 = arith.mulf %parallel_loop3A_253, %parallel_loop3A_237 : vector<16xf32>
        %parallel_loop3A_255 = arith.constant 1 : i32
        %parallel_loop3A_256 = arith.index_cast %parallel_loop3A_255 : i32 to index
        %parallel_loop3A_257 = arith.index_cast %parallel_loop3A_233 : i32 to index
        %parallel_loop3A_258 = arith.constant 16 : index
        %parallel_loop3A_259 = tpu.vector_load %arg10[%parallel_loop3A_256, %parallel_loop3A_257, %parallel_loop3A_258] {strides = array<i32>} : memref<3x128x64xf32, #tpu.memory_space<vmem>>, vector<16xf32>,
        tpu.vector_store %arg10[%parallel_loop3A_256, %parallel_loop3A_257, %parallel_loop3A_258], %parallel_loop3A_254 {strides = array<i32>} : memref<3x128x64xf32, #tpu.memory_space<vmem>>, vector<16xf32>,
        %parallel_loop3A_260 = arith.constant 1 : i32
        %parallel_loop3A_261 = arith.index_cast %parallel_loop3A_260 : i32 to index
        %parallel_loop3A_262 = arith.index_cast %parallel_loop3A_233 : i32 to index
        %parallel_loop3A_263 = arith.constant 32 : index
        %parallel_loop3A_264 = tpu.vector_load %arg10[%parallel_loop3A_261, %parallel_loop3A_262, %parallel_loop3A_263] {strides = array<i32>} : memref<3x128x64xf32, #tpu.memory_space<vmem>>, vector<16xf32>,
        %parallel_loop3A_265 = arith.mulf %parallel_loop3A_264, %parallel_loop3A_237 : vector<16xf32>
        %parallel_loop3A_266 = arith.constant 1 : i32
        %parallel_loop3A_267 = arith.index_cast %parallel_loop3A_266 : i32 to index
        %parallel_loop3A_268 = arith.index_cast %parallel_loop3A_233 : i32 to index
        %parallel_loop3A_269 = arith.constant 32 : index
        %parallel_loop3A_270 = tpu.vector_load %arg10[%parallel_loop3A_267, %parallel_loop3A_268, %parallel_loop3A_269] {strides = array<i32>} : memref<3x128x64xf32, #tpu.memory_space<vmem>>, vector<16xf32>,
        tpu.vector_store %arg10[%parallel_loop3A_267, %parallel_loop3A_268, %parallel_loop3A_269], %parallel_loop3A_265 {strides = array<i32>} : memref<3x128x64xf32, #tpu.memory_space<vmem>>, vector<16xf32>,
        %parallel_loop3A_271 = arith.constant 1 : i32
        %parallel_loop3A_272 = arith.index_cast %parallel_loop3A_271 : i32 to index
        %parallel_loop3A_273 = arith.index_cast %parallel_loop3A_233 : i32 to index
        %parallel_loop3A_274 = arith.constant 48 : index
        %parallel_loop3A_275 = tpu.vector_load %arg10[%parallel_loop3A_272, %parallel_loop3A_273, %parallel_loop3A_274] {strides = array<i32>} : memref<3x128x64xf32, #tpu.memory_space<vmem>>, vector<16xf32>,
        %parallel_loop3A_276 = arith.mulf %parallel_loop3A_275, %parallel_loop3A_237 : vector<16xf32>
        %parallel_loop3A_277 = arith.constant 1 : i32
        %parallel_loop3A_278 = arith.index_cast %parallel_loop3A_277 : i32 to index
        %parallel_loop3A_279 = arith.index_cast %parallel_loop3A_233 : i32 to index
        %parallel_loop3A_280 = arith.constant 48 : index
        %parallel_loop3A_281 = tpu.vector_load %arg10[%parallel_loop3A_278, %parallel_loop3A_279, %parallel_loop3A_280] {strides = array<i32>} : memref<3x128x64xf32, #tpu.memory_space<vmem>>, vector<16xf32>,
        tpu.vector_store %arg10[%parallel_loop3A_278, %parallel_loop3A_279, %parallel_loop3A_280], %parallel_loop3A_276 {strides = array<i32>} : memref<3x128x64xf32, #tpu.memory_space<vmem>>, vector<16xf32>,
        %parallel_loop3A_282 = arith.constant 1 : i32
        %parallel_loop3A_283 = arith.addi %parallel_loop3A_230, %parallel_loop3A_282 : i32
        %parallel_loop3A_284 = arith.constant 1 : i32
        %parallel_loop3A_285 = vector.broadcast %parallel_loop3A_284 : i32 to vector<16xi32>
        %parallel_loop3A_286 = arith.addi %parallel_loop3A_231, %parallel_loop3A_285 : vector<16xi32>
        %parallel_loop3A_287 = tpu.vector_load_idx %arg9[%broadcast_in_dim3A_144, %parallel_loop3A_286] : memref<159x128xf32, #tpu.memory_space<vmem>>[vector<16xi32>, vector<16xi32>], vector<16xf32>,
        %parallel_loop3A_288 = arith.constant 1 : i32
        %parallel_loop3A_289 = arith.index_cast %parallel_loop3A_288 : i32 to index
        %parallel_loop3A_290 = arith.index_cast %parallel_loop3A_283 : i32 to index
        %parallel_loop3A_291 = arith.constant 0 : index
        %parallel_loop3A_292 = tpu.vector_load %arg10[%parallel_loop3A_289, %parallel_loop3A_290, %parallel_loop3A_291] {strides = array<i32>} : memref<3x128x64xf32, #tpu.memory_space<vmem>>, vector<16xf32>,
        %parallel_loop3A_293 = arith.mulf %parallel_loop3A_292, %parallel_loop3A_287 : vector<16xf32>
        %parallel_loop3A_294 = arith.constant 1 : i32
        %parallel_loop3A_295 = arith.index_cast %parallel_loop3A_294 : i32 to index
        %parallel_loop3A_296 = arith.index_cast %parallel_loop3A_283 : i32 to index
        %parallel_loop3A_297 = arith.constant 0 : index
        %parallel_loop3A_298 = tpu.vector_load %arg10[%parallel_loop3A_295, %parallel_loop3A_296, %parallel_loop3A_297] {strides = array<i32>} : memref<3x128x64xf32, #tpu.memory_space<vmem>>, vector<16xf32>,
        tpu.vector_store %arg10[%parallel_loop3A_295, %parallel_loop3A_296, %parallel_loop3A_297], %parallel_loop3A_293 {strides = array<i32>} : memref<3x128x64xf32, #tpu.memory_space<vmem>>, vector<16xf32>,
        %parallel_loop3A_299 = arith.constant 1 : i32
        %parallel_loop3A_300 = arith.index_cast %parallel_loop3A_299 : i32 to index
        %parallel_loop3A_301 = arith.index_cast %parallel_loop3A_283 : i32 to index
        %parallel_loop3A_302 = arith.constant 16 : index
        %parallel_loop3A_303 = tpu.vector_load %arg10[%parallel_loop3A_300, %parallel_loop3A_301, %parallel_loop3A_302] {strides = array<i32>} : memref<3x128x64xf32, #tpu.memory_space<vmem>>, vector<16xf32>,
        %parallel_loop3A_304 = arith.mulf %parallel_loop3A_303, %parallel_loop3A_287 : vector<16xf32>
        %parallel_loop3A_305 = arith.constant 1 : i32
        %parallel_loop3A_306 = arith.index_cast %parallel_loop3A_305 : i32 to index
        %parallel_loop3A_307 = arith.index_cast %parallel_loop3A_283 : i32 to index
        %parallel_loop3A_308 = arith.constant 16 : index
        %parallel_loop3A_309 = tpu.vector_load %arg10[%parallel_loop3A_306, %parallel_loop3A_307, %parallel_loop3A_308] {strides = array<i32>} : memref<3x128x64xf32, #tpu.memory_space<vmem>>, vector<16xf32>,
        tpu.vector_store %arg10[%parallel_loop3A_306, %parallel_loop3A_307, %parallel_loop3A_308], %parallel_loop3A_304 {strides = array<i32>} : memref<3x128x64xf32, #tpu.memory_space<vmem>>, vector<16xf32>,
        %parallel_loop3A_310 = arith.constant 1 : i32
        %parallel_loop3A_311 = arith.index_cast %parallel_loop3A_310 : i32 to index
        %parallel_loop3A_312 = arith.index_cast %parallel_loop3A_283 : i32 to index
        %parallel_loop3A_313 = arith.constant 32 : index
        %parallel_loop3A_314 = tpu.vector_load %arg10[%parallel_loop3A_311, %parallel_loop3A_312, %parallel_loop3A_313] {strides = array<i32>} : memref<3x128x64xf32, #tpu.memory_space<vmem>>, vector<16xf32>,
        %parallel_loop3A_315 = arith.mulf %parallel_loop3A_314, %parallel_loop3A_287 : vector<16xf32>
        %parallel_loop3A_316 = arith.constant 1 : i32
        %parallel_loop3A_317 = arith.index_cast %parallel_loop3A_316 : i32 to index
        %parallel_loop3A_318 = arith.index_cast %parallel_loop3A_283 : i32 to index
        %parallel_loop3A_319 = arith.constant 32 : index
        %parallel_loop3A_320 = tpu.vector_load %arg10[%parallel_loop3A_317, %parallel_loop3A_318, %parallel_loop3A_319] {strides = array<i32>} : memref<3x128x64xf32, #tpu.memory_space<vmem>>, vector<16xf32>,
        tpu.vector_store %arg10[%parallel_loop3A_317, %parallel_loop3A_318, %parallel_loop3A_319], %parallel_loop3A_315 {strides = array<i32>} : memref<3x128x64xf32, #tpu.memory_space<vmem>>, vector<16xf32>,
        %parallel_loop3A_321 = arith.constant 1 : i32
        %parallel_loop3A_322 = arith.index_cast %parallel_loop3A_321 : i32 to index
        %parallel_loop3A_323 = arith.index_cast %parallel_loop3A_283 : i32 to index
        %parallel_loop3A_324 = arith.constant 48 : index
        %parallel_loop3A_325 = tpu.vector_load %arg10[%parallel_loop3A_322, %parallel_loop3A_323, %parallel_loop3A_324] {strides = array<i32>} : memref<3x128x64xf32, #tpu.memory_space<vmem>>, vector<16xf32>,
        %parallel_loop3A_326 = arith.mulf %parallel_loop3A_325, %parallel_loop3A_287 : vector<16xf32>
        %parallel_loop3A_327 = arith.constant 1 : i32
        %parallel_loop3A_328 = arith.index_cast %parallel_loop3A_327 : i32 to index
        %parallel_loop3A_329 = arith.index_cast %parallel_loop3A_283 : i32 to index
        %parallel_loop3A_330 = arith.constant 48 : index
        %parallel_loop3A_331 = tpu.vector_load %arg10[%parallel_loop3A_328, %parallel_loop3A_329, %parallel_loop3A_330] {strides = array<i32>} : memref<3x128x64xf32, #tpu.memory_space<vmem>>, vector<16xf32>,
        tpu.vector_store %arg10[%parallel_loop3A_328, %parallel_loop3A_329, %parallel_loop3A_330], %parallel_loop3A_326 {strides = array<i32>} : memref<3x128x64xf32, #tpu.memory_space<vmem>>, vector<16xf32>,
        %parallel_loop3A_332 = arith.constant 2 : i32
        %parallel_loop3A_333 = arith.addi %parallel_loop3A_230, %parallel_loop3A_332 : i32
        %parallel_loop3A_334 = arith.constant 2 : i32
        %parallel_loop3A_335 = vector.broadcast %parallel_loop3A_334 : i32 to vector<16xi32>
        %parallel_loop3A_336 = arith.addi %parallel_loop3A_231, %parallel_loop3A_335 : vector<16xi32>
        %parallel_loop3A_337 = tpu.vector_load_idx %arg9[%broadcast_in_dim3A_144, %parallel_loop3A_336] : memref<159x128xf32, #tpu.memory_space<vmem>>[vector<16xi32>, vector<16xi32>], vector<16xf32>,
        %parallel_loop3A_338 = arith.constant 1 : i32
        %parallel_loop3A_339 = arith.index_cast %parallel_loop3A_338 : i32 to index
        %parallel_loop3A_340 = arith.index_cast %parallel_loop3A_333 : i32 to index
        %parallel_loop3A_341 = arith.constant 0 : index
        %parallel_loop3A_342 = tpu.vector_load %arg10[%parallel_loop3A_339, %parallel_loop3A_340, %parallel_loop3A_341] {strides = array<i32>} : memref<3x128x64xf32, #tpu.memory_space<vmem>>, vector<16xf32>,
        %parallel_loop3A_343 = arith.mulf %parallel_loop3A_342, %parallel_loop3A_337 : vector<16xf32>
        %parallel_loop3A_344 = arith.constant 1 : i32
        %parallel_loop3A_345 = arith.index_cast %parallel_loop3A_344 : i32 to index
        %parallel_loop3A_346 = arith.index_cast %parallel_loop3A_333 : i32 to index
        %parallel_loop3A_347 = arith.constant 0 : index
        %parallel_loop3A_348 = tpu.vector_load %arg10[%parallel_loop3A_345, %parallel_loop3A_346, %parallel_loop3A_347] {strides = array<i32>} : memref<3x128x64xf32, #tpu.memory_space<vmem>>, vector<16xf32>,
        tpu.vector_store %arg10[%parallel_loop3A_345, %parallel_loop3A_346, %parallel_loop3A_347], %parallel_loop3A_343 {strides = array<i32>} : memref<3x128x64xf32, #tpu.memory_space<vmem>>, vector<16xf32>,
        %parallel_loop3A_349 = arith.constant 1 : i32
        %parallel_loop3A_350 = arith.index_cast %parallel_loop3A_349 : i32 to index
        %parallel_loop3A_351 = arith.index_cast %parallel_loop3A_333 : i32 to index
        %parallel_loop3A_352 = arith.constant 16 : index
        %parallel_loop3A_353 = tpu.vector_load %arg10[%parallel_loop3A_350, %parallel_loop3A_351, %parallel_loop3A_352] {strides = array<i32>} : memref<3x128x64xf32, #tpu.memory_space<vmem>>, vector<16xf32>,
        %parallel_loop3A_354 = arith.mulf %parallel_loop3A_353, %parallel_loop3A_337 : vector<16xf32>
        %parallel_loop3A_355 = arith.constant 1 : i32
        %parallel_loop3A_356 = arith.index_cast %parallel_loop3A_355 : i32 to index
        %parallel_loop3A_357 = arith.index_cast %parallel_loop3A_333 : i32 to index
        %parallel_loop3A_358 = arith.constant 16 : index
        %parallel_loop3A_359 = tpu.vector_load %arg10[%parallel_loop3A_356, %parallel_loop3A_357, %parallel_loop3A_358] {strides = array<i32>} : memref<3x128x64xf32, #tpu.memory_space<vmem>>, vector<16xf32>,
        tpu.vector_store %arg10[%parallel_loop3A_356, %parallel_loop3A_357, %parallel_loop3A_358], %parallel_loop3A_354 {strides = array<i32>} : memref<3x128x64xf32, #tpu.memory_space<vmem>>, vector<16xf32>,
        %parallel_loop3A_360 = arith.constant 1 : i32
        %parallel_loop3A_361 = arith.index_cast %parallel_loop3A_360 : i32 to index
        %parallel_loop3A_362 = arith.index_cast %parallel_loop3A_333 : i32 to index
        %parallel_loop3A_363 = arith.constant 32 : index
        %parallel_loop3A_364 = tpu.vector_load %arg10[%parallel_loop3A_361, %parallel_loop3A_362, %parallel_loop3A_363] {strides = array<i32>} : memref<3x128x64xf32, #tpu.memory_space<vmem>>, vector<16xf32>,
        %parallel_loop3A_365 = arith.mulf %parallel_loop3A_364, %parallel_loop3A_337 : vector<16xf32>
        %parallel_loop3A_366 = arith.constant 1 : i32
        %parallel_loop3A_367 = arith.index_cast %parallel_loop3A_366 : i32 to index
        %parallel_loop3A_368 = arith.index_cast %parallel_loop3A_333 : i32 to index
        %parallel_loop3A_369 = arith.constant 32 : index
        %parallel_loop3A_370 = tpu.vector_load %arg10[%parallel_loop3A_367, %parallel_loop3A_368, %parallel_loop3A_369] {strides = array<i32>} : memref<3x128x64xf32, #tpu.memory_space<vmem>>, vector<16xf32>,
        tpu.vector_store %arg10[%parallel_loop3A_367, %parallel_loop3A_368, %parallel_loop3A_369], %parallel_loop3A_365 {strides = array<i32>} : memref<3x128x64xf32, #tpu.memory_space<vmem>>, vector<16xf32>,
        %parallel_loop3A_371 = arith.constant 1 : i32
        %parallel_loop3A_372 = arith.index_cast %parallel_loop3A_371 : i32 to index
        %parallel_loop3A_373 = arith.index_cast %parallel_loop3A_333 : i32 to index
        %parallel_loop3A_374 = arith.constant 48 : index
        %parallel_loop3A_375 = tpu.vector_load %arg10[%parallel_loop3A_372, %parallel_loop3A_373, %parallel_loop3A_374] {strides = array<i32>} : memref<3x128x64xf32, #tpu.memory_space<vmem>>, vector<16xf32>,
        %parallel_loop3A_376 = arith.mulf %parallel_loop3A_375, %parallel_loop3A_337 : vector<16xf32>
        %parallel_loop3A_377 = arith.constant 1 : i32
        %parallel_loop3A_378 = arith.index_cast %parallel_loop3A_377 : i32 to index
        %parallel_loop3A_379 = arith.index_cast %parallel_loop3A_333 : i32 to index
        %parallel_loop3A_380 = arith.constant 48 : index
        %parallel_loop3A_381 = tpu.vector_load %arg10[%parallel_loop3A_378, %parallel_loop3A_379, %parallel_loop3A_380] {strides = array<i32>} : memref<3x128x64xf32, #tpu.memory_space<vmem>>, vector<16xf32>,
        tpu.vector_store %arg10[%parallel_loop3A_378, %parallel_loop3A_379, %parallel_loop3A_380], %parallel_loop3A_376 {strides = array<i32>} : memref<3x128x64xf32, #tpu.memory_space<vmem>>, vector<16xf32>,
        %parallel_loop3A_382 = arith.constant 3 : i32
        %parallel_loop3A_383 = arith.addi %parallel_loop3A_230, %parallel_loop3A_382 : i32
        %parallel_loop3A_384 = arith.constant 3 : i32
        %parallel_loop3A_385 = vector.broadcast %parallel_loop3A_384 : i32 to vector<16xi32>
        %parallel_loop3A_386 = arith.addi %parallel_loop3A_231, %parallel_loop3A_385 : vector<16xi32>
        %parallel_loop3A_387 = tpu.vector_load_idx %arg9[%broadcast_in_dim3A_144, %parallel_loop3A_386] : memref<159x128xf32, #tpu.memory_space<vmem>>[vector<16xi32>, vector<16xi32>], vector<16xf32>,
        %parallel_loop3A_388 = arith.constant 1 : i32
        %parallel_loop3A_389 = arith.index_cast %parallel_loop3A_388 : i32 to index
        %parallel_loop3A_390 = arith.index_cast %parallel_loop3A_383 : i32 to index
        %parallel_loop3A_391 = arith.constant 0 : index
        %parallel_loop3A_392 = tpu.vector_load %arg10[%parallel_loop3A_389, %parallel_loop3A_390, %parallel_loop3A_391] {strides = array<i32>} : memref<3x128x64xf32, #tpu.memory_space<vmem>>, vector<16xf32>,
        %parallel_loop3A_393 = arith.mulf %parallel_loop3A_392, %parallel_loop3A_387 : vector<16xf32>
        %parallel_loop3A_394 = arith.constant 1 : i32
        %parallel_loop3A_395 = arith.index_cast %parallel_loop3A_394 : i32 to index
        %parallel_loop3A_396 = arith.index_cast %parallel_loop3A_383 : i32 to index
        %parallel_loop3A_397 = arith.constant 0 : index
        %parallel_loop3A_398 = tpu.vector_load %arg10[%parallel_loop3A_395, %parallel_loop3A_396, %parallel_loop3A_397] {strides = array<i32>} : memref<3x128x64xf32, #tpu.memory_space<vmem>>, vector<16xf32>,
        tpu.vector_store %arg10[%parallel_loop3A_395, %parallel_loop3A_396, %parallel_loop3A_397], %parallel_loop3A_393 {strides = array<i32>} : memref<3x128x64xf32, #tpu.memory_space<vmem>>, vector<16xf32>,
        %parallel_loop3A_399 = arith.constant 1 : i32
        %parallel_loop3A_400 = arith.index_cast %parallel_loop3A_399 : i32 to index
        %parallel_loop3A_401 = arith.index_cast %parallel_loop3A_383 : i32 to index
        %parallel_loop3A_402 = arith.constant 16 : index
        %parallel_loop3A_403 = tpu.vector_load %arg10[%parallel_loop3A_400, %parallel_loop3A_401, %parallel_loop3A_402] {strides = array<i32>} : memref<3x128x64xf32, #tpu.memory_space<vmem>>, vector<16xf32>,
        %parallel_loop3A_404 = arith.mulf %parallel_loop3A_403, %parallel_loop3A_387 : vector<16xf32>
        %parallel_loop3A_405 = arith.constant 1 : i32
        %parallel_loop3A_406 = arith.index_cast %parallel_loop3A_405 : i32 to index
        %parallel_loop3A_407 = arith.index_cast %parallel_loop3A_383 : i32 to index
        %parallel_loop3A_408 = arith.constant 16 : index
        %parallel_loop3A_409 = tpu.vector_load %arg10[%parallel_loop3A_406, %parallel_loop3A_407, %parallel_loop3A_408] {strides = array<i32>} : memref<3x128x64xf32, #tpu.memory_space<vmem>>, vector<16xf32>,
        tpu.vector_store %arg10[%parallel_loop3A_406, %parallel_loop3A_407, %parallel_loop3A_408], %parallel_loop3A_404 {strides = array<i32>} : memref<3x128x64xf32, #tpu.memory_space<vmem>>, vector<16xf32>,
        %parallel_loop3A_410 = arith.constant 1 : i32
        %parallel_loop3A_411 = arith.index_cast %parallel_loop3A_410 : i32 to index
        %parallel_loop3A_412 = arith.index_cast %parallel_loop3A_383 : i32 to index
        %parallel_loop3A_413 = arith.constant 32 : index
        %parallel_loop3A_414 = tpu.vector_load %arg10[%parallel_loop3A_411, %parallel_loop3A_412, %parallel_loop3A_413] {strides = array<i32>} : memref<3x128x64xf32, #tpu.memory_space<vmem>>, vector<16xf32>,
        %parallel_loop3A_415 = arith.mulf %parallel_loop3A_414, %parallel_loop3A_387 : vector<16xf32>
        %parallel_loop3A_416 = arith.constant 1 : i32
        %parallel_loop3A_417 = arith.index_cast %parallel_loop3A_416 : i32 to index
        %parallel_loop3A_418 = arith.index_cast %parallel_loop3A_383 : i32 to index
        %parallel_loop3A_419 = arith.constant 32 : index
        %parallel_loop3A_420 = tpu.vector_load %arg10[%parallel_loop3A_417, %parallel_loop3A_418, %parallel_loop3A_419] {strides = array<i32>} : memref<3x128x64xf32, #tpu.memory_space<vmem>>, vector<16xf32>,
        tpu.vector_store %arg10[%parallel_loop3A_417, %parallel_loop3A_418, %parallel_loop3A_419], %parallel_loop3A_415 {strides = array<i32>} : memref<3x128x64xf32, #tpu.memory_space<vmem>>, vector<16xf32>,
        %parallel_loop3A_421 = arith.constant 1 : i32
        %parallel_loop3A_422 = arith.index_cast %parallel_loop3A_421 : i32 to index
        %parallel_loop3A_423 = arith.index_cast %parallel_loop3A_383 : i32 to index
        %parallel_loop3A_424 = arith.constant 48 : index
        %parallel_loop3A_425 = tpu.vector_load %arg10[%parallel_loop3A_422, %parallel_loop3A_423, %parallel_loop3A_424] {strides = array<i32>} : memref<3x128x64xf32, #tpu.memory_space<vmem>>, vector<16xf32>,
        %parallel_loop3A_426 = arith.mulf %parallel_loop3A_425, %parallel_loop3A_387 : vector<16xf32>
        %parallel_loop3A_427 = arith.constant 1 : i32
        %parallel_loop3A_428 = arith.index_cast %parallel_loop3A_427 : i32 to index
        %parallel_loop3A_429 = arith.index_cast %parallel_loop3A_383 : i32 to index
        %parallel_loop3A_430 = arith.constant 48 : index
        %parallel_loop3A_431 = tpu.vector_load %arg10[%parallel_loop3A_428, %parallel_loop3A_429, %parallel_loop3A_430] {strides = array<i32>} : memref<3x128x64xf32, #tpu.memory_space<vmem>>, vector<16xf32>,
        tpu.vector_store %arg10[%parallel_loop3A_428, %parallel_loop3A_429, %parallel_loop3A_430], %parallel_loop3A_426 {strides = array<i32>} : memref<3x128x64xf32, #tpu.memory_space<vmem>>, vector<16xf32>,
      } {sc.loop_unroll_factor = 2 : i64, sc.parallel_access}
      %sub3A = arith.constant 1 : i32
      %sub3A_148 = arith.subi %add3A_128, %sub3A : i32
      %dma_wait3A_149 = arith.constant 0 : i32
      %dma_wait3A_150 = arith.constant 0 : i32
      %dma_wait3A_151 = arith.constant 0 : i32
      %dma_wait3A_152 = tpu.memref_slice %arg10[%dma_wait3A_149, %dma_wait3A_150, %dma_wait3A_151] : memref<3x128x64xf32, #tpu.memory_space<vmem>> -> memref<1x128x64xf32, #tpu.memory_space<vmem>>
      %dma_wait3A_153 = tpu.memref_squeeze %dma_wait3A_152 : memref<1x128x64xf32, #tpu.memory_space<vmem>> -> memref<128x64xf32, #tpu.memory_space<vmem>>
      %dma_wait3A_154 = arith.constant 0 : i32
      %dma_wait3A_155 = tpu.memref_slice %arg8[%sub3A_148, %dma_wait3A_154] : memref<159x128xi32, #tpu.memory_space<vmem>> -> memref<1x128xi32, #tpu.memory_space<vmem>>
      %dma_wait3A_156 = tpu.memref_squeeze %dma_wait3A_155 : memref<1x128xi32, #tpu.memory_space<vmem>> -> memref<128xi32, #tpu.memory_space<vmem>>
      %dma_wait3A_157 = arith.constant 0 : i32
      %dma_wait3A_158 = arith.constant 0 : i32
      %dma_wait3A_159 = tpu.memref_slice %arg11[%dma_wait3A_157, %dma_wait3A_158] : memref<10000x64xf32, #tpu.memory_space<vmem_shared>> -> memref<10000x64xf32, #tpu.memory_space<vmem_shared>>
      tpu.wait_indirect_dma semaphore(%arg15 : memref<!tpu.dma_semaphore, #tpu.memory_space<semaphore_mem>>) src(%dma_wait3A_153 : memref<128x64xf32, #tpu.memory_space<vmem>>) dst(%dma_wait3A_159 : memref<10000x64xf32, #tpu.memory_space<vmem_shared>>)
      %add3A_160 = arith.constant 2 : i32
      %add3A_161 = arith.addi %add3A_128, %add3A_160 : i32
      %lt3A_162 = arith.constant 159 : i32
      %lt3A_163 = arith.cmpi slt, %add3A_161, %lt3A_162 : i32
      %convert_element_type3A_164 = arith.extui %lt3A_163 : i1 to i32
      %cond3A_165 = arith.constant 0 : i32
      %cond3A_166 = arith.cmpi ne, %convert_element_type3A_164, %cond3A_165 : i32
      scf.if %cond3A_166 {
        %add3A_230 = arith.constant 2 : i32
        %add3A_231 = arith.addi %add3A_128, %add3A_230 : i32
        %dma_start3A_232 = arith.constant 0 : i32
        %dma_start3A_233 = arith.constant 0 : i32
        %dma_start3A_234 = arith.constant 0 : i32
        %dma_start3A_235 = tpu.memref_slice %arg10[%dma_start3A_232, %dma_start3A_233, %dma_start3A_234] : memref<3x128x64xf32, #tpu.memory_space<vmem>> -> memref<1x128x64xf32, #tpu.memory_space<vmem>>
        %dma_start3A_236 = tpu.memref_squeeze %dma_start3A_235 : memref<1x128x64xf32, #tpu.memory_space<vmem>> -> memref<128x64xf32, #tpu.memory_space<vmem>>
        %dma_start3A_237 = arith.constant 0 : i32
        %dma_start3A_238 = tpu.memref_slice %arg7[%add3A_231, %dma_start3A_237] : memref<159x128xi32, #tpu.memory_space<vmem>> -> memref<1x128xi32, #tpu.memory_space<vmem>>
        %dma_start3A_239 = tpu.memref_squeeze %dma_start3A_238 : memref<1x128xi32, #tpu.memory_space<vmem>> -> memref<128xi32, #tpu.memory_space<vmem>>
        %dma_start3A_240 = arith.constant 0 : i32
        %dma_start3A_241 = arith.constant 0 : i32
        %dma_start3A_242 = tpu.memref_slice %arg2[%arg0, %dma_start3A_240, %dma_start3A_241] : memref<2x10000x64xf32, #tpu.memory_space<hbm>> -> memref<1x10000x64xf32, #tpu.memory_space<hbm>>
        %dma_start3A_243 = tpu.memref_squeeze %dma_start3A_242 : memref<1x10000x64xf32, #tpu.memory_space<hbm>> -> memref<10000x64xf32, #tpu.memory_space<hbm>>
        %dma_start3A_244 = arith.constant 0 : i32
        %dma_start3A_245 = arith.constant 0 : i32
        %dma_start3A_246 = tpu.memref_slice %dma_start3A_243[%dma_start3A_244, %dma_start3A_245] : memref<10000x64xf32, #tpu.memory_space<hbm>> -> memref<10000x64xf32, #tpu.memory_space<hbm>>
        tpu.enqueue_indirect_dma source(%dma_start3A_246 : memref<10000x64xf32, #tpu.memory_space<hbm>>) target(%dma_start3A_236 : memref<128x64xf32, #tpu.memory_space<vmem>>) offsets(%dma_start3A_239 : memref<128xi32, #tpu.memory_space<vmem>>) semaphore(%arg12 : memref<!tpu.dma_semaphore, #tpu.memory_space<semaphore_mem>>)
      } else {
      }
      %dma_start3A_167 = arith.constant 1 : i32
      %dma_start3A_168 = arith.constant 0 : i32
      %dma_start3A_169 = arith.constant 0 : i32
      %dma_start3A_170 = tpu.memref_slice %arg10[%dma_start3A_167, %dma_start3A_168, %dma_start3A_169] : memref<3x128x64xf32, #tpu.memory_space<vmem>> -> memref<1x128x64xf32, #tpu.memory_space<vmem>>
      %dma_start3A_171 = tpu.memref_squeeze %dma_start3A_170 : memref<1x128x64xf32, #tpu.memory_space<vmem>> -> memref<128x64xf32, #tpu.memory_space<vmem>>
      %dma_start3A_172 = arith.constant 0 : i32
      %dma_start3A_173 = tpu.memref_slice %arg8[%add3A_128, %dma_start3A_172] : memref<159x128xi32, #tpu.memory_space<vmem>> -> memref<1x128xi32, #tpu.memory_space<vmem>>
      %dma_start3A_174 = tpu.memref_squeeze %dma_start3A_173 : memref<1x128xi32, #tpu.memory_space<vmem>> -> memref<128xi32, #tpu.memory_space<vmem>>
      %dma_start3A_175 = arith.constant 0 : i32
      %dma_start3A_176 = arith.constant 0 : i32
      %dma_start3A_177 = tpu.memref_slice %arg11[%dma_start3A_175, %dma_start3A_176] : memref<10000x64xf32, #tpu.memory_space<vmem_shared>> -> memref<10000x64xf32, #tpu.memory_space<vmem_shared>>
      tpu.enqueue_indirect_dma source(%dma_start3A_171 : memref<128x64xf32, #tpu.memory_space<vmem>>) target(%dma_start3A_177 : memref<10000x64xf32, #tpu.memory_space<vmem_shared>>) offsets(%dma_start3A_174 : memref<128xi32, #tpu.memory_space<vmem>>) semaphore(%arg16 : memref<!tpu.dma_semaphore, #tpu.memory_space<semaphore_mem>>) {add = true}
      %add3A_178 = arith.constant 2 : i32
      %add3A_179 = arith.addi %mul3A_85, %add3A_178 : i32
      %dma_wait3A_180 = arith.constant 2 : i32
      %dma_wait3A_181 = arith.constant 0 : i32
      %dma_wait3A_182 = arith.constant 0 : i32
      %dma_wait3A_183 = tpu.memref_slice %arg10[%dma_wait3A_180, %dma_wait3A_181, %dma_wait3A_182] : memref<3x128x64xf32, #tpu.memory_space<vmem>> -> memref<1x128x64xf32, #tpu.memory_space<vmem>>
      %dma_wait3A_184 = tpu.memref_squeeze %dma_wait3A_183 : memref<1x128x64xf32, #tpu.memory_space<vmem>> -> memref<128x64xf32, #tpu.memory_space<vmem>>
      %dma_wait3A_185 = arith.constant 0 : i32
      %dma_wait3A_186 = tpu.memref_slice %arg7[%add3A_179, %dma_wait3A_185] : memref<159x128xi32, #tpu.memory_space<vmem>> -> memref<1x128xi32, #tpu.memory_space<vmem>>
      %dma_wait3A_187 = tpu.memref_squeeze %dma_wait3A_186 : memref<1x128xi32, #tpu.memory_space<vmem>> -> memref<128xi32, #tpu.memory_space<vmem>>
      %dma_wait3A_188 = arith.constant 0 : i32
      %dma_wait3A_189 = arith.constant 0 : i32
      %dma_wait3A_190 = tpu.memref_slice %arg2[%arg0, %dma_wait3A_188, %dma_wait3A_189] : memref<2x10000x64xf32, #tpu.memory_space<hbm>> -> memref<1x10000x64xf32, #tpu.memory_space<hbm>>
      %dma_wait3A_191 = tpu.memref_squeeze %dma_wait3A_190 : memref<1x10000x64xf32, #tpu.memory_space<hbm>> -> memref<10000x64xf32, #tpu.memory_space<hbm>>
      %dma_wait3A_192 = arith.constant 0 : i32
      %dma_wait3A_193 = arith.constant 0 : i32
      %dma_wait3A_194 = tpu.memref_slice %dma_wait3A_191[%dma_wait3A_192, %dma_wait3A_193] : memref<10000x64xf32, #tpu.memory_space<hbm>> -> memref<10000x64xf32, #tpu.memory_space<hbm>>
      tpu.wait_indirect_dma semaphore(%arg14 : memref<!tpu.dma_semaphore, #tpu.memory_space<semaphore_mem>>) src(%dma_wait3A_194 : memref<10000x64xf32, #tpu.memory_space<hbm>>) dst(%dma_wait3A_184 : memref<128x64xf32, #tpu.memory_space<vmem>>)
      %broadcast_in_dim3A_195 = vector.broadcast %add3A_179 : i32 to vector<16xi32>
      %parallel_loop3A_196 = arith.constant 0 : i32
      %parallel_loop3A_197 = arith.constant 128 : i32
      %parallel_loop3A_198 = arith.constant 4 : i32
      scf.for %parallel_loop3A_230 = %parallel_loop3A_196 to %parallel_loop3A_197 step %parallel_loop3A_198  : i32 {
        %parallel_loop3A_231 = vector.broadcast %parallel_loop3A_230 : i32 to vector<16xi32>
        %parallel_loop3A_232 = arith.constant 0 : i32
        %parallel_loop3A_233 = arith.addi %parallel_loop3A_230, %parallel_loop3A_232 : i32
        %parallel_loop3A_234 = arith.constant 0 : i32
        %parallel_loop3A_235 = vector.broadcast %parallel_loop3A_234 : i32 to vector<16xi32>
        %parallel_loop3A_236 = arith.addi %parallel_loop3A_231, %parallel_loop3A_235 : vector<16xi32>
        %parallel_loop3A_237 = tpu.vector_load_idx %arg9[%broadcast_in_dim3A_195, %parallel_loop3A_236] : memref<159x128xf32, #tpu.memory_space<vmem>>[vector<16xi32>, vector<16xi32>], vector<16xf32>,
        %parallel_loop3A_238 = arith.constant 2 : i32
        %parallel_loop3A_239 = arith.index_cast %parallel_loop3A_238 : i32 to index
        %parallel_loop3A_240 = arith.index_cast %parallel_loop3A_233 : i32 to index
        %parallel_loop3A_241 = arith.constant 0 : index
        %parallel_loop3A_242 = tpu.vector_load %arg10[%parallel_loop3A_239, %parallel_loop3A_240, %parallel_loop3A_241] {strides = array<i32>} : memref<3x128x64xf32, #tpu.memory_space<vmem>>, vector<16xf32>,
        %parallel_loop3A_243 = arith.mulf %parallel_loop3A_242, %parallel_loop3A_237 : vector<16xf32>
        %parallel_loop3A_244 = arith.constant 2 : i32
        %parallel_loop3A_245 = arith.index_cast %parallel_loop3A_244 : i32 to index
        %parallel_loop3A_246 = arith.index_cast %parallel_loop3A_233 : i32 to index
        %parallel_loop3A_247 = arith.constant 0 : index
        %parallel_loop3A_248 = tpu.vector_load %arg10[%parallel_loop3A_245, %parallel_loop3A_246, %parallel_loop3A_247] {strides = array<i32>} : memref<3x128x64xf32, #tpu.memory_space<vmem>>, vector<16xf32>,
        tpu.vector_store %arg10[%parallel_loop3A_245, %parallel_loop3A_246, %parallel_loop3A_247], %parallel_loop3A_243 {strides = array<i32>} : memref<3x128x64xf32, #tpu.memory_space<vmem>>, vector<16xf32>,
        %parallel_loop3A_249 = arith.constant 2 : i32
        %parallel_loop3A_250 = arith.index_cast %parallel_loop3A_249 : i32 to index
        %parallel_loop3A_251 = arith.index_cast %parallel_loop3A_233 : i32 to index
        %parallel_loop3A_252 = arith.constant 16 : index
        %parallel_loop3A_253 = tpu.vector_load %arg10[%parallel_loop3A_250, %parallel_loop3A_251, %parallel_loop3A_252] {strides = array<i32>} : memref<3x128x64xf32, #tpu.memory_space<vmem>>, vector<16xf32>,
        %parallel_loop3A_254 = arith.mulf %parallel_loop3A_253, %parallel_loop3A_237 : vector<16xf32>
        %parallel_loop3A_255 = arith.constant 2 : i32
        %parallel_loop3A_256 = arith.index_cast %parallel_loop3A_255 : i32 to index
        %parallel_loop3A_257 = arith.index_cast %parallel_loop3A_233 : i32 to index
        %parallel_loop3A_258 = arith.constant 16 : index
        %parallel_loop3A_259 = tpu.vector_load %arg10[%parallel_loop3A_256, %parallel_loop3A_257, %parallel_loop3A_258] {strides = array<i32>} : memref<3x128x64xf32, #tpu.memory_space<vmem>>, vector<16xf32>,
        tpu.vector_store %arg10[%parallel_loop3A_256, %parallel_loop3A_257, %parallel_loop3A_258], %parallel_loop3A_254 {strides = array<i32>} : memref<3x128x64xf32, #tpu.memory_space<vmem>>, vector<16xf32>,
        %parallel_loop3A_260 = arith.constant 2 : i32
        %parallel_loop3A_261 = arith.index_cast %parallel_loop3A_260 : i32 to index
        %parallel_loop3A_262 = arith.index_cast %parallel_loop3A_233 : i32 to index
        %parallel_loop3A_263 = arith.constant 32 : index
        %parallel_loop3A_264 = tpu.vector_load %arg10[%parallel_loop3A_261, %parallel_loop3A_262, %parallel_loop3A_263] {strides = array<i32>} : memref<3x128x64xf32, #tpu.memory_space<vmem>>, vector<16xf32>,
        %parallel_loop3A_265 = arith.mulf %parallel_loop3A_264, %parallel_loop3A_237 : vector<16xf32>
        %parallel_loop3A_266 = arith.constant 2 : i32
        %parallel_loop3A_267 = arith.index_cast %parallel_loop3A_266 : i32 to index
        %parallel_loop3A_268 = arith.index_cast %parallel_loop3A_233 : i32 to index
        %parallel_loop3A_269 = arith.constant 32 : index
        %parallel_loop3A_270 = tpu.vector_load %arg10[%parallel_loop3A_267, %parallel_loop3A_268, %parallel_loop3A_269] {strides = array<i32>} : memref<3x128x64xf32, #tpu.memory_space<vmem>>, vector<16xf32>,
        tpu.vector_store %arg10[%parallel_loop3A_267, %parallel_loop3A_268, %parallel_loop3A_269], %parallel_loop3A_265 {strides = array<i32>} : memref<3x128x64xf32, #tpu.memory_space<vmem>>, vector<16xf32>,
        %parallel_loop3A_271 = arith.constant 2 : i32
        %parallel_loop3A_272 = arith.index_cast %parallel_loop3A_271 : i32 to index
        %parallel_loop3A_273 = arith.index_cast %parallel_loop3A_233 : i32 to index
        %parallel_loop3A_274 = arith.constant 48 : index
        %parallel_loop3A_275 = tpu.vector_load %arg10[%parallel_loop3A_272, %parallel_loop3A_273, %parallel_loop3A_274] {strides = array<i32>} : memref<3x128x64xf32, #tpu.memory_space<vmem>>, vector<16xf32>,
        %parallel_loop3A_276 = arith.mulf %parallel_loop3A_275, %parallel_loop3A_237 : vector<16xf32>
        %parallel_loop3A_277 = arith.constant 2 : i32
        %parallel_loop3A_278 = arith.index_cast %parallel_loop3A_277 : i32 to index
        %parallel_loop3A_279 = arith.index_cast %parallel_loop3A_233 : i32 to index
        %parallel_loop3A_280 = arith.constant 48 : index
        %parallel_loop3A_281 = tpu.vector_load %arg10[%parallel_loop3A_278, %parallel_loop3A_279, %parallel_loop3A_280] {strides = array<i32>} : memref<3x128x64xf32, #tpu.memory_space<vmem>>, vector<16xf32>,
        tpu.vector_store %arg10[%parallel_loop3A_278, %parallel_loop3A_279, %parallel_loop3A_280], %parallel_loop3A_276 {strides = array<i32>} : memref<3x128x64xf32, #tpu.memory_space<vmem>>, vector<16xf32>,
        %parallel_loop3A_282 = arith.constant 1 : i32
        %parallel_loop3A_283 = arith.addi %parallel_loop3A_230, %parallel_loop3A_282 : i32
        %parallel_loop3A_284 = arith.constant 1 : i32
        %parallel_loop3A_285 = vector.broadcast %parallel_loop3A_284 : i32 to vector<16xi32>
        %parallel_loop3A_286 = arith.addi %parallel_loop3A_231, %parallel_loop3A_285 : vector<16xi32>
        %parallel_loop3A_287 = tpu.vector_load_idx %arg9[%broadcast_in_dim3A_195, %parallel_loop3A_286] : memref<159x128xf32, #tpu.memory_space<vmem>>[vector<16xi32>, vector<16xi32>], vector<16xf32>,
        %parallel_loop3A_288 = arith.constant 2 : i32
        %parallel_loop3A_289 = arith.index_cast %parallel_loop3A_288 : i32 to index
        %parallel_loop3A_290 = arith.index_cast %parallel_loop3A_283 : i32 to index
        %parallel_loop3A_291 = arith.constant 0 : index
        %parallel_loop3A_292 = tpu.vector_load %arg10[%parallel_loop3A_289, %parallel_loop3A_290, %parallel_loop3A_291] {strides = array<i32>} : memref<3x128x64xf32, #tpu.memory_space<vmem>>, vector<16xf32>,
        %parallel_loop3A_293 = arith.mulf %parallel_loop3A_292, %parallel_loop3A_287 : vector<16xf32>
        %parallel_loop3A_294 = arith.constant 2 : i32
        %parallel_loop3A_295 = arith.index_cast %parallel_loop3A_294 : i32 to index
        %parallel_loop3A_296 = arith.index_cast %parallel_loop3A_283 : i32 to index
        %parallel_loop3A_297 = arith.constant 0 : index
        %parallel_loop3A_298 = tpu.vector_load %arg10[%parallel_loop3A_295, %parallel_loop3A_296, %parallel_loop3A_297] {strides = array<i32>} : memref<3x128x64xf32, #tpu.memory_space<vmem>>, vector<16xf32>,
        tpu.vector_store %arg10[%parallel_loop3A_295, %parallel_loop3A_296, %parallel_loop3A_297], %parallel_loop3A_293 {strides = array<i32>} : memref<3x128x64xf32, #tpu.memory_space<vmem>>, vector<16xf32>,
        %parallel_loop3A_299 = arith.constant 2 : i32
        %parallel_loop3A_300 = arith.index_cast %parallel_loop3A_299 : i32 to index
        %parallel_loop3A_301 = arith.index_cast %parallel_loop3A_283 : i32 to index
        %parallel_loop3A_302 = arith.constant 16 : index
        %parallel_loop3A_303 = tpu.vector_load %arg10[%parallel_loop3A_300, %parallel_loop3A_301, %parallel_loop3A_302] {strides = array<i32>} : memref<3x128x64xf32, #tpu.memory_space<vmem>>, vector<16xf32>,
        %parallel_loop3A_304 = arith.mulf %parallel_loop3A_303, %parallel_loop3A_287 : vector<16xf32>
        %parallel_loop3A_305 = arith.constant 2 : i32
        %parallel_loop3A_306 = arith.index_cast %parallel_loop3A_305 : i32 to index
        %parallel_loop3A_307 = arith.index_cast %parallel_loop3A_283 : i32 to index
        %parallel_loop3A_308 = arith.constant 16 : index
        %parallel_loop3A_309 = tpu.vector_load %arg10[%parallel_loop3A_306, %parallel_loop3A_307, %parallel_loop3A_308] {strides = array<i32>} : memref<3x128x64xf32, #tpu.memory_space<vmem>>, vector<16xf32>,
        tpu.vector_store %arg10[%parallel_loop3A_306, %parallel_loop3A_307, %parallel_loop3A_308], %parallel_loop3A_304 {strides = array<i32>} : memref<3x128x64xf32, #tpu.memory_space<vmem>>, vector<16xf32>,
        %parallel_loop3A_310 = arith.constant 2 : i32
        %parallel_loop3A_311 = arith.index_cast %parallel_loop3A_310 : i32 to index
        %parallel_loop3A_312 = arith.index_cast %parallel_loop3A_283 : i32 to index
        %parallel_loop3A_313 = arith.constant 32 : index
        %parallel_loop3A_314 = tpu.vector_load %arg10[%parallel_loop3A_311, %parallel_loop3A_312, %parallel_loop3A_313] {strides = array<i32>} : memref<3x128x64xf32, #tpu.memory_space<vmem>>, vector<16xf32>,
        %parallel_loop3A_315 = arith.mulf %parallel_loop3A_314, %parallel_loop3A_287 : vector<16xf32>
        %parallel_loop3A_316 = arith.constant 2 : i32
        %parallel_loop3A_317 = arith.index_cast %parallel_loop3A_316 : i32 to index
        %parallel_loop3A_318 = arith.index_cast %parallel_loop3A_283 : i32 to index
        %parallel_loop3A_319 = arith.constant 32 : index
        %parallel_loop3A_320 = tpu.vector_load %arg10[%parallel_loop3A_317, %parallel_loop3A_318, %parallel_loop3A_319] {strides = array<i32>} : memref<3x128x64xf32, #tpu.memory_space<vmem>>, vector<16xf32>,
        tpu.vector_store %arg10[%parallel_loop3A_317, %parallel_loop3A_318, %parallel_loop3A_319], %parallel_loop3A_315 {strides = array<i32>} : memref<3x128x64xf32, #tpu.memory_space<vmem>>, vector<16xf32>,
        %parallel_loop3A_321 = arith.constant 2 : i32
        %parallel_loop3A_322 = arith.index_cast %parallel_loop3A_321 : i32 to index
        %parallel_loop3A_323 = arith.index_cast %parallel_loop3A_283 : i32 to index
        %parallel_loop3A_324 = arith.constant 48 : index
        %parallel_loop3A_325 = tpu.vector_load %arg10[%parallel_loop3A_322, %parallel_loop3A_323, %parallel_loop3A_324] {strides = array<i32>} : memref<3x128x64xf32, #tpu.memory_space<vmem>>, vector<16xf32>,
        %parallel_loop3A_326 = arith.mulf %parallel_loop3A_325, %parallel_loop3A_287 : vector<16xf32>
        %parallel_loop3A_327 = arith.constant 2 : i32
        %parallel_loop3A_328 = arith.index_cast %parallel_loop3A_327 : i32 to index
        %parallel_loop3A_329 = arith.index_cast %parallel_loop3A_283 : i32 to index
        %parallel_loop3A_330 = arith.constant 48 : index
        %parallel_loop3A_331 = tpu.vector_load %arg10[%parallel_loop3A_328, %parallel_loop3A_329, %parallel_loop3A_330] {strides = array<i32>} : memref<3x128x64xf32, #tpu.memory_space<vmem>>, vector<16xf32>,
        tpu.vector_store %arg10[%parallel_loop3A_328, %parallel_loop3A_329, %parallel_loop3A_330], %parallel_loop3A_326 {strides = array<i32>} : memref<3x128x64xf32, #tpu.memory_space<vmem>>, vector<16xf32>,
        %parallel_loop3A_332 = arith.constant 2 : i32
        %parallel_loop3A_333 = arith.addi %parallel_loop3A_230, %parallel_loop3A_332 : i32
        %parallel_loop3A_334 = arith.constant 2 : i32
        %parallel_loop3A_335 = vector.broadcast %parallel_loop3A_334 : i32 to vector<16xi32>
        %parallel_loop3A_336 = arith.addi %parallel_loop3A_231, %parallel_loop3A_335 : vector<16xi32>
        %parallel_loop3A_337 = tpu.vector_load_idx %arg9[%broadcast_in_dim3A_195, %parallel_loop3A_336] : memref<159x128xf32, #tpu.memory_space<vmem>>[vector<16xi32>, vector<16xi32>], vector<16xf32>,
        %parallel_loop3A_338 = arith.constant 2 : i32
        %parallel_loop3A_339 = arith.index_cast %parallel_loop3A_338 : i32 to index
        %parallel_loop3A_340 = arith.index_cast %parallel_loop3A_333 : i32 to index
        %parallel_loop3A_341 = arith.constant 0 : index
        %parallel_loop3A_342 = tpu.vector_load %arg10[%parallel_loop3A_339, %parallel_loop3A_340, %parallel_loop3A_341] {strides = array<i32>} : memref<3x128x64xf32, #tpu.memory_space<vmem>>, vector<16xf32>,
        %parallel_loop3A_343 = arith.mulf %parallel_loop3A_342, %parallel_loop3A_337 : vector<16xf32>
        %parallel_loop3A_344 = arith.constant 2 : i32
        %parallel_loop3A_345 = arith.index_cast %parallel_loop3A_344 : i32 to index
        %parallel_loop3A_346 = arith.index_cast %parallel_loop3A_333 : i32 to index
        %parallel_loop3A_347 = arith.constant 0 : index
        %parallel_loop3A_348 = tpu.vector_load %arg10[%parallel_loop3A_345, %parallel_loop3A_346, %parallel_loop3A_347] {strides = array<i32>} : memref<3x128x64xf32, #tpu.memory_space<vmem>>, vector<16xf32>,
        tpu.vector_store %arg10[%parallel_loop3A_345, %parallel_loop3A_346, %parallel_loop3A_347], %parallel_loop3A_343 {strides = array<i32>} : memref<3x128x64xf32, #tpu.memory_space<vmem>>, vector<16xf32>,
        %parallel_loop3A_349 = arith.constant 2 : i32
        %parallel_loop3A_350 = arith.index_cast %parallel_loop3A_349 : i32 to index
        %parallel_loop3A_351 = arith.index_cast %parallel_loop3A_333 : i32 to index
        %parallel_loop3A_352 = arith.constant 16 : index
        %parallel_loop3A_353 = tpu.vector_load %arg10[%parallel_loop3A_350, %parallel_loop3A_351, %parallel_loop3A_352] {strides = array<i32>} : memref<3x128x64xf32, #tpu.memory_space<vmem>>, vector<16xf32>,
        %parallel_loop3A_354 = arith.mulf %parallel_loop3A_353, %parallel_loop3A_337 : vector<16xf32>
        %parallel_loop3A_355 = arith.constant 2 : i32
        %parallel_loop3A_356 = arith.index_cast %parallel_loop3A_355 : i32 to index
        %parallel_loop3A_357 = arith.index_cast %parallel_loop3A_333 : i32 to index
        %parallel_loop3A_358 = arith.constant 16 : index
        %parallel_loop3A_359 = tpu.vector_load %arg10[%parallel_loop3A_356, %parallel_loop3A_357, %parallel_loop3A_358] {strides = array<i32>} : memref<3x128x64xf32, #tpu.memory_space<vmem>>, vector<16xf32>,
        tpu.vector_store %arg10[%parallel_loop3A_356, %parallel_loop3A_357, %parallel_loop3A_358], %parallel_loop3A_354 {strides = array<i32>} : memref<3x128x64xf32, #tpu.memory_space<vmem>>, vector<16xf32>,
        %parallel_loop3A_360 = arith.constant 2 : i32
        %parallel_loop3A_361 = arith.index_cast %parallel_loop3A_360 : i32 to index
        %parallel_loop3A_362 = arith.index_cast %parallel_loop3A_333 : i32 to index
        %parallel_loop3A_363 = arith.constant 32 : index
        %parallel_loop3A_364 = tpu.vector_load %arg10[%parallel_loop3A_361, %parallel_loop3A_362, %parallel_loop3A_363] {strides = array<i32>} : memref<3x128x64xf32, #tpu.memory_space<vmem>>, vector<16xf32>,
        %parallel_loop3A_365 = arith.mulf %parallel_loop3A_364, %parallel_loop3A_337 : vector<16xf32>
        %parallel_loop3A_366 = arith.constant 2 : i32
        %parallel_loop3A_367 = arith.index_cast %parallel_loop3A_366 : i32 to index
        %parallel_loop3A_368 = arith.index_cast %parallel_loop3A_333 : i32 to index
        %parallel_loop3A_369 = arith.constant 32 : index
        %parallel_loop3A_370 = tpu.vector_load %arg10[%parallel_loop3A_367, %parallel_loop3A_368, %parallel_loop3A_369] {strides = array<i32>} : memref<3x128x64xf32, #tpu.memory_space<vmem>>, vector<16xf32>,
        tpu.vector_store %arg10[%parallel_loop3A_367, %parallel_loop3A_368, %parallel_loop3A_369], %parallel_loop3A_365 {strides = array<i32>} : memref<3x128x64xf32, #tpu.memory_space<vmem>>, vector<16xf32>,
        %parallel_loop3A_371 = arith.constant 2 : i32
        %parallel_loop3A_372 = arith.index_cast %parallel_loop3A_371 : i32 to index
        %parallel_loop3A_373 = arith.index_cast %parallel_loop3A_333 : i32 to index
        %parallel_loop3A_374 = arith.constant 48 : index
        %parallel_loop3A_375 = tpu.vector_load %arg10[%parallel_loop3A_372, %parallel_loop3A_373, %parallel_loop3A_374] {strides = array<i32>} : memref<3x128x64xf32, #tpu.memory_space<vmem>>, vector<16xf32>,
        %parallel_loop3A_376 = arith.mulf %parallel_loop3A_375, %parallel_loop3A_337 : vector<16xf32>
        %parallel_loop3A_377 = arith.constant 2 : i32
        %parallel_loop3A_378 = arith.index_cast %parallel_loop3A_377 : i32 to index
        %parallel_loop3A_379 = arith.index_cast %parallel_loop3A_333 : i32 to index
        %parallel_loop3A_380 = arith.constant 48 : index
        %parallel_loop3A_381 = tpu.vector_load %arg10[%parallel_loop3A_378, %parallel_loop3A_379, %parallel_loop3A_380] {strides = array<i32>} : memref<3x128x64xf32, #tpu.memory_space<vmem>>, vector<16xf32>,
        tpu.vector_store %arg10[%parallel_loop3A_378, %parallel_loop3A_379, %parallel_loop3A_380], %parallel_loop3A_376 {strides = array<i32>} : memref<3x128x64xf32, #tpu.memory_space<vmem>>, vector<16xf32>,
        %parallel_loop3A_382 = arith.constant 3 : i32
        %parallel_loop3A_383 = arith.addi %parallel_loop3A_230, %parallel_loop3A_382 : i32
        %parallel_loop3A_384 = arith.constant 3 : i32
        %parallel_loop3A_385 = vector.broadcast %parallel_loop3A_384 : i32 to vector<16xi32>
        %parallel_loop3A_386 = arith.addi %parallel_loop3A_231, %parallel_loop3A_385 : vector<16xi32>
        %parallel_loop3A_387 = tpu.vector_load_idx %arg9[%broadcast_in_dim3A_195, %parallel_loop3A_386] : memref<159x128xf32, #tpu.memory_space<vmem>>[vector<16xi32>, vector<16xi32>], vector<16xf32>,
        %parallel_loop3A_388 = arith.constant 2 : i32
        %parallel_loop3A_389 = arith.index_cast %parallel_loop3A_388 : i32 to index
        %parallel_loop3A_390 = arith.index_cast %parallel_loop3A_383 : i32 to index
        %parallel_loop3A_391 = arith.constant 0 : index
        %parallel_loop3A_392 = tpu.vector_load %arg10[%parallel_loop3A_389, %parallel_loop3A_390, %parallel_loop3A_391] {strides = array<i32>} : memref<3x128x64xf32, #tpu.memory_space<vmem>>, vector<16xf32>,
        %parallel_loop3A_393 = arith.mulf %parallel_loop3A_392, %parallel_loop3A_387 : vector<16xf32>
        %parallel_loop3A_394 = arith.constant 2 : i32
        %parallel_loop3A_395 = arith.index_cast %parallel_loop3A_394 : i32 to index
        %parallel_loop3A_396 = arith.index_cast %parallel_loop3A_383 : i32 to index
        %parallel_loop3A_397 = arith.constant 0 : index
        %parallel_loop3A_398 = tpu.vector_load %arg10[%parallel_loop3A_395, %parallel_loop3A_396, %parallel_loop3A_397] {strides = array<i32>} : memref<3x128x64xf32, #tpu.memory_space<vmem>>, vector<16xf32>,
        tpu.vector_store %arg10[%parallel_loop3A_395, %parallel_loop3A_396, %parallel_loop3A_397], %parallel_loop3A_393 {strides = array<i32>} : memref<3x128x64xf32, #tpu.memory_space<vmem>>, vector<16xf32>,
        %parallel_loop3A_399 = arith.constant 2 : i32
        %parallel_loop3A_400 = arith.index_cast %parallel_loop3A_399 : i32 to index
        %parallel_loop3A_401 = arith.index_cast %parallel_loop3A_383 : i32 to index
        %parallel_loop3A_402 = arith.constant 16 : index
        %parallel_loop3A_403 = tpu.vector_load %arg10[%parallel_loop3A_400, %parallel_loop3A_401, %parallel_loop3A_402] {strides = array<i32>} : memref<3x128x64xf32, #tpu.memory_space<vmem>>, vector<16xf32>,
        %parallel_loop3A_404 = arith.mulf %parallel_loop3A_403, %parallel_loop3A_387 : vector<16xf32>
        %parallel_loop3A_405 = arith.constant 2 : i32
        %parallel_loop3A_406 = arith.index_cast %parallel_loop3A_405 : i32 to index
        %parallel_loop3A_407 = arith.index_cast %parallel_loop3A_383 : i32 to index
        %parallel_loop3A_408 = arith.constant 16 : index
        %parallel_loop3A_409 = tpu.vector_load %arg10[%parallel_loop3A_406, %parallel_loop3A_407, %parallel_loop3A_408] {strides = array<i32>} : memref<3x128x64xf32, #tpu.memory_space<vmem>>, vector<16xf32>,
        tpu.vector_store %arg10[%parallel_loop3A_406, %parallel_loop3A_407, %parallel_loop3A_408], %parallel_loop3A_404 {strides = array<i32>} : memref<3x128x64xf32, #tpu.memory_space<vmem>>, vector<16xf32>,
        %parallel_loop3A_410 = arith.constant 2 : i32
        %parallel_loop3A_411 = arith.index_cast %parallel_loop3A_410 : i32 to index
        %parallel_loop3A_412 = arith.index_cast %parallel_loop3A_383 : i32 to index
        %parallel_loop3A_413 = arith.constant 32 : index
        %parallel_loop3A_414 = tpu.vector_load %arg10[%parallel_loop3A_411, %parallel_loop3A_412, %parallel_loop3A_413] {strides = array<i32>} : memref<3x128x64xf32, #tpu.memory_space<vmem>>, vector<16xf32>,
        %parallel_loop3A_415 = arith.mulf %parallel_loop3A_414, %parallel_loop3A_387 : vector<16xf32>
        %parallel_loop3A_416 = arith.constant 2 : i32
        %parallel_loop3A_417 = arith.index_cast %parallel_loop3A_416 : i32 to index
        %parallel_loop3A_418 = arith.index_cast %parallel_loop3A_383 : i32 to index
        %parallel_loop3A_419 = arith.constant 32 : index
        %parallel_loop3A_420 = tpu.vector_load %arg10[%parallel_loop3A_417, %parallel_loop3A_418, %parallel_loop3A_419] {strides = array<i32>} : memref<3x128x64xf32, #tpu.memory_space<vmem>>, vector<16xf32>,
        tpu.vector_store %arg10[%parallel_loop3A_417, %parallel_loop3A_418, %parallel_loop3A_419], %parallel_loop3A_415 {strides = array<i32>} : memref<3x128x64xf32, #tpu.memory_space<vmem>>, vector<16xf32>,
        %parallel_loop3A_421 = arith.constant 2 : i32
        %parallel_loop3A_422 = arith.index_cast %parallel_loop3A_421 : i32 to index
        %parallel_loop3A_423 = arith.index_cast %parallel_loop3A_383 : i32 to index
        %parallel_loop3A_424 = arith.constant 48 : index
        %parallel_loop3A_425 = tpu.vector_load %arg10[%parallel_loop3A_422, %parallel_loop3A_423, %parallel_loop3A_424] {strides = array<i32>} : memref<3x128x64xf32, #tpu.memory_space<vmem>>, vector<16xf32>,
        %parallel_loop3A_426 = arith.mulf %parallel_loop3A_425, %parallel_loop3A_387 : vector<16xf32>
        %parallel_loop3A_427 = arith.constant 2 : i32
        %parallel_loop3A_428 = arith.index_cast %parallel_loop3A_427 : i32 to index
        %parallel_loop3A_429 = arith.index_cast %parallel_loop3A_383 : i32 to index
        %parallel_loop3A_430 = arith.constant 48 : index
        %parallel_loop3A_431 = tpu.vector_load %arg10[%parallel_loop3A_428, %parallel_loop3A_429, %parallel_loop3A_430] {strides = array<i32>} : memref<3x128x64xf32, #tpu.memory_space<vmem>>, vector<16xf32>,
        tpu.vector_store %arg10[%parallel_loop3A_428, %parallel_loop3A_429, %parallel_loop3A_430], %parallel_loop3A_426 {strides = array<i32>} : memref<3x128x64xf32, #tpu.memory_space<vmem>>, vector<16xf32>,
      } {sc.loop_unroll_factor = 2 : i64, sc.parallel_access}
      %sub3A_199 = arith.constant 1 : i32
      %sub3A_200 = arith.subi %add3A_179, %sub3A_199 : i32
      %dma_wait3A_201 = arith.constant 1 : i32
      %dma_wait3A_202 = arith.constant 0 : i32
      %dma_wait3A_203 = arith.constant 0 : i32
      %dma_wait3A_204 = tpu.memref_slice %arg10[%dma_wait3A_201, %dma_wait3A_202, %dma_wait3A_203] : memref<3x128x64xf32, #tpu.memory_space<vmem>> -> memref<1x128x64xf32, #tpu.memory_space<vmem>>
      %dma_wait3A_205 = tpu.memref_squeeze %dma_wait3A_204 : memref<1x128x64xf32, #tpu.memory_space<vmem>> -> memref<128x64xf32, #tpu.memory_space<vmem>>
      %dma_wait3A_206 = arith.constant 0 : i32
      %dma_wait3A_207 = tpu.memref_slice %arg8[%sub3A_200, %dma_wait3A_206] : memref<159x128xi32, #tpu.memory_space<vmem>> -> memref<1x128xi32, #tpu.memory_space<vmem>>
      %dma_wait3A_208 = tpu.memref_squeeze %dma_wait3A_207 : memref<1x128xi32, #tpu.memory_space<vmem>> -> memref<128xi32, #tpu.memory_space<vmem>>
      %dma_wait3A_209 = arith.constant 0 : i32
      %dma_wait3A_210 = arith.constant 0 : i32
      %dma_wait3A_211 = tpu.memref_slice %arg11[%dma_wait3A_209, %dma_wait3A_210] : memref<10000x64xf32, #tpu.memory_space<vmem_shared>> -> memref<10000x64xf32, #tpu.memory_space<vmem_shared>>
      tpu.wait_indirect_dma semaphore(%arg16 : memref<!tpu.dma_semaphore, #tpu.memory_space<semaphore_mem>>) src(%dma_wait3A_205 : memref<128x64xf32, #tpu.memory_space<vmem>>) dst(%dma_wait3A_211 : memref<10000x64xf32, #tpu.memory_space<vmem_shared>>)
      %add3A_212 = arith.constant 2 : i32
      %add3A_213 = arith.addi %add3A_179, %add3A_212 : i32
      %lt3A_214 = arith.constant 159 : i32
      %lt3A_215 = arith.cmpi slt, %add3A_213, %lt3A_214 : i32
      %convert_element_type3A_216 = arith.extui %lt3A_215 : i1 to i32
      %cond3A_217 = arith.constant 0 : i32
      %cond3A_218 = arith.cmpi ne, %convert_element_type3A_216, %cond3A_217 : i32
      scf.if %cond3A_218 {
        %add3A_230 = arith.constant 2 : i32
        %add3A_231 = arith.addi %add3A_179, %add3A_230 : i32
        %dma_start3A_232 = arith.constant 1 : i32
        %dma_start3A_233 = arith.constant 0 : i32
        %dma_start3A_234 = arith.constant 0 : i32
        %dma_start3A_235 = tpu.memref_slice %arg10[%dma_start3A_232, %dma_start3A_233, %dma_start3A_234] : memref<3x128x64xf32, #tpu.memory_space<vmem>> -> memref<1x128x64xf32, #tpu.memory_space<vmem>>
        %dma_start3A_236 = tpu.memref_squeeze %dma_start3A_235 : memref<1x128x64xf32, #tpu.memory_space<vmem>> -> memref<128x64xf32, #tpu.memory_space<vmem>>
        %dma_start3A_237 = arith.constant 0 : i32
        %dma_start3A_238 = tpu.memref_slice %arg7[%add3A_231, %dma_start3A_237] : memref<159x128xi32, #tpu.memory_space<vmem>> -> memref<1x128xi32, #tpu.memory_space<vmem>>
        %dma_start3A_239 = tpu.memref_squeeze %dma_start3A_238 : memref<1x128xi32, #tpu.memory_space<vmem>> -> memref<128xi32, #tpu.memory_space<vmem>>
        %dma_start3A_240 = arith.constant 0 : i32
        %dma_start3A_241 = arith.constant 0 : i32
        %dma_start3A_242 = tpu.memref_slice %arg2[%arg0, %dma_start3A_240, %dma_start3A_241] : memref<2x10000x64xf32, #tpu.memory_space<hbm>> -> memref<1x10000x64xf32, #tpu.memory_space<hbm>>
        %dma_start3A_243 = tpu.memref_squeeze %dma_start3A_242 : memref<1x10000x64xf32, #tpu.memory_space<hbm>> -> memref<10000x64xf32, #tpu.memory_space<hbm>>
        %dma_start3A_244 = arith.constant 0 : i32
        %dma_start3A_245 = arith.constant 0 : i32
        %dma_start3A_246 = tpu.memref_slice %dma_start3A_243[%dma_start3A_244, %dma_start3A_245] : memref<10000x64xf32, #tpu.memory_space<hbm>> -> memref<10000x64xf32, #tpu.memory_space<hbm>>
        tpu.enqueue_indirect_dma source(%dma_start3A_246 : memref<10000x64xf32, #tpu.memory_space<hbm>>) target(%dma_start3A_236 : memref<128x64xf32, #tpu.memory_space<vmem>>) offsets(%dma_start3A_239 : memref<128xi32, #tpu.memory_space<vmem>>) semaphore(%arg13 : memref<!tpu.dma_semaphore, #tpu.memory_space<semaphore_mem>>)
      } else {
      }
      %dma_start3A_219 = arith.constant 2 : i32
      %dma_start3A_220 = arith.constant 0 : i32
      %dma_start3A_221 = arith.constant 0 : i32
      %dma_start3A_222 = tpu.memref_slice %arg10[%dma_start3A_219, %dma_start3A_220, %dma_start3A_221] : memref<3x128x64xf32, #tpu.memory_space<vmem>> -> memref<1x128x64xf32, #tpu.memory_space<vmem>>
      %dma_start3A_223 = tpu.memref_squeeze %dma_start3A_222 : memref<1x128x64xf32, #tpu.memory_space<vmem>> -> memref<128x64xf32, #tpu.memory_space<vmem>>
      %dma_start3A_224 = arith.constant 0 : i32
      %dma_start3A_225 = tpu.memref_slice %arg8[%add3A_179, %dma_start3A_224] : memref<159x128xi32, #tpu.memory_space<vmem>> -> memref<1x128xi32, #tpu.memory_space<vmem>>
      %dma_start3A_226 = tpu.memref_squeeze %dma_start3A_225 : memref<1x128xi32, #tpu.memory_space<vmem>> -> memref<128xi32, #tpu.memory_space<vmem>>
      %dma_start3A_227 = arith.constant 0 : i32
      %dma_start3A_228 = arith.constant 0 : i32
      %dma_start3A_229 = tpu.memref_slice %arg11[%dma_start3A_227, %dma_start3A_228] : memref<10000x64xf32, #tpu.memory_space<vmem_shared>> -> memref<10000x64xf32, #tpu.memory_space<vmem_shared>>
      tpu.enqueue_indirect_dma source(%dma_start3A_223 : memref<128x64xf32, #tpu.memory_space<vmem>>) target(%dma_start3A_229 : memref<10000x64xf32, #tpu.memory_space<vmem_shared>>) offsets(%dma_start3A_226 : memref<128xi32, #tpu.memory_space<vmem>>) semaphore(%arg17 : memref<!tpu.dma_semaphore, #tpu.memory_space<semaphore_mem>>) {add = true}
    }
    %scan3A_64 = arith.constant 53 : i32
    %dma_wait3A = arith.constant 2 : i32
    %dma_wait3A_65 = arith.constant 158 : i32
    %dma_wait3A_66 = arith.constant 0 : i32
    %dma_wait3A_67 = arith.constant 0 : i32
    %dma_wait3A_68 = tpu.memref_slice %arg10[%dma_wait3A, %dma_wait3A_66, %dma_wait3A_67] : memref<3x128x64xf32, #tpu.memory_space<vmem>> -> memref<1x128x64xf32, #tpu.memory_space<vmem>>
    %dma_wait3A_69 = tpu.memref_squeeze %dma_wait3A_68 : memref<1x128x64xf32, #tpu.memory_space<vmem>> -> memref<128x64xf32, #tpu.memory_space<vmem>>
    %dma_wait3A_70 = arith.constant 0 : i32
    %dma_wait3A_71 = tpu.memref_slice %arg8[%dma_wait3A_65, %dma_wait3A_70] : memref<159x128xi32, #tpu.memory_space<vmem>> -> memref<1x128xi32, #tpu.memory_space<vmem>>
    %dma_wait3A_72 = tpu.memref_squeeze %dma_wait3A_71 : memref<1x128xi32, #tpu.memory_space<vmem>> -> memref<128xi32, #tpu.memory_space<vmem>>
    %dma_wait3A_73 = arith.constant 0 : i32
    %dma_wait3A_74 = arith.constant 0 : i32
    %dma_wait3A_75 = tpu.memref_slice %arg11[%dma_wait3A_73, %dma_wait3A_74] : memref<10000x64xf32, #tpu.memory_space<vmem_shared>> -> memref<10000x64xf32, #tpu.memory_space<vmem_shared>>
    tpu.wait_indirect_dma semaphore(%arg17 : memref<!tpu.dma_semaphore, #tpu.memory_space<semaphore_mem>>) src(%dma_wait3A_69 : memref<128x64xf32, #tpu.memory_space<vmem>>) dst(%dma_wait3A_75 : memref<10000x64xf32, #tpu.memory_space<vmem_shared>>)
    %barrier3A_76 = arith.constant 0 : index
    tpu.barrier barrier_id(%barrier3A_76)
    %mul3A_77 = arith.constant 624 : i32
    %mul3A_78 = arith.muli %arg1, %mul3A_77 : i32
    %mul3A_79 = arith.constant 624 : i32
    %mul3A_80 = arith.muli %arg1, %mul3A_79 : i32
    "tpu.region"() ({
      %run_scoped3A_83 = tpu.sem_alloc : memref<!tpu.dma_semaphore, #tpu.memory_space<semaphore_mem>>
      %dma_start3A_84 = arith.constant 0 : i32
      %dma_start3A_85 = tpu.memref_slice %arg6[%arg0, %mul3A_80, %dma_start3A_84] : memref<2x10000x64xf32, #tpu.memory_space<hbm>> -> memref<1x624x64xf32, #tpu.memory_space<hbm>>
      %dma_start3A_86 = tpu.memref_squeeze %dma_start3A_85 : memref<1x624x64xf32, #tpu.memory_space<hbm>> -> memref<624x64xf32, #tpu.memory_space<hbm>>
      %dma_start3A_87 = arith.constant 0 : i32
      %dma_start3A_88 = tpu.memref_slice %arg11[%mul3A_78, %dma_start3A_87] : memref<10000x64xf32, #tpu.memory_space<vmem_shared>> -> memref<624x64xf32, #tpu.memory_space<vmem_shared>>
      tpu.enqueue_dma source(%dma_start3A_88 : memref<624x64xf32, #tpu.memory_space<vmem_shared>>) target(%dma_start3A_86 : memref<624x64xf32, #tpu.memory_space<hbm>>) target_semaphore(%run_scoped3A_83 : memref<!tpu.dma_semaphore, #tpu.memory_space<semaphore_mem>>)
      %dma_wait3A_89 = arith.constant 0 : i32
      %dma_wait3A_90 = tpu.memref_slice %arg6[%arg0, %mul3A_80, %dma_wait3A_89] : memref<2x10000x64xf32, #tpu.memory_space<hbm>> -> memref<1x624x64xf32, #tpu.memory_space<hbm>>
      %dma_wait3A_91 = tpu.memref_squeeze %dma_wait3A_90 : memref<1x624x64xf32, #tpu.memory_space<hbm>> -> memref<624x64xf32, #tpu.memory_space<hbm>>
      %dma_wait3A_92 = arith.constant 0 : i32
      %dma_wait3A_93 = tpu.memref_slice %arg11[%mul3A_78, %dma_wait3A_92] : memref<10000x64xf32, #tpu.memory_space<vmem_shared>> -> memref<624x64xf32, #tpu.memory_space<vmem_shared>>
      tpu.wait_dma2 semaphore(%run_scoped3A_83 : memref<!tpu.dma_semaphore, #tpu.memory_space<semaphore_mem>>) src(%dma_wait3A_93 : memref<624x64xf32, #tpu.memory_space<vmem_shared>>) dst(%dma_wait3A_91 : memref<624x64xf32, #tpu.memory_space<hbm>>)
      tpu.yield
    }) : () -> ()
    %eq3A = arith.constant 15 : i32
    %eq3A_81 = arith.cmpi eq, %arg1, %eq3A : i32
    %convert_element_type3A = arith.extui %eq3A_81 : i1 to i32
    %cond3A = arith.constant 0 : i32
    %cond3A_82 = arith.cmpi ne, %convert_element_type3A, %cond3A : i32
    scf.if %cond3A_82 {
      "tpu.region"() ({
        %run_scoped3A_83 = tpu.sem_alloc : memref<!tpu.dma_semaphore, #tpu.memory_space<semaphore_mem>>
        %dma_start3A_84 = arith.constant 9984 : i32
        %dma_start3A_85 = arith.constant 0 : i32
        %dma_start3A_86 = tpu.memref_slice %arg6[%arg0, %dma_start3A_84, %dma_start3A_85] : memref<2x10000x64xf32, #tpu.memory_space<hbm>> -> memref<1x16x64xf32, #tpu.memory_space<hbm>>
        %dma_start3A_87 = tpu.memref_squeeze %dma_start3A_86 : memref<1x16x64xf32, #tpu.memory_space<hbm>> -> memref<16x64xf32, #tpu.memory_space<hbm>>
        %dma_start3A_88 = arith.constant 9984 : i32
        %dma_start3A_89 = arith.constant 0 : i32
        %dma_start3A_90 = tpu.memref_slice %arg11[%dma_start3A_88, %dma_start3A_89] : memref<10000x64xf32, #tpu.memory_space<vmem_shared>> -> memref<16x64xf32, #tpu.memory_space<vmem_shared>>
        tpu.enqueue_dma source(%dma_start3A_90 : memref<16x64xf32, #tpu.memory_space<vmem_shared>>) target(%dma_start3A_87 : memref<16x64xf32, #tpu.memory_space<hbm>>) target_semaphore(%run_scoped3A_83 : memref<!tpu.dma_semaphore, #tpu.memory_space<semaphore_mem>>)
        %dma_wait3A_91 = arith.constant 9984 : i32
        %dma_wait3A_92 = arith.constant 0 : i32
        %dma_wait3A_93 = tpu.memref_slice %arg6[%arg0, %dma_wait3A_91, %dma_wait3A_92] : memref<2x10000x64xf32, #tpu.memory_space<hbm>> -> memref<1x16x64xf32, #tpu.memory_space<hbm>>
        %dma_wait3A_94 = tpu.memref_squeeze %dma_wait3A_93 : memref<1x16x64xf32, #tpu.memory_space<hbm>> -> memref<16x64xf32, #tpu.memory_space<hbm>>
        %dma_wait3A_95 = arith.constant 9984 : i32
        %dma_wait3A_96 = arith.constant 0 : i32
        %dma_wait3A_97 = tpu.memref_slice %arg11[%dma_wait3A_95, %dma_wait3A_96] : memref<10000x64xf32, #tpu.memory_space<vmem_shared>> -> memref<16x64xf32, #tpu.memory_space<vmem_shared>>
        tpu.wait_dma2 semaphore(%run_scoped3A_83 : memref<!tpu.dma_semaphore, #tpu.memory_space<semaphore_mem>>) src(%dma_wait3A_97 : memref<16x64xf32, #tpu.memory_space<vmem_shared>>) dst(%dma_wait3A_94 : memref<16x64xf32, #tpu.memory_space<hbm>>)
        tpu.yield
      }) : () -> ()
    } else {
    }
    return
  }
}

module attributes {stable_mosaic.version = 14 : i64} {
  func.func @_mm1_body(%arg0: i32, %arg1: memref<1000x128xf32, #tpu.memory_space<vmem>>, %arg2: memref<128x128xf32, #tpu.memory_space<vmem>>, %arg3: memref<2x1000x64xf32, #tpu.memory_space<vmem>>) attributes {dimension_semantics = [#tpu.dimension_semantics<arbitrary>], iteration_bounds = array<i64: 10>, scalar_prefetch = 0 : i64, scratch_operands = 0 : i64, tpu.core_type = #tpu.core_type<tc>, window_params = [{transform_indices = @transform_0, window_bounds = array<i64: 1000, 128>}, {pipeline_mode = #tpu.pipeline_mode<synchronous>, transform_indices = @transform_1, window_bounds = array<i64: 128, 128>}, {transform_indices = @transform_2, window_bounds = array<i64: 2, 1000, 64>}]} {
    %get3A = arith.constant 0 : index
    %get3A_0 = arith.constant 0 : index
    %get3A_1 = vector.load %arg1[%get3A, %get3A_0] : memref<1000x128xf32, #tpu.memory_space<vmem>>, vector<1000x128xf32>
    %get3A_2 = arith.constant 0 : index
    %get3A_3 = arith.constant 0 : index
    %get3A_4 = vector.load %arg2[%get3A_2, %get3A_3] : memref<128x128xf32, #tpu.memory_space<vmem>>, vector<128x128xf32>
    %dot_general3A = arith.constant dense<0.000000e+00> : vector<1000x128xf32>
    %dot_general3A_5 = tpu.matmul %get3A_1, %get3A_4, %dot_general3A {dimension_numbers = #tpu.dot_dimension_numbers<[1], [0], [0], [1], [0, 0, 1, 1], [], []>, transpose_lhs_hint = false} : vector<1000x128xf32>, vector<128x128xf32>, vector<1000x128xf32> -> vector<1000x128xf32>
    %slice3A = vector.extract_strided_slice %dot_general3A_5 {offsets = [0, 0], sizes = [1000, 64], strides = [1, 1]} : vector<1000x128xf32> to vector<1000x64xf32>
    %swap3A = arith.constant 0 : index
    %swap3A_6 = arith.constant 0 : index
    %swap3A_7 = arith.constant 0 : index
    %swap3A_8 = vector.load %arg3[%swap3A, %swap3A_6, %swap3A_7] : memref<2x1000x64xf32, #tpu.memory_space<vmem>>, vector<1x1000x64xf32>
    %swap3A_9 = vector.shape_cast %swap3A_8 : vector<1x1000x64xf32> to vector<1000x64xf32>
    %swap3A_10 = vector.shape_cast %slice3A : vector<1000x64xf32> to vector<1x1000x64xf32>
    tpu.vector_store %arg3[%swap3A, %swap3A_6, %swap3A_7], %swap3A_10 {strides = array<i32>} : memref<2x1000x64xf32, #tpu.memory_space<vmem>>, vector<1x1000x64xf32>,
    %slice3A_11 = vector.extract_strided_slice %dot_general3A_5 {offsets = [0, 64], sizes = [1000, 64], strides = [1, 1]} : vector<1000x128xf32> to vector<1000x64xf32>
    %swap3A_12 = arith.constant 1 : index
    %swap3A_13 = arith.constant 0 : index
    %swap3A_14 = arith.constant 0 : index
    %swap3A_15 = vector.load %arg3[%swap3A_12, %swap3A_13, %swap3A_14] : memref<2x1000x64xf32, #tpu.memory_space<vmem>>, vector<1x1000x64xf32>
    %swap3A_16 = vector.shape_cast %swap3A_15 : vector<1x1000x64xf32> to vector<1000x64xf32>
    %swap3A_17 = vector.shape_cast %slice3A_11 : vector<1000x64xf32> to vector<1x1000x64xf32>
    tpu.vector_store %arg3[%swap3A_12, %swap3A_13, %swap3A_14], %swap3A_17 {strides = array<i32>} : memref<2x1000x64xf32, #tpu.memory_space<vmem>>, vector<1x1000x64xf32>,
    return
  }
  func.func @transform_0(%arg0: i32) -> (i32, i32) {
    %c0_i32 = arith.constant 0 : i32
    %c0_i32_0 = arith.constant 0 : i32
    return %arg0, %c0_i32 : i32, i32
  }
  func.func @transform_1(%arg0: i32) -> (i32, i32) {
    %c0_i32 = arith.constant 0 : i32
    %c0_i32_0 = arith.constant 0 : i32
    %c0_i32_1 = arith.constant 0 : i32
    return %c0_i32, %c0_i32_0 : i32, i32
  }
  func.func @transform_2(%arg0: i32) -> (i32, i32, i32) {
    %c0_i32 = arith.constant 0 : i32
    %c0_i32_0 = arith.constant 0 : i32
    %c0_i32_1 = arith.constant 0 : i32
    return %c0_i32, %arg0, %c0_i32_0 : i32, i32, i32
  }
}

module attributes {stable_mosaic.version = 14 : i64} {
  func.func @_mid_body(%arg0: i32, %arg1: memref<2x1000x64xf32, #tpu.memory_space<vmem>>, %arg2: memref<1x128xf32, #tpu.memory_space<vmem>>, %arg3: memref<1000x128xf32, #tpu.memory_space<vmem>>, %arg4: memref<128x128xf32, #tpu.memory_space<vmem>>, %arg5: memref<2x1000x64xf32, #tpu.memory_space<vmem>>) attributes {dimension_semantics = [#tpu.dimension_semantics<arbitrary>], iteration_bounds = array<i64: 10>, scalar_prefetch = 0 : i64, scratch_operands = 0 : i64, tpu.core_type = #tpu.core_type<tc>, window_params = [{transform_indices = @transform_0, window_bounds = array<i64: 2, 1000, 64>}, {pipeline_mode = #tpu.pipeline_mode<synchronous>, transform_indices = @transform_1, window_bounds = array<i64: 1, 128>}, {transform_indices = @transform_2, window_bounds = array<i64: 1000, 128>}, {pipeline_mode = #tpu.pipeline_mode<synchronous>, transform_indices = @transform_3, window_bounds = array<i64: 128, 128>}, {transform_indices = @transform_4, window_bounds = array<i64: 2, 1000, 64>}]} {
    %get3A = arith.constant 0 : index
    %get3A_0 = arith.constant 0 : index
    %get3A_1 = arith.constant 0 : index
    %get3A_2 = vector.load %arg1[%get3A, %get3A_0, %get3A_1] : memref<2x1000x64xf32, #tpu.memory_space<vmem>>, vector<1x1000x64xf32>
    %get3A_3 = vector.shape_cast %get3A_2 : vector<1x1000x64xf32> to vector<1000x64xf32>
    %get3A_4 = arith.constant 1 : index
    %get3A_5 = arith.constant 0 : index
    %get3A_6 = arith.constant 0 : index
    %get3A_7 = vector.load %arg1[%get3A_4, %get3A_5, %get3A_6] : memref<2x1000x64xf32, #tpu.memory_space<vmem>>, vector<1x1000x64xf32>
    %get3A_8 = vector.shape_cast %get3A_7 : vector<1x1000x64xf32> to vector<1000x64xf32>
    %concatenate3A = tpu.concatenate %get3A_3, %get3A_8 in 1 : vector<1000x64xf32>, vector<1000x64xf32> -> vector<1000x128xf32>
    %get3A_9 = arith.constant 0 : index
    %get3A_10 = arith.constant 0 : index
    %get3A_11 = vector.load %arg2[%get3A_9, %get3A_10] : memref<1x128xf32, #tpu.memory_space<vmem>>, vector<1x128xf32>
    %add3A = vector.broadcast %get3A_11 : vector<1x128xf32> to vector<1000x128xf32>
    %add3A_12 = arith.addf %concatenate3A, %add3A : vector<1000x128xf32>
    %ge3A = arith.constant 0.000000e+00 : f32
    %ge3A_13 = vector.broadcast %ge3A : f32 to vector<1000x128xf32>
    %ge3A_14 = arith.cmpf oge, %add3A_12, %ge3A_13 : vector<1000x128xf32>
    %mul3A = arith.constant 2.500000e-01 : f32
    %mul3A_15 = vector.broadcast %mul3A : f32 to vector<1000x128xf32>
    %mul3A_16 = arith.mulf %mul3A_15, %add3A_12 : vector<1000x128xf32>
    %select_n3A = arith.select %ge3A_14, %add3A_12, %mul3A_16 : vector<1000x128xi1>, vector<1000x128xf32>
    %get3A_17 = arith.constant 0 : index
    %get3A_18 = arith.constant 0 : index
    %get3A_19 = vector.load %arg3[%get3A_17, %get3A_18] : memref<1000x128xf32, #tpu.memory_space<vmem>>, vector<1000x128xf32>
    %gt3A = arith.constant 0.000000e+00 : f32
    %gt3A_20 = vector.broadcast %gt3A : f32 to vector<1000x128xf32>
    %gt3A_21 = arith.cmpf ogt, %get3A_19, %gt3A_20 : vector<1000x128xf32>
    %div3A = arith.constant 0.899999976 : f32
    %div3A_22 = vector.broadcast %div3A : f32 to vector<1000x128xf32>
    %div3A_23 = arith.divf %select_n3A, %div3A_22 : vector<1000x128xf32>
    %jit3A = arith.constant 0.000000e+00 : f32
    %broadcast_in_dim3A = vector.broadcast %jit3A : f32 to vector<1000x128xf32>
    %select_n3A_24 = arith.select %gt3A_21, %div3A_23, %broadcast_in_dim3A : vector<1000x128xi1>, vector<1000x128xf32>
    %get3A_25 = arith.constant 0 : index
    %get3A_26 = arith.constant 0 : index
    %get3A_27 = vector.load %arg4[%get3A_25, %get3A_26] : memref<128x128xf32, #tpu.memory_space<vmem>>, vector<128x128xf32>
    %dot_general3A = arith.constant dense<0.000000e+00> : vector<1000x128xf32>
    %dot_general3A_28 = tpu.matmul %select_n3A_24, %get3A_27, %dot_general3A {dimension_numbers = #tpu.dot_dimension_numbers<[1], [0], [0], [1], [0, 0, 1, 1], [], []>, transpose_lhs_hint = false} : vector<1000x128xf32>, vector<128x128xf32>, vector<1000x128xf32> -> vector<1000x128xf32>
    %slice3A = vector.extract_strided_slice %dot_general3A_28 {offsets = [0, 0], sizes = [1000, 64], strides = [1, 1]} : vector<1000x128xf32> to vector<1000x64xf32>
    %swap3A = arith.constant 0 : index
    %swap3A_29 = arith.constant 0 : index
    %swap3A_30 = arith.constant 0 : index
    %swap3A_31 = vector.load %arg5[%swap3A, %swap3A_29, %swap3A_30] : memref<2x1000x64xf32, #tpu.memory_space<vmem>>, vector<1x1000x64xf32>
    %swap3A_32 = vector.shape_cast %swap3A_31 : vector<1x1000x64xf32> to vector<1000x64xf32>
    %swap3A_33 = vector.shape_cast %slice3A : vector<1000x64xf32> to vector<1x1000x64xf32>
    tpu.vector_store %arg5[%swap3A, %swap3A_29, %swap3A_30], %swap3A_33 {strides = array<i32>} : memref<2x1000x64xf32, #tpu.memory_space<vmem>>, vector<1x1000x64xf32>,
    %slice3A_34 = vector.extract_strided_slice %dot_general3A_28 {offsets = [0, 64], sizes = [1000, 64], strides = [1, 1]} : vector<1000x128xf32> to vector<1000x64xf32>
    %swap3A_35 = arith.constant 1 : index
    %swap3A_36 = arith.constant 0 : index
    %swap3A_37 = arith.constant 0 : index
    %swap3A_38 = vector.load %arg5[%swap3A_35, %swap3A_36, %swap3A_37] : memref<2x1000x64xf32, #tpu.memory_space<vmem>>, vector<1x1000x64xf32>
    %swap3A_39 = vector.shape_cast %swap3A_38 : vector<1x1000x64xf32> to vector<1000x64xf32>
    %swap3A_40 = vector.shape_cast %slice3A_34 : vector<1000x64xf32> to vector<1x1000x64xf32>
    tpu.vector_store %arg5[%swap3A_35, %swap3A_36, %swap3A_37], %swap3A_40 {strides = array<i32>} : memref<2x1000x64xf32, #tpu.memory_space<vmem>>, vector<1x1000x64xf32>,
    return
  }
  func.func @transform_0(%arg0: i32) -> (i32, i32, i32) {
    %c0_i32 = arith.constant 0 : i32
    %c0_i32_0 = arith.constant 0 : i32
    %c0_i32_1 = arith.constant 0 : i32
    return %c0_i32, %arg0, %c0_i32_0 : i32, i32, i32
  }
  func.func @transform_1(%arg0: i32) -> (i32, i32) {
    %c0_i32 = arith.constant 0 : i32
    %c0_i32_0 = arith.constant 0 : i32
    %c0_i32_1 = arith.constant 0 : i32
    return %c0_i32, %c0_i32_0 : i32, i32
  }
  func.func @transform_2(%arg0: i32) -> (i32, i32) {
    %c0_i32 = arith.constant 0 : i32
    %c0_i32_0 = arith.constant 0 : i32
    return %arg0, %c0_i32 : i32, i32
  }
  func.func @transform_3(%arg0: i32) -> (i32, i32) {
    %c0_i32 = arith.constant 0 : i32
    %c0_i32_0 = arith.constant 0 : i32
    %c0_i32_1 = arith.constant 0 : i32
    return %c0_i32, %c0_i32_0 : i32, i32
  }
  func.func @transform_4(%arg0: i32) -> (i32, i32, i32) {
    %c0_i32 = arith.constant 0 : i32
    %c0_i32_0 = arith.constant 0 : i32
    %c0_i32_1 = arith.constant 0 : i32
    return %c0_i32, %arg0, %c0_i32_0 : i32, i32, i32
  }
}

module attributes {stable_mosaic.version = 14 : i64} {
  func.func @_fin_body(%arg0: i32, %arg1: memref<2x1000x64xf32, #tpu.memory_space<vmem>>, %arg2: memref<1x128xf32, #tpu.memory_space<vmem>>, %arg3: memref<1000x128xf32, #tpu.memory_space<vmem>>) attributes {dimension_semantics = [#tpu.dimension_semantics<arbitrary>], iteration_bounds = array<i64: 10>, scalar_prefetch = 0 : i64, scratch_operands = 0 : i64, tpu.core_type = #tpu.core_type<tc>, window_params = [{transform_indices = @transform_0, window_bounds = array<i64: 2, 1000, 64>}, {pipeline_mode = #tpu.pipeline_mode<synchronous>, transform_indices = @transform_1, window_bounds = array<i64: 1, 128>}, {transform_indices = @transform_2, window_bounds = array<i64: 1000, 128>}]} {
    %get3A = arith.constant 0 : index
    %get3A_0 = arith.constant 0 : index
    %get3A_1 = arith.constant 0 : index
    %get3A_2 = vector.load %arg1[%get3A, %get3A_0, %get3A_1] : memref<2x1000x64xf32, #tpu.memory_space<vmem>>, vector<1x1000x64xf32>
    %get3A_3 = vector.shape_cast %get3A_2 : vector<1x1000x64xf32> to vector<1000x64xf32>
    %get3A_4 = arith.constant 1 : index
    %get3A_5 = arith.constant 0 : index
    %get3A_6 = arith.constant 0 : index
    %get3A_7 = vector.load %arg1[%get3A_4, %get3A_5, %get3A_6] : memref<2x1000x64xf32, #tpu.memory_space<vmem>>, vector<1x1000x64xf32>
    %get3A_8 = vector.shape_cast %get3A_7 : vector<1x1000x64xf32> to vector<1000x64xf32>
    %concatenate3A = tpu.concatenate %get3A_3, %get3A_8 in 1 : vector<1000x64xf32>, vector<1000x64xf32> -> vector<1000x128xf32>
    %get3A_9 = arith.constant 0 : index
    %get3A_10 = arith.constant 0 : index
    %get3A_11 = vector.load %arg2[%get3A_9, %get3A_10] : memref<1x128xf32, #tpu.memory_space<vmem>>, vector<1x128xf32>
    %add3A = vector.broadcast %get3A_11 : vector<1x128xf32> to vector<1000x128xf32>
    %add3A_12 = arith.addf %concatenate3A, %add3A : vector<1000x128xf32>
    %ge3A = arith.constant 0.000000e+00 : f32
    %ge3A_13 = vector.broadcast %ge3A : f32 to vector<1000x128xf32>
    %ge3A_14 = arith.cmpf oge, %add3A_12, %ge3A_13 : vector<1000x128xf32>
    %mul3A = arith.constant 2.500000e-01 : f32
    %mul3A_15 = vector.broadcast %mul3A : f32 to vector<1000x128xf32>
    %mul3A_16 = arith.mulf %mul3A_15, %add3A_12 : vector<1000x128xf32>
    %select_n3A = arith.select %ge3A_14, %add3A_12, %mul3A_16 : vector<1000x128xi1>, vector<1000x128xf32>
    %swap3A = arith.constant 0 : index
    %swap3A_17 = arith.constant 0 : index
    %swap3A_18 = vector.load %arg3[%swap3A, %swap3A_17] : memref<1000x128xf32, #tpu.memory_space<vmem>>, vector<1000x128xf32>
    tpu.vector_store %arg3[%swap3A, %swap3A_17], %select_n3A {strides = array<i32>} : memref<1000x128xf32, #tpu.memory_space<vmem>>, vector<1000x128xf32>,
    return
  }
  func.func @transform_0(%arg0: i32) -> (i32, i32, i32) {
    %c0_i32 = arith.constant 0 : i32
    %c0_i32_0 = arith.constant 0 : i32
    %c0_i32_1 = arith.constant 0 : i32
    return %c0_i32, %arg0, %c0_i32_0 : i32, i32, i32
  }
  func.func @transform_1(%arg0: i32) -> (i32, i32) {
    %c0_i32 = arith.constant 0 : i32
    %c0_i32_0 = arith.constant 0 : i32
    %c0_i32_1 = arith.constant 0 : i32
    return %c0_i32, %c0_i32_0 : i32, i32
  }
  func.func @transform_2(%arg0: i32) -> (i32, i32) {
    %c0_i32 = arith.constant 0 : i32
    %c0_i32_0 = arith.constant 0 : i32
    return %arg0, %c0_i32 : i32, i32
  }
}

</mosaic_0001>

<sc_bundles>
// kernel: kernel.10.cloned.1.call-start
scs
__scs_entry_jumppad:
0x0: {  	(pc) =	sbr.rel $0x88, $3  }
0x1: {  	(tag) =	ssettag $0x0;
	lr =	simm.s32 $0x1  }
0x2: {  	[smem:$0x3F9A] =	sst lr;
	_ =	strace $0xD0000000  }
0x3: {  	_ = 	snop  }
0x4: {  	_ = 	snop  }
0x5: {  	_ = 	snop  }
0x6: {  	_ = 	snop  }
0x7: {  	_ = 	snop  }
__scs_overlays_trampoline_lowered:
0x8: {  	[smem:$0x3FA9] =	sst s0  }
0x9: {  	[smem:$0x3FAA] =	sst s1  }
0xa: {  	[smem:$0x3FAB] =	sst s2  }
0xb: {  	[smem:$0x3FAC] =	sst s3  }
0xc: {  	[smem:$0x3FAD] =	sst s4  }
0xd: {  	[smem:$0x3FAE] =	sst s5  }
0xe: {  	[smem:$0x3FAF] =	sst s6  }
0xf: {  	[smem:$0x3FB0] =	sst s7  }
0x10: {  	[smem:$0x3FB1] =	sst s8  }
0x11: {  	[smem:$0x3FB2] =	sst s9;
	s0 =	simm.s32 @!p0 $0x0  }
0x12: {  	s1 =	sld [smem:$0x3F98];
	s0 =	simm.s32 @p0 $0x1  }
0x13: {  	[smem:$0x3FB3] =	sst s0;
	s0 =	simm.s32 @!p1 $0x0  }
0x14: {  	s2 =	sld [smem:$0x3F97];
	s0 =	simm.s32 @p1 $0x1  }
0x15: {  	[smem:$0x3FB4] =	sst s0;
	s0 =	simm.s32 @!p2 $0x0  }
0x16: {  	s3 =	sld [smem:$0x3FDB];
	s0 =	simm.s32 @p2 $0x1  }
0x17: {  	s4 =	simm.s32 $0x1BF5;
	[smem:$0x3FB6] =	sst s0  }
0x18: {  	s0 =	sld [smem:$0x3F99];
	_ =	swait.ge [sflag:s4], $0x0  }
0x19: {  	s7 =	sld [smem:$0x3F9A]  }
0x1a: {  	s8 =	sadd.s32 $0xFFFFE003, lr  }
0x1b: {  	s9 =	sadd.s32 $0xFFFFFEF7, lr;
	s5 =	simm.s32 $0xFFFFFFFF;
	p2 =	slt.u32 s8, $0xFFFFF086  }
0x1c: {  	p1 =	slt.u32 s9, $0xF7A;
	s5 =	simm.s32 @!p2 $0x0  }
0x1d: {  	s5 =	simm.s32 @p1 $0x1;
	p0 =	seq.s32 s7, s2  }
0x1e: {  	s7 =	smul.u32 @!p0 $0xF7A, s2;
	p2 =	seq.s32 @!p0 s5, $0x0  }
0x1f: {  	s9 =	smul.u32 $0xF7A, s1;
	s8 =	simm.s32 @!p0 $0x1BF5;
	p2 =	por !p2, p0  }
0x20: {  	[sflag:s8] =	ssyncset.s32 @!p0 $0xFFFFF086;
	s6 =	sadd.s32 @!p0 s3, s7;
	s7 =	simm.s32 @!p0 $0x108  }
0x21: {  	s3 =	sadd.s32 s3, s9;
	s6 =	sadd.s32 @!p0 $0x88, s6;
	s7 =	simm.s32 @p2 $0x1082  }
0x22: {  	[simem:s7], [sflag:s8] =	dma.local @!p0 [hbm:s6], $0xF7A  }
0x23: {  	s9 =	sor.u32 $0xD0000000, s2;
	s6 =	simm.s32 $0x108;
	_ =	swait.ge @!p0 [sflag:s8], $0x0  }
0x24: {  	s3 =	sadd.s32 $0x88, s3;
	s6 =	simm.s32 @!p1 $0x1082;
	[sflag:s4] =	ssyncset.s32 $0xFFFFF086  }
0x25: {  	[simem:s6], [sflag:s4] =	dma.local [hbm:s3], $0xF7A  }
0x26: {  	[smem:$0x3F9A] =	sst s1;
	(tag) =	ssettag s2;
	_ =	strace s9  }
0x27: {  	s1 =	sld [smem:$0x3FAA]  }
0x28: {  	s2 =	sld [smem:$0x3FAB]  }
0x29: {  	s4 =	sld [smem:$0x3FAD]  }
0x2a: {  	p0 =	seq.s32 s5, $0x0;
	s5 =	sld [smem:$0x3FAE]  }
0x2b: {  	s6 =	sld [smem:$0x3FAF]  }
0x2c: {  	s7 =	sld [smem:$0x3FB0]  }
0x2d: {  	s3 =	simm.s32 $0x108;
	s8 =	sld [smem:$0x3FB1]  }
0x2e: {  	s3 =	simm.s32 @!p0 $0x1082;
	s9 =	sld [smem:$0x3FB2]  }
0x2f: {  	lr =	sadd.s32 s0, s3;
	s0 =	sld [smem:$0x3FA9]  }
0x30: {  	s3 =	sld [smem:$0x3FAC]  }
0x31: {  	[smem:$0x3FB5] =	sst s10  }
0x32: {  	s10 =	sld [smem:$0x3FB3];
	_ =	sdelay $0x3  }
0x33: {  	p0 =	seq.s32 s10, $0x1;
	s10 =	sld [smem:$0x3FB5];
	_ =	sdelay $0x3  }
0x34: {  	[smem:$0x3FB5] =	sst s10  }
0x35: {  	s10 =	sld [smem:$0x3FB4];
	_ =	sdelay $0x3  }
0x36: {  	p1 =	seq.s32 s10, $0x1;
	s10 =	sld [smem:$0x3FB5];
	_ =	sdelay $0x3  }
0x37: {  	[smem:$0x3FB5] =	sst s10  }
0x38: {  	s10 =	sld [smem:$0x3FB6]  }
0x39: {  	_ = 	snop;
	(pc) =	sbr.ind lr, $3  }
0x3a: {  	_ = 	snop  }
0x3b: {  	_ = 	snop  }
0x3c: {  	p2 =	seq.s32 s10, $0x1;
	s10 =	sld [smem:$0x3FB5]  }
0x3d: {  	_ =	shalt  }
0x3e: {  	_ =	shalt  }
0x3f: {  	_ =	shalt  }
0x40: {  	_ =	shalt  }
0x41: {  	_ =	shalt  }
0x42: {  	_ =	shalt  }
0x43: {  	_ =	shalt  }
0x44: {  	_ =	shalt  }
0x45: {  	_ =	shalt  }
0x46: {  	_ =	shalt  }
0x47: {  	_ =	shalt  }
0x48: {  	_ =	shalt  }
0x49: {  	_ =	shalt  }
0x4a: {  	_ =	shalt  }
0x4b: {  	_ =	shalt  }
0x4c: {  	_ =	shalt  }
0x4d: {  	_ =	shalt  }
0x4e: {  	_ =	shalt  }
0x4f: {  	_ =	shalt  }
0x50: {  	_ =	shalt  }
0x51: {  	_ =	shalt  }
0x52: {  	_ =	shalt  }
0x53: {  	_ =	shalt  }
0x54: {  	_ =	shalt  }
0x55: {  	_ =	shalt  }
0x56: {  	_ =	shalt  }
0x57: {  	_ =	shalt  }
0x58: {  	_ =	shalt  }
0x59: {  	_ =	shalt  }
0x5a: {  	_ =	shalt  }
0x5b: {  	_ =	shalt  }
0x5c: {  	_ =	shalt  }
0x5d: {  	_ =	shalt  }
0x5e: {  	_ =	shalt  }
0x5f: {  	_ =	shalt  }
0x60: {  	_ =	shalt  }
0x61: {  	_ =	shalt  }
0x62: {  	_ =	shalt  }
0x63: {  	_ =	shalt  }
0x64: {  	_ =	shalt  }
0x65: {  	_ =	shalt  }
0x66: {  	_ =	shalt  }
0x67: {  	_ =	shalt  }
0x68: {  	_ =	shalt  }
0x69: {  	_ =	shalt  }
0x6a: {  	_ =	shalt  }
0x6b: {  	_ =	shalt  }
0x6c: {  	_ =	shalt  }
0x6d: {  	_ =	shalt  }
0x6e: {  	_ =	shalt  }
0x6f: {  	_ =	shalt  }
0x70: {  	_ =	shalt  }
0x71: {  	_ =	shalt  }
0x72: {  	_ =	shalt  }
0x73: {  	_ =	shalt  }
0x74: {  	_ =	shalt  }
0x75: {  	_ =	shalt  }
0x76: {  	_ =	shalt  }
0x77: {  	_ =	shalt  }
0x78: {  	_ =	shalt  }
0x79: {  	_ =	shalt  }
0x7a: {  	_ =	shalt  }
0x7b: {  	_ =	shalt  }
0x7c: {  	_ =	shalt  }
0x7d: {  	_ =	shalt  }
0x7e: {  	_ =	shalt  }
0x7f: {  	_ =	shalt  }
0x80: {  	_ =	shalt  }
0x81: {  	_ =	shalt  }
0x82: {  	_ =	shalt  }
0x83: {  	_ =	shalt  }
0x84: {  	_ =	shalt  }
0x85: {  	_ =	shalt  }
0x86: {  	_ =	shalt  }
0x87: {  	_ =	shalt  }
.Lfunc_end0:
.L_simem_size_0:
called_computation.1_lowered:
.L_overlay_start_0:
0x88: {  	s2 =	sld [smem:$0x3FD9]  }
0x89: {  	s3 =	sld [smem:$0x3FFE];
	_ =	sdelay $0x1  }
0x8a: {  	s1 =	srdreg.scid  }
0x8b: {  	s0 =	sand.u32 $0x1, s1  }
0x8c: {  	s17 =	sshll.u32 s0, $0xA;
	s2 =	sadd.s32 s3, s2  }
0x8d: {  	s2 =	sadd.s32 s2, s17  }
0x8e: {  	[smem:$0x3FC1] =	sst s2  }
0x8f: {  	_ = 	snop  }
0x90: {  	s2 =	sld [smem:$0x3FD0];
	(tm) =	ssettm $0x1  }
0x91: {  	s18 =	sld [smem:$0x3FFB];
	_ =	sdelay $0x3  }
0x92: {  	_ =	strace s18  }
0x93: {  	s3 =	sld [smem:$0x3FFC];
	_ =	sdelay $0x3  }
0x94: {  	_ =	strace s3  }
0x95: {  	s3 =	sld [smem:$0x3FFD];
	_ =	sdelay $0x3  }
0x96: {  	_ =	strace s3  }
0x97: {  	_ =	strace $0x8FFFFFFF  }
0x98: {  	s19 =	sld [smem:$0x3FDB];
	_ =	sdelay $0x1  }
0x99: {  	s4 =	simm.s32 $_scs_section_size  }
0x9a: {  	s5 =	simm.s32 $_size__tile_overlayer_lowered;
	s6 =	simm.s32 $_tile_overlayer_lowered  }
0x9b: {  	s22 =	simm.s32 $0x1BFF;
	s21 =	sshll.u32 s6, $0x1;
	s3 =	sadd.s32 s4, s19  }
0x9c: {  	s7 =	simm.s32 $0x0;
	s20 =	sshll.u32 s5, $0x1;
	s5 =	sadd.s32 s21, s3  }
0x9d: {  	[timem:s7], [sflag:s22] =	dma.local [hbm:s5], s20  }
0x9e: {  	_ =	swait.ge [sflag:s22], s20  }
0x9f: {  	s4 =	ssub.s32 $0x0, s20;
	[sflag:s22] =	ssyncset.done $0x0  }
0xa0: {  	[sflag:s22] =	ssyncadd.s32 s4;
	_ =	sdelay $0x1  }
0xa1: {  	s23 =	simm.s32 $0x1B8B  }
0xa2: {  	_ =	swait.ge [sflag:s23], $0x1  }
0xa3: {  	[sflag:s23] =	ssyncset.done $0x0  }
0xa4: {  	s25 =	simm.s32 $0x1B8E;
	s24 =	sld [smem:$0x3FFE];
	[sflag:s23] =	ssyncadd.s32 $0xFFFFFFFF  }
0xa5: {  	s26 =	simm.s32 $execute0_lowered;
	[smem:$0x3FD2] =	sst s25  }
0xa6: {  	s5 =	sshll.u32 s26, $0x1;
	_ =	strace $0x80000049;
	[dreg:$0x1] =	wrdreg $0xFFFFFFFF  }
0xa7: {  	s28 =	simm.s32 $_size_execute0_lowered;
	s3 =	sadd.s32 s3, s5;
	[dreg:$0x0] =	wrdreg $0x0  }
0xa8: {  	s5 =	sshll.u32 s28, $0x1;
	[dreg:$0x2] =	wrdreg s3  }
0xa9: {  	[dreg:$0x3] =	wrdreg s5  }
0xaa: {  	[dreg:$0x4] =	wrdreg $0xC0  }
0xab: {  	_ =	task [dreg:s7], $0x5FFFF  }
0xac: {  	[dreg:$0x1] =	wrdreg $0xFFFFFFFF  }
0xad: {  	[dreg:$0x0] =	wrdreg $0x60  }
0xae: {  	[dreg:$0x2] =	wrdreg s2  }
0xaf: {  	[dreg:$0x3] =	wrdreg s24  }
0xb0: {  	[dreg:$0x4] =	wrdreg $0x14E800  }
0xb1: {  	[dreg:$0x5] =	wrdreg $0x9  }
0xb2: {  	_ =	task.clear_ibuf [dreg:s7], $0x6FFFF;
	_ =	strace $0x90000049  }
0xb3: {  	s29 =	simm.s32 $0x9;
	_ =	strace $0x8000004B  }
0xb4: {  	_ =	swait.ge [sflag:s29], $0x1  }
0xb5: {  	[sflag:s29] =	ssyncadd.s32 $0xFFFFFFFF  }
0xb6: {  	_ =	strace $0x9000004B  }
0xb7: {  	_ =	sfence  }
0xb8: {  	s30 =	sld [smem:$0x0];
	_ =	sdelay $0x2  }
0xb9: {  	s31 =	sshll.u32 s1, $0xD;
	s1 =	sshrl.u32 s1, $0x2  }
0xba: {  	s3 =	sand.u32 $0x4000, s31;
	s1 =	sadd.s32 s1, s30  }
0xbb: {  	s0 =	sor.u32 s3, s0;
	s1 =	sshll.u32 s1, $0x11  }
0xbc: {  	s0 =	sor.u32 s1, s0  }
0xbd: {  	s0 =	sadd.s32 $0x8F2B, s0  }
0xbe: {  	[sflag:s0] =	ssyncadd.remote.s32 $0x1  }
0xbf: {  	_ =	sfence.sel $0xFFFF  }
0xc0: {  	[dreg:$0x0] =	wrdreg $0xFFFFFFFF;
	(pc) =	sbr.abs _section_cstart, $3  }
0xc1: {  	[dreg:$0x1] =	wrdreg $0xFFFFFFFF  }
0xc2: {  	_ =	task.clear_ibuf [dreg:s7], $0x2FFFF;
	_ =	strace $0x9FFFFFFF  }
0xc3: {  	(tm) =	ssettm $0x7FFFFFFF  }
tec
execute0_lowered:
.L_overlay_start_1:
0x0: {  	(tag) =	ssettag $0x1  }
0x1: {  	s0 =	rddreg [dreg:$0x0]  }
0x2: {  	s1 =	rddreg [dreg:$0x1]  }
0x3: {  	s2 =	rddreg [dreg:$0x2]  }
0x4: {  	s3 =	simm.s32 $0x0;
	s9 =	stileid.u32;
	s5 =	srdreg.scid  }
0x5: {  	s28 =	simm.s32 $0x4;
	s29 =	simm.s32 $0x3;
	s4 =	smul.u32 $0x9F0, s9  }
0x6: {  	s30 =	simm.s32 $0x5;
	s31 =	simm.s32 $0x6;
	s6 =	smul.u32 $0x27100, s9  }
0x7: {  	[smem:$0x7FF] =	sst s3;
	s5 =	sand.u32 $0x1, s5;
	s18 =	smul.u32 $0x9C00, s9  }
0x8: {  	p0 =	sne.s32 s9, $0xF;
	_ =	strace $0x8000004A;
	s8 =	ssub.s32 $0x2, s5  }
0x9: {  	s5 =	smul.u32 $0x9C400, s5;
	s7 =	sadd.s32 s4, s1;
	s13 =	sshrl.u32 s6, $0x2  }
0xa: {  	s1 =	sadd.s32 $0x1F400, s1;
	s14 =	sshrl.u32 s8, $0x1;
	s24 =	sadd.s32 s18, s2  }
0xb: {  	s4 =	sadd.s32 s13, s2;
	s6 =	ssub.s32 s8, s14;
	s19 =	sadd.s32 $0xB400, s7  }
0xc: {  	s20 =	sadd.s32 $0x1400, s7;
	s7 =	sadd.s32 $0x15400, s7;
	s21 =	sshrl.u32 s5, $0x3  }
0xd: {  	s5 =	sadd.s32 s18, s5;
	s24 =	sshrl.u32 s24, $0x3;
	[dreg:$0x8] =	wrdreg s19  }
0xe: {  	s15 =	sadd.s32 $0x1F40, s4;
	s16 =	sadd.s32 $0x3E80, s4;
	[dreg:$0x9] =	wrdreg s20  }
0xf: {  	s17 =	sadd.s32 $0x5DC0, s4;
	s10 =	sadd.s32 $0x7D00, s4;
	[dreg:$0xa] =	wrdreg s7  }
0x10: {  	s12 =	sadd.s32 s0, s21;
	s22 =	sshrl.u32 s5, $0x3;
	[dreg:$0x4] =	wrdreg s15  }
0x11: {  	s23 =	sadd.s32 s1, s21;
	s26 =	smax.u32 s6, $0x1;
	[dreg:$0x5] =	wrdreg s16  }
0x12: {  	s19 =	simm.s32 $0x9F00;
	s20 =	simm.s32 $0x80;
	[dreg:$0x6] =	wrdreg s17  }
.Ltmp0:
0x13: {  	s21 =	simm.s32 $0x10E80;
	[dreg:$0x7] =	wrdreg s10;
	(pc) =	sbr.rel .LBB2_1-.Ltmp0, $4  }
0x14: {  	s0 =	sadd.s32 s1, s22;
	s25 =	sadd.s32 $0x13800, s23;
	s1 =	sadd.s32 $0x9C000, s2  }
0x15: {  	[dreg:$0xd] =	wrdreg s26;
	s16 =	simm.s32 $0xEE80;
	s17 =	simm.s32 $0x7  }
0x16: {  	s22 =	simm.s32 $0x1;
	s23 =	simm.s32 $0x12E80;
	[dreg:$0xb] =	wrdreg s0  }
0x17: {  	v0 =	vimm.f32 $0.0e+00;
	s26 =	simm.s32 $0x2;
	[dreg:$0xc] =	wrdreg s25;
	s25 =	sshrl.u32 @!p0 s1, $0x3  }
.LBB2_12:
0x18: {  	[spmem:s2] =	stream.indirect.scatter.add.f32 [tilespmem:s23], [sflag:$0x6], $0x40, s1, s20, $0xb8;
	[tilespmem:$0x1EAC0] =	vst v63  }
0x19: {  	_ =	swait.ge [sflag:s31], $0x2000  }
0x1a: {  	[sflag:s31] =	ssyncset.done $0x0  }
0x1b: {  	s0 =	stileid.u32;
	[sflag:s31] =	ssyncadd.s32 $0xFFFFE000  }
0x1c: {  	s0 =	sshll.u32 s0, $0x6;
	[bflag:$0x0] =	sbarrier.arrive $0xFFFF  }
0x1d: {  	s0 =	sor.u32 $0x1C07, s0;
	s15 =	rddreg [dreg:$0xb]  }
0x1e: {  	[hbm:s15], [sflag:s0] =	dma.local [spmem:s24], $0x1380  }
0x1f: {  	_ =	swait.ge [sflag:s17], $0x1380  }
0x20: {  	[sflag:s17] =	ssyncset.done $0x0  }
0x21: {  	s1 =	rddreg [dreg:$0xc];
	[sflag:s17] =	ssyncadd.s32 $0xFFFFEC80  }
0x22: {  	[hbm:s1], [sflag:s0] =	dma.local @!p0 [spmem:s25], $0x80  }
0x23: {  	s0 =	simm.s32 @!p0 $0x7  }
0x24: {  	_ =	swait.ge @!p0 [sflag:s0], $0x80  }
0x25: {  	s3 =	sadd.s32 $0x1, s3;
	s18 =	rddreg [dreg:$0xd]  }
0x26: {  	p1 =	sne.s32 s3, s18  }
.Ltmp1:
0x27: {  	_ = 	snop;
	(pc) =	sbr.rel @!p1 .LBB2_13-.Ltmp1, $3  }
0x28: {  	_ =	sdelay $0x1  }
0x29: {  	[sflag:s0] =	ssyncset.done @!p0 $0x0  }
0x2a: {  	[sflag:s0] =	ssyncadd.s32 @!p0 $0xFFFFFF80  }
.LBB2_1:
0x2b: {  	s1 =	simm.s32 $0x100;
	s0 =	simm.s32 $0x0  }
.LBB2_2:
0x2c: {  	p1 =	sne.s32 s1, $0x7C00;
	[tilespmem:s0+$0xEEB0] =	vst v0;
	s5 =	smov.u32 s1;
	s1 =	sadd.s32 $0x100, s1  }
.Ltmp2:
0x2d: {  	[tilespmem:s0+$0xEEA0] =	vst v0;
	(pc) =	sbr.rel @p1 .LBB2_2-.Ltmp2, $3  }
0x2e: {  	[tilespmem:s0+$0xEE80] =	vst v0  }
0x2f: {  	[tilespmem:s0+$0xEE90] =	vst v0;
	_ =	sdelay $0x1  }
0x30: {  	s0 =	sshra.s32 s5, $0x2  }
0x31: {  	[tilespmem:s0+$0xEEB0] =	vst v0  }
0x32: {  	[tilespmem:s0+$0xEEA0] =	vst v0  }
0x33: {  	[tilespmem:s0+$0xEE80] =	vst v0  }
0x34: {  	[tilespmem:s0+$0xEE90] =	vst v0  }
0x35: {  	[spmem:s4] =	stream.linear.scatter [tilespmem:s16], [sflag:$0x7], $0x1F40, $0x38;
	[tilespmem:$0x1EAC0] =	vst v63  }
0x36: {  	_ =	swait.ge [sflag:s17], $0x1F40  }
0x37: {  	[sflag:s17] =	ssyncset.done $0x0  }
0x38: {  	s10 =	rddreg [dreg:$0x4];
	[sflag:s17] =	ssyncadd.s32 $0xFFFFE0C0  }
0x39: {  	[spmem:s10] =	stream.linear.scatter [tilespmem:s16], [sflag:$0x7], $0x1F40, $0x38;
	[tilespmem:$0x1EAC0] =	vst v63  }
0x3a: {  	_ =	swait.ge [sflag:s17], $0x1F40  }
0x3b: {  	[sflag:s17] =	ssyncset.done $0x0  }
0x3c: {  	s11 =	rddreg [dreg:$0x5];
	[sflag:s17] =	ssyncadd.s32 $0xFFFFE0C0  }
0x3d: {  	[spmem:s11] =	stream.linear.scatter [tilespmem:s16], [sflag:$0x7], $0x1F40, $0x38;
	[tilespmem:$0x1EAC0] =	vst v63  }
0x3e: {  	_ =	swait.ge [sflag:s17], $0x1F40  }
0x3f: {  	[sflag:s17] =	ssyncset.done $0x0  }
0x40: {  	s13 =	rddreg [dreg:$0x6];
	[sflag:s17] =	ssyncadd.s32 $0xFFFFE0C0  }
0x41: {  	[spmem:s13] =	stream.linear.scatter [tilespmem:s16], [sflag:$0x7], $0x1F40, $0x38;
	[tilespmem:$0x1EAC0] =	vst v63  }
0x42: {  	_ =	swait.ge [sflag:s17], $0x1F40  }
0x43: {  	[sflag:s17] =	ssyncset.done $0x0  }
0x44: {  	s14 =	rddreg [dreg:$0x7];
	[sflag:s17] =	ssyncadd.s32 $0xFFFFE0C0  }
0x45: {  	[spmem:s14] =	stream.linear.scatter [tilespmem:s16], [sflag:$0x7], $0x1F40, $0x38;
	[tilespmem:$0x1EAC0] =	vst v63  }
0x46: {  	_ =	swait.ge [sflag:s17], $0x1F40  }
0x47: {  	[sflag:s17] =	ssyncset.done $0x0  }
0x48: {  	s0 =	simm.s32 $0x0;
	s1 =	rddreg [dreg:$0x8];
	[sflag:s17] =	ssyncadd.s32 $0xFFFFE0C0  }
0x49: {  	[tilespmem:s0], [sflag:$0x7] =	stream.linear.gather [hbm4b:s1+s0], $0x4F80, $0x38;
	[tilespmem:$0x1EAC0] =	vst v63  }
0x4a: {  	_ =	swait.ge [sflag:s17], $0x4F80  }
0x4b: {  	[sflag:s17] =	ssyncset.done $0x0  }
0x4c: {  	s5 =	simm.s32 $0x4F80;
	s15 =	rddreg [dreg:$0x9];
	[sflag:s17] =	ssyncadd.s32 $0xFFFFB080  }
0x4d: {  	[tilespmem:s5], [sflag:$0x7] =	stream.linear.gather [hbm4b:s15+s0], $0x4F80, $0x38;
	[tilespmem:$0x1EAC0] =	vst v63  }
0x4e: {  	_ =	swait.ge [sflag:s17], $0x4F80  }
0x4f: {  	[sflag:s17] =	ssyncset.done $0x0  }
0x50: {  	s18 =	rddreg [dreg:$0xa];
	[sflag:s17] =	ssyncadd.s32 $0xFFFFB080  }
0x51: {  	[tilespmem:s19], [sflag:$0x7] =	stream.linear.gather [hbm4b:s18+s0], $0x4F80, $0x38;
	[tilespmem:$0x1EAC0] =	vst v63  }
0x52: {  	_ =	swait.ge [sflag:s17], $0x4F80  }
0x53: {  	[sflag:s17] =	ssyncset.done $0x0  }
0x54: {  	[sflag:s17] =	ssyncadd.s32 $0xFFFFB080  }
0x55: {  	[bflag:$0x0] =	sbarrier.arrive $0xFFFF  }
0x56: {  	[tilespmem:s16], [sflag:$0x1] =	stream.indirect.gather [hbm4b:s12+s20], $0x40, s0, s20, $0xb8;
	[tilespmem:$0x1EAC0] =	vst v63  }
0x57: {  	s18 =	simm.s32 $0x0  }
0x58: {  	[tilespmem:s21], [sflag:$0x2] =	stream.indirect.gather [hbm4b:s12+s20], $0x40, s20, s20, $0xb8;
	[tilespmem:$0x1EAC0] =	vst v63  }
.LBB2_4:
0x59: {  	s5 =	smul.u32 $0x3, s18;
	_ =	sdelay $0x1  }
0x5a: {  	s6 =	simm.s32 $0x4;
	s7 =	sshll.u32 s5, $0x7  }
0x5b: {  	s13 =	sor.u32 s7, s6  }
0x5c: {  	_ =	swait.ge [sflag:s22], $0x2000;
	v3 =	vmov s13  }
0x5d: {  	[sflag:s22] =	ssyncset.done $0x0;
	s1 =	sor.u32 s7, s0  }
0x5e: {  	[sflag:s22] =	ssyncadd.s32 $0xFFFFE000;
	v1 =	vmov s1;
	s1 =	simm.s32 $0xEF80  }
0x5f: {  	v5 =	vld [tilespmem:s1+$0x0]  }
0x60: {  	v6 =	vld [tilespmem:s1+$0x10]  }
0x61: {  	v4 =	vld.idx.msk [tilespmem:v3+s19+$0x0], $0xffff  }
0x62: {  	v7 =	vld [tilespmem:s1+$0x20]  }
0x63: {  	v8 =	vld [tilespmem:s1+$0x30]  }
0x64: {  	v9 =	vld [tilespmem:s1+$0xFFFFFF00]  }
0x65: {  	v10 =	vld [tilespmem:s1+$0xFFFFFF10]  }
0x66: {  	v11 =	vld [tilespmem:s1+$0xFFFFFF20];
	v5 =	vmul.f32 v5, v4  }
0x67: {  	v12 =	vor.u32 $0x5, v3;
	v2 =	vld.idx.msk [tilespmem:v1+s19+$0x0], $0xffff;
	v6 =	vmul.f32 v6, v4  }
0x68: {  	v13 =	vld [tilespmem:s1+$0xFFFFFF30];
	[tilespmem:s1+$0x0] =	vst v5;
	v5 =	vmul.f32 v7, v4  }
0x69: {  	v14 =	vld [tilespmem:s1+$0xFFFFFF80];
	[tilespmem:s1+$0x10] =	vst v6;
	v4 =	vmul.f32 v8, v4  }
0x6a: {  	v15 =	vld [tilespmem:s1+$0xFFFFFFB0];
	[tilespmem:s1+$0x20] =	vst v5  }
0x6b: {  	v17 =	vld [tilespmem:s1+$0xC0];
	[tilespmem:s1+$0x30] =	vst v4  }
0x6c: {  	v4 =	vmul.f32 v9, v2;
	v8 =	vld.idx.msk [tilespmem:v12+s19+$0x0], $0xffff  }
0x6d: {  	v9 =	vmul.f32 v10, v2;
	v10 =	vor.u32 $0x1, v1;
	v12 =	vld [tilespmem:s1+$0x40]  }
0x6e: {  	[tilespmem:s1+$0xFFFFFF00] =	vst v4;
	v4 =	vmul.f32 v11, v2;
	v11 =	vld [tilespmem:s1+$0x50]  }
0x6f: {  	[tilespmem:s1+$0xFFFFFF10] =	vst v9;
	v2 =	vmul.f32 v13, v2;
	v9 =	vld [tilespmem:s1+$0x60]  }
0x70: {  	[tilespmem:s1+$0xFFFFFF20] =	vst v4;
	v4 =	vld [tilespmem:s1+$0x70]  }
0x71: {  	v7 =	vld [tilespmem:s1+$0xFFFFFF40];
	[tilespmem:s1+$0xFFFFFF30] =	vst v2  }
0x72: {  	v2 =	vld.idx.msk [tilespmem:v10+s19+$0x0], $0xffff;
	v10 =	vmul.f32 v12, v8  }
0x73: {  	v6 =	vld [tilespmem:s1+$0xFFFFFF50];
	v13 =	vor.u32 $0x6, v3;
	v11 =	vmul.f32 v11, v8  }
0x74: {  	v5 =	vld [tilespmem:s1+$0xFFFFFF60];
	v9 =	vmul.f32 v9, v8;
	[tilespmem:s1+$0x40] =	vst v10  }
0x75: {  	v12 =	vld [tilespmem:s1+$0xFFFFFF70];
	[tilespmem:s1+$0x50] =	vst v11;
	v4 =	vmul.f32 v4, v8  }
0x76: {  	v10 =	vld [tilespmem:s1+$0xFFFFFF90];
	[tilespmem:s1+$0x60] =	vst v9  }
0x77: {  	v8 =	vld [tilespmem:s1+$0x80];
	[tilespmem:s1+$0x70] =	vst v4  }
0x78: {  	v7 =	vmul.f32 v7, v2;
	v4 =	vld.idx.msk [tilespmem:v13+s19+$0x0], $0xffff  }
0x79: {  	v9 =	vor.u32 $0x2, v1;
	v6 =	vmul.f32 v6, v2;
	v13 =	vld [tilespmem:s1+$0x90]  }
0x7a: {  	v5 =	vmul.f32 v5, v2;
	[tilespmem:s1+$0xFFFFFF40] =	vst v7;
	v7 =	vld [tilespmem:s1+$0xA0]  }
0x7b: {  	v2 =	vmul.f32 v12, v2;
	[tilespmem:s1+$0xFFFFFF50] =	vst v6;
	v6 =	vld [tilespmem:s1+$0xB0]  }
0x7c: {  	v11 =	vld [tilespmem:s1+$0xFFFFFFA0];
	[tilespmem:s1+$0xFFFFFF60] =	vst v5  }
0x7d: {  	v5 =	vld [tilespmem:s1+$0xFFFFFFC0];
	[tilespmem:s1+$0xFFFFFF70] =	vst v2;
	v2 =	vmul.f32 v8, v4  }
0x7e: {  	v12 =	vld.idx.msk [tilespmem:v9+s19+$0x0], $0xffff;
	v8 =	vmul.f32 v13, v4;
	v13 =	vor.u32 $0x7, v3  }
0x7f: {  	v9 =	vld [tilespmem:s1+$0xD0];
	v7 =	vmul.f32 v7, v4;
	[tilespmem:s1+$0x80] =	vst v2  }
0x80: {  	v3 =	vld [tilespmem:s1+$0xFFFFFFE0];
	v6 =	vmul.f32 v6, v4;
	[tilespmem:s1+$0x90] =	vst v8  }
0x81: {  	s8 =	simm.s32 $0xC;
	v4 =	vld [tilespmem:s1+$0xFFFFFFF0];
	[tilespmem:s1+$0xA0] =	vst v7  }
0x82: {  	s14 =	simm.s32 $0x8;
	s15 =	sor.u32 s7, s8;
	v2 =	vld [tilespmem:s1+$0xFFFFFFD0];
	[tilespmem:s1+$0xB0] =	vst v6  }
0x83: {  	s6 =	sor.u32 s7, s14;
	v6 =	vmov s15;
	v8 =	vld.idx.msk [tilespmem:v13+s19+$0x0], $0xffff  }
0x84: {  	v7 =	vmov s6;
	v16 =	vmul.f32 v10, v12;
	v13 =	vmul.f32 v14, v12;
	v14 =	vld [tilespmem:s1+$0xF0]  }
0x85: {  	s8 =	simm.s32 $0xF180;
	v10 =	vld [tilespmem:s1+$0xE0];
	v18 =	vmul.f32 v11, v12  }
0x86: {  	[tilespmem:s1+$0xFFFFFF90] =	vst v16;
	v16 =	vld [tilespmem:s8+$0x0]  }
0x87: {  	[tilespmem:s1+$0xFFFFFFA0] =	vst v18;
	v12 =	vmul.f32 v15, v12;
	v15 =	vld [tilespmem:s8+$0x10]  }
0x88: {  	[tilespmem:s1+$0xFFFFFF80] =	vst v13;
	v13 =	vld.idx.msk [tilespmem:v6+s19+$0x0], $0xffff  }
0x89: {  	s9 =	simm.s32 $0x10;
	s6 =	simm.s32 $0xF180;
	v11 =	vld.idx.msk [tilespmem:v7+s19+$0x0], $0xffff;
	[tilespmem:s1+$0xFFFFFFB0] =	vst v12;
	v12 =	vmul.f32 v17, v8;
	v14 =	vmul.f32 v14, v8  }
.LBB2_5:
0x8a: {  	p1 =	slt.u32 s9, $0x78;
	v17 =	vld [tilespmem:s8+$0x20];
	v9 =	vmul.f32 v9, v8;
	v8 =	vmul.f32 v10, v8  }
0x8b: {  	v10 =	vld [tilespmem:s8+$0x30];
	[tilespmem:s1+$0xF0] =	vst v14  }
0x8c: {  	v14 =	vld [tilespmem:s8+$0xFFFFFF00];
	[tilespmem:s1+$0xC0] =	vst v12  }
0x8d: {  	v12 =	vld [tilespmem:s8+$0xFFFFFF10];
	v16 =	vmul.f32 v16, v13;
	[tilespmem:s1+$0xD0] =	vst v9  }
0x8e: {  	v18 =	vor.u32 $0x5, v6;
	v9 =	vld [tilespmem:s8+$0xFFFFFF20];
	v15 =	vmul.f32 v15, v13;
	[tilespmem:s1+$0xE0] =	vst v8  }
0x8f: {  	v8 =	vld [tilespmem:s8+$0xFFFFFF30];
	[tilespmem:s8+$0x0] =	vst v16;
	v16 =	vmul.f32 v17, v13  }
0x90: {  	v17 =	vld [tilespmem:s8+$0xFFFFFF40];
	[tilespmem:s8+$0x10] =	vst v15;
	v10 =	vmul.f32 v10, v13  }
0x91: {  	v13 =	vmul.f32 v14, v11;
	v14 =	vld [tilespmem:s8+$0xFFFFFF50];
	[tilespmem:s8+$0x20] =	vst v16  }
0x92: {  	v12 =	vmul.f32 v12, v11;
	v15 =	vld [tilespmem:s8+$0xFFFFFF60];
	[tilespmem:s8+$0x30] =	vst v10  }
0x93: {  	v10 =	vor.u32 $0x1, v7;
	[tilespmem:s8+$0xFFFFFF00] =	vst v13;
	v9 =	vmul.f32 v9, v11;
	v13 =	vld.idx.msk [tilespmem:v18+s19+$0x0], $0xffff  }
0x94: {  	[tilespmem:s8+$0xFFFFFF10] =	vst v12;
	v8 =	vmul.f32 v8, v11;
	v11 =	vld [tilespmem:s8+$0x40]  }
0x95: {  	[tilespmem:s8+$0xFFFFFF20] =	vst v9;
	v9 =	vld [tilespmem:s8+$0x50]  }
0x96: {  	[tilespmem:s8+$0xFFFFFF30] =	vst v8;
	v8 =	vld [tilespmem:s8+$0x60]  }
0x97: {  	v12 =	vld [tilespmem:s8+$0x70]  }
0x98: {  	v10 =	vld.idx.msk [tilespmem:v10+s19+$0x0], $0xffff  }
0x99: {  	v18 =	vor.u32 $0x3, v1;
	v1 =	vmov v7;
	v16 =	vld [tilespmem:s8+$0xFFFFFF70];
	v11 =	vmul.f32 v11, v13  }
0x9a: {  	v19 =	vld [tilespmem:s8+$0xFFFFFF80];
	v7 =	vmul.f32 v9, v13;
	v9 =	vor.u32 $0x6, v6  }
0x9b: {  	v20 =	vld [tilespmem:s8+$0xFFFFFF90];
	[tilespmem:s8+$0x40] =	vst v11;
	v8 =	vmul.f32 v8, v13  }
0x9c: {  	v11 =	vld [tilespmem:s8+$0xFFFFFFA0];
	[tilespmem:s8+$0x50] =	vst v7;
	v7 =	vmul.f32 v12, v13  }
0x9d: {  	v12 =	vld [tilespmem:s8+$0xFFFFFFB0];
	[tilespmem:s8+$0x60] =	vst v8  }
0x9e: {  	v8 =	vmul.f32 v17, v10;
	v13 =	vmul.f32 v14, v10;
	[tilespmem:s8+$0x70] =	vst v7;
	v7 =	vld.idx.msk [tilespmem:v18+s19+$0x0], $0xffff  }
0x9f: {  	v14 =	vmul.f32 v15, v10;
	v15 =	vor.u32 $0x2, v1;
	v10 =	vmul.f32 v16, v10;
	v9 =	vld.idx.msk [tilespmem:v9+s19+$0x0], $0xffff  }
0xa0: {  	[tilespmem:s8+$0xFFFFFF40] =	vst v8;
	v8 =	vld [tilespmem:s8+$0x80]  }
0xa1: {  	[tilespmem:s8+$0xFFFFFF50] =	vst v13;
	v13 =	vld [tilespmem:s8+$0x90]  }
0xa2: {  	[tilespmem:s8+$0xFFFFFF60] =	vst v14;
	v14 =	vld [tilespmem:s8+$0xA0]  }
0xa3: {  	[tilespmem:s8+$0xFFFFFF70] =	vst v10;
	v10 =	vld [tilespmem:s8+$0xB0]  }
0xa4: {  	v16 =	vmul.f32 v5, v7;
	v17 =	vmul.f32 v2, v7;
	v15 =	vld.idx.msk [tilespmem:v15+s19+$0x0], $0xffff  }
0xa5: {  	v18 =	vmul.f32 v3, v7;
	v5 =	vld [tilespmem:s8+$0xFFFFFFC0];
	v8 =	vmul.f32 v8, v9  }
0xa6: {  	v21 =	vor.u32 $0x7, v6;
	v22 =	vmul.f32 v4, v7;
	v2 =	vld [tilespmem:s8+$0xFFFFFFD0];
	v13 =	vmul.f32 v13, v9;
	[tilespmem:s1+$0xFFFFFFC0] =	vst v16  }
0xa7: {  	v3 =	vld [tilespmem:s8+$0xFFFFFFE0];
	[tilespmem:s8+$0x80] =	vst v8;
	v6 =	vmul.f32 v14, v9  }
0xa8: {  	s10 =	sor.u32 s7, s9;
	s11 =	sadd.s32 $0x4, s9;
	v4 =	vld [tilespmem:s8+$0xFFFFFFF0];
	[tilespmem:s8+$0x90] =	vst v13;
	v8 =	vmul.f32 v10, v9  }
0xa9: {  	v7 =	vmov s10;
	s10 =	sor.u32 s7, s11;
	[tilespmem:s8+$0xA0] =	vst v6;
	v14 =	vld [tilespmem:s8+$0xC0]  }
0xaa: {  	v6 =	vmov s10;
	v10 =	vmul.f32 v19, v15;
	v13 =	vmul.f32 v20, v15;
	[tilespmem:s8+$0xB0] =	vst v8;
	v9 =	vld [tilespmem:s8+$0xD0]  }
0xab: {  	v16 =	vmul.f32 v11, v15;
	v12 =	vmul.f32 v12, v15;
	v8 =	vld.idx.msk [tilespmem:v21+s19+$0x0], $0xffff;
	[tilespmem:s1+$0xFFFFFFD0] =	vst v17  }
0xac: {  	[tilespmem:s8+$0xFFFFFF80] =	vst v10;
	v17 =	vld [tilespmem:s8+$0xF0]  }
.Ltmp3:
0xad: {  	[tilespmem:s8+$0xFFFFFF90] =	vst v13;
	v10 =	vld [tilespmem:s8+$0xE0];
	(pc) =	sbr.rel @p1 .LBB2_5-.Ltmp3, $4  }
0xae: {  	v11 =	vld.idx.msk [tilespmem:v7+s19+$0x0], $0xffff;
	[tilespmem:s8+$0xFFFFFFA0] =	vst v16  }
0xaf: {  	s8 =	sadd.s32 $0x200, s8;
	v13 =	vld.idx.msk [tilespmem:v6+s19+$0x0], $0xffff;
	[tilespmem:s6+$0xFFFFFFB0] =	vst v12  }
0xb0: {  	v16 =	vld [tilespmem:s8+$0x0];
	[tilespmem:s1+$0xFFFFFFE0] =	vst v18  }
0xb1: {  	s9 =	sadd.s32 $0x8, s9;
	v12 =	vmul.f32 v14, v8;
	v15 =	vld [tilespmem:s8+$0x10];
	v14 =	vmul.f32 v17, v8;
	[tilespmem:s1+$0xFFFFFFF0] =	vst v22;
	s1 =	smov.u32 s6;
	s6 =	smov.u32 s8  }
0xb2: {  	v17 =	vld [tilespmem:s8+$0x20]  }
0xb3: {  	v18 =	vld [tilespmem:s8+$0x30]  }
0xb4: {  	v19 =	vld [tilespmem:s8+$0xFFFFFF00]  }
0xb5: {  	v20 =	vld [tilespmem:s8+$0xFFFFFF10];
	v16 =	vmul.f32 v16, v13  }
0xb6: {  	v21 =	vld [tilespmem:s8+$0xFFFFFF20];
	v22 =	vor.u32 $0x5, v6;
	v15 =	vmul.f32 v15, v13  }
0xb7: {  	v23 =	vld [tilespmem:s8+$0xFFFFFF30];
	[tilespmem:s8+$0x0] =	vst v16;
	v16 =	vmul.f32 v17, v13  }
0xb8: {  	v56 =	vld [tilespmem:s8+$0x40];
	v13 =	vmul.f32 v18, v13;
	[tilespmem:s8+$0x10] =	vst v15  }
0xb9: {  	v57 =	vld [tilespmem:s8+$0x50];
	[tilespmem:s8+$0x20] =	vst v16  }
0xba: {  	v59 =	vld [tilespmem:s8+$0xFFFFFF70];
	[tilespmem:s8+$0x30] =	vst v13;
	v13 =	vmul.f32 v19, v11  }
0xbb: {  	v55 =	vor.u32 $0x1, v7;
	v19 =	vmul.f32 v20, v11;
	v18 =	vld.idx.msk [tilespmem:v22+s19+$0x0], $0xffff  }
0xbc: {  	v61 =	vld [tilespmem:s8+$0xFFFFFF80];
	[tilespmem:s8+$0xFFFFFF00] =	vst v13;
	v13 =	vmul.f32 v21, v11  }
0xbd: {  	[tilespmem:s8+$0xFFFFFF10] =	vst v19;
	v11 =	vmul.f32 v23, v11;
	v19 =	vld [tilespmem:s8+$0x60]  }
0xbe: {  	[tilespmem:s8+$0xFFFFFF20] =	vst v13;
	v13 =	vld [tilespmem:s8+$0x70]  }
0xbf: {  	v17 =	vld [tilespmem:s8+$0xFFFFFF40];
	[tilespmem:s8+$0xFFFFFF30] =	vst v11  }
0xc0: {  	v11 =	vld.idx.msk [tilespmem:v55+s19+$0x0], $0xffff;
	v58 =	vmul.f32 v56, v18  }
0xc1: {  	v60 =	vor.u32 $0x6, v6;
	[tilespmem:s1+$0xF0] =	vst v14;
	v15 =	vld [tilespmem:s8+$0xFFFFFF50];
	v21 =	vmul.f32 v57, v18  }
0xc2: {  	v16 =	vld [tilespmem:s8+$0xFFFFFF60];
	v19 =	vmul.f32 v19, v18;
	[tilespmem:s8+$0x40] =	vst v58  }
0xc3: {  	v62 =	vld [tilespmem:s8+$0xFFFFFF90];
	[tilespmem:s8+$0x50] =	vst v21;
	v13 =	vmul.f32 v13, v18  }
0xc4: {  	v63 =	vld [tilespmem:s8+$0x90];
	[tilespmem:s8+$0x60] =	vst v19  }
0xc5: {  	v1 =	vor.u32 $0x3, v1;
	v14 =	vmul.f32 v17, v11;
	v17 =	vld [tilespmem:s8+$0x80];
	[tilespmem:s8+$0x70] =	vst v13  }
0xc6: {  	v9 =	vmul.f32 v9, v8;
	[tilespmem:s1+$0xC0] =	vst v12;
	v12 =	vmul.f32 v15, v11;
	v15 =	vor.u32 $0x2, v7;
	v13 =	vld.idx.msk [tilespmem:v60+s19+$0x0], $0xffff  }
0xc7: {  	v8 =	vmul.f32 v10, v8;
	v10 =	vld [tilespmem:s8+$0xFFFFFFD0];
	v16 =	vmul.f32 v16, v11;
	[tilespmem:s8+$0xFFFFFF40] =	vst v14  }
0xc8: {  	v11 =	vmul.f32 v59, v11;
	[tilespmem:s8+$0xFFFFFF50] =	vst v12;
	v12 =	vld [tilespmem:s8+$0xB0]  }
0xc9: {  	v14 =	vld [tilespmem:s8+$0xA0];
	[tilespmem:s8+$0xFFFFFF60] =	vst v16  }
0xca: {  	v1 =	vld.idx.msk [tilespmem:v1+s19+$0x0], $0xffff;
	[tilespmem:s8+$0xFFFFFF70] =	vst v11  }
0xcb: {  	[tilespmem:s1+$0xD0] =	vst v9;
	v9 =	vld.idx.msk [tilespmem:v15+s19+$0x0], $0xffff;
	v11 =	vmul.f32 v17, v13  }
0xcc: {  	v6 =	vor.u32 $0x7, v6;
	[tilespmem:s1+$0xE0] =	vst v8;
	v8 =	vld [tilespmem:s8+$0xC0];
	v15 =	vmul.f32 v63, v13  }
0xcd: {  	v18 =	vld [tilespmem:s8+$0xFFFFFFA0];
	v12 =	vmul.f32 v12, v13;
	[tilespmem:s8+$0x80] =	vst v11  }
0xce: {  	v19 =	vld [tilespmem:s8+$0xFFFFFFB0];
	v11 =	vmul.f32 v14, v13;
	[tilespmem:s8+$0x90] =	vst v15  }
0xcf: {  	v5 =	vmul.f32 v5, v1;
	v16 =	vld [tilespmem:s8+$0xFFFFFFC0];
	[tilespmem:s8+$0xB0] =	vst v12  }
0xd0: {  	v14 =	vld [tilespmem:s8+$0xFFFFFFE0];
	v13 =	vmul.f32 v61, v9;
	[tilespmem:s8+$0xA0] =	vst v11  }
0xd1: {  	[tilespmem:s1+$0xFFFFFFC0] =	vst v5;
	v7 =	vor.u32 $0x3, v7;
	v5 =	vmul.f32 v62, v9;
	v6 =	vld.idx.msk [tilespmem:v6+s19+$0x0], $0xffff  }
0xd2: {  	v12 =	vmul.f32 v18, v9;
	[tilespmem:s8+$0xFFFFFF80] =	vst v13;
	v13 =	vld [tilespmem:s8+$0xF0]  }
0xd3: {  	v9 =	vmul.f32 v19, v9;
	v11 =	vld [tilespmem:s8+$0xFFFFFFF0];
	[tilespmem:s8+$0xFFFFFF90] =	vst v5  }
0xd4: {  	v2 =	vmul.f32 v2, v1;
	v5 =	vld [tilespmem:s8+$0xD0];
	[tilespmem:s8+$0xFFFFFFA0] =	vst v12  }
0xd5: {  	v3 =	vmul.f32 v3, v1;
	v12 =	vld [tilespmem:s8+$0xE0];
	[tilespmem:s6+$0xFFFFFFB0] =	vst v9  }
0xd6: {  	v1 =	vmul.f32 v4, v1;
	[tilespmem:s1+$0xFFFFFFD0] =	vst v2;
	v2 =	vld.idx.msk [tilespmem:v7+s19+$0x0], $0xffff  }
0xd7: {  	[tilespmem:s1+$0xFFFFFFE0] =	vst v3;
	v3 =	vmul.f32 v13, v6  }
0xd8: {  	[tilespmem:s1+$0xFFFFFFF0] =	vst v1;
	v4 =	vmul.f32 v8, v6  }
0xd9: {  	v1 =	vmul.f32 v5, v6;
	[tilespmem:s6+$0xF0] =	vst v3  }
0xda: {  	v3 =	vmul.f32 v12, v6;
	[tilespmem:s6+$0xC0] =	vst v4  }
0xdb: {  	[tilespmem:s6+$0xD0] =	vst v1;
	v1 =	vmul.f32 v16, v2  }
0xdc: {  	v4 =	vmul.f32 v14, v2;
	[tilespmem:s6+$0xE0] =	vst v3  }
0xdd: {  	v3 =	vmul.f32 v10, v2;
	[tilespmem:s6+$0xFFFFFFC0] =	vst v1  }
0xde: {  	v1 =	vmul.f32 v11, v2;
	[tilespmem:s6+$0xFFFFFFE0] =	vst v4  }
0xdf: {  	p1 =	seq.s32 s18, $0x0;
	[tilespmem:s6+$0xFFFFFFD0] =	vst v3  }
0xe0: {  	s1 =	simm.s32 @!p1 $0x6;
	[tilespmem:s6+$0xFFFFFFF0] =	vst v1  }
0xe1: {  	_ =	swait.ge @!p1 [sflag:s1], $0x2000  }
0xe2: {  	s9 =	sadd.s32 $0x1, s5;
	s6 =	sadd.s32 $0x2, s5;
	[sflag:s1] =	ssyncset.done @!p1 $0x0  }
0xe3: {  	s8 =	smul.u32 $0x600, s18;
	s7 =	sshll.u32 s6, $0x9;
	[sflag:s1] =	ssyncadd.s32 @!p1 $0xFFFFE000  }
0xe4: {  	s1 =	sshrl.u32 s7, $0x2;
	s7 =	sshll.u32 s9, $0x7;
	s9 =	simm.s32 $0x0  }
0xe5: {  	[tilespmem:s23], [sflag:$0x3] =	stream.indirect.gather [hbm4b:s12+s20], $0x40, s1, s20, $0xb8;
	[tilespmem:$0x1EAC0] =	vst v63  }
0xe6: {  	s10 =	simm.s32 $0x4;
	s5 =	sshra.s32 s8, $0x2;
	s9 =	sor.u32 s7, s9  }
0xe7: {  	s11 =	sadd.s32 $0x4F80, s5;
	s10 =	sor.u32 s7, s10;
	v1 =	vmov s9  }
0xe8: {  	v3 =	vmov s10;
	[spmem:s2] =	stream.indirect.scatter.add.f32 [tilespmem:s16], [sflag:$0x4], $0x40, s11, s20, $0xb8;
	[tilespmem:$0x1EAC0] =	vst v63  }
0xe9: {  	_ =	swait.ge [sflag:s26], $0x2000  }
0xea: {  	[sflag:s26] =	ssyncset.done $0x0  }
0xeb: {  	[sflag:s26] =	ssyncadd.s32 $0xFFFFE000  }
0xec: {  	v2 =	vld.idx.msk [tilespmem:v1+s19+$0x0], $0xffff  }
0xed: {  	s9 =	simm.s32 $0x11070;
	v4 =	vld.idx.msk [tilespmem:v3+s19+$0x0], $0xffff  }
0xee: {  	v5 =	vld [tilespmem:s9+$0xFFFFFF10]  }
0xef: {  	v6 =	vld [tilespmem:s9+$0xFFFFFF20]  }
0xf0: {  	v7 =	vld [tilespmem:s9+$0xFFFFFF30]  }
0xf1: {  	v8 =	vld [tilespmem:s9+$0xFFFFFF40]  }
0xf2: {  	v9 =	vld [tilespmem:s9+$0xFFFFFE10]  }
0xf3: {  	v10 =	vld [tilespmem:s9+$0xFFFFFE20];
	v5 =	vmul.f32 v5, v4  }
0xf4: {  	v12 =	vor.u32 $0x5, v3;
	v11 =	vld [tilespmem:s9+$0xFFFFFE30];
	v6 =	vmul.f32 v6, v4  }
0xf5: {  	v13 =	vld [tilespmem:s9+$0xFFFFFE40];
	[tilespmem:s9+$0xFFFFFF10] =	vst v5;
	v5 =	vmul.f32 v7, v4  }
0xf6: {  	v14 =	vld [tilespmem:s9+$0xFFFFFE90];
	[tilespmem:s9+$0xFFFFFF20] =	vst v6;
	v4 =	vmul.f32 v8, v4  }
0xf7: {  	v15 =	vld [tilespmem:s9+$0xFFFFFEC0];
	[tilespmem:s9+$0xFFFFFF30] =	vst v5  }
0xf8: {  	v17 =	vld [tilespmem:s9+$0xFFFFFFD0];
	[tilespmem:s9+$0xFFFFFF40] =	vst v4  }
0xf9: {  	v4 =	vmul.f32 v9, v2;
	v8 =	vld.idx.msk [tilespmem:v12+s19+$0x0], $0xffff  }
0xfa: {  	v9 =	vmul.f32 v10, v2;
	v10 =	vor.u32 $0x1, v1;
	v12 =	vld [tilespmem:s9+$0xFFFFFF50]  }
0xfb: {  	[tilespmem:s9+$0xFFFFFE10] =	vst v4;
	v4 =	vmul.f32 v11, v2;
	v11 =	vld [tilespmem:s9+$0xFFFFFF60]  }
0xfc: {  	[tilespmem:s9+$0xFFFFFE20] =	vst v9;
	v2 =	vmul.f32 v13, v2;
	v9 =	vld [tilespmem:s9+$0xFFFFFF70]  }
0xfd: {  	[tilespmem:s9+$0xFFFFFE30] =	vst v4;
	v4 =	vld [tilespmem:s9+$0xFFFFFF80]  }
0xfe: {  	v7 =	vld [tilespmem:s9+$0xFFFFFE50];
	[tilespmem:s9+$0xFFFFFE40] =	vst v2  }
0xff: {  	v2 =	vld.idx.msk [tilespmem:v10+s19+$0x0], $0xffff;
	v10 =	vmul.f32 v12, v8  }
0x100: {  	v6 =	vld [tilespmem:s9+$0xFFFFFE60];
	v13 =	vor.u32 $0x6, v3;
	v11 =	vmul.f32 v11, v8  }
0x101: {  	v5 =	vld [tilespmem:s9+$0xFFFFFE70];
	v9 =	vmul.f32 v9, v8;
	[tilespmem:s9+$0xFFFFFF50] =	vst v10  }
0x102: {  	v12 =	vld [tilespmem:s9+$0xFFFFFE80];
	[tilespmem:s9+$0xFFFFFF60] =	vst v11;
	v4 =	vmul.f32 v4, v8  }
0x103: {  	v10 =	vld [tilespmem:s9+$0xFFFFFEA0];
	[tilespmem:s9+$0xFFFFFF70] =	vst v9  }
0x104: {  	v8 =	vld [tilespmem:s9+$0xFFFFFF90];
	[tilespmem:s9+$0xFFFFFF80] =	vst v4  }
0x105: {  	v7 =	vmul.f32 v7, v2;
	v4 =	vld.idx.msk [tilespmem:v13+s19+$0x0], $0xffff  }
0x106: {  	v9 =	vor.u32 $0x2, v1;
	v6 =	vmul.f32 v6, v2;
	v13 =	vld [tilespmem:s9+$0xFFFFFFA0]  }
0x107: {  	v5 =	vmul.f32 v5, v2;
	[tilespmem:s9+$0xFFFFFE50] =	vst v7;
	v7 =	vld [tilespmem:s9+$0xFFFFFFB0]  }
0x108: {  	v2 =	vmul.f32 v12, v2;
	[tilespmem:s9+$0xFFFFFE60] =	vst v6;
	v6 =	vld [tilespmem:s9+$0xFFFFFFC0]  }
0x109: {  	v11 =	vld [tilespmem:s9+$0xFFFFFEB0];
	[tilespmem:s9+$0xFFFFFE70] =	vst v5  }
0x10a: {  	v5 =	vld [tilespmem:s9+$0xFFFFFED0];
	[tilespmem:s9+$0xFFFFFE80] =	vst v2;
	v2 =	vmul.f32 v8, v4  }
0x10b: {  	v12 =	vld.idx.msk [tilespmem:v9+s19+$0x0], $0xffff;
	v8 =	vmul.f32 v13, v4;
	v13 =	vor.u32 $0x7, v3  }
0x10c: {  	v9 =	vld [tilespmem:s9+$0xFFFFFFE0];
	v7 =	vmul.f32 v7, v4;
	[tilespmem:s9+$0xFFFFFF90] =	vst v2  }
0x10d: {  	v3 =	vld [tilespmem:s9+$0xFFFFFEF0];
	v6 =	vmul.f32 v6, v4;
	[tilespmem:s9+$0xFFFFFFA0] =	vst v8  }
0x10e: {  	s14 =	simm.s32 $0xC;
	v4 =	vld [tilespmem:s9+$0xFFFFFF00];
	[tilespmem:s9+$0xFFFFFFB0] =	vst v7  }
0x10f: {  	s13 =	simm.s32 $0x8;
	s15 =	sor.u32 s7, s14;
	v2 =	vld [tilespmem:s9+$0xFFFFFEE0];
	[tilespmem:s9+$0xFFFFFFC0] =	vst v6  }
0x110: {  	s10 =	sor.u32 s7, s13;
	v6 =	vmov s15;
	v8 =	vld.idx.msk [tilespmem:v13+s19+$0x0], $0xffff  }
0x111: {  	v7 =	vmov s10;
	v16 =	vmul.f32 v10, v12;
	v13 =	vmul.f32 v14, v12;
	v14 =	vld [tilespmem:s9+$0x0]  }
0x112: {  	s11 =	simm.s32 $0x11270;
	v10 =	vld [tilespmem:s9+$0xFFFFFFF0];
	v18 =	vmul.f32 v11, v12  }
0x113: {  	[tilespmem:s9+$0xFFFFFEA0] =	vst v16;
	v16 =	vld [tilespmem:s11+$0xFFFFFF10]  }
0x114: {  	[tilespmem:s9+$0xFFFFFEB0] =	vst v18;
	v12 =	vmul.f32 v15, v12;
	v15 =	vld [tilespmem:s11+$0xFFFFFF20]  }
0x115: {  	[tilespmem:s9+$0xFFFFFE90] =	vst v13;
	v13 =	vld.idx.msk [tilespmem:v6+s19+$0x0], $0xffff  }
0x116: {  	s13 =	simm.s32 $0x10;
	s10 =	simm.s32 $0x11270;
	v11 =	vld.idx.msk [tilespmem:v7+s19+$0x0], $0xffff;
	[tilespmem:s9+$0xFFFFFEC0] =	vst v12;
	v12 =	vmul.f32 v17, v8;
	v14 =	vmul.f32 v14, v8  }
.LBB2_7:
0x117: {  	p1 =	slt.u32 s13, $0x78;
	v17 =	vld [tilespmem:s11+$0xFFFFFF30];
	v9 =	vmul.f32 v9, v8;
	v8 =	vmul.f32 v10, v8  }
0x118: {  	v10 =	vld [tilespmem:s11+$0xFFFFFF40];
	[tilespmem:s9+$0x0] =	vst v14  }
0x119: {  	v14 =	vld [tilespmem:s11+$0xFFFFFE10];
	[tilespmem:s9+$0xFFFFFFD0] =	vst v12  }
0x11a: {  	v12 =	vld [tilespmem:s11+$0xFFFFFE20];
	v16 =	vmul.f32 v16, v13;
	[tilespmem:s9+$0xFFFFFFE0] =	vst v9  }
0x11b: {  	v18 =	vor.u32 $0x5, v6;
	v9 =	vld [tilespmem:s11+$0xFFFFFE30];
	v15 =	vmul.f32 v15, v13;
	[tilespmem:s9+$0xFFFFFFF0] =	vst v8  }
0x11c: {  	v8 =	vld [tilespmem:s11+$0xFFFFFE40];
	[tilespmem:s11+$0xFFFFFF10] =	vst v16;
	v16 =	vmul.f32 v17, v13  }
0x11d: {  	v17 =	vld [tilespmem:s11+$0xFFFFFE50];
	[tilespmem:s11+$0xFFFFFF20] =	vst v15;
	v10 =	vmul.f32 v10, v13  }
0x11e: {  	v13 =	vmul.f32 v14, v11;
	v14 =	vld [tilespmem:s11+$0xFFFFFE60];
	[tilespmem:s11+$0xFFFFFF30] =	vst v16  }
0x11f: {  	v12 =	vmul.f32 v12, v11;
	v15 =	vld [tilespmem:s11+$0xFFFFFE70];
	[tilespmem:s11+$0xFFFFFF40] =	vst v10  }
0x120: {  	v10 =	vor.u32 $0x1, v7;
	[tilespmem:s11+$0xFFFFFE10] =	vst v13;
	v9 =	vmul.f32 v9, v11;
	v13 =	vld.idx.msk [tilespmem:v18+s19+$0x0], $0xffff  }
0x121: {  	[tilespmem:s11+$0xFFFFFE20] =	vst v12;
	v8 =	vmul.f32 v8, v11;
	v11 =	vld [tilespmem:s11+$0xFFFFFF50]  }
0x122: {  	[tilespmem:s11+$0xFFFFFE30] =	vst v9;
	v9 =	vld [tilespmem:s11+$0xFFFFFF60]  }
0x123: {  	[tilespmem:s11+$0xFFFFFE40] =	vst v8;
	v8 =	vld [tilespmem:s11+$0xFFFFFF70]  }
0x124: {  	v12 =	vld [tilespmem:s11+$0xFFFFFF80]  }
0x125: {  	v10 =	vld.idx.msk [tilespmem:v10+s19+$0x0], $0xffff  }
0x126: {  	v18 =	vor.u32 $0x3, v1;
	v1 =	vmov v7;
	v16 =	vld [tilespmem:s11+$0xFFFFFE80];
	v11 =	vmul.f32 v11, v13  }
0x127: {  	v19 =	vld [tilespmem:s11+$0xFFFFFE90];
	v7 =	vmul.f32 v9, v13;
	v9 =	vor.u32 $0x6, v6  }
0x128: {  	v20 =	vld [tilespmem:s11+$0xFFFFFEA0];
	[tilespmem:s11+$0xFFFFFF50] =	vst v11;
	v8 =	vmul.f32 v8, v13  }
0x129: {  	v11 =	vld [tilespmem:s11+$0xFFFFFEB0];
	[tilespmem:s11+$0xFFFFFF60] =	vst v7;
	v7 =	vmul.f32 v12, v13  }
0x12a: {  	v12 =	vld [tilespmem:s11+$0xFFFFFEC0];
	[tilespmem:s11+$0xFFFFFF70] =	vst v8  }
0x12b: {  	v8 =	vmul.f32 v17, v10;
	v13 =	vmul.f32 v14, v10;
	[tilespmem:s11+$0xFFFFFF80] =	vst v7;
	v7 =	vld.idx.msk [tilespmem:v18+s19+$0x0], $0xffff  }
0x12c: {  	v14 =	vmul.f32 v15, v10;
	v15 =	vor.u32 $0x2, v1;
	v10 =	vmul.f32 v16, v10;
	v9 =	vld.idx.msk [tilespmem:v9+s19+$0x0], $0xffff  }
0x12d: {  	[tilespmem:s11+$0xFFFFFE50] =	vst v8;
	v8 =	vld [tilespmem:s11+$0xFFFFFF90]  }
0x12e: {  	[tilespmem:s11+$0xFFFFFE60] =	vst v13;
	v13 =	vld [tilespmem:s11+$0xFFFFFFA0]  }
0x12f: {  	[tilespmem:s11+$0xFFFFFE70] =	vst v14;
	v14 =	vld [tilespmem:s11+$0xFFFFFFB0]  }
0x130: {  	[tilespmem:s11+$0xFFFFFE80] =	vst v10;
	v10 =	vld [tilespmem:s11+$0xFFFFFFC0]  }
0x131: {  	v16 =	vmul.f32 v5, v7;
	v17 =	vmul.f32 v2, v7;
	v15 =	vld.idx.msk [tilespmem:v15+s19+$0x0], $0xffff  }
0x132: {  	v18 =	vmul.f32 v3, v7;
	v5 =	vld [tilespmem:s11+$0xFFFFFED0];
	v8 =	vmul.f32 v8, v9  }
0x133: {  	v21 =	vor.u32 $0x7, v6;
	v22 =	vmul.f32 v4, v7;
	v2 =	vld [tilespmem:s11+$0xFFFFFEE0];
	v13 =	vmul.f32 v13, v9;
	[tilespmem:s9+$0xFFFFFED0] =	vst v16  }
0x134: {  	v3 =	vld [tilespmem:s11+$0xFFFFFEF0];
	[tilespmem:s11+$0xFFFFFF90] =	vst v8;
	v6 =	vmul.f32 v14, v9  }
0x135: {  	s14 =	sor.u32 s7, s13;
	s15 =	sadd.s32 $0x4, s13;
	v4 =	vld [tilespmem:s11+$0xFFFFFF00];
	[tilespmem:s11+$0xFFFFFFA0] =	vst v13;
	v8 =	vmul.f32 v10, v9  }
0x136: {  	v7 =	vmov s14;
	s14 =	sor.u32 s7, s15;
	[tilespmem:s11+$0xFFFFFFB0] =	vst v6;
	v14 =	vld [tilespmem:s11+$0xFFFFFFD0]  }
0x137: {  	v6 =	vmov s14;
	v10 =	vmul.f32 v19, v15;
	v13 =	vmul.f32 v20, v15;
	[tilespmem:s11+$0xFFFFFFC0] =	vst v8;
	v9 =	vld [tilespmem:s11+$0xFFFFFFE0]  }
0x138: {  	v16 =	vmul.f32 v11, v15;
	v12 =	vmul.f32 v12, v15;
	v8 =	vld.idx.msk [tilespmem:v21+s19+$0x0], $0xffff;
	[tilespmem:s9+$0xFFFFFEE0] =	vst v17  }
0x139: {  	[tilespmem:s11+$0xFFFFFE90] =	vst v10;
	v17 =	vld [tilespmem:s11+$0x0]  }
.Ltmp4:
0x13a: {  	[tilespmem:s11+$0xFFFFFEA0] =	vst v13;
	v10 =	vld [tilespmem:s11+$0xFFFFFFF0];
	(pc) =	sbr.rel @p1 .LBB2_7-.Ltmp4, $4  }
0x13b: {  	v11 =	vld.idx.msk [tilespmem:v7+s19+$0x0], $0xffff;
	[tilespmem:s11+$0xFFFFFEB0] =	vst v16  }
0x13c: {  	s11 =	sadd.s32 $0x200, s11;
	v13 =	vld.idx.msk [tilespmem:v6+s19+$0x0], $0xffff;
	[tilespmem:s10+$0xFFFFFEC0] =	vst v12  }
0x13d: {  	v16 =	vld [tilespmem:s11+$0xFFFFFF10];
	[tilespmem:s9+$0xFFFFFEF0] =	vst v18  }
0x13e: {  	s13 =	sadd.s32 $0x8, s13;
	v12 =	vmul.f32 v14, v8;
	v15 =	vld [tilespmem:s11+$0xFFFFFF20];
	v14 =	vmul.f32 v17, v8;
	[tilespmem:s9+$0xFFFFFF00] =	vst v22;
	s9 =	smov.u32 s10;
	s10 =	smov.u32 s11  }
0x13f: {  	v17 =	vld [tilespmem:s11+$0xFFFFFF30]  }
0x140: {  	v18 =	vld [tilespmem:s11+$0xFFFFFF40]  }
0x141: {  	v19 =	vld [tilespmem:s11+$0xFFFFFE10]  }
0x142: {  	v20 =	vld [tilespmem:s11+$0xFFFFFE20];
	v16 =	vmul.f32 v16, v13  }
0x143: {  	v21 =	vld [tilespmem:s11+$0xFFFFFE30];
	v22 =	vor.u32 $0x5, v6;
	v15 =	vmul.f32 v15, v13  }
0x144: {  	v23 =	vld [tilespmem:s11+$0xFFFFFE40];
	[tilespmem:s11+$0xFFFFFF10] =	vst v16;
	v16 =	vmul.f32 v17, v13  }
0x145: {  	v56 =	vld [tilespmem:s11+$0xFFFFFF50];
	v13 =	vmul.f32 v18, v13;
	[tilespmem:s11+$0xFFFFFF20] =	vst v15  }
0x146: {  	v57 =	vld [tilespmem:s11+$0xFFFFFF60];
	[tilespmem:s11+$0xFFFFFF30] =	vst v16  }
0x147: {  	v59 =	vld [tilespmem:s11+$0xFFFFFE80];
	[tilespmem:s11+$0xFFFFFF40] =	vst v13;
	v13 =	vmul.f32 v19, v11  }
0x148: {  	v55 =	vor.u32 $0x1, v7;
	v19 =	vmul.f32 v20, v11;
	v18 =	vld.idx.msk [tilespmem:v22+s19+$0x0], $0xffff  }
0x149: {  	v61 =	vld [tilespmem:s11+$0xFFFFFE90];
	[tilespmem:s11+$0xFFFFFE10] =	vst v13;
	v13 =	vmul.f32 v21, v11  }
0x14a: {  	[tilespmem:s11+$0xFFFFFE20] =	vst v19;
	v11 =	vmul.f32 v23, v11;
	v19 =	vld [tilespmem:s11+$0xFFFFFF70]  }
0x14b: {  	[tilespmem:s11+$0xFFFFFE30] =	vst v13;
	v13 =	vld [tilespmem:s11+$0xFFFFFF80]  }
0x14c: {  	v17 =	vld [tilespmem:s11+$0xFFFFFE50];
	[tilespmem:s11+$0xFFFFFE40] =	vst v11  }
0x14d: {  	v11 =	vld.idx.msk [tilespmem:v55+s19+$0x0], $0xffff;
	v58 =	vmul.f32 v56, v18  }
0x14e: {  	v60 =	vor.u32 $0x6, v6;
	[tilespmem:s9+$0x0] =	vst v14;
	v15 =	vld [tilespmem:s11+$0xFFFFFE60];
	v21 =	vmul.f32 v57, v18  }
0x14f: {  	v16 =	vld [tilespmem:s11+$0xFFFFFE70];
	v19 =	vmul.f32 v19, v18;
	[tilespmem:s11+$0xFFFFFF50] =	vst v58  }
0x150: {  	v62 =	vld [tilespmem:s11+$0xFFFFFEA0];
	[tilespmem:s11+$0xFFFFFF60] =	vst v21;
	v13 =	vmul.f32 v13, v18  }
0x151: {  	v63 =	vld [tilespmem:s11+$0xFFFFFFA0];
	[tilespmem:s11+$0xFFFFFF70] =	vst v19  }
0x152: {  	v1 =	vor.u32 $0x3, v1;
	v14 =	vmul.f32 v17, v11;
	v17 =	vld [tilespmem:s11+$0xFFFFFF90];
	[tilespmem:s11+$0xFFFFFF80] =	vst v13  }
0x153: {  	v9 =	vmul.f32 v9, v8;
	[tilespmem:s9+$0xFFFFFFD0] =	vst v12;
	v12 =	vmul.f32 v15, v11;
	v15 =	vor.u32 $0x2, v7;
	v13 =	vld.idx.msk [tilespmem:v60+s19+$0x0], $0xffff  }
0x154: {  	v8 =	vmul.f32 v10, v8;
	v10 =	vld [tilespmem:s11+$0xFFFFFEE0];
	v16 =	vmul.f32 v16, v11;
	[tilespmem:s11+$0xFFFFFE50] =	vst v14  }
0x155: {  	v11 =	vmul.f32 v59, v11;
	[tilespmem:s11+$0xFFFFFE60] =	vst v12;
	v12 =	vld [tilespmem:s11+$0xFFFFFFC0]  }
0x156: {  	v14 =	vld [tilespmem:s11+$0xFFFFFFB0];
	[tilespmem:s11+$0xFFFFFE70] =	vst v16  }
0x157: {  	v1 =	vld.idx.msk [tilespmem:v1+s19+$0x0], $0xffff;
	[tilespmem:s11+$0xFFFFFE80] =	vst v11  }
0x158: {  	[tilespmem:s9+$0xFFFFFFE0] =	vst v9;
	v9 =	vld.idx.msk [tilespmem:v15+s19+$0x0], $0xffff;
	v11 =	vmul.f32 v17, v13  }
0x159: {  	v6 =	vor.u32 $0x7, v6;
	[tilespmem:s9+$0xFFFFFFF0] =	vst v8;
	v8 =	vld [tilespmem:s11+$0xFFFFFFD0];
	v15 =	vmul.f32 v63, v13  }
0x15a: {  	v18 =	vld [tilespmem:s11+$0xFFFFFEB0];
	v12 =	vmul.f32 v12, v13;
	[tilespmem:s11+$0xFFFFFF90] =	vst v11  }
0x15b: {  	v19 =	vld [tilespmem:s11+$0xFFFFFEC0];
	v11 =	vmul.f32 v14, v13;
	[tilespmem:s11+$0xFFFFFFA0] =	vst v15  }
0x15c: {  	v5 =	vmul.f32 v5, v1;
	v16 =	vld [tilespmem:s11+$0xFFFFFED0];
	[tilespmem:s11+$0xFFFFFFC0] =	vst v12  }
0x15d: {  	v14 =	vld [tilespmem:s11+$0xFFFFFEF0];
	v13 =	vmul.f32 v61, v9;
	[tilespmem:s11+$0xFFFFFFB0] =	vst v11  }
0x15e: {  	[tilespmem:s9+$0xFFFFFED0] =	vst v5;
	v7 =	vor.u32 $0x3, v7;
	v5 =	vmul.f32 v62, v9;
	v6 =	vld.idx.msk [tilespmem:v6+s19+$0x0], $0xffff  }
0x15f: {  	v12 =	vmul.f32 v18, v9;
	[tilespmem:s11+$0xFFFFFE90] =	vst v13;
	v13 =	vld [tilespmem:s11+$0x0]  }
0x160: {  	v9 =	vmul.f32 v19, v9;
	v11 =	vld [tilespmem:s11+$0xFFFFFF00];
	[tilespmem:s11+$0xFFFFFEA0] =	vst v5  }
0x161: {  	v2 =	vmul.f32 v2, v1;
	v5 =	vld [tilespmem:s11+$0xFFFFFFE0];
	[tilespmem:s11+$0xFFFFFEB0] =	vst v12  }
0x162: {  	v3 =	vmul.f32 v3, v1;
	v12 =	vld [tilespmem:s11+$0xFFFFFFF0];
	[tilespmem:s10+$0xFFFFFEC0] =	vst v9  }
0x163: {  	v1 =	vmul.f32 v4, v1;
	[tilespmem:s9+$0xFFFFFEE0] =	vst v2;
	v2 =	vld.idx.msk [tilespmem:v7+s19+$0x0], $0xffff  }
0x164: {  	[tilespmem:s9+$0xFFFFFEF0] =	vst v3;
	v3 =	vmul.f32 v13, v6  }
0x165: {  	[tilespmem:s9+$0xFFFFFF00] =	vst v1;
	v4 =	vmul.f32 v8, v6  }
0x166: {  	v1 =	vmul.f32 v5, v6;
	[tilespmem:s10+$0x0] =	vst v3  }
0x167: {  	v3 =	vmul.f32 v12, v6;
	[tilespmem:s10+$0xFFFFFFD0] =	vst v4  }
0x168: {  	[tilespmem:s10+$0xFFFFFFE0] =	vst v1;
	v1 =	vmul.f32 v16, v2  }
0x169: {  	v4 =	vmul.f32 v14, v2;
	[tilespmem:s10+$0xFFFFFFF0] =	vst v3  }
0x16a: {  	v3 =	vmul.f32 v10, v2;
	[tilespmem:s10+$0xFFFFFED0] =	vst v1  }
0x16b: {  	v1 =	vmul.f32 v11, v2;
	[tilespmem:s10+$0xFFFFFEF0] =	vst v4  }
0x16c: {  	[tilespmem:s10+$0xFFFFFEE0] =	vst v3  }
0x16d: {  	p1 =	seq.s32 s18, $0x34;
	[tilespmem:s10+$0xFFFFFF00] =	vst v1  }
0x16e: {  	s8 =	sshra.s32 @!p1 s8, $0x2;
	_ =	swait.ge [sflag:s28], $0x2000  }
0x16f: {  	s8 =	sadd.s32 @!p1 $0x180, s8;
	[sflag:s28] =	ssyncset.done $0x0  }
0x170: {  	s9 =	simm.s32 @!p1 $0x80;
	s10 =	simm.s32 @!p1 $0xEE80;
	[sflag:s28] =	ssyncadd.s32 $0xFFFFE000  }
0x171: {  	[tilespmem:s10], [sflag:$0x1] =	stream.indirect.gather @!p1 [hbm4b:s12+s9], $0x40, s8, s9, $0xb8;
	[tilespmem:$0x1EAC0] =	vst v63  }
0x172: {  	s7 =	sand.u32 $0x3FFFFF80, s7;
	s8 =	sshll.u32 s6, $0x7;
	s10 =	simm.s32 $0x4  }
0x173: {  	s7 =	sadd.s32 $0x4F80, s7;
	s11 =	sor.u32 s8, s10  }
0x174: {  	[spmem:s2] =	stream.indirect.scatter.add.f32 [tilespmem:s21], [sflag:$0x5], $0x40, s7, s20, $0xb8;
	[tilespmem:$0x1EAC0] =	vst v63  }
0x175: {  	s9 =	simm.s32 $0x0;
	v3 =	vmov s11;
	_ =	swait.ge [sflag:s29], $0x2000  }
0x176: {  	s6 =	sor.u32 s8, s9;
	[sflag:s29] =	ssyncset.done $0x0  }
0x177: {  	v1 =	vmov s6;
	s6 =	simm.s32 $0x12E80;
	[sflag:s29] =	ssyncadd.s32 $0xFFFFE000  }
0x178: {  	v5 =	vld [tilespmem:s6+$0x100]  }
0x179: {  	v6 =	vld [tilespmem:s6+$0x110]  }
0x17a: {  	v4 =	vld.idx.msk [tilespmem:v3+s19+$0x0], $0xffff  }
0x17b: {  	v7 =	vld [tilespmem:s6+$0x120]  }
0x17c: {  	v8 =	vld [tilespmem:s6+$0x130]  }
0x17d: {  	v9 =	vld [tilespmem:s6+$0x0]  }
0x17e: {  	v10 =	vld [tilespmem:s6+$0x10]  }
0x17f: {  	v11 =	vld [tilespmem:s6+$0x20];
	v5 =	vmul.f32 v5, v4  }
0x180: {  	v12 =	vor.u32 $0x5, v3;
	v2 =	vld.idx.msk [tilespmem:v1+s19+$0x0], $0xffff;
	v6 =	vmul.f32 v6, v4  }
0x181: {  	v13 =	vld [tilespmem:s6+$0x30];
	[tilespmem:s6+$0x100] =	vst v5;
	v5 =	vmul.f32 v7, v4  }
0x182: {  	v14 =	vld [tilespmem:s6+$0x80];
	[tilespmem:s6+$0x110] =	vst v6;
	v4 =	vmul.f32 v8, v4  }
0x183: {  	v15 =	vld [tilespmem:s6+$0xB0];
	[tilespmem:s6+$0x120] =	vst v5  }
0x184: {  	v17 =	vld [tilespmem:s6+$0x1C0];
	[tilespmem:s6+$0x130] =	vst v4  }
0x185: {  	v4 =	vmul.f32 v9, v2;
	v8 =	vld.idx.msk [tilespmem:v12+s19+$0x0], $0xffff  }
0x186: {  	v9 =	vmul.f32 v10, v2;
	v10 =	vor.u32 $0x1, v1;
	v12 =	vld [tilespmem:s6+$0x140]  }
0x187: {  	[tilespmem:s6+$0x0] =	vst v4;
	v4 =	vmul.f32 v11, v2;
	v11 =	vld [tilespmem:s6+$0x150]  }
0x188: {  	[tilespmem:s6+$0x10] =	vst v9;
	v2 =	vmul.f32 v13, v2;
	v9 =	vld [tilespmem:s6+$0x160]  }
0x189: {  	[tilespmem:s6+$0x20] =	vst v4;
	v4 =	vld [tilespmem:s6+$0x170]  }
0x18a: {  	v7 =	vld [tilespmem:s6+$0x40];
	[tilespmem:s6+$0x30] =	vst v2  }
0x18b: {  	v2 =	vld.idx.msk [tilespmem:v10+s19+$0x0], $0xffff;
	v10 =	vmul.f32 v12, v8  }
0x18c: {  	v6 =	vld [tilespmem:s6+$0x50];
	v13 =	vor.u32 $0x6, v3;
	v11 =	vmul.f32 v11, v8  }
0x18d: {  	v5 =	vld [tilespmem:s6+$0x60];
	v9 =	vmul.f32 v9, v8;
	[tilespmem:s6+$0x140] =	vst v10  }
0x18e: {  	v12 =	vld [tilespmem:s6+$0x70];
	[tilespmem:s6+$0x150] =	vst v11;
	v4 =	vmul.f32 v4, v8  }
0x18f: {  	v10 =	vld [tilespmem:s6+$0x90];
	[tilespmem:s6+$0x160] =	vst v9  }
0x190: {  	v8 =	vld [tilespmem:s6+$0x180];
	[tilespmem:s6+$0x170] =	vst v4  }
0x191: {  	v7 =	vmul.f32 v7, v2;
	v4 =	vld.idx.msk [tilespmem:v13+s19+$0x0], $0xffff  }
0x192: {  	v9 =	vor.u32 $0x2, v1;
	v6 =	vmul.f32 v6, v2;
	v13 =	vld [tilespmem:s6+$0x190]  }
0x193: {  	v5 =	vmul.f32 v5, v2;
	[tilespmem:s6+$0x40] =	vst v7;
	v7 =	vld [tilespmem:s6+$0x1A0]  }
0x194: {  	v2 =	vmul.f32 v12, v2;
	[tilespmem:s6+$0x50] =	vst v6;
	v6 =	vld [tilespmem:s6+$0x1B0]  }
0x195: {  	v11 =	vld [tilespmem:s6+$0xA0];
	[tilespmem:s6+$0x60] =	vst v5  }
0x196: {  	v5 =	vld [tilespmem:s6+$0xC0];
	[tilespmem:s6+$0x70] =	vst v2;
	v2 =	vmul.f32 v8, v4  }
0x197: {  	v12 =	vld.idx.msk [tilespmem:v9+s19+$0x0], $0xffff;
	v8 =	vmul.f32 v13, v4;
	v13 =	vor.u32 $0x7, v3  }
0x198: {  	v9 =	vld [tilespmem:s6+$0x1D0];
	v7 =	vmul.f32 v7, v4;
	[tilespmem:s6+$0x180] =	vst v2  }
0x199: {  	v3 =	vld [tilespmem:s6+$0xE0];
	v6 =	vmul.f32 v6, v4;
	[tilespmem:s6+$0x190] =	vst v8  }
0x19a: {  	s14 =	simm.s32 $0xC;
	v4 =	vld [tilespmem:s6+$0xF0];
	[tilespmem:s6+$0x1A0] =	vst v7  }
0x19b: {  	s13 =	simm.s32 $0x8;
	s15 =	sor.u32 s8, s14;
	v2 =	vld [tilespmem:s6+$0xD0];
	[tilespmem:s6+$0x1B0] =	vst v6  }
0x19c: {  	s7 =	sor.u32 s8, s13;
	v6 =	vmov s15;
	v8 =	vld.idx.msk [tilespmem:v13+s19+$0x0], $0xffff  }
0x19d: {  	v7 =	vmov s7;
	v16 =	vmul.f32 v10, v12;
	v13 =	vmul.f32 v14, v12;
	v14 =	vld [tilespmem:s6+$0x1F0]  }
0x19e: {  	s9 =	simm.s32 $0x13080;
	v10 =	vld [tilespmem:s6+$0x1E0];
	v18 =	vmul.f32 v11, v12  }
0x19f: {  	[tilespmem:s6+$0x90] =	vst v16;
	v16 =	vld [tilespmem:s9+$0x100]  }
0x1a0: {  	[tilespmem:s6+$0xA0] =	vst v18;
	v12 =	vmul.f32 v15, v12;
	v15 =	vld [tilespmem:s9+$0x110]  }
0x1a1: {  	[tilespmem:s6+$0x80] =	vst v13;
	v13 =	vld.idx.msk [tilespmem:v6+s19+$0x0], $0xffff  }
0x1a2: {  	s10 =	simm.s32 $0x10;
	s7 =	simm.s32 $0x13080;
	v11 =	vld.idx.msk [tilespmem:v7+s19+$0x0], $0xffff;
	[tilespmem:s6+$0xB0] =	vst v12;
	v12 =	vmul.f32 v17, v8;
	v14 =	vmul.f32 v14, v8  }
.LBB2_9:
0x1a3: {  	p2 =	slt.u32 s10, $0x78;
	v17 =	vld [tilespmem:s9+$0x120];
	v9 =	vmul.f32 v9, v8;
	v8 =	vmul.f32 v10, v8  }
0x1a4: {  	v10 =	vld [tilespmem:s9+$0x130];
	[tilespmem:s6+$0x1F0] =	vst v14  }
0x1a5: {  	v14 =	vld [tilespmem:s9+$0x0];
	[tilespmem:s6+$0x1C0] =	vst v12  }
0x1a6: {  	v12 =	vld [tilespmem:s9+$0x10];
	v16 =	vmul.f32 v16, v13;
	[tilespmem:s6+$0x1D0] =	vst v9  }
0x1a7: {  	v18 =	vor.u32 $0x5, v6;
	v9 =	vld [tilespmem:s9+$0x20];
	v15 =	vmul.f32 v15, v13;
	[tilespmem:s6+$0x1E0] =	vst v8  }
0x1a8: {  	v8 =	vld [tilespmem:s9+$0x30];
	[tilespmem:s9+$0x100] =	vst v16;
	v16 =	vmul.f32 v17, v13  }
0x1a9: {  	v17 =	vld [tilespmem:s9+$0x40];
	[tilespmem:s9+$0x110] =	vst v15;
	v10 =	vmul.f32 v10, v13  }
0x1aa: {  	v13 =	vmul.f32 v14, v11;
	v14 =	vld [tilespmem:s9+$0x50];
	[tilespmem:s9+$0x120] =	vst v16  }
0x1ab: {  	v12 =	vmul.f32 v12, v11;
	v15 =	vld [tilespmem:s9+$0x60];
	[tilespmem:s9+$0x130] =	vst v10  }
0x1ac: {  	v10 =	vor.u32 $0x1, v7;
	[tilespmem:s9+$0x0] =	vst v13;
	v9 =	vmul.f32 v9, v11;
	v13 =	vld.idx.msk [tilespmem:v18+s19+$0x0], $0xffff  }
0x1ad: {  	[tilespmem:s9+$0x10] =	vst v12;
	v8 =	vmul.f32 v8, v11;
	v11 =	vld [tilespmem:s9+$0x140]  }
0x1ae: {  	[tilespmem:s9+$0x20] =	vst v9;
	v9 =	vld [tilespmem:s9+$0x150]  }
0x1af: {  	[tilespmem:s9+$0x30] =	vst v8;
	v8 =	vld [tilespmem:s9+$0x160]  }
0x1b0: {  	v12 =	vld [tilespmem:s9+$0x170]  }
0x1b1: {  	v10 =	vld.idx.msk [tilespmem:v10+s19+$0x0], $0xffff  }
0x1b2: {  	v18 =	vor.u32 $0x3, v1;
	v1 =	vmov v7;
	v16 =	vld [tilespmem:s9+$0x70];
	v11 =	vmul.f32 v11, v13  }
0x1b3: {  	v19 =	vld [tilespmem:s9+$0x80];
	v7 =	vmul.f32 v9, v13;
	v9 =	vor.u32 $0x6, v6  }
0x1b4: {  	v20 =	vld [tilespmem:s9+$0x90];
	[tilespmem:s9+$0x140] =	vst v11;
	v8 =	vmul.f32 v8, v13  }
0x1b5: {  	v11 =	vld [tilespmem:s9+$0xA0];
	[tilespmem:s9+$0x150] =	vst v7;
	v7 =	vmul.f32 v12, v13  }
0x1b6: {  	v12 =	vld [tilespmem:s9+$0xB0];
	[tilespmem:s9+$0x160] =	vst v8  }
0x1b7: {  	v8 =	vmul.f32 v17, v10;
	v13 =	vmul.f32 v14, v10;
	[tilespmem:s9+$0x170] =	vst v7;
	v7 =	vld.idx.msk [tilespmem:v18+s19+$0x0], $0xffff  }
0x1b8: {  	v14 =	vmul.f32 v15, v10;
	v15 =	vor.u32 $0x2, v1;
	v10 =	vmul.f32 v16, v10;
	v9 =	vld.idx.msk [tilespmem:v9+s19+$0x0], $0xffff  }
0x1b9: {  	[tilespmem:s9+$0x40] =	vst v8;
	v8 =	vld [tilespmem:s9+$0x180]  }
0x1ba: {  	[tilespmem:s9+$0x50] =	vst v13;
	v13 =	vld [tilespmem:s9+$0x190]  }
0x1bb: {  	[tilespmem:s9+$0x60] =	vst v14;
	v14 =	vld [tilespmem:s9+$0x1A0]  }
0x1bc: {  	[tilespmem:s9+$0x70] =	vst v10;
	v10 =	vld [tilespmem:s9+$0x1B0]  }
0x1bd: {  	v16 =	vmul.f32 v5, v7;
	v17 =	vmul.f32 v2, v7;
	v15 =	vld.idx.msk [tilespmem:v15+s19+$0x0], $0xffff  }
0x1be: {  	v18 =	vmul.f32 v3, v7;
	v5 =	vld [tilespmem:s9+$0xC0];
	v8 =	vmul.f32 v8, v9  }
0x1bf: {  	v21 =	vor.u32 $0x7, v6;
	v22 =	vmul.f32 v4, v7;
	v2 =	vld [tilespmem:s9+$0xD0];
	v13 =	vmul.f32 v13, v9;
	[tilespmem:s6+$0xC0] =	vst v16  }
0x1c0: {  	v3 =	vld [tilespmem:s9+$0xE0];
	[tilespmem:s9+$0x180] =	vst v8;
	v6 =	vmul.f32 v14, v9  }
0x1c1: {  	s11 =	sor.u32 s8, s10;
	s13 =	sadd.s32 $0x4, s10;
	v4 =	vld [tilespmem:s9+$0xF0];
	[tilespmem:s9+$0x190] =	vst v13;
	v8 =	vmul.f32 v10, v9  }
0x1c2: {  	v7 =	vmov s11;
	s11 =	sor.u32 s8, s13;
	[tilespmem:s9+$0x1A0] =	vst v6;
	v14 =	vld [tilespmem:s9+$0x1C0]  }
0x1c3: {  	v6 =	vmov s11;
	v10 =	vmul.f32 v19, v15;
	v13 =	vmul.f32 v20, v15;
	[tilespmem:s9+$0x1B0] =	vst v8;
	v9 =	vld [tilespmem:s9+$0x1D0]  }
0x1c4: {  	v16 =	vmul.f32 v11, v15;
	v12 =	vmul.f32 v12, v15;
	v8 =	vld.idx.msk [tilespmem:v21+s19+$0x0], $0xffff;
	[tilespmem:s6+$0xD0] =	vst v17  }
0x1c5: {  	[tilespmem:s9+$0x80] =	vst v10;
	v17 =	vld [tilespmem:s9+$0x1F0]  }
.Ltmp5:
0x1c6: {  	[tilespmem:s9+$0x90] =	vst v13;
	v10 =	vld [tilespmem:s9+$0x1E0];
	(pc) =	sbr.rel @p2 .LBB2_9-.Ltmp5, $4  }
0x1c7: {  	v11 =	vld.idx.msk [tilespmem:v7+s19+$0x0], $0xffff;
	[tilespmem:s9+$0xA0] =	vst v16  }
0x1c8: {  	s9 =	sadd.s32 $0x200, s9;
	v13 =	vld.idx.msk [tilespmem:v6+s19+$0x0], $0xffff;
	[tilespmem:s7+$0xB0] =	vst v12  }
0x1c9: {  	v16 =	vld [tilespmem:s9+$0x100];
	[tilespmem:s6+$0xE0] =	vst v18  }
0x1ca: {  	s10 =	sadd.s32 $0x8, s10;
	v12 =	vmul.f32 v14, v8;
	v15 =	vld [tilespmem:s9+$0x110];
	v14 =	vmul.f32 v17, v8;
	[tilespmem:s6+$0xF0] =	vst v22;
	s6 =	smov.u32 s7;
	s7 =	smov.u32 s9  }
0x1cb: {  	v17 =	vld [tilespmem:s9+$0x120]  }
0x1cc: {  	v18 =	vld [tilespmem:s9+$0x130]  }
0x1cd: {  	v19 =	vld [tilespmem:s9+$0x0]  }
0x1ce: {  	v20 =	vld [tilespmem:s9+$0x10];
	v16 =	vmul.f32 v16, v13  }
0x1cf: {  	v21 =	vld [tilespmem:s9+$0x20];
	v22 =	vor.u32 $0x5, v6;
	v15 =	vmul.f32 v15, v13  }
0x1d0: {  	v23 =	vld [tilespmem:s9+$0x30];
	[tilespmem:s9+$0x100] =	vst v16;
	v55 =	vmul.f32 v17, v13  }
0x1d1: {  	v56 =	vld [tilespmem:s9+$0x40];
	v57 =	vmul.f32 v18, v13;
	[tilespmem:s9+$0x110] =	vst v15  }
0x1d2: {  	v58 =	vld [tilespmem:s9+$0x50];
	v60 =	vmul.f32 v19, v11;
	[tilespmem:s9+$0x120] =	vst v55  }
0x1d3: {  	v63 =	vor.u32 $0x1, v7;
	v24 =	vld [tilespmem:s9+$0x140];
	v62 =	vmul.f32 v20, v11;
	[tilespmem:s9+$0x130] =	vst v57  }
0x1d4: {  	v25 =	vmul.f32 v21, v11;
	[tilespmem:s9+$0x0] =	vst v60;
	v61 =	vld.idx.msk [tilespmem:v22+s19+$0x0], $0xffff  }
0x1d5: {  	v26 =	vld [tilespmem:s9+$0x150];
	v27 =	vmul.f32 v23, v11;
	[tilespmem:s9+$0x10] =	vst v62  }
0x1d6: {  	v28 =	vld [tilespmem:s9+$0x160];
	[tilespmem:s9+$0x20] =	vst v25  }
0x1d7: {  	v29 =	vld [tilespmem:s9+$0x170];
	[tilespmem:s9+$0x30] =	vst v27  }
0x1d8: {  	v11 =	vld.idx.msk [tilespmem:v63+s19+$0x0], $0xffff  }
0x1d9: {  	v59 =	vld [tilespmem:s9+$0x60];
	v30 =	vmul.f32 v24, v61  }
0x1da: {  	v31 =	vld [tilespmem:s9+$0x70];
	v32 =	vor.u32 $0x6, v6;
	[tilespmem:s6+$0x1F0] =	vst v14;
	v21 =	vmul.f32 v26, v61  }
0x1db: {  	v33 =	vld [tilespmem:s9+$0x80];
	v19 =	vmul.f32 v28, v61;
	[tilespmem:s9+$0x140] =	vst v30  }
0x1dc: {  	v34 =	vld [tilespmem:s9+$0x90];
	v13 =	vmul.f32 v29, v61;
	[tilespmem:s9+$0x150] =	vst v21  }
0x1dd: {  	v35 =	vld [tilespmem:s9+$0xA0];
	v37 =	vmul.f32 v56, v11;
	[tilespmem:s9+$0x160] =	vst v19  }
0x1de: {  	v38 =	vld [tilespmem:s9+$0x180];
	v40 =	vor.u32 $0x2, v7;
	v39 =	vmul.f32 v58, v11;
	[tilespmem:s9+$0x170] =	vst v13  }
0x1df: {  	v16 =	vmul.f32 v59, v11;
	[tilespmem:s9+$0x40] =	vst v37;
	v13 =	vld.idx.msk [tilespmem:v32+s19+$0x0], $0xffff  }
0x1e0: {  	v41 =	vld [tilespmem:s9+$0x190];
	v11 =	vmul.f32 v31, v11;
	[tilespmem:s9+$0x50] =	vst v39  }
0x1e1: {  	v42 =	vld [tilespmem:s9+$0x1A0];
	[tilespmem:s9+$0x60] =	vst v16  }
0x1e2: {  	v1 =	vor.u32 $0x3, v1;
	v9 =	vmul.f32 v9, v8;
	v43 =	vld [tilespmem:s9+$0x1B0];
	[tilespmem:s9+$0x70] =	vst v11  }
0x1e3: {  	v50 =	vmul.f32 v10, v8;
	[tilespmem:s6+$0x1C0] =	vst v12;
	v45 =	vld.idx.msk [tilespmem:v40+s19+$0x0], $0xffff  }
0x1e4: {  	v36 =	vld [tilespmem:s9+$0xB0];
	[tilespmem:s6+$0x1D0] =	vst v9;
	v44 =	vmul.f32 v38, v13  }
0x1e5: {  	v47 =	vld [tilespmem:s9+$0xC0];
	[tilespmem:s6+$0x1E0] =	vst v50;
	v46 =	vmul.f32 v41, v13  }
0x1e6: {  	v48 =	vor.u32 $0x7, v6;
	v51 =	vld [tilespmem:s9+$0xD0];
	v49 =	vmul.f32 v42, v13;
	[tilespmem:s9+$0x180] =	vst v44  }
0x1e7: {  	v1 =	vld.idx.msk [tilespmem:v1+s19+$0x0], $0xffff;
	v12 =	vmul.f32 v43, v13;
	[tilespmem:s9+$0x190] =	vst v46  }
0x1e8: {  	v52 =	vld [tilespmem:s9+$0xE0];
	v55 =	vmul.f32 v33, v45;
	[tilespmem:s9+$0x1A0] =	vst v49  }
0x1e9: {  	v53 =	vld [tilespmem:s9+$0x1C0];
	v57 =	vor.u32 $0x3, v7;
	v56 =	vmul.f32 v34, v45;
	[tilespmem:s9+$0x1B0] =	vst v12  }
0x1ea: {  	v59 =	vld [tilespmem:s9+$0x1F0];
	v58 =	vmul.f32 v35, v45;
	[tilespmem:s9+$0x80] =	vst v55  }
0x1eb: {  	v9 =	vmul.f32 v36, v45;
	[tilespmem:s9+$0x90] =	vst v56;
	v6 =	vld.idx.msk [tilespmem:v48+s19+$0x0], $0xffff  }
0x1ec: {  	v54 =	vld [tilespmem:s9+$0xF0];
	v2 =	vmul.f32 v2, v1;
	[tilespmem:s9+$0xA0] =	vst v58  }
0x1ed: {  	v60 =	vld [tilespmem:s9+$0x1D0];
	v5 =	vmul.f32 v5, v1;
	[tilespmem:s7+$0xB0] =	vst v9  }
0x1ee: {  	v3 =	vmul.f32 v3, v1;
	[tilespmem:s6+$0xD0] =	vst v2;
	v2 =	vld.idx.msk [tilespmem:v57+s19+$0x0], $0xffff  }
0x1ef: {  	v1 =	vmul.f32 v4, v1;
	[tilespmem:s6+$0xC0] =	vst v5;
	v61 =	vld [tilespmem:s9+$0x1E0]  }
0x1f0: {  	[tilespmem:s6+$0xE0] =	vst v3;
	v3 =	vmul.f32 v59, v6  }
0x1f1: {  	[tilespmem:s6+$0xF0] =	vst v1;
	v62 =	vmul.f32 v53, v6  }
0x1f2: {  	v1 =	vmul.f32 v60, v6;
	[tilespmem:s7+$0x1F0] =	vst v3  }
0x1f3: {  	v63 =	vmul.f32 v52, v2;
	[tilespmem:s7+$0x1C0] =	vst v62  }
0x1f4: {  	v3 =	vmul.f32 v61, v6;
	[tilespmem:s7+$0x1D0] =	vst v1  }
0x1f5: {  	v1 =	vmul.f32 v47, v2;
	[tilespmem:s7+$0xE0] =	vst v63  }
0x1f6: {  	[tilespmem:s7+$0x1E0] =	vst v3;
	v3 =	vmul.f32 v51, v2  }
0x1f7: {  	[tilespmem:s7+$0xC0] =	vst v1;
	v1 =	vmul.f32 v54, v2  }
.Ltmp6:
0x1f8: {  	[tilespmem:s7+$0xD0] =	vst v3;
	(pc) =	sbr.rel @p1 .LBB2_12-.Ltmp6, $4  }
0x1f9: {  	[tilespmem:s7+$0xF0] =	vst v1  }
0x1fa: {  	_ =	swait.ge [sflag:s30], $0x2000  }
0x1fb: {  	[sflag:s30] =	ssyncset.done $0x0  }
0x1fc: {  	s1 =	sadd.s32 $0x4F80, s1;
	[sflag:s30] =	ssyncadd.s32 $0xFFFFE000  }
.Ltmp7:
0x1fd: {  	(pc) =	sbr.rel .LBB2_4-.Ltmp7, $4  }
0x1fe: {  	s5 =	sadd.s32 $0x200, s5  }
0x1ff: {  	[tilespmem:s21], [sflag:$0x2] =	stream.indirect.gather [hbm4b:s12+s20], $0x40, s5, s20, $0xb8;
	[tilespmem:$0x1EAC0] =	vst v63  }
0x200: {  	s18 =	sadd.s32 $0x1, s18  }
0x201: {  	[spmem:s2] =	stream.indirect.scatter.add.f32 [tilespmem:s23], [sflag:$0x6], $0x40, s1, s20, $0xb8;
	[tilespmem:$0x1EAC0] =	vst v63  }
.LBB2_13:
0x202: {  	_ =	sfence.sel $0x180000  }
0x203: {  	[bflag:$0x0] =	sbarrier.arrive $0xFFFF  }
0x204: {  	_ =	strace $0x9000004A  }
0x205: {  	s0 =	stileid.u32;
	[bflag:$0x2] =	sbarrier.arrive $0xFFFF  }
0x206: {  	p0 =	sne.s32 s0, $0x0;
	s0 =	rddreg [dreg:$0x3]  }
0x207: {  	s0 =	sadd.s32 @!p0 $0x100000, s0  }
0x208: {  	[sflag:s0] =	ssyncadd.tile.s32 @!p0 $0x1;
	_ =	shalt  }
.Lfunc_end2:
_tile_overlayer_lowered:
.L_overlay_start_2:
0x209: {  	(tag) =	ssettag $0x2  }
0x20a: {  	s0 =	rddreg [dreg:$0x0];
	s2 =	stileid.u32  }
0x20b: {  	s1 =	rddreg [dreg:$0x1];
	p0 =	sne.s32 s2, $0x0  }
0x20c: {  	s3 =	rddreg [dreg:$0x2];
	[bflag:$0x3] =	sbarrier.arrive $0xFFFF;
	s2 =	simm.s32 @!p0 $0x1C07  }
0x20d: {  	[timem:s3], [sflag:s2] =	dma.local @!p0 [hbm:s0], s1  }
0x20e: {  	s0 =	simm.s32 @!p0 $0x7  }
0x20f: {  	_ =	swait.ge @!p0 [sflag:s0], s1  }
0x210: {  	s1 =	ssub.s32 @!p0 $0x0, s1;
	[sflag:s0] =	ssyncset.done @!p0 $0x0  }
0x211: {  	[sflag:s0] =	ssyncadd.s32 @!p0 s1  }
0x212: {  	[bflag:$0x3] =	sbarrier.arrive $0xFFFF  }
0x213: {  	_ =	shalt  }

// kernel: kernel.7.cloned.1.call-start
scs
__scs_entry_jumppad:
0x0: {  	(pc) =	sbr.rel $0x88, $3  }
0x1: {  	(tag) =	ssettag $0x0;
	lr =	simm.s32 $0x1  }
0x2: {  	[smem:$0x3F9A] =	sst lr;
	_ =	strace $0xD0000000  }
0x3: {  	_ = 	snop  }
0x4: {  	_ = 	snop  }
0x5: {  	_ = 	snop  }
0x6: {  	_ = 	snop  }
0x7: {  	_ = 	snop  }
__scs_overlays_trampoline_lowered:
0x8: {  	[smem:$0x3FA9] =	sst s0  }
0x9: {  	[smem:$0x3FAA] =	sst s1  }
0xa: {  	[smem:$0x3FAB] =	sst s2  }
0xb: {  	[smem:$0x3FAC] =	sst s3  }
0xc: {  	[smem:$0x3FAD] =	sst s4  }
0xd: {  	[smem:$0x3FAE] =	sst s5  }
0xe: {  	[smem:$0x3FAF] =	sst s6  }
0xf: {  	[smem:$0x3FB0] =	sst s7  }
0x10: {  	[smem:$0x3FB1] =	sst s8  }
0x11: {  	[smem:$0x3FB2] =	sst s9;
	s0 =	simm.s32 @!p0 $0x0  }
0x12: {  	s1 =	sld [smem:$0x3F98];
	s0 =	simm.s32 @p0 $0x1  }
0x13: {  	[smem:$0x3FB3] =	sst s0;
	s0 =	simm.s32 @!p1 $0x0  }
0x14: {  	s2 =	sld [smem:$0x3F97];
	s0 =	simm.s32 @p1 $0x1  }
0x15: {  	[smem:$0x3FB4] =	sst s0;
	s0 =	simm.s32 @!p2 $0x0  }
0x16: {  	s3 =	sld [smem:$0x3FDB];
	s0 =	simm.s32 @p2 $0x1  }
0x17: {  	s4 =	simm.s32 $0x1BF5;
	[smem:$0x3FB6] =	sst s0  }
0x18: {  	s0 =	sld [smem:$0x3F99];
	_ =	swait.ge [sflag:s4], $0x0  }
0x19: {  	s7 =	sld [smem:$0x3F9A]  }
0x1a: {  	s8 =	sadd.s32 $0xFFFFE003, lr  }
0x1b: {  	s9 =	sadd.s32 $0xFFFFFEF7, lr;
	s5 =	simm.s32 $0xFFFFFFFF;
	p2 =	slt.u32 s8, $0xFFFFF086  }
0x1c: {  	p1 =	slt.u32 s9, $0xF7A;
	s5 =	simm.s32 @!p2 $0x0  }
0x1d: {  	s5 =	simm.s32 @p1 $0x1;
	p0 =	seq.s32 s7, s2  }
0x1e: {  	s7 =	smul.u32 @!p0 $0xF7A, s2;
	p2 =	seq.s32 @!p0 s5, $0x0  }
0x1f: {  	s9 =	smul.u32 $0xF7A, s1;
	s8 =	simm.s32 @!p0 $0x1BF5;
	p2 =	por !p2, p0  }
0x20: {  	[sflag:s8] =	ssyncset.s32 @!p0 $0xFFFFF086;
	s6 =	sadd.s32 @!p0 s3, s7;
	s7 =	simm.s32 @!p0 $0x108  }
0x21: {  	s3 =	sadd.s32 s3, s9;
	s6 =	sadd.s32 @!p0 $0x88, s6;
	s7 =	simm.s32 @p2 $0x1082  }
0x22: {  	[simem:s7], [sflag:s8] =	dma.local @!p0 [hbm:s6], $0xF7A  }
0x23: {  	s9 =	sor.u32 $0xD0000000, s2;
	s6 =	simm.s32 $0x108;
	_ =	swait.ge @!p0 [sflag:s8], $0x0  }
0x24: {  	s3 =	sadd.s32 $0x88, s3;
	s6 =	simm.s32 @!p1 $0x1082;
	[sflag:s4] =	ssyncset.s32 $0xFFFFF086  }
0x25: {  	[simem:s6], [sflag:s4] =	dma.local [hbm:s3], $0xF7A  }
0x26: {  	[smem:$0x3F9A] =	sst s1;
	(tag) =	ssettag s2;
	_ =	strace s9  }
0x27: {  	s1 =	sld [smem:$0x3FAA]  }
0x28: {  	s2 =	sld [smem:$0x3FAB]  }
0x29: {  	s4 =	sld [smem:$0x3FAD]  }
0x2a: {  	p0 =	seq.s32 s5, $0x0;
	s5 =	sld [smem:$0x3FAE]  }
0x2b: {  	s6 =	sld [smem:$0x3FAF]  }
0x2c: {  	s7 =	sld [smem:$0x3FB0]  }
0x2d: {  	s3 =	simm.s32 $0x108;
	s8 =	sld [smem:$0x3FB1]  }
0x2e: {  	s3 =	simm.s32 @!p0 $0x1082;
	s9 =	sld [smem:$0x3FB2]  }
0x2f: {  	lr =	sadd.s32 s0, s3;
	s0 =	sld [smem:$0x3FA9]  }
0x30: {  	s3 =	sld [smem:$0x3FAC]  }
0x31: {  	[smem:$0x3FB5] =	sst s10  }
0x32: {  	s10 =	sld [smem:$0x3FB3];
	_ =	sdelay $0x3  }
0x33: {  	p0 =	seq.s32 s10, $0x1;
	s10 =	sld [smem:$0x3FB5];
	_ =	sdelay $0x3  }
0x34: {  	[smem:$0x3FB5] =	sst s10  }
0x35: {  	s10 =	sld [smem:$0x3FB4];
	_ =	sdelay $0x3  }
0x36: {  	p1 =	seq.s32 s10, $0x1;
	s10 =	sld [smem:$0x3FB5];
	_ =	sdelay $0x3  }
0x37: {  	[smem:$0x3FB5] =	sst s10  }
0x38: {  	s10 =	sld [smem:$0x3FB6]  }
0x39: {  	_ = 	snop;
	(pc) =	sbr.ind lr, $3  }
0x3a: {  	_ = 	snop  }
0x3b: {  	_ = 	snop  }
0x3c: {  	p2 =	seq.s32 s10, $0x1;
	s10 =	sld [smem:$0x3FB5]  }
0x3d: {  	_ =	shalt  }
0x3e: {  	_ =	shalt  }
0x3f: {  	_ =	shalt  }
0x40: {  	_ =	shalt  }
0x41: {  	_ =	shalt  }
0x42: {  	_ =	shalt  }
0x43: {  	_ =	shalt  }
0x44: {  	_ =	shalt  }
0x45: {  	_ =	shalt  }
0x46: {  	_ =	shalt  }
0x47: {  	_ =	shalt  }
0x48: {  	_ =	shalt  }
0x49: {  	_ =	shalt  }
0x4a: {  	_ =	shalt  }
0x4b: {  	_ =	shalt  }
0x4c: {  	_ =	shalt  }
0x4d: {  	_ =	shalt  }
0x4e: {  	_ =	shalt  }
0x4f: {  	_ =	shalt  }
0x50: {  	_ =	shalt  }
0x51: {  	_ =	shalt  }
0x52: {  	_ =	shalt  }
0x53: {  	_ =	shalt  }
0x54: {  	_ =	shalt  }
0x55: {  	_ =	shalt  }
0x56: {  	_ =	shalt  }
0x57: {  	_ =	shalt  }
0x58: {  	_ =	shalt  }
0x59: {  	_ =	shalt  }
0x5a: {  	_ =	shalt  }
0x5b: {  	_ =	shalt  }
0x5c: {  	_ =	shalt  }
0x5d: {  	_ =	shalt  }
0x5e: {  	_ =	shalt  }
0x5f: {  	_ =	shalt  }
0x60: {  	_ =	shalt  }
0x61: {  	_ =	shalt  }
0x62: {  	_ =	shalt  }
0x63: {  	_ =	shalt  }
0x64: {  	_ =	shalt  }
0x65: {  	_ =	shalt  }
0x66: {  	_ =	shalt  }
0x67: {  	_ =	shalt  }
0x68: {  	_ =	shalt  }
0x69: {  	_ =	shalt  }
0x6a: {  	_ =	shalt  }
0x6b: {  	_ =	shalt  }
0x6c: {  	_ =	shalt  }
0x6d: {  	_ =	shalt  }
0x6e: {  	_ =	shalt  }
0x6f: {  	_ =	shalt  }
0x70: {  	_ =	shalt  }
0x71: {  	_ =	shalt  }
0x72: {  	_ =	shalt  }
0x73: {  	_ =	shalt  }
0x74: {  	_ =	shalt  }
0x75: {  	_ =	shalt  }
0x76: {  	_ =	shalt  }
0x77: {  	_ =	shalt  }
0x78: {  	_ =	shalt  }
0x79: {  	_ =	shalt  }
0x7a: {  	_ =	shalt  }
0x7b: {  	_ =	shalt  }
0x7c: {  	_ =	shalt  }
0x7d: {  	_ =	shalt  }
0x7e: {  	_ =	shalt  }
0x7f: {  	_ =	shalt  }
0x80: {  	_ =	shalt  }
0x81: {  	_ =	shalt  }
0x82: {  	_ =	shalt  }
0x83: {  	_ =	shalt  }
0x84: {  	_ =	shalt  }
0x85: {  	_ =	shalt  }
0x86: {  	_ =	shalt  }
0x87: {  	_ =	shalt  }
.Lfunc_end0:
.L_simem_size_0:
called_computation_lowered:
.L_overlay_start_0:
0x88: {  	s2 =	sld [smem:$0x3FD9]  }
0x89: {  	s3 =	sld [smem:$0x3FFE];
	_ =	sdelay $0x1  }
0x8a: {  	s1 =	srdreg.scid  }
0x8b: {  	s0 =	sand.u32 $0x1, s1  }
0x8c: {  	s17 =	sshll.u32 s0, $0xA;
	s2 =	sadd.s32 s3, s2  }
0x8d: {  	s2 =	sadd.s32 s2, s17  }
0x8e: {  	[smem:$0x3FC1] =	sst s2  }
0x8f: {  	_ = 	snop  }
0x90: {  	s2 =	sld [smem:$0x3FD0];
	(tm) =	ssettm $0x1  }
0x91: {  	s18 =	sld [smem:$0x3FFB];
	_ =	sdelay $0x3  }
0x92: {  	_ =	strace s18  }
0x93: {  	s3 =	sld [smem:$0x3FFC];
	_ =	sdelay $0x3  }
0x94: {  	_ =	strace s3  }
0x95: {  	s3 =	sld [smem:$0x3FFD];
	_ =	sdelay $0x3  }
0x96: {  	_ =	strace s3  }
0x97: {  	_ =	strace $0x8FFFFFFF  }
0x98: {  	s19 =	sld [smem:$0x3FDB];
	_ =	sdelay $0x1  }
0x99: {  	s4 =	simm.s32 $_scs_section_size  }
0x9a: {  	s5 =	simm.s32 $_size__tile_overlayer_lowered;
	s6 =	simm.s32 $_tile_overlayer_lowered  }
0x9b: {  	s22 =	simm.s32 $0x1BFF;
	s21 =	sshll.u32 s6, $0x1;
	s3 =	sadd.s32 s4, s19  }
0x9c: {  	s7 =	simm.s32 $0x0;
	s20 =	sshll.u32 s5, $0x1;
	s5 =	sadd.s32 s21, s3  }
0x9d: {  	[timem:s7], [sflag:s22] =	dma.local [hbm:s5], s20  }
0x9e: {  	_ =	swait.ge [sflag:s22], s20  }
0x9f: {  	s4 =	ssub.s32 $0x0, s20;
	[sflag:s22] =	ssyncset.done $0x0  }
0xa0: {  	[sflag:s22] =	ssyncadd.s32 s4;
	_ =	sdelay $0x1  }
0xa1: {  	s23 =	simm.s32 $0x1B8B  }
0xa2: {  	_ =	swait.ge [sflag:s23], $0x1  }
0xa3: {  	[sflag:s23] =	ssyncset.done $0x0  }
0xa4: {  	s25 =	simm.s32 $0x1B8E;
	s24 =	sld [smem:$0x3FFE];
	[sflag:s23] =	ssyncadd.s32 $0xFFFFFFFF  }
0xa5: {  	s26 =	simm.s32 $execute0_lowered;
	[smem:$0x3FD2] =	sst s25  }
0xa6: {  	s5 =	sshll.u32 s26, $0x1;
	_ =	strace $0x80000046;
	[dreg:$0x1] =	wrdreg $0xFFFFFFFF  }
0xa7: {  	s28 =	simm.s32 $_size_execute0_lowered;
	s3 =	sadd.s32 s3, s5;
	[dreg:$0x0] =	wrdreg $0x0  }
0xa8: {  	s5 =	sshll.u32 s28, $0x1;
	[dreg:$0x2] =	wrdreg s3  }
0xa9: {  	[dreg:$0x3] =	wrdreg s5  }
0xaa: {  	[dreg:$0x4] =	wrdreg $0xC0  }
0xab: {  	_ =	task [dreg:s7], $0x5FFFF  }
0xac: {  	[dreg:$0x1] =	wrdreg $0xFFFFFFFF  }
0xad: {  	[dreg:$0x0] =	wrdreg $0x60  }
0xae: {  	[dreg:$0x2] =	wrdreg s2  }
0xaf: {  	[dreg:$0x3] =	wrdreg s24  }
0xb0: {  	[dreg:$0x4] =	wrdreg $0x14E800  }
0xb1: {  	[dreg:$0x5] =	wrdreg $0x9  }
0xb2: {  	_ =	task.clear_ibuf [dreg:s7], $0x6FFFF;
	_ =	strace $0x90000046  }
0xb3: {  	s29 =	simm.s32 $0x9;
	_ =	strace $0x80000048  }
0xb4: {  	_ =	swait.ge [sflag:s29], $0x1  }
0xb5: {  	[sflag:s29] =	ssyncadd.s32 $0xFFFFFFFF  }
0xb6: {  	_ =	strace $0x90000048  }
0xb7: {  	_ =	sfence  }
0xb8: {  	s30 =	sld [smem:$0x0];
	_ =	sdelay $0x2  }
0xb9: {  	s31 =	sshll.u32 s1, $0xD;
	s1 =	sshrl.u32 s1, $0x2  }
0xba: {  	s3 =	sand.u32 $0x4000, s31;
	s1 =	sadd.s32 s1, s30  }
0xbb: {  	s0 =	sor.u32 s3, s0;
	s1 =	sshll.u32 s1, $0x11  }
0xbc: {  	s0 =	sor.u32 s1, s0  }
0xbd: {  	s0 =	sadd.s32 $0x8F2B, s0  }
0xbe: {  	[sflag:s0] =	ssyncadd.remote.s32 $0x1  }
0xbf: {  	_ =	sfence.sel $0xFFFF  }
0xc0: {  	[dreg:$0x0] =	wrdreg $0xFFFFFFFF;
	(pc) =	sbr.abs _section_cstart, $3  }
0xc1: {  	[dreg:$0x1] =	wrdreg $0xFFFFFFFF  }
0xc2: {  	_ =	task.clear_ibuf [dreg:s7], $0x2FFFF;
	_ =	strace $0x9FFFFFFF  }
0xc3: {  	(tm) =	ssettm $0x7FFFFFFF  }
tec
execute0_lowered:
.L_overlay_start_1:
0x0: {  	(tag) =	ssettag $0x1  }
0x1: {  	s0 =	rddreg [dreg:$0x0]  }
0x2: {  	s1 =	rddreg [dreg:$0x1]  }
0x3: {  	s2 =	rddreg [dreg:$0x2]  }
0x4: {  	s3 =	simm.s32 $0x0;
	s9 =	stileid.u32;
	s5 =	srdreg.scid  }
0x5: {  	s28 =	simm.s32 $0x4;
	s29 =	simm.s32 $0x3;
	s4 =	smul.u32 $0x9F0, s9  }
0x6: {  	s30 =	simm.s32 $0x5;
	s31 =	simm.s32 $0x6;
	s6 =	smul.u32 $0x27100, s9  }
0x7: {  	[smem:$0x7FF] =	sst s3;
	s5 =	sand.u32 $0x1, s5;
	s18 =	smul.u32 $0x9C00, s9  }
0x8: {  	p0 =	sne.s32 s9, $0xF;
	_ =	strace $0x80000047;
	s8 =	ssub.s32 $0x2, s5  }
0x9: {  	s5 =	smul.u32 $0x9C400, s5;
	s7 =	sadd.s32 s4, s1;
	s13 =	sshrl.u32 s6, $0x2  }
0xa: {  	s1 =	sadd.s32 $0x1F400, s1;
	s14 =	sshrl.u32 s8, $0x1;
	s24 =	sadd.s32 s18, s2  }
0xb: {  	s4 =	sadd.s32 s13, s2;
	s6 =	ssub.s32 s8, s14;
	s19 =	sadd.s32 $0xB400, s7  }
0xc: {  	s20 =	sadd.s32 $0x1400, s7;
	s7 =	sadd.s32 $0x15400, s7;
	s21 =	sshrl.u32 s5, $0x3  }
0xd: {  	s5 =	sadd.s32 s18, s5;
	s24 =	sshrl.u32 s24, $0x3;
	[dreg:$0x8] =	wrdreg s19  }
0xe: {  	s15 =	sadd.s32 $0x1F40, s4;
	s16 =	sadd.s32 $0x3E80, s4;
	[dreg:$0x9] =	wrdreg s20  }
0xf: {  	s17 =	sadd.s32 $0x5DC0, s4;
	s10 =	sadd.s32 $0x7D00, s4;
	[dreg:$0xa] =	wrdreg s7  }
0x10: {  	s12 =	sadd.s32 s0, s21;
	s22 =	sshrl.u32 s5, $0x3;
	[dreg:$0x4] =	wrdreg s15  }
0x11: {  	s23 =	sadd.s32 s1, s21;
	s26 =	smax.u32 s6, $0x1;
	[dreg:$0x5] =	wrdreg s16  }
0x12: {  	s19 =	simm.s32 $0x9F00;
	s20 =	simm.s32 $0x80;
	[dreg:$0x6] =	wrdreg s17  }
.Ltmp0:
0x13: {  	s21 =	simm.s32 $0x10E80;
	[dreg:$0x7] =	wrdreg s10;
	(pc) =	sbr.rel .LBB2_1-.Ltmp0, $4  }
0x14: {  	s0 =	sadd.s32 s1, s22;
	s25 =	sadd.s32 $0x13800, s23;
	s1 =	sadd.s32 $0x9C000, s2  }
0x15: {  	[dreg:$0xd] =	wrdreg s26;
	s16 =	simm.s32 $0xEE80;
	s17 =	simm.s32 $0x7  }
0x16: {  	s22 =	simm.s32 $0x1;
	s23 =	simm.s32 $0x12E80;
	[dreg:$0xb] =	wrdreg s0  }
0x17: {  	v0 =	vimm.f32 $0.0e+00;
	s26 =	simm.s32 $0x2;
	[dreg:$0xc] =	wrdreg s25;
	s25 =	sshrl.u32 @!p0 s1, $0x3  }
.LBB2_12:
0x18: {  	[spmem:s2] =	stream.indirect.scatter.add.f32 [tilespmem:s23], [sflag:$0x6], $0x40, s1, s20, $0xb8;
	[tilespmem:$0x1EAC0] =	vst v63  }
0x19: {  	_ =	swait.ge [sflag:s31], $0x2000  }
0x1a: {  	[sflag:s31] =	ssyncset.done $0x0  }
0x1b: {  	s0 =	stileid.u32;
	[sflag:s31] =	ssyncadd.s32 $0xFFFFE000  }
0x1c: {  	s0 =	sshll.u32 s0, $0x6;
	[bflag:$0x0] =	sbarrier.arrive $0xFFFF  }
0x1d: {  	s0 =	sor.u32 $0x1C07, s0;
	s15 =	rddreg [dreg:$0xb]  }
0x1e: {  	[hbm:s15], [sflag:s0] =	dma.local [spmem:s24], $0x1380  }
0x1f: {  	_ =	swait.ge [sflag:s17], $0x1380  }
0x20: {  	[sflag:s17] =	ssyncset.done $0x0  }
0x21: {  	s1 =	rddreg [dreg:$0xc];
	[sflag:s17] =	ssyncadd.s32 $0xFFFFEC80  }
0x22: {  	[hbm:s1], [sflag:s0] =	dma.local @!p0 [spmem:s25], $0x80  }
0x23: {  	s0 =	simm.s32 @!p0 $0x7  }
0x24: {  	_ =	swait.ge @!p0 [sflag:s0], $0x80  }
0x25: {  	s3 =	sadd.s32 $0x1, s3;
	s18 =	rddreg [dreg:$0xd]  }
0x26: {  	p1 =	sne.s32 s3, s18  }
.Ltmp1:
0x27: {  	_ = 	snop;
	(pc) =	sbr.rel @!p1 .LBB2_13-.Ltmp1, $3  }
0x28: {  	_ =	sdelay $0x1  }
0x29: {  	[sflag:s0] =	ssyncset.done @!p0 $0x0  }
0x2a: {  	[sflag:s0] =	ssyncadd.s32 @!p0 $0xFFFFFF80  }
.LBB2_1:
0x2b: {  	s1 =	simm.s32 $0x100;
	s0 =	simm.s32 $0x0  }
.LBB2_2:
0x2c: {  	p1 =	sne.s32 s1, $0x7C00;
	[tilespmem:s0+$0xEEB0] =	vst v0;
	s5 =	smov.u32 s1;
	s1 =	sadd.s32 $0x100, s1  }
.Ltmp2:
0x2d: {  	[tilespmem:s0+$0xEEA0] =	vst v0;
	(pc) =	sbr.rel @p1 .LBB2_2-.Ltmp2, $3  }
0x2e: {  	[tilespmem:s0+$0xEE80] =	vst v0  }
0x2f: {  	[tilespmem:s0+$0xEE90] =	vst v0;
	_ =	sdelay $0x1  }
0x30: {  	s0 =	sshra.s32 s5, $0x2  }
0x31: {  	[tilespmem:s0+$0xEEB0] =	vst v0  }
0x32: {  	[tilespmem:s0+$0xEEA0] =	vst v0  }
0x33: {  	[tilespmem:s0+$0xEE80] =	vst v0  }
0x34: {  	[tilespmem:s0+$0xEE90] =	vst v0  }
0x35: {  	[spmem:s4] =	stream.linear.scatter [tilespmem:s16], [sflag:$0x7], $0x1F40, $0x38;
	[tilespmem:$0x1EAC0] =	vst v63  }
0x36: {  	_ =	swait.ge [sflag:s17], $0x1F40  }
0x37: {  	[sflag:s17] =	ssyncset.done $0x0  }
0x38: {  	s10 =	rddreg [dreg:$0x4];
	[sflag:s17] =	ssyncadd.s32 $0xFFFFE0C0  }
0x39: {  	[spmem:s10] =	stream.linear.scatter [tilespmem:s16], [sflag:$0x7], $0x1F40, $0x38;
	[tilespmem:$0x1EAC0] =	vst v63  }
0x3a: {  	_ =	swait.ge [sflag:s17], $0x1F40  }
0x3b: {  	[sflag:s17] =	ssyncset.done $0x0  }
0x3c: {  	s11 =	rddreg [dreg:$0x5];
	[sflag:s17] =	ssyncadd.s32 $0xFFFFE0C0  }
0x3d: {  	[spmem:s11] =	stream.linear.scatter [tilespmem:s16], [sflag:$0x7], $0x1F40, $0x38;
	[tilespmem:$0x1EAC0] =	vst v63  }
0x3e: {  	_ =	swait.ge [sflag:s17], $0x1F40  }
0x3f: {  	[sflag:s17] =	ssyncset.done $0x0  }
0x40: {  	s13 =	rddreg [dreg:$0x6];
	[sflag:s17] =	ssyncadd.s32 $0xFFFFE0C0  }
0x41: {  	[spmem:s13] =	stream.linear.scatter [tilespmem:s16], [sflag:$0x7], $0x1F40, $0x38;
	[tilespmem:$0x1EAC0] =	vst v63  }
0x42: {  	_ =	swait.ge [sflag:s17], $0x1F40  }
0x43: {  	[sflag:s17] =	ssyncset.done $0x0  }
0x44: {  	s14 =	rddreg [dreg:$0x7];
	[sflag:s17] =	ssyncadd.s32 $0xFFFFE0C0  }
0x45: {  	[spmem:s14] =	stream.linear.scatter [tilespmem:s16], [sflag:$0x7], $0x1F40, $0x38;
	[tilespmem:$0x1EAC0] =	vst v63  }
0x46: {  	_ =	swait.ge [sflag:s17], $0x1F40  }
0x47: {  	[sflag:s17] =	ssyncset.done $0x0  }
0x48: {  	s0 =	simm.s32 $0x0;
	s1 =	rddreg [dreg:$0x8];
	[sflag:s17] =	ssyncadd.s32 $0xFFFFE0C0  }
0x49: {  	[tilespmem:s0], [sflag:$0x7] =	stream.linear.gather [hbm4b:s1+s0], $0x4F80, $0x38;
	[tilespmem:$0x1EAC0] =	vst v63  }
0x4a: {  	_ =	swait.ge [sflag:s17], $0x4F80  }
0x4b: {  	[sflag:s17] =	ssyncset.done $0x0  }
0x4c: {  	s5 =	simm.s32 $0x4F80;
	s15 =	rddreg [dreg:$0x9];
	[sflag:s17] =	ssyncadd.s32 $0xFFFFB080  }
0x4d: {  	[tilespmem:s5], [sflag:$0x7] =	stream.linear.gather [hbm4b:s15+s0], $0x4F80, $0x38;
	[tilespmem:$0x1EAC0] =	vst v63  }
0x4e: {  	_ =	swait.ge [sflag:s17], $0x4F80  }
0x4f: {  	[sflag:s17] =	ssyncset.done $0x0  }
0x50: {  	s18 =	rddreg [dreg:$0xa];
	[sflag:s17] =	ssyncadd.s32 $0xFFFFB080  }
0x51: {  	[tilespmem:s19], [sflag:$0x7] =	stream.linear.gather [hbm4b:s18+s0], $0x4F80, $0x38;
	[tilespmem:$0x1EAC0] =	vst v63  }
0x52: {  	_ =	swait.ge [sflag:s17], $0x4F80  }
0x53: {  	[sflag:s17] =	ssyncset.done $0x0  }
0x54: {  	[sflag:s17] =	ssyncadd.s32 $0xFFFFB080  }
0x55: {  	[bflag:$0x0] =	sbarrier.arrive $0xFFFF  }
0x56: {  	[tilespmem:s16], [sflag:$0x1] =	stream.indirect.gather [hbm4b:s12+s20], $0x40, s0, s20, $0xb8;
	[tilespmem:$0x1EAC0] =	vst v63  }
0x57: {  	s18 =	simm.s32 $0x0  }
0x58: {  	[tilespmem:s21], [sflag:$0x2] =	stream.indirect.gather [hbm4b:s12+s20], $0x40, s20, s20, $0xb8;
	[tilespmem:$0x1EAC0] =	vst v63  }
.LBB2_4:
0x59: {  	s5 =	smul.u32 $0x3, s18;
	_ =	sdelay $0x1  }
0x5a: {  	s6 =	simm.s32 $0x4;
	s7 =	sshll.u32 s5, $0x7  }
0x5b: {  	s13 =	sor.u32 s7, s6  }
0x5c: {  	_ =	swait.ge [sflag:s22], $0x2000;
	v3 =	vmov s13  }
0x5d: {  	[sflag:s22] =	ssyncset.done $0x0;
	s1 =	sor.u32 s7, s0  }
0x5e: {  	[sflag:s22] =	ssyncadd.s32 $0xFFFFE000;
	v1 =	vmov s1;
	s1 =	simm.s32 $0xEF80  }
0x5f: {  	v5 =	vld [tilespmem:s1+$0x0]  }
0x60: {  	v6 =	vld [tilespmem:s1+$0x10]  }
0x61: {  	v4 =	vld.idx.msk [tilespmem:v3+s19+$0x0], $0xffff  }
0x62: {  	v7 =	vld [tilespmem:s1+$0x20]  }
0x63: {  	v8 =	vld [tilespmem:s1+$0x30]  }
0x64: {  	v9 =	vld [tilespmem:s1+$0xFFFFFF00]  }
0x65: {  	v10 =	vld [tilespmem:s1+$0xFFFFFF10]  }
0x66: {  	v11 =	vld [tilespmem:s1+$0xFFFFFF20];
	v5 =	vmul.f32 v5, v4  }
0x67: {  	v12 =	vor.u32 $0x5, v3;
	v2 =	vld.idx.msk [tilespmem:v1+s19+$0x0], $0xffff;
	v6 =	vmul.f32 v6, v4  }
0x68: {  	v13 =	vld [tilespmem:s1+$0xFFFFFF30];
	[tilespmem:s1+$0x0] =	vst v5;
	v5 =	vmul.f32 v7, v4  }
0x69: {  	v14 =	vld [tilespmem:s1+$0xFFFFFF80];
	[tilespmem:s1+$0x10] =	vst v6;
	v4 =	vmul.f32 v8, v4  }
0x6a: {  	v15 =	vld [tilespmem:s1+$0xFFFFFFB0];
	[tilespmem:s1+$0x20] =	vst v5  }
0x6b: {  	v17 =	vld [tilespmem:s1+$0xC0];
	[tilespmem:s1+$0x30] =	vst v4  }
0x6c: {  	v4 =	vmul.f32 v9, v2;
	v8 =	vld.idx.msk [tilespmem:v12+s19+$0x0], $0xffff  }
0x6d: {  	v9 =	vmul.f32 v10, v2;
	v10 =	vor.u32 $0x1, v1;
	v12 =	vld [tilespmem:s1+$0x40]  }
0x6e: {  	[tilespmem:s1+$0xFFFFFF00] =	vst v4;
	v4 =	vmul.f32 v11, v2;
	v11 =	vld [tilespmem:s1+$0x50]  }
0x6f: {  	[tilespmem:s1+$0xFFFFFF10] =	vst v9;
	v2 =	vmul.f32 v13, v2;
	v9 =	vld [tilespmem:s1+$0x60]  }
0x70: {  	[tilespmem:s1+$0xFFFFFF20] =	vst v4;
	v4 =	vld [tilespmem:s1+$0x70]  }
0x71: {  	v7 =	vld [tilespmem:s1+$0xFFFFFF40];
	[tilespmem:s1+$0xFFFFFF30] =	vst v2  }
0x72: {  	v2 =	vld.idx.msk [tilespmem:v10+s19+$0x0], $0xffff;
	v10 =	vmul.f32 v12, v8  }
0x73: {  	v6 =	vld [tilespmem:s1+$0xFFFFFF50];
	v13 =	vor.u32 $0x6, v3;
	v11 =	vmul.f32 v11, v8  }
0x74: {  	v5 =	vld [tilespmem:s1+$0xFFFFFF60];
	v9 =	vmul.f32 v9, v8;
	[tilespmem:s1+$0x40] =	vst v10  }
0x75: {  	v12 =	vld [tilespmem:s1+$0xFFFFFF70];
	[tilespmem:s1+$0x50] =	vst v11;
	v4 =	vmul.f32 v4, v8  }
0x76: {  	v10 =	vld [tilespmem:s1+$0xFFFFFF90];
	[tilespmem:s1+$0x60] =	vst v9  }
0x77: {  	v8 =	vld [tilespmem:s1+$0x80];
	[tilespmem:s1+$0x70] =	vst v4  }
0x78: {  	v7 =	vmul.f32 v7, v2;
	v4 =	vld.idx.msk [tilespmem:v13+s19+$0x0], $0xffff  }
0x79: {  	v9 =	vor.u32 $0x2, v1;
	v6 =	vmul.f32 v6, v2;
	v13 =	vld [tilespmem:s1+$0x90]  }
0x7a: {  	v5 =	vmul.f32 v5, v2;
	[tilespmem:s1+$0xFFFFFF40] =	vst v7;
	v7 =	vld [tilespmem:s1+$0xA0]  }
0x7b: {  	v2 =	vmul.f32 v12, v2;
	[tilespmem:s1+$0xFFFFFF50] =	vst v6;
	v6 =	vld [tilespmem:s1+$0xB0]  }
0x7c: {  	v11 =	vld [tilespmem:s1+$0xFFFFFFA0];
	[tilespmem:s1+$0xFFFFFF60] =	vst v5  }
0x7d: {  	v5 =	vld [tilespmem:s1+$0xFFFFFFC0];
	[tilespmem:s1+$0xFFFFFF70] =	vst v2;
	v2 =	vmul.f32 v8, v4  }
0x7e: {  	v12 =	vld.idx.msk [tilespmem:v9+s19+$0x0], $0xffff;
	v8 =	vmul.f32 v13, v4;
	v13 =	vor.u32 $0x7, v3  }
0x7f: {  	v9 =	vld [tilespmem:s1+$0xD0];
	v7 =	vmul.f32 v7, v4;
	[tilespmem:s1+$0x80] =	vst v2  }
0x80: {  	v3 =	vld [tilespmem:s1+$0xFFFFFFE0];
	v6 =	vmul.f32 v6, v4;
	[tilespmem:s1+$0x90] =	vst v8  }
0x81: {  	s8 =	simm.s32 $0xC;
	v4 =	vld [tilespmem:s1+$0xFFFFFFF0];
	[tilespmem:s1+$0xA0] =	vst v7  }
0x82: {  	s14 =	simm.s32 $0x8;
	s15 =	sor.u32 s7, s8;
	v2 =	vld [tilespmem:s1+$0xFFFFFFD0];
	[tilespmem:s1+$0xB0] =	vst v6  }
0x83: {  	s6 =	sor.u32 s7, s14;
	v6 =	vmov s15;
	v8 =	vld.idx.msk [tilespmem:v13+s19+$0x0], $0xffff  }
0x84: {  	v7 =	vmov s6;
	v16 =	vmul.f32 v10, v12;
	v13 =	vmul.f32 v14, v12;
	v14 =	vld [tilespmem:s1+$0xF0]  }
0x85: {  	s8 =	simm.s32 $0xF180;
	v10 =	vld [tilespmem:s1+$0xE0];
	v18 =	vmul.f32 v11, v12  }
0x86: {  	[tilespmem:s1+$0xFFFFFF90] =	vst v16;
	v16 =	vld [tilespmem:s8+$0x0]  }
0x87: {  	[tilespmem:s1+$0xFFFFFFA0] =	vst v18;
	v12 =	vmul.f32 v15, v12;
	v15 =	vld [tilespmem:s8+$0x10]  }
0x88: {  	[tilespmem:s1+$0xFFFFFF80] =	vst v13;
	v13 =	vld.idx.msk [tilespmem:v6+s19+$0x0], $0xffff  }
0x89: {  	s9 =	simm.s32 $0x10;
	s6 =	simm.s32 $0xF180;
	v11 =	vld.idx.msk [tilespmem:v7+s19+$0x0], $0xffff;
	[tilespmem:s1+$0xFFFFFFB0] =	vst v12;
	v12 =	vmul.f32 v17, v8;
	v14 =	vmul.f32 v14, v8  }
.LBB2_5:
0x8a: {  	p1 =	slt.u32 s9, $0x78;
	v17 =	vld [tilespmem:s8+$0x20];
	v9 =	vmul.f32 v9, v8;
	v8 =	vmul.f32 v10, v8  }
0x8b: {  	v10 =	vld [tilespmem:s8+$0x30];
	[tilespmem:s1+$0xF0] =	vst v14  }
0x8c: {  	v14 =	vld [tilespmem:s8+$0xFFFFFF00];
	[tilespmem:s1+$0xC0] =	vst v12  }
0x8d: {  	v12 =	vld [tilespmem:s8+$0xFFFFFF10];
	v16 =	vmul.f32 v16, v13;
	[tilespmem:s1+$0xD0] =	vst v9  }
0x8e: {  	v18 =	vor.u32 $0x5, v6;
	v9 =	vld [tilespmem:s8+$0xFFFFFF20];
	v15 =	vmul.f32 v15, v13;
	[tilespmem:s1+$0xE0] =	vst v8  }
0x8f: {  	v8 =	vld [tilespmem:s8+$0xFFFFFF30];
	[tilespmem:s8+$0x0] =	vst v16;
	v16 =	vmul.f32 v17, v13  }
0x90: {  	v17 =	vld [tilespmem:s8+$0xFFFFFF40];
	[tilespmem:s8+$0x10] =	vst v15;
	v10 =	vmul.f32 v10, v13  }
0x91: {  	v13 =	vmul.f32 v14, v11;
	v14 =	vld [tilespmem:s8+$0xFFFFFF50];
	[tilespmem:s8+$0x20] =	vst v16  }
0x92: {  	v12 =	vmul.f32 v12, v11;
	v15 =	vld [tilespmem:s8+$0xFFFFFF60];
	[tilespmem:s8+$0x30] =	vst v10  }
0x93: {  	v10 =	vor.u32 $0x1, v7;
	[tilespmem:s8+$0xFFFFFF00] =	vst v13;
	v9 =	vmul.f32 v9, v11;
	v13 =	vld.idx.msk [tilespmem:v18+s19+$0x0], $0xffff  }
0x94: {  	[tilespmem:s8+$0xFFFFFF10] =	vst v12;
	v8 =	vmul.f32 v8, v11;
	v11 =	vld [tilespmem:s8+$0x40]  }
0x95: {  	[tilespmem:s8+$0xFFFFFF20] =	vst v9;
	v9 =	vld [tilespmem:s8+$0x50]  }
0x96: {  	[tilespmem:s8+$0xFFFFFF30] =	vst v8;
	v8 =	vld [tilespmem:s8+$0x60]  }
0x97: {  	v12 =	vld [tilespmem:s8+$0x70]  }
0x98: {  	v10 =	vld.idx.msk [tilespmem:v10+s19+$0x0], $0xffff  }
0x99: {  	v18 =	vor.u32 $0x3, v1;
	v1 =	vmov v7;
	v16 =	vld [tilespmem:s8+$0xFFFFFF70];
	v11 =	vmul.f32 v11, v13  }
0x9a: {  	v19 =	vld [tilespmem:s8+$0xFFFFFF80];
	v7 =	vmul.f32 v9, v13;
	v9 =	vor.u32 $0x6, v6  }
0x9b: {  	v20 =	vld [tilespmem:s8+$0xFFFFFF90];
	[tilespmem:s8+$0x40] =	vst v11;
	v8 =	vmul.f32 v8, v13  }
0x9c: {  	v11 =	vld [tilespmem:s8+$0xFFFFFFA0];
	[tilespmem:s8+$0x50] =	vst v7;
	v7 =	vmul.f32 v12, v13  }
0x9d: {  	v12 =	vld [tilespmem:s8+$0xFFFFFFB0];
	[tilespmem:s8+$0x60] =	vst v8  }
0x9e: {  	v8 =	vmul.f32 v17, v10;
	v13 =	vmul.f32 v14, v10;
	[tilespmem:s8+$0x70] =	vst v7;
	v7 =	vld.idx.msk [tilespmem:v18+s19+$0x0], $0xffff  }
0x9f: {  	v14 =	vmul.f32 v15, v10;
	v15 =	vor.u32 $0x2, v1;
	v10 =	vmul.f32 v16, v10;
	v9 =	vld.idx.msk [tilespmem:v9+s19+$0x0], $0xffff  }
0xa0: {  	[tilespmem:s8+$0xFFFFFF40] =	vst v8;
	v8 =	vld [tilespmem:s8+$0x80]  }
0xa1: {  	[tilespmem:s8+$0xFFFFFF50] =	vst v13;
	v13 =	vld [tilespmem:s8+$0x90]  }
0xa2: {  	[tilespmem:s8+$0xFFFFFF60] =	vst v14;
	v14 =	vld [tilespmem:s8+$0xA0]  }
0xa3: {  	[tilespmem:s8+$0xFFFFFF70] =	vst v10;
	v10 =	vld [tilespmem:s8+$0xB0]  }
0xa4: {  	v16 =	vmul.f32 v5, v7;
	v17 =	vmul.f32 v2, v7;
	v15 =	vld.idx.msk [tilespmem:v15+s19+$0x0], $0xffff  }
0xa5: {  	v18 =	vmul.f32 v3, v7;
	v5 =	vld [tilespmem:s8+$0xFFFFFFC0];
	v8 =	vmul.f32 v8, v9  }
0xa6: {  	v21 =	vor.u32 $0x7, v6;
	v22 =	vmul.f32 v4, v7;
	v2 =	vld [tilespmem:s8+$0xFFFFFFD0];
	v13 =	vmul.f32 v13, v9;
	[tilespmem:s1+$0xFFFFFFC0] =	vst v16  }
0xa7: {  	v3 =	vld [tilespmem:s8+$0xFFFFFFE0];
	[tilespmem:s8+$0x80] =	vst v8;
	v6 =	vmul.f32 v14, v9  }
0xa8: {  	s10 =	sor.u32 s7, s9;
	s11 =	sadd.s32 $0x4, s9;
	v4 =	vld [tilespmem:s8+$0xFFFFFFF0];
	[tilespmem:s8+$0x90] =	vst v13;
	v8 =	vmul.f32 v10, v9  }
0xa9: {  	v7 =	vmov s10;
	s10 =	sor.u32 s7, s11;
	[tilespmem:s8+$0xA0] =	vst v6;
	v14 =	vld [tilespmem:s8+$0xC0]  }
0xaa: {  	v6 =	vmov s10;
	v10 =	vmul.f32 v19, v15;
	v13 =	vmul.f32 v20, v15;
	[tilespmem:s8+$0xB0] =	vst v8;
	v9 =	vld [tilespmem:s8+$0xD0]  }
0xab: {  	v16 =	vmul.f32 v11, v15;
	v12 =	vmul.f32 v12, v15;
	v8 =	vld.idx.msk [tilespmem:v21+s19+$0x0], $0xffff;
	[tilespmem:s1+$0xFFFFFFD0] =	vst v17  }
0xac: {  	[tilespmem:s8+$0xFFFFFF80] =	vst v10;
	v17 =	vld [tilespmem:s8+$0xF0]  }
.Ltmp3:
0xad: {  	[tilespmem:s8+$0xFFFFFF90] =	vst v13;
	v10 =	vld [tilespmem:s8+$0xE0];
	(pc) =	sbr.rel @p1 .LBB2_5-.Ltmp3, $4  }
0xae: {  	v11 =	vld.idx.msk [tilespmem:v7+s19+$0x0], $0xffff;
	[tilespmem:s8+$0xFFFFFFA0] =	vst v16  }
0xaf: {  	s8 =	sadd.s32 $0x200, s8;
	v13 =	vld.idx.msk [tilespmem:v6+s19+$0x0], $0xffff;
	[tilespmem:s6+$0xFFFFFFB0] =	vst v12  }
0xb0: {  	v16 =	vld [tilespmem:s8+$0x0];
	[tilespmem:s1+$0xFFFFFFE0] =	vst v18  }
0xb1: {  	s9 =	sadd.s32 $0x8, s9;
	v12 =	vmul.f32 v14, v8;
	v15 =	vld [tilespmem:s8+$0x10];
	v14 =	vmul.f32 v17, v8;
	[tilespmem:s1+$0xFFFFFFF0] =	vst v22;
	s1 =	smov.u32 s6;
	s6 =	smov.u32 s8  }
0xb2: {  	v17 =	vld [tilespmem:s8+$0x20]  }
0xb3: {  	v18 =	vld [tilespmem:s8+$0x30]  }
0xb4: {  	v19 =	vld [tilespmem:s8+$0xFFFFFF00]  }
0xb5: {  	v20 =	vld [tilespmem:s8+$0xFFFFFF10];
	v16 =	vmul.f32 v16, v13  }
0xb6: {  	v21 =	vld [tilespmem:s8+$0xFFFFFF20];
	v22 =	vor.u32 $0x5, v6;
	v15 =	vmul.f32 v15, v13  }
0xb7: {  	v23 =	vld [tilespmem:s8+$0xFFFFFF30];
	[tilespmem:s8+$0x0] =	vst v16;
	v16 =	vmul.f32 v17, v13  }
0xb8: {  	v56 =	vld [tilespmem:s8+$0x40];
	v13 =	vmul.f32 v18, v13;
	[tilespmem:s8+$0x10] =	vst v15  }
0xb9: {  	v57 =	vld [tilespmem:s8+$0x50];
	[tilespmem:s8+$0x20] =	vst v16  }
0xba: {  	v59 =	vld [tilespmem:s8+$0xFFFFFF70];
	[tilespmem:s8+$0x30] =	vst v13;
	v13 =	vmul.f32 v19, v11  }
0xbb: {  	v55 =	vor.u32 $0x1, v7;
	v19 =	vmul.f32 v20, v11;
	v18 =	vld.idx.msk [tilespmem:v22+s19+$0x0], $0xffff  }
0xbc: {  	v61 =	vld [tilespmem:s8+$0xFFFFFF80];
	[tilespmem:s8+$0xFFFFFF00] =	vst v13;
	v13 =	vmul.f32 v21, v11  }
0xbd: {  	[tilespmem:s8+$0xFFFFFF10] =	vst v19;
	v11 =	vmul.f32 v23, v11;
	v19 =	vld [tilespmem:s8+$0x60]  }
0xbe: {  	[tilespmem:s8+$0xFFFFFF20] =	vst v13;
	v13 =	vld [tilespmem:s8+$0x70]  }
0xbf: {  	v17 =	vld [tilespmem:s8+$0xFFFFFF40];
	[tilespmem:s8+$0xFFFFFF30] =	vst v11  }
0xc0: {  	v11 =	vld.idx.msk [tilespmem:v55+s19+$0x0], $0xffff;
	v58 =	vmul.f32 v56, v18  }
0xc1: {  	v60 =	vor.u32 $0x6, v6;
	[tilespmem:s1+$0xF0] =	vst v14;
	v15 =	vld [tilespmem:s8+$0xFFFFFF50];
	v21 =	vmul.f32 v57, v18  }
0xc2: {  	v16 =	vld [tilespmem:s8+$0xFFFFFF60];
	v19 =	vmul.f32 v19, v18;
	[tilespmem:s8+$0x40] =	vst v58  }
0xc3: {  	v62 =	vld [tilespmem:s8+$0xFFFFFF90];
	[tilespmem:s8+$0x50] =	vst v21;
	v13 =	vmul.f32 v13, v18  }
0xc4: {  	v63 =	vld [tilespmem:s8+$0x90];
	[tilespmem:s8+$0x60] =	vst v19  }
0xc5: {  	v1 =	vor.u32 $0x3, v1;
	v14 =	vmul.f32 v17, v11;
	v17 =	vld [tilespmem:s8+$0x80];
	[tilespmem:s8+$0x70] =	vst v13  }
0xc6: {  	v9 =	vmul.f32 v9, v8;
	[tilespmem:s1+$0xC0] =	vst v12;
	v12 =	vmul.f32 v15, v11;
	v15 =	vor.u32 $0x2, v7;
	v13 =	vld.idx.msk [tilespmem:v60+s19+$0x0], $0xffff  }
0xc7: {  	v8 =	vmul.f32 v10, v8;
	v10 =	vld [tilespmem:s8+$0xFFFFFFD0];
	v16 =	vmul.f32 v16, v11;
	[tilespmem:s8+$0xFFFFFF40] =	vst v14  }
0xc8: {  	v11 =	vmul.f32 v59, v11;
	[tilespmem:s8+$0xFFFFFF50] =	vst v12;
	v12 =	vld [tilespmem:s8+$0xB0]  }
0xc9: {  	v14 =	vld [tilespmem:s8+$0xA0];
	[tilespmem:s8+$0xFFFFFF60] =	vst v16  }
0xca: {  	v1 =	vld.idx.msk [tilespmem:v1+s19+$0x0], $0xffff;
	[tilespmem:s8+$0xFFFFFF70] =	vst v11  }
0xcb: {  	[tilespmem:s1+$0xD0] =	vst v9;
	v9 =	vld.idx.msk [tilespmem:v15+s19+$0x0], $0xffff;
	v11 =	vmul.f32 v17, v13  }
0xcc: {  	v6 =	vor.u32 $0x7, v6;
	[tilespmem:s1+$0xE0] =	vst v8;
	v8 =	vld [tilespmem:s8+$0xC0];
	v15 =	vmul.f32 v63, v13  }
0xcd: {  	v18 =	vld [tilespmem:s8+$0xFFFFFFA0];
	v12 =	vmul.f32 v12, v13;
	[tilespmem:s8+$0x80] =	vst v11  }
0xce: {  	v19 =	vld [tilespmem:s8+$0xFFFFFFB0];
	v11 =	vmul.f32 v14, v13;
	[tilespmem:s8+$0x90] =	vst v15  }
0xcf: {  	v5 =	vmul.f32 v5, v1;
	v16 =	vld [tilespmem:s8+$0xFFFFFFC0];
	[tilespmem:s8+$0xB0] =	vst v12  }
0xd0: {  	v14 =	vld [tilespmem:s8+$0xFFFFFFE0];
	v13 =	vmul.f32 v61, v9;
	[tilespmem:s8+$0xA0] =	vst v11  }
0xd1: {  	[tilespmem:s1+$0xFFFFFFC0] =	vst v5;
	v7 =	vor.u32 $0x3, v7;
	v5 =	vmul.f32 v62, v9;
	v6 =	vld.idx.msk [tilespmem:v6+s19+$0x0], $0xffff  }
0xd2: {  	v12 =	vmul.f32 v18, v9;
	[tilespmem:s8+$0xFFFFFF80] =	vst v13;
	v13 =	vld [tilespmem:s8+$0xF0]  }
0xd3: {  	v9 =	vmul.f32 v19, v9;
	v11 =	vld [tilespmem:s8+$0xFFFFFFF0];
	[tilespmem:s8+$0xFFFFFF90] =	vst v5  }
0xd4: {  	v2 =	vmul.f32 v2, v1;
	v5 =	vld [tilespmem:s8+$0xD0];
	[tilespmem:s8+$0xFFFFFFA0] =	vst v12  }
0xd5: {  	v3 =	vmul.f32 v3, v1;
	v12 =	vld [tilespmem:s8+$0xE0];
	[tilespmem:s6+$0xFFFFFFB0] =	vst v9  }
0xd6: {  	v1 =	vmul.f32 v4, v1;
	[tilespmem:s1+$0xFFFFFFD0] =	vst v2;
	v2 =	vld.idx.msk [tilespmem:v7+s19+$0x0], $0xffff  }
0xd7: {  	[tilespmem:s1+$0xFFFFFFE0] =	vst v3;
	v3 =	vmul.f32 v13, v6  }
0xd8: {  	[tilespmem:s1+$0xFFFFFFF0] =	vst v1;
	v4 =	vmul.f32 v8, v6  }
0xd9: {  	v1 =	vmul.f32 v5, v6;
	[tilespmem:s6+$0xF0] =	vst v3  }
0xda: {  	v3 =	vmul.f32 v12, v6;
	[tilespmem:s6+$0xC0] =	vst v4  }
0xdb: {  	[tilespmem:s6+$0xD0] =	vst v1;
	v1 =	vmul.f32 v16, v2  }
0xdc: {  	v4 =	vmul.f32 v14, v2;
	[tilespmem:s6+$0xE0] =	vst v3  }
0xdd: {  	v3 =	vmul.f32 v10, v2;
	[tilespmem:s6+$0xFFFFFFC0] =	vst v1  }
0xde: {  	v1 =	vmul.f32 v11, v2;
	[tilespmem:s6+$0xFFFFFFE0] =	vst v4  }
0xdf: {  	p1 =	seq.s32 s18, $0x0;
	[tilespmem:s6+$0xFFFFFFD0] =	vst v3  }
0xe0: {  	s1 =	simm.s32 @!p1 $0x6;
	[tilespmem:s6+$0xFFFFFFF0] =	vst v1  }
0xe1: {  	_ =	swait.ge @!p1 [sflag:s1], $0x2000  }
0xe2: {  	s9 =	sadd.s32 $0x1, s5;
	s6 =	sadd.s32 $0x2, s5;
	[sflag:s1] =	ssyncset.done @!p1 $0x0  }
0xe3: {  	s8 =	smul.u32 $0x600, s18;
	s7 =	sshll.u32 s6, $0x9;
	[sflag:s1] =	ssyncadd.s32 @!p1 $0xFFFFE000  }
0xe4: {  	s1 =	sshrl.u32 s7, $0x2;
	s7 =	sshll.u32 s9, $0x7;
	s9 =	simm.s32 $0x0  }
0xe5: {  	[tilespmem:s23], [sflag:$0x3] =	stream.indirect.gather [hbm4b:s12+s20], $0x40, s1, s20, $0xb8;
	[tilespmem:$0x1EAC0] =	vst v63  }
0xe6: {  	s10 =	simm.s32 $0x4;
	s5 =	sshra.s32 s8, $0x2;
	s9 =	sor.u32 s7, s9  }
0xe7: {  	s11 =	sadd.s32 $0x4F80, s5;
	s10 =	sor.u32 s7, s10;
	v1 =	vmov s9  }
0xe8: {  	v3 =	vmov s10;
	[spmem:s2] =	stream.indirect.scatter.add.f32 [tilespmem:s16], [sflag:$0x4], $0x40, s11, s20, $0xb8;
	[tilespmem:$0x1EAC0] =	vst v63  }
0xe9: {  	_ =	swait.ge [sflag:s26], $0x2000  }
0xea: {  	[sflag:s26] =	ssyncset.done $0x0  }
0xeb: {  	[sflag:s26] =	ssyncadd.s32 $0xFFFFE000  }
0xec: {  	v2 =	vld.idx.msk [tilespmem:v1+s19+$0x0], $0xffff  }
0xed: {  	s9 =	simm.s32 $0x11070;
	v4 =	vld.idx.msk [tilespmem:v3+s19+$0x0], $0xffff  }
0xee: {  	v5 =	vld [tilespmem:s9+$0xFFFFFF10]  }
0xef: {  	v6 =	vld [tilespmem:s9+$0xFFFFFF20]  }
0xf0: {  	v7 =	vld [tilespmem:s9+$0xFFFFFF30]  }
0xf1: {  	v8 =	vld [tilespmem:s9+$0xFFFFFF40]  }
0xf2: {  	v9 =	vld [tilespmem:s9+$0xFFFFFE10]  }
0xf3: {  	v10 =	vld [tilespmem:s9+$0xFFFFFE20];
	v5 =	vmul.f32 v5, v4  }
0xf4: {  	v12 =	vor.u32 $0x5, v3;
	v11 =	vld [tilespmem:s9+$0xFFFFFE30];
	v6 =	vmul.f32 v6, v4  }
0xf5: {  	v13 =	vld [tilespmem:s9+$0xFFFFFE40];
	[tilespmem:s9+$0xFFFFFF10] =	vst v5;
	v5 =	vmul.f32 v7, v4  }
0xf6: {  	v14 =	vld [tilespmem:s9+$0xFFFFFE90];
	[tilespmem:s9+$0xFFFFFF20] =	vst v6;
	v4 =	vmul.f32 v8, v4  }
0xf7: {  	v15 =	vld [tilespmem:s9+$0xFFFFFEC0];
	[tilespmem:s9+$0xFFFFFF30] =	vst v5  }
0xf8: {  	v17 =	vld [tilespmem:s9+$0xFFFFFFD0];
	[tilespmem:s9+$0xFFFFFF40] =	vst v4  }
0xf9: {  	v4 =	vmul.f32 v9, v2;
	v8 =	vld.idx.msk [tilespmem:v12+s19+$0x0], $0xffff  }
0xfa: {  	v9 =	vmul.f32 v10, v2;
	v10 =	vor.u32 $0x1, v1;
	v12 =	vld [tilespmem:s9+$0xFFFFFF50]  }
0xfb: {  	[tilespmem:s9+$0xFFFFFE10] =	vst v4;
	v4 =	vmul.f32 v11, v2;
	v11 =	vld [tilespmem:s9+$0xFFFFFF60]  }
0xfc: {  	[tilespmem:s9+$0xFFFFFE20] =	vst v9;
	v2 =	vmul.f32 v13, v2;
	v9 =	vld [tilespmem:s9+$0xFFFFFF70]  }
0xfd: {  	[tilespmem:s9+$0xFFFFFE30] =	vst v4;
	v4 =	vld [tilespmem:s9+$0xFFFFFF80]  }
0xfe: {  	v7 =	vld [tilespmem:s9+$0xFFFFFE50];
	[tilespmem:s9+$0xFFFFFE40] =	vst v2  }
0xff: {  	v2 =	vld.idx.msk [tilespmem:v10+s19+$0x0], $0xffff;
	v10 =	vmul.f32 v12, v8  }
0x100: {  	v6 =	vld [tilespmem:s9+$0xFFFFFE60];
	v13 =	vor.u32 $0x6, v3;
	v11 =	vmul.f32 v11, v8  }
0x101: {  	v5 =	vld [tilespmem:s9+$0xFFFFFE70];
	v9 =	vmul.f32 v9, v8;
	[tilespmem:s9+$0xFFFFFF50] =	vst v10  }
0x102: {  	v12 =	vld [tilespmem:s9+$0xFFFFFE80];
	[tilespmem:s9+$0xFFFFFF60] =	vst v11;
	v4 =	vmul.f32 v4, v8  }
0x103: {  	v10 =	vld [tilespmem:s9+$0xFFFFFEA0];
	[tilespmem:s9+$0xFFFFFF70] =	vst v9  }
0x104: {  	v8 =	vld [tilespmem:s9+$0xFFFFFF90];
	[tilespmem:s9+$0xFFFFFF80] =	vst v4  }
0x105: {  	v7 =	vmul.f32 v7, v2;
	v4 =	vld.idx.msk [tilespmem:v13+s19+$0x0], $0xffff  }
0x106: {  	v9 =	vor.u32 $0x2, v1;
	v6 =	vmul.f32 v6, v2;
	v13 =	vld [tilespmem:s9+$0xFFFFFFA0]  }
0x107: {  	v5 =	vmul.f32 v5, v2;
	[tilespmem:s9+$0xFFFFFE50] =	vst v7;
	v7 =	vld [tilespmem:s9+$0xFFFFFFB0]  }
0x108: {  	v2 =	vmul.f32 v12, v2;
	[tilespmem:s9+$0xFFFFFE60] =	vst v6;
	v6 =	vld [tilespmem:s9+$0xFFFFFFC0]  }
0x109: {  	v11 =	vld [tilespmem:s9+$0xFFFFFEB0];
	[tilespmem:s9+$0xFFFFFE70] =	vst v5  }
0x10a: {  	v5 =	vld [tilespmem:s9+$0xFFFFFED0];
	[tilespmem:s9+$0xFFFFFE80] =	vst v2;
	v2 =	vmul.f32 v8, v4  }
0x10b: {  	v12 =	vld.idx.msk [tilespmem:v9+s19+$0x0], $0xffff;
	v8 =	vmul.f32 v13, v4;
	v13 =	vor.u32 $0x7, v3  }
0x10c: {  	v9 =	vld [tilespmem:s9+$0xFFFFFFE0];
	v7 =	vmul.f32 v7, v4;
	[tilespmem:s9+$0xFFFFFF90] =	vst v2  }
0x10d: {  	v3 =	vld [tilespmem:s9+$0xFFFFFEF0];
	v6 =	vmul.f32 v6, v4;
	[tilespmem:s9+$0xFFFFFFA0] =	vst v8  }
0x10e: {  	s14 =	simm.s32 $0xC;
	v4 =	vld [tilespmem:s9+$0xFFFFFF00];
	[tilespmem:s9+$0xFFFFFFB0] =	vst v7  }
0x10f: {  	s13 =	simm.s32 $0x8;
	s15 =	sor.u32 s7, s14;
	v2 =	vld [tilespmem:s9+$0xFFFFFEE0];
	[tilespmem:s9+$0xFFFFFFC0] =	vst v6  }
0x110: {  	s10 =	sor.u32 s7, s13;
	v6 =	vmov s15;
	v8 =	vld.idx.msk [tilespmem:v13+s19+$0x0], $0xffff  }
0x111: {  	v7 =	vmov s10;
	v16 =	vmul.f32 v10, v12;
	v13 =	vmul.f32 v14, v12;
	v14 =	vld [tilespmem:s9+$0x0]  }
0x112: {  	s11 =	simm.s32 $0x11270;
	v10 =	vld [tilespmem:s9+$0xFFFFFFF0];
	v18 =	vmul.f32 v11, v12  }
0x113: {  	[tilespmem:s9+$0xFFFFFEA0] =	vst v16;
	v16 =	vld [tilespmem:s11+$0xFFFFFF10]  }
0x114: {  	[tilespmem:s9+$0xFFFFFEB0] =	vst v18;
	v12 =	vmul.f32 v15, v12;
	v15 =	vld [tilespmem:s11+$0xFFFFFF20]  }
0x115: {  	[tilespmem:s9+$0xFFFFFE90] =	vst v13;
	v13 =	vld.idx.msk [tilespmem:v6+s19+$0x0], $0xffff  }
0x116: {  	s13 =	simm.s32 $0x10;
	s10 =	simm.s32 $0x11270;
	v11 =	vld.idx.msk [tilespmem:v7+s19+$0x0], $0xffff;
	[tilespmem:s9+$0xFFFFFEC0] =	vst v12;
	v12 =	vmul.f32 v17, v8;
	v14 =	vmul.f32 v14, v8  }
.LBB2_7:
0x117: {  	p1 =	slt.u32 s13, $0x78;
	v17 =	vld [tilespmem:s11+$0xFFFFFF30];
	v9 =	vmul.f32 v9, v8;
	v8 =	vmul.f32 v10, v8  }
0x118: {  	v10 =	vld [tilespmem:s11+$0xFFFFFF40];
	[tilespmem:s9+$0x0] =	vst v14  }
0x119: {  	v14 =	vld [tilespmem:s11+$0xFFFFFE10];
	[tilespmem:s9+$0xFFFFFFD0] =	vst v12  }
0x11a: {  	v12 =	vld [tilespmem:s11+$0xFFFFFE20];
	v16 =	vmul.f32 v16, v13;
	[tilespmem:s9+$0xFFFFFFE0] =	vst v9  }
0x11b: {  	v18 =	vor.u32 $0x5, v6;
	v9 =	vld [tilespmem:s11+$0xFFFFFE30];
	v15 =	vmul.f32 v15, v13;
	[tilespmem:s9+$0xFFFFFFF0] =	vst v8  }
0x11c: {  	v8 =	vld [tilespmem:s11+$0xFFFFFE40];
	[tilespmem:s11+$0xFFFFFF10] =	vst v16;
	v16 =	vmul.f32 v17, v13  }
0x11d: {  	v17 =	vld [tilespmem:s11+$0xFFFFFE50];
	[tilespmem:s11+$0xFFFFFF20] =	vst v15;
	v10 =	vmul.f32 v10, v13  }
0x11e: {  	v13 =	vmul.f32 v14, v11;
	v14 =	vld [tilespmem:s11+$0xFFFFFE60];
	[tilespmem:s11+$0xFFFFFF30] =	vst v16  }
0x11f: {  	v12 =	vmul.f32 v12, v11;
	v15 =	vld [tilespmem:s11+$0xFFFFFE70];
	[tilespmem:s11+$0xFFFFFF40] =	vst v10  }
0x120: {  	v10 =	vor.u32 $0x1, v7;
	[tilespmem:s11+$0xFFFFFE10] =	vst v13;
	v9 =	vmul.f32 v9, v11;
	v13 =	vld.idx.msk [tilespmem:v18+s19+$0x0], $0xffff  }
0x121: {  	[tilespmem:s11+$0xFFFFFE20] =	vst v12;
	v8 =	vmul.f32 v8, v11;
	v11 =	vld [tilespmem:s11+$0xFFFFFF50]  }
0x122: {  	[tilespmem:s11+$0xFFFFFE30] =	vst v9;
	v9 =	vld [tilespmem:s11+$0xFFFFFF60]  }
0x123: {  	[tilespmem:s11+$0xFFFFFE40] =	vst v8;
	v8 =	vld [tilespmem:s11+$0xFFFFFF70]  }
0x124: {  	v12 =	vld [tilespmem:s11+$0xFFFFFF80]  }
0x125: {  	v10 =	vld.idx.msk [tilespmem:v10+s19+$0x0], $0xffff  }
0x126: {  	v18 =	vor.u32 $0x3, v1;
	v1 =	vmov v7;
	v16 =	vld [tilespmem:s11+$0xFFFFFE80];
	v11 =	vmul.f32 v11, v13  }
0x127: {  	v19 =	vld [tilespmem:s11+$0xFFFFFE90];
	v7 =	vmul.f32 v9, v13;
	v9 =	vor.u32 $0x6, v6  }
0x128: {  	v20 =	vld [tilespmem:s11+$0xFFFFFEA0];
	[tilespmem:s11+$0xFFFFFF50] =	vst v11;
	v8 =	vmul.f32 v8, v13  }
0x129: {  	v11 =	vld [tilespmem:s11+$0xFFFFFEB0];
	[tilespmem:s11+$0xFFFFFF60] =	vst v7;
	v7 =	vmul.f32 v12, v13  }
0x12a: {  	v12 =	vld [tilespmem:s11+$0xFFFFFEC0];
	[tilespmem:s11+$0xFFFFFF70] =	vst v8  }
0x12b: {  	v8 =	vmul.f32 v17, v10;
	v13 =	vmul.f32 v14, v10;
	[tilespmem:s11+$0xFFFFFF80] =	vst v7;
	v7 =	vld.idx.msk [tilespmem:v18+s19+$0x0], $0xffff  }
0x12c: {  	v14 =	vmul.f32 v15, v10;
	v15 =	vor.u32 $0x2, v1;
	v10 =	vmul.f32 v16, v10;
	v9 =	vld.idx.msk [tilespmem:v9+s19+$0x0], $0xffff  }
0x12d: {  	[tilespmem:s11+$0xFFFFFE50] =	vst v8;
	v8 =	vld [tilespmem:s11+$0xFFFFFF90]  }
0x12e: {  	[tilespmem:s11+$0xFFFFFE60] =	vst v13;
	v13 =	vld [tilespmem:s11+$0xFFFFFFA0]  }
0x12f: {  	[tilespmem:s11+$0xFFFFFE70] =	vst v14;
	v14 =	vld [tilespmem:s11+$0xFFFFFFB0]  }
0x130: {  	[tilespmem:s11+$0xFFFFFE80] =	vst v10;
	v10 =	vld [tilespmem:s11+$0xFFFFFFC0]  }
0x131: {  	v16 =	vmul.f32 v5, v7;
	v17 =	vmul.f32 v2, v7;
	v15 =	vld.idx.msk [tilespmem:v15+s19+$0x0], $0xffff  }
0x132: {  	v18 =	vmul.f32 v3, v7;
	v5 =	vld [tilespmem:s11+$0xFFFFFED0];
	v8 =	vmul.f32 v8, v9  }
0x133: {  	v21 =	vor.u32 $0x7, v6;
	v22 =	vmul.f32 v4, v7;
	v2 =	vld [tilespmem:s11+$0xFFFFFEE0];
	v13 =	vmul.f32 v13, v9;
	[tilespmem:s9+$0xFFFFFED0] =	vst v16  }
0x134: {  	v3 =	vld [tilespmem:s11+$0xFFFFFEF0];
	[tilespmem:s11+$0xFFFFFF90] =	vst v8;
	v6 =	vmul.f32 v14, v9  }
0x135: {  	s14 =	sor.u32 s7, s13;
	s15 =	sadd.s32 $0x4, s13;
	v4 =	vld [tilespmem:s11+$0xFFFFFF00];
	[tilespmem:s11+$0xFFFFFFA0] =	vst v13;
	v8 =	vmul.f32 v10, v9  }
0x136: {  	v7 =	vmov s14;
	s14 =	sor.u32 s7, s15;
	[tilespmem:s11+$0xFFFFFFB0] =	vst v6;
	v14 =	vld [tilespmem:s11+$0xFFFFFFD0]  }
0x137: {  	v6 =	vmov s14;
	v10 =	vmul.f32 v19, v15;
	v13 =	vmul.f32 v20, v15;
	[tilespmem:s11+$0xFFFFFFC0] =	vst v8;
	v9 =	vld [tilespmem:s11+$0xFFFFFFE0]  }
0x138: {  	v16 =	vmul.f32 v11, v15;
	v12 =	vmul.f32 v12, v15;
	v8 =	vld.idx.msk [tilespmem:v21+s19+$0x0], $0xffff;
	[tilespmem:s9+$0xFFFFFEE0] =	vst v17  }
0x139: {  	[tilespmem:s11+$0xFFFFFE90] =	vst v10;
	v17 =	vld [tilespmem:s11+$0x0]  }
.Ltmp4:
0x13a: {  	[tilespmem:s11+$0xFFFFFEA0] =	vst v13;
	v10 =	vld [tilespmem:s11+$0xFFFFFFF0];
	(pc) =	sbr.rel @p1 .LBB2_7-.Ltmp4, $4  }
0x13b: {  	v11 =	vld.idx.msk [tilespmem:v7+s19+$0x0], $0xffff;
	[tilespmem:s11+$0xFFFFFEB0] =	vst v16  }
0x13c: {  	s11 =	sadd.s32 $0x200, s11;
	v13 =	vld.idx.msk [tilespmem:v6+s19+$0x0], $0xffff;
	[tilespmem:s10+$0xFFFFFEC0] =	vst v12  }
0x13d: {  	v16 =	vld [tilespmem:s11+$0xFFFFFF10];
	[tilespmem:s9+$0xFFFFFEF0] =	vst v18  }
0x13e: {  	s13 =	sadd.s32 $0x8, s13;
	v12 =	vmul.f32 v14, v8;
	v15 =	vld [tilespmem:s11+$0xFFFFFF20];
	v14 =	vmul.f32 v17, v8;
	[tilespmem:s9+$0xFFFFFF00] =	vst v22;
	s9 =	smov.u32 s10;
	s10 =	smov.u32 s11  }
0x13f: {  	v17 =	vld [tilespmem:s11+$0xFFFFFF30]  }
0x140: {  	v18 =	vld [tilespmem:s11+$0xFFFFFF40]  }
0x141: {  	v19 =	vld [tilespmem:s11+$0xFFFFFE10]  }
0x142: {  	v20 =	vld [tilespmem:s11+$0xFFFFFE20];
	v16 =	vmul.f32 v16, v13  }
0x143: {  	v21 =	vld [tilespmem:s11+$0xFFFFFE30];
	v22 =	vor.u32 $0x5, v6;
	v15 =	vmul.f32 v15, v13  }
0x144: {  	v23 =	vld [tilespmem:s11+$0xFFFFFE40];
	[tilespmem:s11+$0xFFFFFF10] =	vst v16;
	v16 =	vmul.f32 v17, v13  }
0x145: {  	v56 =	vld [tilespmem:s11+$0xFFFFFF50];
	v13 =	vmul.f32 v18, v13;
	[tilespmem:s11+$0xFFFFFF20] =	vst v15  }
0x146: {  	v57 =	vld [tilespmem:s11+$0xFFFFFF60];
	[tilespmem:s11+$0xFFFFFF30] =	vst v16  }
0x147: {  	v59 =	vld [tilespmem:s11+$0xFFFFFE80];
	[tilespmem:s11+$0xFFFFFF40] =	vst v13;
	v13 =	vmul.f32 v19, v11  }
0x148: {  	v55 =	vor.u32 $0x1, v7;
	v19 =	vmul.f32 v20, v11;
	v18 =	vld.idx.msk [tilespmem:v22+s19+$0x0], $0xffff  }
0x149: {  	v61 =	vld [tilespmem:s11+$0xFFFFFE90];
	[tilespmem:s11+$0xFFFFFE10] =	vst v13;
	v13 =	vmul.f32 v21, v11  }
0x14a: {  	[tilespmem:s11+$0xFFFFFE20] =	vst v19;
	v11 =	vmul.f32 v23, v11;
	v19 =	vld [tilespmem:s11+$0xFFFFFF70]  }
0x14b: {  	[tilespmem:s11+$0xFFFFFE30] =	vst v13;
	v13 =	vld [tilespmem:s11+$0xFFFFFF80]  }
0x14c: {  	v17 =	vld [tilespmem:s11+$0xFFFFFE50];
	[tilespmem:s11+$0xFFFFFE40] =	vst v11  }
0x14d: {  	v11 =	vld.idx.msk [tilespmem:v55+s19+$0x0], $0xffff;
	v58 =	vmul.f32 v56, v18  }
0x14e: {  	v60 =	vor.u32 $0x6, v6;
	[tilespmem:s9+$0x0] =	vst v14;
	v15 =	vld [tilespmem:s11+$0xFFFFFE60];
	v21 =	vmul.f32 v57, v18  }
0x14f: {  	v16 =	vld [tilespmem:s11+$0xFFFFFE70];
	v19 =	vmul.f32 v19, v18;
	[tilespmem:s11+$0xFFFFFF50] =	vst v58  }
0x150: {  	v62 =	vld [tilespmem:s11+$0xFFFFFEA0];
	[tilespmem:s11+$0xFFFFFF60] =	vst v21;
	v13 =	vmul.f32 v13, v18  }
0x151: {  	v63 =	vld [tilespmem:s11+$0xFFFFFFA0];
	[tilespmem:s11+$0xFFFFFF70] =	vst v19  }
0x152: {  	v1 =	vor.u32 $0x3, v1;
	v14 =	vmul.f32 v17, v11;
	v17 =	vld [tilespmem:s11+$0xFFFFFF90];
	[tilespmem:s11+$0xFFFFFF80] =	vst v13  }
0x153: {  	v9 =	vmul.f32 v9, v8;
	[tilespmem:s9+$0xFFFFFFD0] =	vst v12;
	v12 =	vmul.f32 v15, v11;
	v15 =	vor.u32 $0x2, v7;
	v13 =	vld.idx.msk [tilespmem:v60+s19+$0x0], $0xffff  }
0x154: {  	v8 =	vmul.f32 v10, v8;
	v10 =	vld [tilespmem:s11+$0xFFFFFEE0];
	v16 =	vmul.f32 v16, v11;
	[tilespmem:s11+$0xFFFFFE50] =	vst v14  }
0x155: {  	v11 =	vmul.f32 v59, v11;
	[tilespmem:s11+$0xFFFFFE60] =	vst v12;
	v12 =	vld [tilespmem:s11+$0xFFFFFFC0]  }
0x156: {  	v14 =	vld [tilespmem:s11+$0xFFFFFFB0];
	[tilespmem:s11+$0xFFFFFE70] =	vst v16  }
0x157: {  	v1 =	vld.idx.msk [tilespmem:v1+s19+$0x0], $0xffff;
	[tilespmem:s11+$0xFFFFFE80] =	vst v11  }
0x158: {  	[tilespmem:s9+$0xFFFFFFE0] =	vst v9;
	v9 =	vld.idx.msk [tilespmem:v15+s19+$0x0], $0xffff;
	v11 =	vmul.f32 v17, v13  }
0x159: {  	v6 =	vor.u32 $0x7, v6;
	[tilespmem:s9+$0xFFFFFFF0] =	vst v8;
	v8 =	vld [tilespmem:s11+$0xFFFFFFD0];
	v15 =	vmul.f32 v63, v13  }
0x15a: {  	v18 =	vld [tilespmem:s11+$0xFFFFFEB0];
	v12 =	vmul.f32 v12, v13;
	[tilespmem:s11+$0xFFFFFF90] =	vst v11  }
0x15b: {  	v19 =	vld [tilespmem:s11+$0xFFFFFEC0];
	v11 =	vmul.f32 v14, v13;
	[tilespmem:s11+$0xFFFFFFA0] =	vst v15  }
0x15c: {  	v5 =	vmul.f32 v5, v1;
	v16 =	vld [tilespmem:s11+$0xFFFFFED0];
	[tilespmem:s11+$0xFFFFFFC0] =	vst v12  }
0x15d: {  	v14 =	vld [tilespmem:s11+$0xFFFFFEF0];
	v13 =	vmul.f32 v61, v9;
	[tilespmem:s11+$0xFFFFFFB0] =	vst v11  }
0x15e: {  	[tilespmem:s9+$0xFFFFFED0] =	vst v5;
	v7 =	vor.u32 $0x3, v7;
	v5 =	vmul.f32 v62, v9;
	v6 =	vld.idx.msk [tilespmem:v6+s19+$0x0], $0xffff  }
0x15f: {  	v12 =	vmul.f32 v18, v9;
	[tilespmem:s11+$0xFFFFFE90] =	vst v13;
	v13 =	vld [tilespmem:s11+$0x0]  }
0x160: {  	v9 =	vmul.f32 v19, v9;
	v11 =	vld [tilespmem:s11+$0xFFFFFF00];
	[tilespmem:s11+$0xFFFFFEA0] =	vst v5  }
0x161: {  	v2 =	vmul.f32 v2, v1;
	v5 =	vld [tilespmem:s11+$0xFFFFFFE0];
	[tilespmem:s11+$0xFFFFFEB0] =	vst v12  }
0x162: {  	v3 =	vmul.f32 v3, v1;
	v12 =	vld [tilespmem:s11+$0xFFFFFFF0];
	[tilespmem:s10+$0xFFFFFEC0] =	vst v9  }
0x163: {  	v1 =	vmul.f32 v4, v1;
	[tilespmem:s9+$0xFFFFFEE0] =	vst v2;
	v2 =	vld.idx.msk [tilespmem:v7+s19+$0x0], $0xffff  }
0x164: {  	[tilespmem:s9+$0xFFFFFEF0] =	vst v3;
	v3 =	vmul.f32 v13, v6  }
0x165: {  	[tilespmem:s9+$0xFFFFFF00] =	vst v1;
	v4 =	vmul.f32 v8, v6  }
0x166: {  	v1 =	vmul.f32 v5, v6;
	[tilespmem:s10+$0x0] =	vst v3  }
0x167: {  	v3 =	vmul.f32 v12, v6;
	[tilespmem:s10+$0xFFFFFFD0] =	vst v4  }
0x168: {  	[tilespmem:s10+$0xFFFFFFE0] =	vst v1;
	v1 =	vmul.f32 v16, v2  }
0x169: {  	v4 =	vmul.f32 v14, v2;
	[tilespmem:s10+$0xFFFFFFF0] =	vst v3  }
0x16a: {  	v3 =	vmul.f32 v10, v2;
	[tilespmem:s10+$0xFFFFFED0] =	vst v1  }
0x16b: {  	v1 =	vmul.f32 v11, v2;
	[tilespmem:s10+$0xFFFFFEF0] =	vst v4  }
0x16c: {  	[tilespmem:s10+$0xFFFFFEE0] =	vst v3  }
0x16d: {  	p1 =	seq.s32 s18, $0x34;
	[tilespmem:s10+$0xFFFFFF00] =	vst v1  }
0x16e: {  	s8 =	sshra.s32 @!p1 s8, $0x2;
	_ =	swait.ge [sflag:s28], $0x2000  }
0x16f: {  	s8 =	sadd.s32 @!p1 $0x180, s8;
	[sflag:s28] =	ssyncset.done $0x0  }
0x170: {  	s9 =	simm.s32 @!p1 $0x80;
	s10 =	simm.s32 @!p1 $0xEE80;
	[sflag:s28] =	ssyncadd.s32 $0xFFFFE000  }
0x171: {  	[tilespmem:s10], [sflag:$0x1] =	stream.indirect.gather @!p1 [hbm4b:s12+s9], $0x40, s8, s9, $0xb8;
	[tilespmem:$0x1EAC0] =	vst v63  }
0x172: {  	s7 =	sand.u32 $0x3FFFFF80, s7;
	s8 =	sshll.u32 s6, $0x7;
	s10 =	simm.s32 $0x4  }
0x173: {  	s7 =	sadd.s32 $0x4F80, s7;
	s11 =	sor.u32 s8, s10  }
0x174: {  	[spmem:s2] =	stream.indirect.scatter.add.f32 [tilespmem:s21], [sflag:$0x5], $0x40, s7, s20, $0xb8;
	[tilespmem:$0x1EAC0] =	vst v63  }
0x175: {  	s9 =	simm.s32 $0x0;
	v3 =	vmov s11;
	_ =	swait.ge [sflag:s29], $0x2000  }
0x176: {  	s6 =	sor.u32 s8, s9;
	[sflag:s29] =	ssyncset.done $0x0  }
0x177: {  	v1 =	vmov s6;
	s6 =	simm.s32 $0x12E80;
	[sflag:s29] =	ssyncadd.s32 $0xFFFFE000  }
0x178: {  	v5 =	vld [tilespmem:s6+$0x100]  }
0x179: {  	v6 =	vld [tilespmem:s6+$0x110]  }
0x17a: {  	v4 =	vld.idx.msk [tilespmem:v3+s19+$0x0], $0xffff  }
0x17b: {  	v7 =	vld [tilespmem:s6+$0x120]  }
0x17c: {  	v8 =	vld [tilespmem:s6+$0x130]  }
0x17d: {  	v9 =	vld [tilespmem:s6+$0x0]  }
0x17e: {  	v10 =	vld [tilespmem:s6+$0x10]  }
0x17f: {  	v11 =	vld [tilespmem:s6+$0x20];
	v5 =	vmul.f32 v5, v4  }
0x180: {  	v12 =	vor.u32 $0x5, v3;
	v2 =	vld.idx.msk [tilespmem:v1+s19+$0x0], $0xffff;
	v6 =	vmul.f32 v6, v4  }
0x181: {  	v13 =	vld [tilespmem:s6+$0x30];
	[tilespmem:s6+$0x100] =	vst v5;
	v5 =	vmul.f32 v7, v4  }
0x182: {  	v14 =	vld [tilespmem:s6+$0x80];
	[tilespmem:s6+$0x110] =	vst v6;
	v4 =	vmul.f32 v8, v4  }
0x183: {  	v15 =	vld [tilespmem:s6+$0xB0];
	[tilespmem:s6+$0x120] =	vst v5  }
0x184: {  	v17 =	vld [tilespmem:s6+$0x1C0];
	[tilespmem:s6+$0x130] =	vst v4  }
0x185: {  	v4 =	vmul.f32 v9, v2;
	v8 =	vld.idx.msk [tilespmem:v12+s19+$0x0], $0xffff  }
0x186: {  	v9 =	vmul.f32 v10, v2;
	v10 =	vor.u32 $0x1, v1;
	v12 =	vld [tilespmem:s6+$0x140]  }
0x187: {  	[tilespmem:s6+$0x0] =	vst v4;
	v4 =	vmul.f32 v11, v2;
	v11 =	vld [tilespmem:s6+$0x150]  }
0x188: {  	[tilespmem:s6+$0x10] =	vst v9;
	v2 =	vmul.f32 v13, v2;
	v9 =	vld [tilespmem:s6+$0x160]  }
0x189: {  	[tilespmem:s6+$0x20] =	vst v4;
	v4 =	vld [tilespmem:s6+$0x170]  }
0x18a: {  	v7 =	vld [tilespmem:s6+$0x40];
	[tilespmem:s6+$0x30] =	vst v2  }
0x18b: {  	v2 =	vld.idx.msk [tilespmem:v10+s19+$0x0], $0xffff;
	v10 =	vmul.f32 v12, v8  }
0x18c: {  	v6 =	vld [tilespmem:s6+$0x50];
	v13 =	vor.u32 $0x6, v3;
	v11 =	vmul.f32 v11, v8  }
0x18d: {  	v5 =	vld [tilespmem:s6+$0x60];
	v9 =	vmul.f32 v9, v8;
	[tilespmem:s6+$0x140] =	vst v10  }
0x18e: {  	v12 =	vld [tilespmem:s6+$0x70];
	[tilespmem:s6+$0x150] =	vst v11;
	v4 =	vmul.f32 v4, v8  }
0x18f: {  	v10 =	vld [tilespmem:s6+$0x90];
	[tilespmem:s6+$0x160] =	vst v9  }
0x190: {  	v8 =	vld [tilespmem:s6+$0x180];
	[tilespmem:s6+$0x170] =	vst v4  }
0x191: {  	v7 =	vmul.f32 v7, v2;
	v4 =	vld.idx.msk [tilespmem:v13+s19+$0x0], $0xffff  }
0x192: {  	v9 =	vor.u32 $0x2, v1;
	v6 =	vmul.f32 v6, v2;
	v13 =	vld [tilespmem:s6+$0x190]  }
0x193: {  	v5 =	vmul.f32 v5, v2;
	[tilespmem:s6+$0x40] =	vst v7;
	v7 =	vld [tilespmem:s6+$0x1A0]  }
0x194: {  	v2 =	vmul.f32 v12, v2;
	[tilespmem:s6+$0x50] =	vst v6;
	v6 =	vld [tilespmem:s6+$0x1B0]  }
0x195: {  	v11 =	vld [tilespmem:s6+$0xA0];
	[tilespmem:s6+$0x60] =	vst v5  }
0x196: {  	v5 =	vld [tilespmem:s6+$0xC0];
	[tilespmem:s6+$0x70] =	vst v2;
	v2 =	vmul.f32 v8, v4  }
0x197: {  	v12 =	vld.idx.msk [tilespmem:v9+s19+$0x0], $0xffff;
	v8 =	vmul.f32 v13, v4;
	v13 =	vor.u32 $0x7, v3  }
0x198: {  	v9 =	vld [tilespmem:s6+$0x1D0];
	v7 =	vmul.f32 v7, v4;
	[tilespmem:s6+$0x180] =	vst v2  }
0x199: {  	v3 =	vld [tilespmem:s6+$0xE0];
	v6 =	vmul.f32 v6, v4;
	[tilespmem:s6+$0x190] =	vst v8  }
0x19a: {  	s14 =	simm.s32 $0xC;
	v4 =	vld [tilespmem:s6+$0xF0];
	[tilespmem:s6+$0x1A0] =	vst v7  }
0x19b: {  	s13 =	simm.s32 $0x8;
	s15 =	sor.u32 s8, s14;
	v2 =	vld [tilespmem:s6+$0xD0];
	[tilespmem:s6+$0x1B0] =	vst v6  }
0x19c: {  	s7 =	sor.u32 s8, s13;
	v6 =	vmov s15;
	v8 =	vld.idx.msk [tilespmem:v13+s19+$0x0], $0xffff  }
0x19d: {  	v7 =	vmov s7;
	v16 =	vmul.f32 v10, v12;
	v13 =	vmul.f32 v14, v12;
	v14 =	vld [tilespmem:s6+$0x1F0]  }
0x19e: {  	s9 =	simm.s32 $0x13080;
	v10 =	vld [tilespmem:s6+$0x1E0];
	v18 =	vmul.f32 v11, v12  }
0x19f: {  	[tilespmem:s6+$0x90] =	vst v16;
	v16 =	vld [tilespmem:s9+$0x100]  }
0x1a0: {  	[tilespmem:s6+$0xA0] =	vst v18;
	v12 =	vmul.f32 v15, v12;
	v15 =	vld [tilespmem:s9+$0x110]  }
0x1a1: {  	[tilespmem:s6+$0x80] =	vst v13;
	v13 =	vld.idx.msk [tilespmem:v6+s19+$0x0], $0xffff  }
0x1a2: {  	s10 =	simm.s32 $0x10;
	s7 =	simm.s32 $0x13080;
	v11 =	vld.idx.msk [tilespmem:v7+s19+$0x0], $0xffff;
	[tilespmem:s6+$0xB0] =	vst v12;
	v12 =	vmul.f32 v17, v8;
	v14 =	vmul.f32 v14, v8  }
.LBB2_9:
0x1a3: {  	p2 =	slt.u32 s10, $0x78;
	v17 =	vld [tilespmem:s9+$0x120];
	v9 =	vmul.f32 v9, v8;
	v8 =	vmul.f32 v10, v8  }
0x1a4: {  	v10 =	vld [tilespmem:s9+$0x130];
	[tilespmem:s6+$0x1F0] =	vst v14  }
0x1a5: {  	v14 =	vld [tilespmem:s9+$0x0];
	[tilespmem:s6+$0x1C0] =	vst v12  }
0x1a6: {  	v12 =	vld [tilespmem:s9+$0x10];
	v16 =	vmul.f32 v16, v13;
	[tilespmem:s6+$0x1D0] =	vst v9  }
0x1a7: {  	v18 =	vor.u32 $0x5, v6;
	v9 =	vld [tilespmem:s9+$0x20];
	v15 =	vmul.f32 v15, v13;
	[tilespmem:s6+$0x1E0] =	vst v8  }
0x1a8: {  	v8 =	vld [tilespmem:s9+$0x30];
	[tilespmem:s9+$0x100] =	vst v16;
	v16 =	vmul.f32 v17, v13  }
0x1a9: {  	v17 =	vld [tilespmem:s9+$0x40];
	[tilespmem:s9+$0x110] =	vst v15;
	v10 =	vmul.f32 v10, v13  }
0x1aa: {  	v13 =	vmul.f32 v14, v11;
	v14 =	vld [tilespmem:s9+$0x50];
	[tilespmem:s9+$0x120] =	vst v16  }
0x1ab: {  	v12 =	vmul.f32 v12, v11;
	v15 =	vld [tilespmem:s9+$0x60];
	[tilespmem:s9+$0x130] =	vst v10  }
0x1ac: {  	v10 =	vor.u32 $0x1, v7;
	[tilespmem:s9+$0x0] =	vst v13;
	v9 =	vmul.f32 v9, v11;
	v13 =	vld.idx.msk [tilespmem:v18+s19+$0x0], $0xffff  }
0x1ad: {  	[tilespmem:s9+$0x10] =	vst v12;
	v8 =	vmul.f32 v8, v11;
	v11 =	vld [tilespmem:s9+$0x140]  }
0x1ae: {  	[tilespmem:s9+$0x20] =	vst v9;
	v9 =	vld [tilespmem:s9+$0x150]  }
0x1af: {  	[tilespmem:s9+$0x30] =	vst v8;
	v8 =	vld [tilespmem:s9+$0x160]  }
0x1b0: {  	v12 =	vld [tilespmem:s9+$0x170]  }
0x1b1: {  	v10 =	vld.idx.msk [tilespmem:v10+s19+$0x0], $0xffff  }
0x1b2: {  	v18 =	vor.u32 $0x3, v1;
	v1 =	vmov v7;
	v16 =	vld [tilespmem:s9+$0x70];
	v11 =	vmul.f32 v11, v13  }
0x1b3: {  	v19 =	vld [tilespmem:s9+$0x80];
	v7 =	vmul.f32 v9, v13;
	v9 =	vor.u32 $0x6, v6  }
0x1b4: {  	v20 =	vld [tilespmem:s9+$0x90];
	[tilespmem:s9+$0x140] =	vst v11;
	v8 =	vmul.f32 v8, v13  }
0x1b5: {  	v11 =	vld [tilespmem:s9+$0xA0];
	[tilespmem:s9+$0x150] =	vst v7;
	v7 =	vmul.f32 v12, v13  }
0x1b6: {  	v12 =	vld [tilespmem:s9+$0xB0];
	[tilespmem:s9+$0x160] =	vst v8  }
0x1b7: {  	v8 =	vmul.f32 v17, v10;
	v13 =	vmul.f32 v14, v10;
	[tilespmem:s9+$0x170] =	vst v7;
	v7 =	vld.idx.msk [tilespmem:v18+s19+$0x0], $0xffff  }
0x1b8: {  	v14 =	vmul.f32 v15, v10;
	v15 =	vor.u32 $0x2, v1;
	v10 =	vmul.f32 v16, v10;
	v9 =	vld.idx.msk [tilespmem:v9+s19+$0x0], $0xffff  }
0x1b9: {  	[tilespmem:s9+$0x40] =	vst v8;
	v8 =	vld [tilespmem:s9+$0x180]  }
0x1ba: {  	[tilespmem:s9+$0x50] =	vst v13;
	v13 =	vld [tilespmem:s9+$0x190]  }
0x1bb: {  	[tilespmem:s9+$0x60] =	vst v14;
	v14 =	vld [tilespmem:s9+$0x1A0]  }
0x1bc: {  	[tilespmem:s9+$0x70] =	vst v10;
	v10 =	vld [tilespmem:s9+$0x1B0]  }
0x1bd: {  	v16 =	vmul.f32 v5, v7;
	v17 =	vmul.f32 v2, v7;
	v15 =	vld.idx.msk [tilespmem:v15+s19+$0x0], $0xffff  }
0x1be: {  	v18 =	vmul.f32 v3, v7;
	v5 =	vld [tilespmem:s9+$0xC0];
	v8 =	vmul.f32 v8, v9  }
0x1bf: {  	v21 =	vor.u32 $0x7, v6;
	v22 =	vmul.f32 v4, v7;
	v2 =	vld [tilespmem:s9+$0xD0];
	v13 =	vmul.f32 v13, v9;
	[tilespmem:s6+$0xC0] =	vst v16  }
0x1c0: {  	v3 =	vld [tilespmem:s9+$0xE0];
	[tilespmem:s9+$0x180] =	vst v8;
	v6 =	vmul.f32 v14, v9  }
0x1c1: {  	s11 =	sor.u32 s8, s10;
	s13 =	sadd.s32 $0x4, s10;
	v4 =	vld [tilespmem:s9+$0xF0];
	[tilespmem:s9+$0x190] =	vst v13;
	v8 =	vmul.f32 v10, v9  }
0x1c2: {  	v7 =	vmov s11;
	s11 =	sor.u32 s8, s13;
	[tilespmem:s9+$0x1A0] =	vst v6;
	v14 =	vld [tilespmem:s9+$0x1C0]  }
0x1c3: {  	v6 =	vmov s11;
	v10 =	vmul.f32 v19, v15;
	v13 =	vmul.f32 v20, v15;
	[tilespmem:s9+$0x1B0] =	vst v8;
	v9 =	vld [tilespmem:s9+$0x1D0]  }
0x1c4: {  	v16 =	vmul.f32 v11, v15;
	v12 =	vmul.f32 v12, v15;
	v8 =	vld.idx.msk [tilespmem:v21+s19+$0x0], $0xffff;
	[tilespmem:s6+$0xD0] =	vst v17  }
0x1c5: {  	[tilespmem:s9+$0x80] =	vst v10;
	v17 =	vld [tilespmem:s9+$0x1F0]  }
.Ltmp5:
0x1c6: {  	[tilespmem:s9+$0x90] =	vst v13;
	v10 =	vld [tilespmem:s9+$0x1E0];
	(pc) =	sbr.rel @p2 .LBB2_9-.Ltmp5, $4  }
0x1c7: {  	v11 =	vld.idx.msk [tilespmem:v7+s19+$0x0], $0xffff;
	[tilespmem:s9+$0xA0] =	vst v16  }
0x1c8: {  	s9 =	sadd.s32 $0x200, s9;
	v13 =	vld.idx.msk [tilespmem:v6+s19+$0x0], $0xffff;
	[tilespmem:s7+$0xB0] =	vst v12  }
0x1c9: {  	v16 =	vld [tilespmem:s9+$0x100];
	[tilespmem:s6+$0xE0] =	vst v18  }
0x1ca: {  	s10 =	sadd.s32 $0x8, s10;
	v12 =	vmul.f32 v14, v8;
	v15 =	vld [tilespmem:s9+$0x110];
	v14 =	vmul.f32 v17, v8;
	[tilespmem:s6+$0xF0] =	vst v22;
	s6 =	smov.u32 s7;
	s7 =	smov.u32 s9  }
0x1cb: {  	v17 =	vld [tilespmem:s9+$0x120]  }
0x1cc: {  	v18 =	vld [tilespmem:s9+$0x130]  }
0x1cd: {  	v19 =	vld [tilespmem:s9+$0x0]  }
0x1ce: {  	v20 =	vld [tilespmem:s9+$0x10];
	v16 =	vmul.f32 v16, v13  }
0x1cf: {  	v21 =	vld [tilespmem:s9+$0x20];
	v22 =	vor.u32 $0x5, v6;
	v15 =	vmul.f32 v15, v13  }
0x1d0: {  	v23 =	vld [tilespmem:s9+$0x30];
	[tilespmem:s9+$0x100] =	vst v16;
	v55 =	vmul.f32 v17, v13  }
0x1d1: {  	v56 =	vld [tilespmem:s9+$0x40];
	v57 =	vmul.f32 v18, v13;
	[tilespmem:s9+$0x110] =	vst v15  }
0x1d2: {  	v58 =	vld [tilespmem:s9+$0x50];
	v60 =	vmul.f32 v19, v11;
	[tilespmem:s9+$0x120] =	vst v55  }
0x1d3: {  	v63 =	vor.u32 $0x1, v7;
	v24 =	vld [tilespmem:s9+$0x140];
	v62 =	vmul.f32 v20, v11;
	[tilespmem:s9+$0x130] =	vst v57  }
0x1d4: {  	v25 =	vmul.f32 v21, v11;
	[tilespmem:s9+$0x0] =	vst v60;
	v61 =	vld.idx.msk [tilespmem:v22+s19+$0x0], $0xffff  }
0x1d5: {  	v26 =	vld [tilespmem:s9+$0x150];
	v27 =	vmul.f32 v23, v11;
	[tilespmem:s9+$0x10] =	vst v62  }
0x1d6: {  	v28 =	vld [tilespmem:s9+$0x160];
	[tilespmem:s9+$0x20] =	vst v25  }
0x1d7: {  	v29 =	vld [tilespmem:s9+$0x170];
	[tilespmem:s9+$0x30] =	vst v27  }
0x1d8: {  	v11 =	vld.idx.msk [tilespmem:v63+s19+$0x0], $0xffff  }
0x1d9: {  	v59 =	vld [tilespmem:s9+$0x60];
	v30 =	vmul.f32 v24, v61  }
0x1da: {  	v31 =	vld [tilespmem:s9+$0x70];
	v32 =	vor.u32 $0x6, v6;
	[tilespmem:s6+$0x1F0] =	vst v14;
	v21 =	vmul.f32 v26, v61  }
0x1db: {  	v33 =	vld [tilespmem:s9+$0x80];
	v19 =	vmul.f32 v28, v61;
	[tilespmem:s9+$0x140] =	vst v30  }
0x1dc: {  	v34 =	vld [tilespmem:s9+$0x90];
	v13 =	vmul.f32 v29, v61;
	[tilespmem:s9+$0x150] =	vst v21  }
0x1dd: {  	v35 =	vld [tilespmem:s9+$0xA0];
	v37 =	vmul.f32 v56, v11;
	[tilespmem:s9+$0x160] =	vst v19  }
0x1de: {  	v38 =	vld [tilespmem:s9+$0x180];
	v40 =	vor.u32 $0x2, v7;
	v39 =	vmul.f32 v58, v11;
	[tilespmem:s9+$0x170] =	vst v13  }
0x1df: {  	v16 =	vmul.f32 v59, v11;
	[tilespmem:s9+$0x40] =	vst v37;
	v13 =	vld.idx.msk [tilespmem:v32+s19+$0x0], $0xffff  }
0x1e0: {  	v41 =	vld [tilespmem:s9+$0x190];
	v11 =	vmul.f32 v31, v11;
	[tilespmem:s9+$0x50] =	vst v39  }
0x1e1: {  	v42 =	vld [tilespmem:s9+$0x1A0];
	[tilespmem:s9+$0x60] =	vst v16  }
0x1e2: {  	v1 =	vor.u32 $0x3, v1;
	v9 =	vmul.f32 v9, v8;
	v43 =	vld [tilespmem:s9+$0x1B0];
	[tilespmem:s9+$0x70] =	vst v11  }
0x1e3: {  	v50 =	vmul.f32 v10, v8;
	[tilespmem:s6+$0x1C0] =	vst v12;
	v45 =	vld.idx.msk [tilespmem:v40+s19+$0x0], $0xffff  }
0x1e4: {  	v36 =	vld [tilespmem:s9+$0xB0];
	[tilespmem:s6+$0x1D0] =	vst v9;
	v44 =	vmul.f32 v38, v13  }
0x1e5: {  	v47 =	vld [tilespmem:s9+$0xC0];
	[tilespmem:s6+$0x1E0] =	vst v50;
	v46 =	vmul.f32 v41, v13  }
0x1e6: {  	v48 =	vor.u32 $0x7, v6;
	v51 =	vld [tilespmem:s9+$0xD0];
	v49 =	vmul.f32 v42, v13;
	[tilespmem:s9+$0x180] =	vst v44  }
0x1e7: {  	v1 =	vld.idx.msk [tilespmem:v1+s19+$0x0], $0xffff;
	v12 =	vmul.f32 v43, v13;
	[tilespmem:s9+$0x190] =	vst v46  }
0x1e8: {  	v52 =	vld [tilespmem:s9+$0xE0];
	v55 =	vmul.f32 v33, v45;
	[tilespmem:s9+$0x1A0] =	vst v49  }
0x1e9: {  	v53 =	vld [tilespmem:s9+$0x1C0];
	v57 =	vor.u32 $0x3, v7;
	v56 =	vmul.f32 v34, v45;
	[tilespmem:s9+$0x1B0] =	vst v12  }
0x1ea: {  	v59 =	vld [tilespmem:s9+$0x1F0];
	v58 =	vmul.f32 v35, v45;
	[tilespmem:s9+$0x80] =	vst v55  }
0x1eb: {  	v9 =	vmul.f32 v36, v45;
	[tilespmem:s9+$0x90] =	vst v56;
	v6 =	vld.idx.msk [tilespmem:v48+s19+$0x0], $0xffff  }
0x1ec: {  	v54 =	vld [tilespmem:s9+$0xF0];
	v2 =	vmul.f32 v2, v1;
	[tilespmem:s9+$0xA0] =	vst v58  }
0x1ed: {  	v60 =	vld [tilespmem:s9+$0x1D0];
	v5 =	vmul.f32 v5, v1;
	[tilespmem:s7+$0xB0] =	vst v9  }
0x1ee: {  	v3 =	vmul.f32 v3, v1;
	[tilespmem:s6+$0xD0] =	vst v2;
	v2 =	vld.idx.msk [tilespmem:v57+s19+$0x0], $0xffff  }
0x1ef: {  	v1 =	vmul.f32 v4, v1;
	[tilespmem:s6+$0xC0] =	vst v5;
	v61 =	vld [tilespmem:s9+$0x1E0]  }
0x1f0: {  	[tilespmem:s6+$0xE0] =	vst v3;
	v3 =	vmul.f32 v59, v6  }
0x1f1: {  	[tilespmem:s6+$0xF0] =	vst v1;
	v62 =	vmul.f32 v53, v6  }
0x1f2: {  	v1 =	vmul.f32 v60, v6;
	[tilespmem:s7+$0x1F0] =	vst v3  }
0x1f3: {  	v63 =	vmul.f32 v52, v2;
	[tilespmem:s7+$0x1C0] =	vst v62  }
0x1f4: {  	v3 =	vmul.f32 v61, v6;
	[tilespmem:s7+$0x1D0] =	vst v1  }
0x1f5: {  	v1 =	vmul.f32 v47, v2;
	[tilespmem:s7+$0xE0] =	vst v63  }
0x1f6: {  	[tilespmem:s7+$0x1E0] =	vst v3;
	v3 =	vmul.f32 v51, v2  }
0x1f7: {  	[tilespmem:s7+$0xC0] =	vst v1;
	v1 =	vmul.f32 v54, v2  }
.Ltmp6:
0x1f8: {  	[tilespmem:s7+$0xD0] =	vst v3;
	(pc) =	sbr.rel @p1 .LBB2_12-.Ltmp6, $4  }
0x1f9: {  	[tilespmem:s7+$0xF0] =	vst v1  }
0x1fa: {  	_ =	swait.ge [sflag:s30], $0x2000  }
0x1fb: {  	[sflag:s30] =	ssyncset.done $0x0  }
0x1fc: {  	s1 =	sadd.s32 $0x4F80, s1;
	[sflag:s30] =	ssyncadd.s32 $0xFFFFE000  }
.Ltmp7:
0x1fd: {  	(pc) =	sbr.rel .LBB2_4-.Ltmp7, $4  }
0x1fe: {  	s5 =	sadd.s32 $0x200, s5  }
0x1ff: {  	[tilespmem:s21], [sflag:$0x2] =	stream.indirect.gather [hbm4b:s12+s20], $0x40, s5, s20, $0xb8;
	[tilespmem:$0x1EAC0] =	vst v63  }
0x200: {  	s18 =	sadd.s32 $0x1, s18  }
0x201: {  	[spmem:s2] =	stream.indirect.scatter.add.f32 [tilespmem:s23], [sflag:$0x6], $0x40, s1, s20, $0xb8;
	[tilespmem:$0x1EAC0] =	vst v63  }
.LBB2_13:
0x202: {  	_ =	sfence.sel $0x180000  }
0x203: {  	[bflag:$0x0] =	sbarrier.arrive $0xFFFF  }
0x204: {  	_ =	strace $0x90000047  }
0x205: {  	s0 =	stileid.u32;
	[bflag:$0x2] =	sbarrier.arrive $0xFFFF  }
0x206: {  	p0 =	sne.s32 s0, $0x0;
	s0 =	rddreg [dreg:$0x3]  }
0x207: {  	s0 =	sadd.s32 @!p0 $0x100000, s0  }
0x208: {  	[sflag:s0] =	ssyncadd.tile.s32 @!p0 $0x1;
	_ =	shalt  }
.Lfunc_end2:
_tile_overlayer_lowered:
.L_overlay_start_2:
0x209: {  	(tag) =	ssettag $0x2  }
0x20a: {  	s0 =	rddreg [dreg:$0x0];
	s2 =	stileid.u32  }
0x20b: {  	s1 =	rddreg [dreg:$0x1];
	p0 =	sne.s32 s2, $0x0  }
0x20c: {  	s3 =	rddreg [dreg:$0x2];
	[bflag:$0x3] =	sbarrier.arrive $0xFFFF;
	s2 =	simm.s32 @!p0 $0x1C07  }
0x20d: {  	[timem:s3], [sflag:s2] =	dma.local @!p0 [hbm:s0], s1  }
0x20e: {  	s0 =	simm.s32 @!p0 $0x7  }
0x20f: {  	_ =	swait.ge @!p0 [sflag:s0], s1  }
0x210: {  	s1 =	ssub.s32 @!p0 $0x0, s1;
	[sflag:s0] =	ssyncset.done @!p0 $0x0  }
0x211: {  	[sflag:s0] =	ssyncadd.s32 @!p0 s1  }
0x212: {  	[bflag:$0x3] =	sbarrier.arrive $0xFFFF  }
0x213: {  	_ =	shalt  }

</sc_bundles>
